<compile_context>
chip_gen: v7x
topology: tpu7x:2x2x1
jax: 0.10.2.dev20260603
libtpu: 0.0.44.dev20260713+nightly
codegen_flags: <defaults>
</compile_context>

<pallas_src>
import functools

import jax
import jax.numpy as jnp
from jax import lax
from jax.experimental import pallas as pl
from jax.experimental.pallas import tpu as pltpu
from jax.experimental.pallas import tpu_sc as plsc

EMBED_DIM = 32
BATCH = 16384
_NVOC = 1000000

_NC = 2
_NS = 16
_NW = _NC * _NS
_BPW = BATCH // _NW
_NBLK = _NVOC // 128
_TAIL0 = _NBLK * 128

_RING = 8


def _tt_body(uid_hbm, mid_hbm, ut_hbm, it_hbm, out_hbm,
             idx_u, idx_m, ring_u, ring_m, tail_u, tail_m, dots, tps,
             sem):
    wid = lax.axis_index("s") * _NC + lax.axis_index("c")
    base = wid * _BPW

    for j in range(_BPW // 128):
        pltpu.sync_copy(uid_hbm.at[pl.ds(base + j * 128, 128)], idx_u.at[j])
        pltpu.sync_copy(mid_hbm.at[pl.ds(base + j * 128, 128)], idx_m.at[j])
    pltpu.sync_copy(ut_hbm.at[:, pl.ds(_TAIL0, 64)], tail_u)
    pltpu.sync_copy(it_hbm.at[:, pl.ds(_TAIL0, 64)], tail_m)

    lane = lax.iota(jnp.int32, 16)

    def fire(v, tab_hbm, ring, k):
        sid = v[k]
        blk = jnp.minimum(lax.shift_right_logical(sid, 7), _NBLK - 1)
        off = pl.multiple_of(blk * 128, 128)
        return pltpu.async_copy(
            tab_hbm.at[:, pl.ds(off, 128)], ring.at[k % _RING], sem)

    def drain_quad():
        for k in range(4):
            pltpu.make_async_copy(
                ut_hbm.at[:, pl.ds(0, 128)], ring_u.at[k], sem).wait()
            pltpu.make_async_copy(
                it_hbm.at[:, pl.ds(0, 128)], ring_m.at[k], sem).wait()

    def extract(v, ring, tail, k):
        sid = v[k]
        tail_p = sid >= _TAIL0
        colf = sid & 127
        colt = jnp.minimum(sid - _TAIL0, 63)
        cf = jnp.full((16,), colf, jnp.int32)
        ct = jnp.full((16,), jnp.maximum(colt, 0), jnp.int32)
        r0 = plsc.load_gather(ring.at[k % _RING], [lane, cf])
        r1 = plsc.load_gather(ring.at[k % _RING], [lane + 16, cf])
        t0 = plsc.load_gather(tail, [lane, ct])
        t1 = plsc.load_gather(tail, [lane + 16, ct])
        return (jnp.where(tail_p, t0, r0), jnp.where(tail_p, t1, r1))

    def load_vregs(g):
        gc = jnp.minimum(g, _BPW // 16 - 1)
        gr = gc // 8
        go = (gc % 8) * 16
        return idx_u[gr, pl.ds(go, 16)], idx_m[gr, pl.ds(go, 16)]

    def fire_quad(v_u, v_m, q):
        for k in range(q * 4, q * 4 + 4):
            fire(v_u, ut_hbm, ring_u, k)
            fire(v_m, it_hbm, ring_m, k)

    def group(g, carry):
        v_u, v_m = load_vregs(g)
        v_un, v_mn = load_vregs(g + 1)

        def extract_quad(q):
            for k in range(q * 4, q * 4 + 4):
                u0, u1 = extract(v_u, ring_u, tail_u, k)
                m0, m1 = extract(v_m, ring_m, tail_m, k)
                s = u0 * m0 + u1 * m1
                plsc.store_scatter(tps, [lane * 17 + k], s)

        drain_quad()
        extract_quad(0)
        fire_quad(v_u, v_m, 2)
        drain_quad()
        extract_quad(1)
        fire_quad(v_u, v_m, 3)
        drain_quad()
        extract_quad(2)
        fire_quad(v_un, v_mn, 0)
        drain_quad()
        extract_quad(3)
        fire_quad(v_un, v_mn, 1)
        acc = tps[pl.ds(0, 16)]
        for i2 in range(1, 16):
            acc = acc + tps[pl.ds(i2 * 17, 16)]
        dots[pl.ds(g * 16, 16)] = 1.0 / (1.0 + jnp.exp(-acc))
        return carry

    v0_u, v0_m = load_vregs(0)
    fire_quad(v0_u, v0_m, 0)
    fire_quad(v0_u, v0_m, 1)
    lax.fori_loop(0, _BPW // 16, group, 0)
    drain_quad()
    drain_quad()
    pltpu.sync_copy(dots, out_hbm.at[pl.ds(base, _BPW)])


@jax.jit
def _two_tower(user_id, movie_id, user_table_t, item_table_t):
    mesh = plsc.VectorSubcoreMesh(core_axis_name="c", subcore_axis_name="s")
    return pl.kernel(
        _tt_body,
        out_type=jax.ShapeDtypeStruct((BATCH,), jnp.float32),
        mesh=mesh,
        compiler_params=pltpu.CompilerParams(
            needs_layout_passes=False, use_tc_tiling_on_sc=True),
        scratch_types=[
            pltpu.VMEM((_BPW // 128, 128), jnp.int32),
            pltpu.VMEM((_BPW // 128, 128), jnp.int32),
            pltpu.VMEM((_RING, EMBED_DIM, 128), jnp.float32),
            pltpu.VMEM((_RING, EMBED_DIM, 128), jnp.float32),
            pltpu.VMEM((EMBED_DIM, 64), jnp.float32),
            pltpu.VMEM((EMBED_DIM, 64), jnp.float32),
            pltpu.VMEM((_BPW,), jnp.float32),
            pltpu.VMEM((16 * 17,), jnp.float32),
            pltpu.SemaphoreType.DMA,
        ],
    )(user_id, movie_id, user_table_t, item_table_t)


def kernel(user_id, movie_id, user_table, item_table):
    return _two_tower(user_id.astype(jnp.int32), movie_id.astype(jnp.int32),
                      user_table.T, item_table.T)

# --- scband reference (transcript-rebuilt; emitter-appended) ---
"""Pipeline reference for scband-two-tower-model-1056561954840 (READ-ONLY COPY).

The authoritative reference and input builder live on the scoring server;
editing this copy changes nothing except your own understanding.
"""

import jax, jax.numpy as jnp
import numpy as np

EMBED_DIM = 32
NBR_USER = 1000000
NBR_ITEM = 1000000
BATCH = 16384

def setup_inputs(seed: int = 0) -> dict:
    key = jax.random.key(seed)
    k1, k2, k3, k4 = jax.random.split(key, 4)
    user_id = jax.random.randint(k1, (BATCH,), 0, NBR_USER, dtype=jnp.int64 if jax.config.jax_enable_x64 else jnp.int32)
    movie_id = jax.random.randint(k2, (BATCH,), 0, NBR_ITEM, dtype=jnp.int64 if jax.config.jax_enable_x64 else jnp.int32)
    user_table = jax.random.normal(k3, (NBR_USER, EMBED_DIM), dtype=jnp.float32) * 0.05
    item_table = jax.random.normal(k4, (NBR_ITEM, EMBED_DIM), dtype=jnp.float32) * 0.05
    return {"user_id": user_id, "movie_id": movie_id, "user_table": user_table, "item_table": item_table}

def reference(user_id, movie_id, user_table, item_table):
    # StringLookup is an id-mapping preprocessing step; here ids are already integer indices.
    users_caracteristics = jnp.take(user_table, user_id, axis=0)   # [B, D] embedding gather
    item_caracteristics = jnp.take(item_table, movie_id, axis=0)   # [B, D] embedding gather
    logits = jnp.sum(users_caracteristics * item_caracteristics, axis=1)  # [B]
    return jax.nn.sigmoid(logits)

if __name__ == "__main__":
    import jax
    _d = setup_inputs()
    print(jax.jit(kernel)(*tuple(_d.values())))

</pallas_src>

<mosaic_0001>
#map = affine_map<(d0, d1) -> (0)>
#map1 = affine_map<(d0, d1) -> (0, 0)>
module attributes {stable_mosaic.version = 14 : i64} {
  func.func @_tt_body(%arg0: i32, %arg1: i32, %arg2: memref<16384xi32, #tpu.memory_space<hbm>>, %arg3: memref<16384xi32, #tpu.memory_space<hbm>>, %arg4: memref<32x1000000xf32, #tpu.memory_space<hbm>>, %arg5: memref<32x1000000xf32, #tpu.memory_space<hbm>>, %arg6: memref<16384xf32, #tpu.memory_space<hbm>>, %arg7: memref<4x128xi32, #tpu.memory_space<vmem>>, %arg8: memref<4x128xi32, #tpu.memory_space<vmem>>, %arg9: memref<8x32x128xf32, #tpu.memory_space<vmem>>, %arg10: memref<8x32x128xf32, #tpu.memory_space<vmem>>, %arg11: memref<32x64xf32, #tpu.memory_space<vmem>>, %arg12: memref<32x64xf32, #tpu.memory_space<vmem>>, %arg13: memref<512xf32, #tpu.memory_space<vmem>>, %arg14: memref<272xf32, #tpu.memory_space<vmem>>, %arg15: memref<!tpu.dma_semaphore, #tpu.memory_space<semaphore_mem>>) attributes {dimension_semantics = [#tpu.dimension_semantics<core_parallel>, #tpu.dimension_semantics<subcore_parallel>], iteration_bounds = array<i64: 2, 16>, scalar_prefetch = 0 : i64, scratch_operands = 9 : i64, tpu.core_type = #tpu.core_type<sc_vector_subcore>, window_params = [{transform_indices = #map}, {transform_indices = #map}, {transform_indices = #map1}, {transform_indices = #map1}, {transform_indices = #map}]} {
    %mul3A = arith.constant 2 : i32
    %mul3A_0 = arith.muli %arg1, %mul3A : i32
    %add3A = arith.addi %mul3A_0, %arg0 : i32
    %mul3A_1 = arith.constant 512 : i32
    %mul3A_2 = arith.muli %add3A, %mul3A_1 : i32
    %add3A_3 = arith.constant 0 : i32
    %add3A_4 = arith.addi %mul3A_2, %add3A_3 : i32
    %run_scoped3A = arith.constant 0 : i32
    "tpu.region"() ({
      %run_scoped3A_656 = tpu.sem_alloc : memref<!tpu.dma_semaphore, #tpu.memory_space<semaphore_mem>>
      %dma_start3A_657 = arith.constant 0 : i32
      %dma_start3A_658 = tpu.memref_slice %arg7[%run_scoped3A, %dma_start3A_657] : memref<4x128xi32, #tpu.memory_space<vmem>> -> memref<1x128xi32, #tpu.memory_space<vmem>>
      %dma_start3A_659 = tpu.memref_squeeze %dma_start3A_658 : memref<1x128xi32, #tpu.memory_space<vmem>> -> memref<128xi32, #tpu.memory_space<vmem>>
      %dma_start3A_660 = tpu.memref_slice %arg2[%add3A_4] : memref<16384xi32, #tpu.memory_space<hbm>> -> memref<128xi32, #tpu.memory_space<hbm>>
      %dma_start3A_661 = arith.constant 0 : i32
      %dma_start3A_662 = tpu.memref_slice %arg7[%run_scoped3A, %dma_start3A_661] : memref<4x128xi32, #tpu.memory_space<vmem>> -> memref<1x128xi32, #tpu.memory_space<vmem>>
      %dma_start3A_663 = tpu.memref_squeeze %dma_start3A_662 : memref<1x128xi32, #tpu.memory_space<vmem>> -> memref<128xi32, #tpu.memory_space<vmem>>
      %dma_start3A_664 = tpu.memref_slice %arg2[%add3A_4] : memref<16384xi32, #tpu.memory_space<hbm>> -> memref<128xi32, #tpu.memory_space<hbm>>
      tpu.enqueue_dma source(%dma_start3A_664 : memref<128xi32, #tpu.memory_space<hbm>>) target(%dma_start3A_663 : memref<128xi32, #tpu.memory_space<vmem>>) target_semaphore(%run_scoped3A_656 : memref<!tpu.dma_semaphore, #tpu.memory_space<semaphore_mem>>)
      %dma_wait3A_665 = arith.constant 0 : i32
      %dma_wait3A_666 = tpu.memref_slice %arg7[%run_scoped3A, %dma_wait3A_665] : memref<4x128xi32, #tpu.memory_space<vmem>> -> memref<1x128xi32, #tpu.memory_space<vmem>>
      %dma_wait3A_667 = tpu.memref_squeeze %dma_wait3A_666 : memref<1x128xi32, #tpu.memory_space<vmem>> -> memref<128xi32, #tpu.memory_space<vmem>>
      %dma_wait3A_668 = tpu.memref_slice %arg2[%add3A_4] : memref<16384xi32, #tpu.memory_space<hbm>> -> memref<128xi32, #tpu.memory_space<hbm>>
      %dma_wait3A_669 = arith.constant 0 : i32
      %dma_wait3A_670 = tpu.memref_slice %arg7[%run_scoped3A, %dma_wait3A_669] : memref<4x128xi32, #tpu.memory_space<vmem>> -> memref<1x128xi32, #tpu.memory_space<vmem>>
      %dma_wait3A_671 = tpu.memref_squeeze %dma_wait3A_670 : memref<1x128xi32, #tpu.memory_space<vmem>> -> memref<128xi32, #tpu.memory_space<vmem>>
      %dma_wait3A_672 = tpu.memref_slice %arg2[%add3A_4] : memref<16384xi32, #tpu.memory_space<hbm>> -> memref<128xi32, #tpu.memory_space<hbm>>
      tpu.wait_dma2 semaphore(%run_scoped3A_656 : memref<!tpu.dma_semaphore, #tpu.memory_space<semaphore_mem>>) src(%dma_wait3A_672 : memref<128xi32, #tpu.memory_space<hbm>>) dst(%dma_wait3A_671 : memref<128xi32, #tpu.memory_space<vmem>>)
      tpu.yield
    }) : () -> ()
    %add3A_5 = arith.constant 0 : i32
    %add3A_6 = arith.addi %mul3A_2, %add3A_5 : i32
    %run_scoped3A_7 = arith.constant 0 : i32
    "tpu.region"() ({
      %run_scoped3A_656 = tpu.sem_alloc : memref<!tpu.dma_semaphore, #tpu.memory_space<semaphore_mem>>
      %dma_start3A_657 = arith.constant 0 : i32
      %dma_start3A_658 = tpu.memref_slice %arg8[%run_scoped3A_7, %dma_start3A_657] : memref<4x128xi32, #tpu.memory_space<vmem>> -> memref<1x128xi32, #tpu.memory_space<vmem>>
      %dma_start3A_659 = tpu.memref_squeeze %dma_start3A_658 : memref<1x128xi32, #tpu.memory_space<vmem>> -> memref<128xi32, #tpu.memory_space<vmem>>
      %dma_start3A_660 = tpu.memref_slice %arg3[%add3A_6] : memref<16384xi32, #tpu.memory_space<hbm>> -> memref<128xi32, #tpu.memory_space<hbm>>
      %dma_start3A_661 = arith.constant 0 : i32
      %dma_start3A_662 = tpu.memref_slice %arg8[%run_scoped3A_7, %dma_start3A_661] : memref<4x128xi32, #tpu.memory_space<vmem>> -> memref<1x128xi32, #tpu.memory_space<vmem>>
      %dma_start3A_663 = tpu.memref_squeeze %dma_start3A_662 : memref<1x128xi32, #tpu.memory_space<vmem>> -> memref<128xi32, #tpu.memory_space<vmem>>
      %dma_start3A_664 = tpu.memref_slice %arg3[%add3A_6] : memref<16384xi32, #tpu.memory_space<hbm>> -> memref<128xi32, #tpu.memory_space<hbm>>
      tpu.enqueue_dma source(%dma_start3A_664 : memref<128xi32, #tpu.memory_space<hbm>>) target(%dma_start3A_663 : memref<128xi32, #tpu.memory_space<vmem>>) target_semaphore(%run_scoped3A_656 : memref<!tpu.dma_semaphore, #tpu.memory_space<semaphore_mem>>)
      %dma_wait3A_665 = arith.constant 0 : i32
      %dma_wait3A_666 = tpu.memref_slice %arg8[%run_scoped3A_7, %dma_wait3A_665] : memref<4x128xi32, #tpu.memory_space<vmem>> -> memref<1x128xi32, #tpu.memory_space<vmem>>
      %dma_wait3A_667 = tpu.memref_squeeze %dma_wait3A_666 : memref<1x128xi32, #tpu.memory_space<vmem>> -> memref<128xi32, #tpu.memory_space<vmem>>
      %dma_wait3A_668 = tpu.memref_slice %arg3[%add3A_6] : memref<16384xi32, #tpu.memory_space<hbm>> -> memref<128xi32, #tpu.memory_space<hbm>>
      %dma_wait3A_669 = arith.constant 0 : i32
      %dma_wait3A_670 = tpu.memref_slice %arg8[%run_scoped3A_7, %dma_wait3A_669] : memref<4x128xi32, #tpu.memory_space<vmem>> -> memref<1x128xi32, #tpu.memory_space<vmem>>
      %dma_wait3A_671 = tpu.memref_squeeze %dma_wait3A_670 : memref<1x128xi32, #tpu.memory_space<vmem>> -> memref<128xi32, #tpu.memory_space<vmem>>
      %dma_wait3A_672 = tpu.memref_slice %arg3[%add3A_6] : memref<16384xi32, #tpu.memory_space<hbm>> -> memref<128xi32, #tpu.memory_space<hbm>>
      tpu.wait_dma2 semaphore(%run_scoped3A_656 : memref<!tpu.dma_semaphore, #tpu.memory_space<semaphore_mem>>) src(%dma_wait3A_672 : memref<128xi32, #tpu.memory_space<hbm>>) dst(%dma_wait3A_671 : memref<128xi32, #tpu.memory_space<vmem>>)
      tpu.yield
    }) : () -> ()
    %add3A_8 = arith.constant 128 : i32
    %add3A_9 = arith.addi %mul3A_2, %add3A_8 : i32
    %run_scoped3A_10 = arith.constant 1 : i32
    "tpu.region"() ({
      %run_scoped3A_656 = tpu.sem_alloc : memref<!tpu.dma_semaphore, #tpu.memory_space<semaphore_mem>>
      %dma_start3A_657 = arith.constant 0 : i32
      %dma_start3A_658 = tpu.memref_slice %arg7[%run_scoped3A_10, %dma_start3A_657] : memref<4x128xi32, #tpu.memory_space<vmem>> -> memref<1x128xi32, #tpu.memory_space<vmem>>
      %dma_start3A_659 = tpu.memref_squeeze %dma_start3A_658 : memref<1x128xi32, #tpu.memory_space<vmem>> -> memref<128xi32, #tpu.memory_space<vmem>>
      %dma_start3A_660 = tpu.memref_slice %arg2[%add3A_9] : memref<16384xi32, #tpu.memory_space<hbm>> -> memref<128xi32, #tpu.memory_space<hbm>>
      %dma_start3A_661 = arith.constant 0 : i32
      %dma_start3A_662 = tpu.memref_slice %arg7[%run_scoped3A_10, %dma_start3A_661] : memref<4x128xi32, #tpu.memory_space<vmem>> -> memref<1x128xi32, #tpu.memory_space<vmem>>
      %dma_start3A_663 = tpu.memref_squeeze %dma_start3A_662 : memref<1x128xi32, #tpu.memory_space<vmem>> -> memref<128xi32, #tpu.memory_space<vmem>>
      %dma_start3A_664 = tpu.memref_slice %arg2[%add3A_9] : memref<16384xi32, #tpu.memory_space<hbm>> -> memref<128xi32, #tpu.memory_space<hbm>>
      tpu.enqueue_dma source(%dma_start3A_664 : memref<128xi32, #tpu.memory_space<hbm>>) target(%dma_start3A_663 : memref<128xi32, #tpu.memory_space<vmem>>) target_semaphore(%run_scoped3A_656 : memref<!tpu.dma_semaphore, #tpu.memory_space<semaphore_mem>>)
      %dma_wait3A_665 = arith.constant 0 : i32
      %dma_wait3A_666 = tpu.memref_slice %arg7[%run_scoped3A_10, %dma_wait3A_665] : memref<4x128xi32, #tpu.memory_space<vmem>> -> memref<1x128xi32, #tpu.memory_space<vmem>>
      %dma_wait3A_667 = tpu.memref_squeeze %dma_wait3A_666 : memref<1x128xi32, #tpu.memory_space<vmem>> -> memref<128xi32, #tpu.memory_space<vmem>>
      %dma_wait3A_668 = tpu.memref_slice %arg2[%add3A_9] : memref<16384xi32, #tpu.memory_space<hbm>> -> memref<128xi32, #tpu.memory_space<hbm>>
      %dma_wait3A_669 = arith.constant 0 : i32
      %dma_wait3A_670 = tpu.memref_slice %arg7[%run_scoped3A_10, %dma_wait3A_669] : memref<4x128xi32, #tpu.memory_space<vmem>> -> memref<1x128xi32, #tpu.memory_space<vmem>>
      %dma_wait3A_671 = tpu.memref_squeeze %dma_wait3A_670 : memref<1x128xi32, #tpu.memory_space<vmem>> -> memref<128xi32, #tpu.memory_space<vmem>>
      %dma_wait3A_672 = tpu.memref_slice %arg2[%add3A_9] : memref<16384xi32, #tpu.memory_space<hbm>> -> memref<128xi32, #tpu.memory_space<hbm>>
      tpu.wait_dma2 semaphore(%run_scoped3A_656 : memref<!tpu.dma_semaphore, #tpu.memory_space<semaphore_mem>>) src(%dma_wait3A_672 : memref<128xi32, #tpu.memory_space<hbm>>) dst(%dma_wait3A_671 : memref<128xi32, #tpu.memory_space<vmem>>)
      tpu.yield
    }) : () -> ()
    %add3A_11 = arith.constant 128 : i32
    %add3A_12 = arith.addi %mul3A_2, %add3A_11 : i32
    %run_scoped3A_13 = arith.constant 1 : i32
    "tpu.region"() ({
      %run_scoped3A_656 = tpu.sem_alloc : memref<!tpu.dma_semaphore, #tpu.memory_space<semaphore_mem>>
      %dma_start3A_657 = arith.constant 0 : i32
      %dma_start3A_658 = tpu.memref_slice %arg8[%run_scoped3A_13, %dma_start3A_657] : memref<4x128xi32, #tpu.memory_space<vmem>> -> memref<1x128xi32, #tpu.memory_space<vmem>>
      %dma_start3A_659 = tpu.memref_squeeze %dma_start3A_658 : memref<1x128xi32, #tpu.memory_space<vmem>> -> memref<128xi32, #tpu.memory_space<vmem>>
      %dma_start3A_660 = tpu.memref_slice %arg3[%add3A_12] : memref<16384xi32, #tpu.memory_space<hbm>> -> memref<128xi32, #tpu.memory_space<hbm>>
      %dma_start3A_661 = arith.constant 0 : i32
      %dma_start3A_662 = tpu.memref_slice %arg8[%run_scoped3A_13, %dma_start3A_661] : memref<4x128xi32, #tpu.memory_space<vmem>> -> memref<1x128xi32, #tpu.memory_space<vmem>>
      %dma_start3A_663 = tpu.memref_squeeze %dma_start3A_662 : memref<1x128xi32, #tpu.memory_space<vmem>> -> memref<128xi32, #tpu.memory_space<vmem>>
      %dma_start3A_664 = tpu.memref_slice %arg3[%add3A_12] : memref<16384xi32, #tpu.memory_space<hbm>> -> memref<128xi32, #tpu.memory_space<hbm>>
      tpu.enqueue_dma source(%dma_start3A_664 : memref<128xi32, #tpu.memory_space<hbm>>) target(%dma_start3A_663 : memref<128xi32, #tpu.memory_space<vmem>>) target_semaphore(%run_scoped3A_656 : memref<!tpu.dma_semaphore, #tpu.memory_space<semaphore_mem>>)
      %dma_wait3A_665 = arith.constant 0 : i32
      %dma_wait3A_666 = tpu.memref_slice %arg8[%run_scoped3A_13, %dma_wait3A_665] : memref<4x128xi32, #tpu.memory_space<vmem>> -> memref<1x128xi32, #tpu.memory_space<vmem>>
      %dma_wait3A_667 = tpu.memref_squeeze %dma_wait3A_666 : memref<1x128xi32, #tpu.memory_space<vmem>> -> memref<128xi32, #tpu.memory_space<vmem>>
      %dma_wait3A_668 = tpu.memref_slice %arg3[%add3A_12] : memref<16384xi32, #tpu.memory_space<hbm>> -> memref<128xi32, #tpu.memory_space<hbm>>
      %dma_wait3A_669 = arith.constant 0 : i32
      %dma_wait3A_670 = tpu.memref_slice %arg8[%run_scoped3A_13, %dma_wait3A_669] : memref<4x128xi32, #tpu.memory_space<vmem>> -> memref<1x128xi32, #tpu.memory_space<vmem>>
      %dma_wait3A_671 = tpu.memref_squeeze %dma_wait3A_670 : memref<1x128xi32, #tpu.memory_space<vmem>> -> memref<128xi32, #tpu.memory_space<vmem>>
      %dma_wait3A_672 = tpu.memref_slice %arg3[%add3A_12] : memref<16384xi32, #tpu.memory_space<hbm>> -> memref<128xi32, #tpu.memory_space<hbm>>
      tpu.wait_dma2 semaphore(%run_scoped3A_656 : memref<!tpu.dma_semaphore, #tpu.memory_space<semaphore_mem>>) src(%dma_wait3A_672 : memref<128xi32, #tpu.memory_space<hbm>>) dst(%dma_wait3A_671 : memref<128xi32, #tpu.memory_space<vmem>>)
      tpu.yield
    }) : () -> ()
    %add3A_14 = arith.constant 256 : i32
    %add3A_15 = arith.addi %mul3A_2, %add3A_14 : i32
    %run_scoped3A_16 = arith.constant 2 : i32
    "tpu.region"() ({
      %run_scoped3A_656 = tpu.sem_alloc : memref<!tpu.dma_semaphore, #tpu.memory_space<semaphore_mem>>
      %dma_start3A_657 = arith.constant 0 : i32
      %dma_start3A_658 = tpu.memref_slice %arg7[%run_scoped3A_16, %dma_start3A_657] : memref<4x128xi32, #tpu.memory_space<vmem>> -> memref<1x128xi32, #tpu.memory_space<vmem>>
      %dma_start3A_659 = tpu.memref_squeeze %dma_start3A_658 : memref<1x128xi32, #tpu.memory_space<vmem>> -> memref<128xi32, #tpu.memory_space<vmem>>
      %dma_start3A_660 = tpu.memref_slice %arg2[%add3A_15] : memref<16384xi32, #tpu.memory_space<hbm>> -> memref<128xi32, #tpu.memory_space<hbm>>
      %dma_start3A_661 = arith.constant 0 : i32
      %dma_start3A_662 = tpu.memref_slice %arg7[%run_scoped3A_16, %dma_start3A_661] : memref<4x128xi32, #tpu.memory_space<vmem>> -> memref<1x128xi32, #tpu.memory_space<vmem>>
      %dma_start3A_663 = tpu.memref_squeeze %dma_start3A_662 : memref<1x128xi32, #tpu.memory_space<vmem>> -> memref<128xi32, #tpu.memory_space<vmem>>
      %dma_start3A_664 = tpu.memref_slice %arg2[%add3A_15] : memref<16384xi32, #tpu.memory_space<hbm>> -> memref<128xi32, #tpu.memory_space<hbm>>
      tpu.enqueue_dma source(%dma_start3A_664 : memref<128xi32, #tpu.memory_space<hbm>>) target(%dma_start3A_663 : memref<128xi32, #tpu.memory_space<vmem>>) target_semaphore(%run_scoped3A_656 : memref<!tpu.dma_semaphore, #tpu.memory_space<semaphore_mem>>)
      %dma_wait3A_665 = arith.constant 0 : i32
      %dma_wait3A_666 = tpu.memref_slice %arg7[%run_scoped3A_16, %dma_wait3A_665] : memref<4x128xi32, #tpu.memory_space<vmem>> -> memref<1x128xi32, #tpu.memory_space<vmem>>
      %dma_wait3A_667 = tpu.memref_squeeze %dma_wait3A_666 : memref<1x128xi32, #tpu.memory_space<vmem>> -> memref<128xi32, #tpu.memory_space<vmem>>
      %dma_wait3A_668 = tpu.memref_slice %arg2[%add3A_15] : memref<16384xi32, #tpu.memory_space<hbm>> -> memref<128xi32, #tpu.memory_space<hbm>>
      %dma_wait3A_669 = arith.constant 0 : i32
      %dma_wait3A_670 = tpu.memref_slice %arg7[%run_scoped3A_16, %dma_wait3A_669] : memref<4x128xi32, #tpu.memory_space<vmem>> -> memref<1x128xi32, #tpu.memory_space<vmem>>
      %dma_wait3A_671 = tpu.memref_squeeze %dma_wait3A_670 : memref<1x128xi32, #tpu.memory_space<vmem>> -> memref<128xi32, #tpu.memory_space<vmem>>
      %dma_wait3A_672 = tpu.memref_slice %arg2[%add3A_15] : memref<16384xi32, #tpu.memory_space<hbm>> -> memref<128xi32, #tpu.memory_space<hbm>>
      tpu.wait_dma2 semaphore(%run_scoped3A_656 : memref<!tpu.dma_semaphore, #tpu.memory_space<semaphore_mem>>) src(%dma_wait3A_672 : memref<128xi32, #tpu.memory_space<hbm>>) dst(%dma_wait3A_671 : memref<128xi32, #tpu.memory_space<vmem>>)
      tpu.yield
    }) : () -> ()
    %add3A_17 = arith.constant 256 : i32
    %add3A_18 = arith.addi %mul3A_2, %add3A_17 : i32
    %run_scoped3A_19 = arith.constant 2 : i32
    "tpu.region"() ({
      %run_scoped3A_656 = tpu.sem_alloc : memref<!tpu.dma_semaphore, #tpu.memory_space<semaphore_mem>>
      %dma_start3A_657 = arith.constant 0 : i32
      %dma_start3A_658 = tpu.memref_slice %arg8[%run_scoped3A_19, %dma_start3A_657] : memref<4x128xi32, #tpu.memory_space<vmem>> -> memref<1x128xi32, #tpu.memory_space<vmem>>
      %dma_start3A_659 = tpu.memref_squeeze %dma_start3A_658 : memref<1x128xi32, #tpu.memory_space<vmem>> -> memref<128xi32, #tpu.memory_space<vmem>>
      %dma_start3A_660 = tpu.memref_slice %arg3[%add3A_18] : memref<16384xi32, #tpu.memory_space<hbm>> -> memref<128xi32, #tpu.memory_space<hbm>>
      %dma_start3A_661 = arith.constant 0 : i32
      %dma_start3A_662 = tpu.memref_slice %arg8[%run_scoped3A_19, %dma_start3A_661] : memref<4x128xi32, #tpu.memory_space<vmem>> -> memref<1x128xi32, #tpu.memory_space<vmem>>
      %dma_start3A_663 = tpu.memref_squeeze %dma_start3A_662 : memref<1x128xi32, #tpu.memory_space<vmem>> -> memref<128xi32, #tpu.memory_space<vmem>>
      %dma_start3A_664 = tpu.memref_slice %arg3[%add3A_18] : memref<16384xi32, #tpu.memory_space<hbm>> -> memref<128xi32, #tpu.memory_space<hbm>>
      tpu.enqueue_dma source(%dma_start3A_664 : memref<128xi32, #tpu.memory_space<hbm>>) target(%dma_start3A_663 : memref<128xi32, #tpu.memory_space<vmem>>) target_semaphore(%run_scoped3A_656 : memref<!tpu.dma_semaphore, #tpu.memory_space<semaphore_mem>>)
      %dma_wait3A_665 = arith.constant 0 : i32
      %dma_wait3A_666 = tpu.memref_slice %arg8[%run_scoped3A_19, %dma_wait3A_665] : memref<4x128xi32, #tpu.memory_space<vmem>> -> memref<1x128xi32, #tpu.memory_space<vmem>>
      %dma_wait3A_667 = tpu.memref_squeeze %dma_wait3A_666 : memref<1x128xi32, #tpu.memory_space<vmem>> -> memref<128xi32, #tpu.memory_space<vmem>>
      %dma_wait3A_668 = tpu.memref_slice %arg3[%add3A_18] : memref<16384xi32, #tpu.memory_space<hbm>> -> memref<128xi32, #tpu.memory_space<hbm>>
      %dma_wait3A_669 = arith.constant 0 : i32
      %dma_wait3A_670 = tpu.memref_slice %arg8[%run_scoped3A_19, %dma_wait3A_669] : memref<4x128xi32, #tpu.memory_space<vmem>> -> memref<1x128xi32, #tpu.memory_space<vmem>>
      %dma_wait3A_671 = tpu.memref_squeeze %dma_wait3A_670 : memref<1x128xi32, #tpu.memory_space<vmem>> -> memref<128xi32, #tpu.memory_space<vmem>>
      %dma_wait3A_672 = tpu.memref_slice %arg3[%add3A_18] : memref<16384xi32, #tpu.memory_space<hbm>> -> memref<128xi32, #tpu.memory_space<hbm>>
      tpu.wait_dma2 semaphore(%run_scoped3A_656 : memref<!tpu.dma_semaphore, #tpu.memory_space<semaphore_mem>>) src(%dma_wait3A_672 : memref<128xi32, #tpu.memory_space<hbm>>) dst(%dma_wait3A_671 : memref<128xi32, #tpu.memory_space<vmem>>)
      tpu.yield
    }) : () -> ()
    %add3A_20 = arith.constant 384 : i32
    %add3A_21 = arith.addi %mul3A_2, %add3A_20 : i32
    %run_scoped3A_22 = arith.constant 3 : i32
    "tpu.region"() ({
      %run_scoped3A_656 = tpu.sem_alloc : memref<!tpu.dma_semaphore, #tpu.memory_space<semaphore_mem>>
      %dma_start3A_657 = arith.constant 0 : i32
      %dma_start3A_658 = tpu.memref_slice %arg7[%run_scoped3A_22, %dma_start3A_657] : memref<4x128xi32, #tpu.memory_space<vmem>> -> memref<1x128xi32, #tpu.memory_space<vmem>>
      %dma_start3A_659 = tpu.memref_squeeze %dma_start3A_658 : memref<1x128xi32, #tpu.memory_space<vmem>> -> memref<128xi32, #tpu.memory_space<vmem>>
      %dma_start3A_660 = tpu.memref_slice %arg2[%add3A_21] : memref<16384xi32, #tpu.memory_space<hbm>> -> memref<128xi32, #tpu.memory_space<hbm>>
      %dma_start3A_661 = arith.constant 0 : i32
      %dma_start3A_662 = tpu.memref_slice %arg7[%run_scoped3A_22, %dma_start3A_661] : memref<4x128xi32, #tpu.memory_space<vmem>> -> memref<1x128xi32, #tpu.memory_space<vmem>>
      %dma_start3A_663 = tpu.memref_squeeze %dma_start3A_662 : memref<1x128xi32, #tpu.memory_space<vmem>> -> memref<128xi32, #tpu.memory_space<vmem>>
      %dma_start3A_664 = tpu.memref_slice %arg2[%add3A_21] : memref<16384xi32, #tpu.memory_space<hbm>> -> memref<128xi32, #tpu.memory_space<hbm>>
      tpu.enqueue_dma source(%dma_start3A_664 : memref<128xi32, #tpu.memory_space<hbm>>) target(%dma_start3A_663 : memref<128xi32, #tpu.memory_space<vmem>>) target_semaphore(%run_scoped3A_656 : memref<!tpu.dma_semaphore, #tpu.memory_space<semaphore_mem>>)
      %dma_wait3A_665 = arith.constant 0 : i32
      %dma_wait3A_666 = tpu.memref_slice %arg7[%run_scoped3A_22, %dma_wait3A_665] : memref<4x128xi32, #tpu.memory_space<vmem>> -> memref<1x128xi32, #tpu.memory_space<vmem>>
      %dma_wait3A_667 = tpu.memref_squeeze %dma_wait3A_666 : memref<1x128xi32, #tpu.memory_space<vmem>> -> memref<128xi32, #tpu.memory_space<vmem>>
      %dma_wait3A_668 = tpu.memref_slice %arg2[%add3A_21] : memref<16384xi32, #tpu.memory_space<hbm>> -> memref<128xi32, #tpu.memory_space<hbm>>
      %dma_wait3A_669 = arith.constant 0 : i32
      %dma_wait3A_670 = tpu.memref_slice %arg7[%run_scoped3A_22, %dma_wait3A_669] : memref<4x128xi32, #tpu.memory_space<vmem>> -> memref<1x128xi32, #tpu.memory_space<vmem>>
      %dma_wait3A_671 = tpu.memref_squeeze %dma_wait3A_670 : memref<1x128xi32, #tpu.memory_space<vmem>> -> memref<128xi32, #tpu.memory_space<vmem>>
      %dma_wait3A_672 = tpu.memref_slice %arg2[%add3A_21] : memref<16384xi32, #tpu.memory_space<hbm>> -> memref<128xi32, #tpu.memory_space<hbm>>
      tpu.wait_dma2 semaphore(%run_scoped3A_656 : memref<!tpu.dma_semaphore, #tpu.memory_space<semaphore_mem>>) src(%dma_wait3A_672 : memref<128xi32, #tpu.memory_space<hbm>>) dst(%dma_wait3A_671 : memref<128xi32, #tpu.memory_space<vmem>>)
      tpu.yield
    }) : () -> ()
    %add3A_23 = arith.constant 384 : i32
    %add3A_24 = arith.addi %mul3A_2, %add3A_23 : i32
    %run_scoped3A_25 = arith.constant 3 : i32
    "tpu.region"() ({
      %run_scoped3A_656 = tpu.sem_alloc : memref<!tpu.dma_semaphore, #tpu.memory_space<semaphore_mem>>
      %dma_start3A_657 = arith.constant 0 : i32
      %dma_start3A_658 = tpu.memref_slice %arg8[%run_scoped3A_25, %dma_start3A_657] : memref<4x128xi32, #tpu.memory_space<vmem>> -> memref<1x128xi32, #tpu.memory_space<vmem>>
      %dma_start3A_659 = tpu.memref_squeeze %dma_start3A_658 : memref<1x128xi32, #tpu.memory_space<vmem>> -> memref<128xi32, #tpu.memory_space<vmem>>
      %dma_start3A_660 = tpu.memref_slice %arg3[%add3A_24] : memref<16384xi32, #tpu.memory_space<hbm>> -> memref<128xi32, #tpu.memory_space<hbm>>
      %dma_start3A_661 = arith.constant 0 : i32
      %dma_start3A_662 = tpu.memref_slice %arg8[%run_scoped3A_25, %dma_start3A_661] : memref<4x128xi32, #tpu.memory_space<vmem>> -> memref<1x128xi32, #tpu.memory_space<vmem>>
      %dma_start3A_663 = tpu.memref_squeeze %dma_start3A_662 : memref<1x128xi32, #tpu.memory_space<vmem>> -> memref<128xi32, #tpu.memory_space<vmem>>
      %dma_start3A_664 = tpu.memref_slice %arg3[%add3A_24] : memref<16384xi32, #tpu.memory_space<hbm>> -> memref<128xi32, #tpu.memory_space<hbm>>
      tpu.enqueue_dma source(%dma_start3A_664 : memref<128xi32, #tpu.memory_space<hbm>>) target(%dma_start3A_663 : memref<128xi32, #tpu.memory_space<vmem>>) target_semaphore(%run_scoped3A_656 : memref<!tpu.dma_semaphore, #tpu.memory_space<semaphore_mem>>)
      %dma_wait3A_665 = arith.constant 0 : i32
      %dma_wait3A_666 = tpu.memref_slice %arg8[%run_scoped3A_25, %dma_wait3A_665] : memref<4x128xi32, #tpu.memory_space<vmem>> -> memref<1x128xi32, #tpu.memory_space<vmem>>
      %dma_wait3A_667 = tpu.memref_squeeze %dma_wait3A_666 : memref<1x128xi32, #tpu.memory_space<vmem>> -> memref<128xi32, #tpu.memory_space<vmem>>
      %dma_wait3A_668 = tpu.memref_slice %arg3[%add3A_24] : memref<16384xi32, #tpu.memory_space<hbm>> -> memref<128xi32, #tpu.memory_space<hbm>>
      %dma_wait3A_669 = arith.constant 0 : i32
      %dma_wait3A_670 = tpu.memref_slice %arg8[%run_scoped3A_25, %dma_wait3A_669] : memref<4x128xi32, #tpu.memory_space<vmem>> -> memref<1x128xi32, #tpu.memory_space<vmem>>
      %dma_wait3A_671 = tpu.memref_squeeze %dma_wait3A_670 : memref<1x128xi32, #tpu.memory_space<vmem>> -> memref<128xi32, #tpu.memory_space<vmem>>
      %dma_wait3A_672 = tpu.memref_slice %arg3[%add3A_24] : memref<16384xi32, #tpu.memory_space<hbm>> -> memref<128xi32, #tpu.memory_space<hbm>>
      tpu.wait_dma2 semaphore(%run_scoped3A_656 : memref<!tpu.dma_semaphore, #tpu.memory_space<semaphore_mem>>) src(%dma_wait3A_672 : memref<128xi32, #tpu.memory_space<hbm>>) dst(%dma_wait3A_671 : memref<128xi32, #tpu.memory_space<vmem>>)
      tpu.yield
    }) : () -> ()
    "tpu.region"() ({
      %run_scoped3A_656 = tpu.sem_alloc : memref<!tpu.dma_semaphore, #tpu.memory_space<semaphore_mem>>
      %dma_start3A_657 = arith.constant 0 : i32
      %dma_start3A_658 = arith.constant 999936 : i32
      %dma_start3A_659 = tpu.memref_slice %arg4[%dma_start3A_657, %dma_start3A_658] : memref<32x1000000xf32, #tpu.memory_space<hbm>> -> memref<32x64xf32, #tpu.memory_space<hbm>>
      %dma_start3A_660 = arith.constant 0 : i32
      %dma_start3A_661 = arith.constant 999936 : i32
      %dma_start3A_662 = tpu.memref_slice %arg4[%dma_start3A_660, %dma_start3A_661] : memref<32x1000000xf32, #tpu.memory_space<hbm>> -> memref<32x64xf32, #tpu.memory_space<hbm>>
      tpu.enqueue_dma source(%dma_start3A_662 : memref<32x64xf32, #tpu.memory_space<hbm>>) target(%arg11 : memref<32x64xf32, #tpu.memory_space<vmem>>) target_semaphore(%run_scoped3A_656 : memref<!tpu.dma_semaphore, #tpu.memory_space<semaphore_mem>>)
      %dma_wait3A_663 = arith.constant 0 : i32
      %dma_wait3A_664 = arith.constant 999936 : i32
      %dma_wait3A_665 = tpu.memref_slice %arg4[%dma_wait3A_663, %dma_wait3A_664] : memref<32x1000000xf32, #tpu.memory_space<hbm>> -> memref<32x64xf32, #tpu.memory_space<hbm>>
      %dma_wait3A_666 = arith.constant 0 : i32
      %dma_wait3A_667 = arith.constant 999936 : i32
      %dma_wait3A_668 = tpu.memref_slice %arg4[%dma_wait3A_666, %dma_wait3A_667] : memref<32x1000000xf32, #tpu.memory_space<hbm>> -> memref<32x64xf32, #tpu.memory_space<hbm>>
      tpu.wait_dma2 semaphore(%run_scoped3A_656 : memref<!tpu.dma_semaphore, #tpu.memory_space<semaphore_mem>>) src(%dma_wait3A_668 : memref<32x64xf32, #tpu.memory_space<hbm>>) dst(%arg11 : memref<32x64xf32, #tpu.memory_space<vmem>>)
      tpu.yield
    }) : () -> ()
    "tpu.region"() ({
      %run_scoped3A_656 = tpu.sem_alloc : memref<!tpu.dma_semaphore, #tpu.memory_space<semaphore_mem>>
      %dma_start3A_657 = arith.constant 0 : i32
      %dma_start3A_658 = arith.constant 999936 : i32
      %dma_start3A_659 = tpu.memref_slice %arg5[%dma_start3A_657, %dma_start3A_658] : memref<32x1000000xf32, #tpu.memory_space<hbm>> -> memref<32x64xf32, #tpu.memory_space<hbm>>
      %dma_start3A_660 = arith.constant 0 : i32
      %dma_start3A_661 = arith.constant 999936 : i32
      %dma_start3A_662 = tpu.memref_slice %arg5[%dma_start3A_660, %dma_start3A_661] : memref<32x1000000xf32, #tpu.memory_space<hbm>> -> memref<32x64xf32, #tpu.memory_space<hbm>>
      tpu.enqueue_dma source(%dma_start3A_662 : memref<32x64xf32, #tpu.memory_space<hbm>>) target(%arg12 : memref<32x64xf32, #tpu.memory_space<vmem>>) target_semaphore(%run_scoped3A_656 : memref<!tpu.dma_semaphore, #tpu.memory_space<semaphore_mem>>)
      %dma_wait3A_663 = arith.constant 0 : i32
      %dma_wait3A_664 = arith.constant 999936 : i32
      %dma_wait3A_665 = tpu.memref_slice %arg5[%dma_wait3A_663, %dma_wait3A_664] : memref<32x1000000xf32, #tpu.memory_space<hbm>> -> memref<32x64xf32, #tpu.memory_space<hbm>>
      %dma_wait3A_666 = arith.constant 0 : i32
      %dma_wait3A_667 = arith.constant 999936 : i32
      %dma_wait3A_668 = tpu.memref_slice %arg5[%dma_wait3A_666, %dma_wait3A_667] : memref<32x1000000xf32, #tpu.memory_space<hbm>> -> memref<32x64xf32, #tpu.memory_space<hbm>>
      tpu.wait_dma2 semaphore(%run_scoped3A_656 : memref<!tpu.dma_semaphore, #tpu.memory_space<semaphore_mem>>) src(%dma_wait3A_668 : memref<32x64xf32, #tpu.memory_space<hbm>>) dst(%arg12 : memref<32x64xf32, #tpu.memory_space<vmem>>)
      tpu.yield
    }) : () -> ()
    %iota3A = tpu.iota {dimensions = array<i32: 0>} : vector<16xi32>
    %min3A = arith.constant 0 : i32
    %min3A_26 = arith.constant 31 : i32
    %min3A_27 = arith.minsi %min3A, %min3A_26 : i32
    %jit3A = arith.constant 8 : i32
    %div3A = arith.divsi %min3A_27, %jit3A : i32
    %sign3A = arith.constant 0 : i32
    %sign3A_28 = arith.cmpi sgt, %min3A_27, %sign3A : i32
    %sign3A_29 = arith.extui %sign3A_28 : i1 to i32
    %sign3A_30 = arith.constant 0 : i32
    %sign3A_31 = arith.cmpi slt, %min3A_27, %sign3A_30 : i32
    %sign3A_32 = arith.extui %sign3A_31 : i1 to i32
    %sign3A_33 = arith.subi %sign3A_29, %sign3A_32 : i32
    %sign3A_34 = arith.constant 0 : i32
    %sign3A_35 = arith.cmpi sgt, %jit3A, %sign3A_34 : i32
    %sign3A_36 = arith.extui %sign3A_35 : i1 to i32
    %sign3A_37 = arith.constant 0 : i32
    %sign3A_38 = arith.cmpi slt, %jit3A, %sign3A_37 : i32
    %sign3A_39 = arith.extui %sign3A_38 : i1 to i32
    %sign3A_40 = arith.subi %sign3A_36, %sign3A_39 : i32
    %ne3A = arith.cmpi ne, %sign3A_33, %sign3A_40 : i32
    %rem3A = arith.remsi %min3A_27, %jit3A : i32
    %ne3A_41 = arith.constant 0 : i32
    %ne3A_42 = arith.cmpi ne, %rem3A, %ne3A_41 : i32
    %and3A = arith.andi %ne3A, %ne3A_42 : i1
    %sub3A = arith.constant 1 : i32
    %sub3A_43 = arith.subi %div3A, %sub3A : i32
    %select_n3A = arith.select %and3A, %sub3A_43, %div3A : i32
    %jit3A_44 = arith.constant 8 : i32
    %eq3A = arith.constant 0 : i32
    %eq3A_45 = arith.cmpi eq, %jit3A_44, %eq3A : i32
    %jit3A_46 = arith.constant 1 : i32
    %select_n3A_47 = arith.select %eq3A_45, %jit3A_46, %jit3A_44 : i32
    %rem3A_48 = arith.remsi %min3A_27, %select_n3A_47 : i32
    %ne3A_49 = arith.constant 0 : i32
    %ne3A_50 = arith.cmpi ne, %rem3A_48, %ne3A_49 : i32
    %lt3A = arith.constant 0 : i32
    %lt3A_51 = arith.cmpi slt, %rem3A_48, %lt3A : i32
    %lt3A_52 = arith.constant 0 : i32
    %lt3A_53 = arith.cmpi slt, %select_n3A_47, %lt3A_52 : i32
    %ne3A_54 = arith.xori %lt3A_51, %lt3A_53 : i1
    %and3A_55 = arith.andi %ne3A_54, %ne3A_50 : i1
    %add3A_56 = arith.addi %rem3A_48, %select_n3A_47 : i32
    %select_n3A_57 = arith.select %and3A_55, %add3A_56, %rem3A_48 : i32
    %mul3A_58 = arith.constant 16 : i32
    %mul3A_59 = arith.muli %select_n3A_57, %mul3A_58 : i32
    %get3A = arith.index_cast %select_n3A : i32 to index
    %get3A_60 = arith.index_cast %mul3A_59 : i32 to index
    %get3A_61 = tpu.vector_load %arg7[%get3A, %get3A_60] {strides = array<i32>} : memref<4x128xi32, #tpu.memory_space<vmem>>, vector<16xi32>,
    %get3A_62 = arith.index_cast %select_n3A : i32 to index
    %get3A_63 = arith.index_cast %mul3A_59 : i32 to index
    %get3A_64 = tpu.vector_load %arg8[%get3A_62, %get3A_63] {strides = array<i32>} : memref<4x128xi32, #tpu.memory_space<vmem>>, vector<16xi32>,
    %slice3A = vector.extract_strided_slice %get3A_61 {offsets = [0], sizes = [1], strides = [1]} : vector<16xi32> to vector<1xi32>
    %squeeze3A = vector.extract %slice3A[0] : i32 from vector<1xi32>
    %shift_right_logical3A = arith.constant 7 : i32
    %shift_right_logical3A_65 = arith.shrui %squeeze3A, %shift_right_logical3A : i32
    %min3A_66 = arith.constant 7811 : i32
    %min3A_67 = arith.minsi %shift_right_logical3A_65, %min3A_66 : i32
    %mul3A_68 = arith.constant 128 : i32
    %mul3A_69 = arith.muli %min3A_67, %mul3A_68 : i32
    %multiple_of3A = tpu.assume_multiple %mul3A_69, 128 : i32
    %dma_start3A = arith.constant 0 : i32
    %dma_start3A_70 = arith.constant 0 : i32
    %dma_start3A_71 = arith.constant 0 : i32
    %dma_start3A_72 = tpu.memref_slice %arg9[%dma_start3A, %dma_start3A_70, %dma_start3A_71] : memref<8x32x128xf32, #tpu.memory_space<vmem>> -> memref<1x32x128xf32, #tpu.memory_space<vmem>>
    %dma_start3A_73 = tpu.memref_squeeze %dma_start3A_72 : memref<1x32x128xf32, #tpu.memory_space<vmem>> -> memref<32x128xf32, #tpu.memory_space<vmem>>
    %dma_start3A_74 = arith.constant 0 : i32
    %dma_start3A_75 = tpu.memref_slice %arg4[%dma_start3A_74, %multiple_of3A] : memref<32x1000000xf32, #tpu.memory_space<hbm>> -> memref<32x128xf32, #tpu.memory_space<hbm>>
    %dma_start3A_76 = arith.constant 0 : i32
    %dma_start3A_77 = arith.constant 0 : i32
    %dma_start3A_78 = tpu.memref_slice %arg9[%dma_start3A, %dma_start3A_76, %dma_start3A_77] : memref<8x32x128xf32, #tpu.memory_space<vmem>> -> memref<1x32x128xf32, #tpu.memory_space<vmem>>
    %dma_start3A_79 = tpu.memref_squeeze %dma_start3A_78 : memref<1x32x128xf32, #tpu.memory_space<vmem>> -> memref<32x128xf32, #tpu.memory_space<vmem>>
    %dma_start3A_80 = arith.constant 0 : i32
    %dma_start3A_81 = tpu.memref_slice %arg4[%dma_start3A_80, %multiple_of3A] : memref<32x1000000xf32, #tpu.memory_space<hbm>> -> memref<32x128xf32, #tpu.memory_space<hbm>>
    tpu.enqueue_dma source(%dma_start3A_81 : memref<32x128xf32, #tpu.memory_space<hbm>>) target(%dma_start3A_79 : memref<32x128xf32, #tpu.memory_space<vmem>>) target_semaphore(%arg15 : memref<!tpu.dma_semaphore, #tpu.memory_space<semaphore_mem>>)
    %slice3A_82 = vector.extract_strided_slice %get3A_64 {offsets = [0], sizes = [1], strides = [1]} : vector<16xi32> to vector<1xi32>
    %squeeze3A_83 = vector.extract %slice3A_82[0] : i32 from vector<1xi32>
    %shift_right_logical3A_84 = arith.constant 7 : i32
    %shift_right_logical3A_85 = arith.shrui %squeeze3A_83, %shift_right_logical3A_84 : i32
    %min3A_86 = arith.constant 7811 : i32
    %min3A_87 = arith.minsi %shift_right_logical3A_85, %min3A_86 : i32
    %mul3A_88 = arith.constant 128 : i32
    %mul3A_89 = arith.muli %min3A_87, %mul3A_88 : i32
    %multiple_of3A_90 = tpu.assume_multiple %mul3A_89, 128 : i32
    %dma_start3A_91 = arith.constant 0 : i32
    %dma_start3A_92 = arith.constant 0 : i32
    %dma_start3A_93 = arith.constant 0 : i32
    %dma_start3A_94 = tpu.memref_slice %arg10[%dma_start3A_91, %dma_start3A_92, %dma_start3A_93] : memref<8x32x128xf32, #tpu.memory_space<vmem>> -> memref<1x32x128xf32, #tpu.memory_space<vmem>>
    %dma_start3A_95 = tpu.memref_squeeze %dma_start3A_94 : memref<1x32x128xf32, #tpu.memory_space<vmem>> -> memref<32x128xf32, #tpu.memory_space<vmem>>
    %dma_start3A_96 = arith.constant 0 : i32
    %dma_start3A_97 = tpu.memref_slice %arg5[%dma_start3A_96, %multiple_of3A_90] : memref<32x1000000xf32, #tpu.memory_space<hbm>> -> memref<32x128xf32, #tpu.memory_space<hbm>>
    %dma_start3A_98 = arith.constant 0 : i32
    %dma_start3A_99 = arith.constant 0 : i32
    %dma_start3A_100 = tpu.memref_slice %arg10[%dma_start3A_91, %dma_start3A_98, %dma_start3A_99] : memref<8x32x128xf32, #tpu.memory_space<vmem>> -> memref<1x32x128xf32, #tpu.memory_space<vmem>>
    %dma_start3A_101 = tpu.memref_squeeze %dma_start3A_100 : memref<1x32x128xf32, #tpu.memory_space<vmem>> -> memref<32x128xf32, #tpu.memory_space<vmem>>
    %dma_start3A_102 = arith.constant 0 : i32
    %dma_start3A_103 = tpu.memref_slice %arg5[%dma_start3A_102, %multiple_of3A_90] : memref<32x1000000xf32, #tpu.memory_space<hbm>> -> memref<32x128xf32, #tpu.memory_space<hbm>>
    tpu.enqueue_dma source(%dma_start3A_103 : memref<32x128xf32, #tpu.memory_space<hbm>>) target(%dma_start3A_101 : memref<32x128xf32, #tpu.memory_space<vmem>>) target_semaphore(%arg15 : memref<!tpu.dma_semaphore, #tpu.memory_space<semaphore_mem>>)
    %slice3A_104 = vector.extract_strided_slice %get3A_61 {offsets = [1], sizes = [1], strides = [1]} : vector<16xi32> to vector<1xi32>
    %squeeze3A_105 = vector.extract %slice3A_104[0] : i32 from vector<1xi32>
    %shift_right_logical3A_106 = arith.constant 7 : i32
    %shift_right_logical3A_107 = arith.shrui %squeeze3A_105, %shift_right_logical3A_106 : i32
    %min3A_108 = arith.constant 7811 : i32
    %min3A_109 = arith.minsi %shift_right_logical3A_107, %min3A_108 : i32
    %mul3A_110 = arith.constant 128 : i32
    %mul3A_111 = arith.muli %min3A_109, %mul3A_110 : i32
    %multiple_of3A_112 = tpu.assume_multiple %mul3A_111, 128 : i32
    %dma_start3A_113 = arith.constant 1 : i32
    %dma_start3A_114 = arith.constant 0 : i32
    %dma_start3A_115 = arith.constant 0 : i32
    %dma_start3A_116 = tpu.memref_slice %arg9[%dma_start3A_113, %dma_start3A_114, %dma_start3A_115] : memref<8x32x128xf32, #tpu.memory_space<vmem>> -> memref<1x32x128xf32, #tpu.memory_space<vmem>>
    %dma_start3A_117 = tpu.memref_squeeze %dma_start3A_116 : memref<1x32x128xf32, #tpu.memory_space<vmem>> -> memref<32x128xf32, #tpu.memory_space<vmem>>
    %dma_start3A_118 = arith.constant 0 : i32
    %dma_start3A_119 = tpu.memref_slice %arg4[%dma_start3A_118, %multiple_of3A_112] : memref<32x1000000xf32, #tpu.memory_space<hbm>> -> memref<32x128xf32, #tpu.memory_space<hbm>>
    %dma_start3A_120 = arith.constant 0 : i32
    %dma_start3A_121 = arith.constant 0 : i32
    %dma_start3A_122 = tpu.memref_slice %arg9[%dma_start3A_113, %dma_start3A_120, %dma_start3A_121] : memref<8x32x128xf32, #tpu.memory_space<vmem>> -> memref<1x32x128xf32, #tpu.memory_space<vmem>>
    %dma_start3A_123 = tpu.memref_squeeze %dma_start3A_122 : memref<1x32x128xf32, #tpu.memory_space<vmem>> -> memref<32x128xf32, #tpu.memory_space<vmem>>
    %dma_start3A_124 = arith.constant 0 : i32
    %dma_start3A_125 = tpu.memref_slice %arg4[%dma_start3A_124, %multiple_of3A_112] : memref<32x1000000xf32, #tpu.memory_space<hbm>> -> memref<32x128xf32, #tpu.memory_space<hbm>>
    tpu.enqueue_dma source(%dma_start3A_125 : memref<32x128xf32, #tpu.memory_space<hbm>>) target(%dma_start3A_123 : memref<32x128xf32, #tpu.memory_space<vmem>>) target_semaphore(%arg15 : memref<!tpu.dma_semaphore, #tpu.memory_space<semaphore_mem>>)
    %slice3A_126 = vector.extract_strided_slice %get3A_64 {offsets = [1], sizes = [1], strides = [1]} : vector<16xi32> to vector<1xi32>
    %squeeze3A_127 = vector.extract %slice3A_126[0] : i32 from vector<1xi32>
    %shift_right_logical3A_128 = arith.constant 7 : i32
    %shift_right_logical3A_129 = arith.shrui %squeeze3A_127, %shift_right_logical3A_128 : i32
    %min3A_130 = arith.constant 7811 : i32
    %min3A_131 = arith.minsi %shift_right_logical3A_129, %min3A_130 : i32
    %mul3A_132 = arith.constant 128 : i32
    %mul3A_133 = arith.muli %min3A_131, %mul3A_132 : i32
    %multiple_of3A_134 = tpu.assume_multiple %mul3A_133, 128 : i32
    %dma_start3A_135 = arith.constant 1 : i32
    %dma_start3A_136 = arith.constant 0 : i32
    %dma_start3A_137 = arith.constant 0 : i32
    %dma_start3A_138 = tpu.memref_slice %arg10[%dma_start3A_135, %dma_start3A_136, %dma_start3A_137] : memref<8x32x128xf32, #tpu.memory_space<vmem>> -> memref<1x32x128xf32, #tpu.memory_space<vmem>>
    %dma_start3A_139 = tpu.memref_squeeze %dma_start3A_138 : memref<1x32x128xf32, #tpu.memory_space<vmem>> -> memref<32x128xf32, #tpu.memory_space<vmem>>
    %dma_start3A_140 = arith.constant 0 : i32
    %dma_start3A_141 = tpu.memref_slice %arg5[%dma_start3A_140, %multiple_of3A_134] : memref<32x1000000xf32, #tpu.memory_space<hbm>> -> memref<32x128xf32, #tpu.memory_space<hbm>>
    %dma_start3A_142 = arith.constant 0 : i32
    %dma_start3A_143 = arith.constant 0 : i32
    %dma_start3A_144 = tpu.memref_slice %arg10[%dma_start3A_135, %dma_start3A_142, %dma_start3A_143] : memref<8x32x128xf32, #tpu.memory_space<vmem>> -> memref<1x32x128xf32, #tpu.memory_space<vmem>>
    %dma_start3A_145 = tpu.memref_squeeze %dma_start3A_144 : memref<1x32x128xf32, #tpu.memory_space<vmem>> -> memref<32x128xf32, #tpu.memory_space<vmem>>
    %dma_start3A_146 = arith.constant 0 : i32
    %dma_start3A_147 = tpu.memref_slice %arg5[%dma_start3A_146, %multiple_of3A_134] : memref<32x1000000xf32, #tpu.memory_space<hbm>> -> memref<32x128xf32, #tpu.memory_space<hbm>>
    tpu.enqueue_dma source(%dma_start3A_147 : memref<32x128xf32, #tpu.memory_space<hbm>>) target(%dma_start3A_145 : memref<32x128xf32, #tpu.memory_space<vmem>>) target_semaphore(%arg15 : memref<!tpu.dma_semaphore, #tpu.memory_space<semaphore_mem>>)
    %slice3A_148 = vector.extract_strided_slice %get3A_61 {offsets = [2], sizes = [1], strides = [1]} : vector<16xi32> to vector<1xi32>
    %squeeze3A_149 = vector.extract %slice3A_148[0] : i32 from vector<1xi32>
    %shift_right_logical3A_150 = arith.constant 7 : i32
    %shift_right_logical3A_151 = arith.shrui %squeeze3A_149, %shift_right_logical3A_150 : i32
    %min3A_152 = arith.constant 7811 : i32
    %min3A_153 = arith.minsi %shift_right_logical3A_151, %min3A_152 : i32
    %mul3A_154 = arith.constant 128 : i32
    %mul3A_155 = arith.muli %min3A_153, %mul3A_154 : i32
    %multiple_of3A_156 = tpu.assume_multiple %mul3A_155, 128 : i32
    %dma_start3A_157 = arith.constant 2 : i32
    %dma_start3A_158 = arith.constant 0 : i32
    %dma_start3A_159 = arith.constant 0 : i32
    %dma_start3A_160 = tpu.memref_slice %arg9[%dma_start3A_157, %dma_start3A_158, %dma_start3A_159] : memref<8x32x128xf32, #tpu.memory_space<vmem>> -> memref<1x32x128xf32, #tpu.memory_space<vmem>>
    %dma_start3A_161 = tpu.memref_squeeze %dma_start3A_160 : memref<1x32x128xf32, #tpu.memory_space<vmem>> -> memref<32x128xf32, #tpu.memory_space<vmem>>
    %dma_start3A_162 = arith.constant 0 : i32
    %dma_start3A_163 = tpu.memref_slice %arg4[%dma_start3A_162, %multiple_of3A_156] : memref<32x1000000xf32, #tpu.memory_space<hbm>> -> memref<32x128xf32, #tpu.memory_space<hbm>>
    %dma_start3A_164 = arith.constant 0 : i32
    %dma_start3A_165 = arith.constant 0 : i32
    %dma_start3A_166 = tpu.memref_slice %arg9[%dma_start3A_157, %dma_start3A_164, %dma_start3A_165] : memref<8x32x128xf32, #tpu.memory_space<vmem>> -> memref<1x32x128xf32, #tpu.memory_space<vmem>>
    %dma_start3A_167 = tpu.memref_squeeze %dma_start3A_166 : memref<1x32x128xf32, #tpu.memory_space<vmem>> -> memref<32x128xf32, #tpu.memory_space<vmem>>
    %dma_start3A_168 = arith.constant 0 : i32
    %dma_start3A_169 = tpu.memref_slice %arg4[%dma_start3A_168, %multiple_of3A_156] : memref<32x1000000xf32, #tpu.memory_space<hbm>> -> memref<32x128xf32, #tpu.memory_space<hbm>>
    tpu.enqueue_dma source(%dma_start3A_169 : memref<32x128xf32, #tpu.memory_space<hbm>>) target(%dma_start3A_167 : memref<32x128xf32, #tpu.memory_space<vmem>>) target_semaphore(%arg15 : memref<!tpu.dma_semaphore, #tpu.memory_space<semaphore_mem>>)
    %slice3A_170 = vector.extract_strided_slice %get3A_64 {offsets = [2], sizes = [1], strides = [1]} : vector<16xi32> to vector<1xi32>
    %squeeze3A_171 = vector.extract %slice3A_170[0] : i32 from vector<1xi32>
    %shift_right_logical3A_172 = arith.constant 7 : i32
    %shift_right_logical3A_173 = arith.shrui %squeeze3A_171, %shift_right_logical3A_172 : i32
    %min3A_174 = arith.constant 7811 : i32
    %min3A_175 = arith.minsi %shift_right_logical3A_173, %min3A_174 : i32
    %mul3A_176 = arith.constant 128 : i32
    %mul3A_177 = arith.muli %min3A_175, %mul3A_176 : i32
    %multiple_of3A_178 = tpu.assume_multiple %mul3A_177, 128 : i32
    %dma_start3A_179 = arith.constant 2 : i32
    %dma_start3A_180 = arith.constant 0 : i32
    %dma_start3A_181 = arith.constant 0 : i32
    %dma_start3A_182 = tpu.memref_slice %arg10[%dma_start3A_179, %dma_start3A_180, %dma_start3A_181] : memref<8x32x128xf32, #tpu.memory_space<vmem>> -> memref<1x32x128xf32, #tpu.memory_space<vmem>>
    %dma_start3A_183 = tpu.memref_squeeze %dma_start3A_182 : memref<1x32x128xf32, #tpu.memory_space<vmem>> -> memref<32x128xf32, #tpu.memory_space<vmem>>
    %dma_start3A_184 = arith.constant 0 : i32
    %dma_start3A_185 = tpu.memref_slice %arg5[%dma_start3A_184, %multiple_of3A_178] : memref<32x1000000xf32, #tpu.memory_space<hbm>> -> memref<32x128xf32, #tpu.memory_space<hbm>>
    %dma_start3A_186 = arith.constant 0 : i32
    %dma_start3A_187 = arith.constant 0 : i32
    %dma_start3A_188 = tpu.memref_slice %arg10[%dma_start3A_179, %dma_start3A_186, %dma_start3A_187] : memref<8x32x128xf32, #tpu.memory_space<vmem>> -> memref<1x32x128xf32, #tpu.memory_space<vmem>>
    %dma_start3A_189 = tpu.memref_squeeze %dma_start3A_188 : memref<1x32x128xf32, #tpu.memory_space<vmem>> -> memref<32x128xf32, #tpu.memory_space<vmem>>
    %dma_start3A_190 = arith.constant 0 : i32
    %dma_start3A_191 = tpu.memref_slice %arg5[%dma_start3A_190, %multiple_of3A_178] : memref<32x1000000xf32, #tpu.memory_space<hbm>> -> memref<32x128xf32, #tpu.memory_space<hbm>>
    tpu.enqueue_dma source(%dma_start3A_191 : memref<32x128xf32, #tpu.memory_space<hbm>>) target(%dma_start3A_189 : memref<32x128xf32, #tpu.memory_space<vmem>>) target_semaphore(%arg15 : memref<!tpu.dma_semaphore, #tpu.memory_space<semaphore_mem>>)
    %slice3A_192 = vector.extract_strided_slice %get3A_61 {offsets = [3], sizes = [1], strides = [1]} : vector<16xi32> to vector<1xi32>
    %squeeze3A_193 = vector.extract %slice3A_192[0] : i32 from vector<1xi32>
    %shift_right_logical3A_194 = arith.constant 7 : i32
    %shift_right_logical3A_195 = arith.shrui %squeeze3A_193, %shift_right_logical3A_194 : i32
    %min3A_196 = arith.constant 7811 : i32
    %min3A_197 = arith.minsi %shift_right_logical3A_195, %min3A_196 : i32
    %mul3A_198 = arith.constant 128 : i32
    %mul3A_199 = arith.muli %min3A_197, %mul3A_198 : i32
    %multiple_of3A_200 = tpu.assume_multiple %mul3A_199, 128 : i32
    %dma_start3A_201 = arith.constant 3 : i32
    %dma_start3A_202 = arith.constant 0 : i32
    %dma_start3A_203 = arith.constant 0 : i32
    %dma_start3A_204 = tpu.memref_slice %arg9[%dma_start3A_201, %dma_start3A_202, %dma_start3A_203] : memref<8x32x128xf32, #tpu.memory_space<vmem>> -> memref<1x32x128xf32, #tpu.memory_space<vmem>>
    %dma_start3A_205 = tpu.memref_squeeze %dma_start3A_204 : memref<1x32x128xf32, #tpu.memory_space<vmem>> -> memref<32x128xf32, #tpu.memory_space<vmem>>
    %dma_start3A_206 = arith.constant 0 : i32
    %dma_start3A_207 = tpu.memref_slice %arg4[%dma_start3A_206, %multiple_of3A_200] : memref<32x1000000xf32, #tpu.memory_space<hbm>> -> memref<32x128xf32, #tpu.memory_space<hbm>>
    %dma_start3A_208 = arith.constant 0 : i32
    %dma_start3A_209 = arith.constant 0 : i32
    %dma_start3A_210 = tpu.memref_slice %arg9[%dma_start3A_201, %dma_start3A_208, %dma_start3A_209] : memref<8x32x128xf32, #tpu.memory_space<vmem>> -> memref<1x32x128xf32, #tpu.memory_space<vmem>>
    %dma_start3A_211 = tpu.memref_squeeze %dma_start3A_210 : memref<1x32x128xf32, #tpu.memory_space<vmem>> -> memref<32x128xf32, #tpu.memory_space<vmem>>
    %dma_start3A_212 = arith.constant 0 : i32
    %dma_start3A_213 = tpu.memref_slice %arg4[%dma_start3A_212, %multiple_of3A_200] : memref<32x1000000xf32, #tpu.memory_space<hbm>> -> memref<32x128xf32, #tpu.memory_space<hbm>>
    tpu.enqueue_dma source(%dma_start3A_213 : memref<32x128xf32, #tpu.memory_space<hbm>>) target(%dma_start3A_211 : memref<32x128xf32, #tpu.memory_space<vmem>>) target_semaphore(%arg15 : memref<!tpu.dma_semaphore, #tpu.memory_space<semaphore_mem>>)
    %slice3A_214 = vector.extract_strided_slice %get3A_64 {offsets = [3], sizes = [1], strides = [1]} : vector<16xi32> to vector<1xi32>
    %squeeze3A_215 = vector.extract %slice3A_214[0] : i32 from vector<1xi32>
    %shift_right_logical3A_216 = arith.constant 7 : i32
    %shift_right_logical3A_217 = arith.shrui %squeeze3A_215, %shift_right_logical3A_216 : i32
    %min3A_218 = arith.constant 7811 : i32
    %min3A_219 = arith.minsi %shift_right_logical3A_217, %min3A_218 : i32
    %mul3A_220 = arith.constant 128 : i32
    %mul3A_221 = arith.muli %min3A_219, %mul3A_220 : i32
    %multiple_of3A_222 = tpu.assume_multiple %mul3A_221, 128 : i32
    %dma_start3A_223 = arith.constant 3 : i32
    %dma_start3A_224 = arith.constant 0 : i32
    %dma_start3A_225 = arith.constant 0 : i32
    %dma_start3A_226 = tpu.memref_slice %arg10[%dma_start3A_223, %dma_start3A_224, %dma_start3A_225] : memref<8x32x128xf32, #tpu.memory_space<vmem>> -> memref<1x32x128xf32, #tpu.memory_space<vmem>>
    %dma_start3A_227 = tpu.memref_squeeze %dma_start3A_226 : memref<1x32x128xf32, #tpu.memory_space<vmem>> -> memref<32x128xf32, #tpu.memory_space<vmem>>
    %dma_start3A_228 = arith.constant 0 : i32
    %dma_start3A_229 = tpu.memref_slice %arg5[%dma_start3A_228, %multiple_of3A_222] : memref<32x1000000xf32, #tpu.memory_space<hbm>> -> memref<32x128xf32, #tpu.memory_space<hbm>>
    %dma_start3A_230 = arith.constant 0 : i32
    %dma_start3A_231 = arith.constant 0 : i32
    %dma_start3A_232 = tpu.memref_slice %arg10[%dma_start3A_223, %dma_start3A_230, %dma_start3A_231] : memref<8x32x128xf32, #tpu.memory_space<vmem>> -> memref<1x32x128xf32, #tpu.memory_space<vmem>>
    %dma_start3A_233 = tpu.memref_squeeze %dma_start3A_232 : memref<1x32x128xf32, #tpu.memory_space<vmem>> -> memref<32x128xf32, #tpu.memory_space<vmem>>
    %dma_start3A_234 = arith.constant 0 : i32
    %dma_start3A_235 = tpu.memref_slice %arg5[%dma_start3A_234, %multiple_of3A_222] : memref<32x1000000xf32, #tpu.memory_space<hbm>> -> memref<32x128xf32, #tpu.memory_space<hbm>>
    tpu.enqueue_dma source(%dma_start3A_235 : memref<32x128xf32, #tpu.memory_space<hbm>>) target(%dma_start3A_233 : memref<32x128xf32, #tpu.memory_space<vmem>>) target_semaphore(%arg15 : memref<!tpu.dma_semaphore, #tpu.memory_space<semaphore_mem>>)
    %slice3A_236 = vector.extract_strided_slice %get3A_61 {offsets = [4], sizes = [1], strides = [1]} : vector<16xi32> to vector<1xi32>
    %squeeze3A_237 = vector.extract %slice3A_236[0] : i32 from vector<1xi32>
    %shift_right_logical3A_238 = arith.constant 7 : i32
    %shift_right_logical3A_239 = arith.shrui %squeeze3A_237, %shift_right_logical3A_238 : i32
    %min3A_240 = arith.constant 7811 : i32
    %min3A_241 = arith.minsi %shift_right_logical3A_239, %min3A_240 : i32
    %mul3A_242 = arith.constant 128 : i32
    %mul3A_243 = arith.muli %min3A_241, %mul3A_242 : i32
    %multiple_of3A_244 = tpu.assume_multiple %mul3A_243, 128 : i32
    %dma_start3A_245 = arith.constant 4 : i32
    %dma_start3A_246 = arith.constant 0 : i32
    %dma_start3A_247 = arith.constant 0 : i32
    %dma_start3A_248 = tpu.memref_slice %arg9[%dma_start3A_245, %dma_start3A_246, %dma_start3A_247] : memref<8x32x128xf32, #tpu.memory_space<vmem>> -> memref<1x32x128xf32, #tpu.memory_space<vmem>>
    %dma_start3A_249 = tpu.memref_squeeze %dma_start3A_248 : memref<1x32x128xf32, #tpu.memory_space<vmem>> -> memref<32x128xf32, #tpu.memory_space<vmem>>
    %dma_start3A_250 = arith.constant 0 : i32
    %dma_start3A_251 = tpu.memref_slice %arg4[%dma_start3A_250, %multiple_of3A_244] : memref<32x1000000xf32, #tpu.memory_space<hbm>> -> memref<32x128xf32, #tpu.memory_space<hbm>>
    %dma_start3A_252 = arith.constant 0 : i32
    %dma_start3A_253 = arith.constant 0 : i32
    %dma_start3A_254 = tpu.memref_slice %arg9[%dma_start3A_245, %dma_start3A_252, %dma_start3A_253] : memref<8x32x128xf32, #tpu.memory_space<vmem>> -> memref<1x32x128xf32, #tpu.memory_space<vmem>>
    %dma_start3A_255 = tpu.memref_squeeze %dma_start3A_254 : memref<1x32x128xf32, #tpu.memory_space<vmem>> -> memref<32x128xf32, #tpu.memory_space<vmem>>
    %dma_start3A_256 = arith.constant 0 : i32
    %dma_start3A_257 = tpu.memref_slice %arg4[%dma_start3A_256, %multiple_of3A_244] : memref<32x1000000xf32, #tpu.memory_space<hbm>> -> memref<32x128xf32, #tpu.memory_space<hbm>>
    tpu.enqueue_dma source(%dma_start3A_257 : memref<32x128xf32, #tpu.memory_space<hbm>>) target(%dma_start3A_255 : memref<32x128xf32, #tpu.memory_space<vmem>>) target_semaphore(%arg15 : memref<!tpu.dma_semaphore, #tpu.memory_space<semaphore_mem>>)
    %slice3A_258 = vector.extract_strided_slice %get3A_64 {offsets = [4], sizes = [1], strides = [1]} : vector<16xi32> to vector<1xi32>
    %squeeze3A_259 = vector.extract %slice3A_258[0] : i32 from vector<1xi32>
    %shift_right_logical3A_260 = arith.constant 7 : i32
    %shift_right_logical3A_261 = arith.shrui %squeeze3A_259, %shift_right_logical3A_260 : i32
    %min3A_262 = arith.constant 7811 : i32
    %min3A_263 = arith.minsi %shift_right_logical3A_261, %min3A_262 : i32
    %mul3A_264 = arith.constant 128 : i32
    %mul3A_265 = arith.muli %min3A_263, %mul3A_264 : i32
    %multiple_of3A_266 = tpu.assume_multiple %mul3A_265, 128 : i32
    %dma_start3A_267 = arith.constant 4 : i32
    %dma_start3A_268 = arith.constant 0 : i32
    %dma_start3A_269 = arith.constant 0 : i32
    %dma_start3A_270 = tpu.memref_slice %arg10[%dma_start3A_267, %dma_start3A_268, %dma_start3A_269] : memref<8x32x128xf32, #tpu.memory_space<vmem>> -> memref<1x32x128xf32, #tpu.memory_space<vmem>>
    %dma_start3A_271 = tpu.memref_squeeze %dma_start3A_270 : memref<1x32x128xf32, #tpu.memory_space<vmem>> -> memref<32x128xf32, #tpu.memory_space<vmem>>
    %dma_start3A_272 = arith.constant 0 : i32
    %dma_start3A_273 = tpu.memref_slice %arg5[%dma_start3A_272, %multiple_of3A_266] : memref<32x1000000xf32, #tpu.memory_space<hbm>> -> memref<32x128xf32, #tpu.memory_space<hbm>>
    %dma_start3A_274 = arith.constant 0 : i32
    %dma_start3A_275 = arith.constant 0 : i32
    %dma_start3A_276 = tpu.memref_slice %arg10[%dma_start3A_267, %dma_start3A_274, %dma_start3A_275] : memref<8x32x128xf32, #tpu.memory_space<vmem>> -> memref<1x32x128xf32, #tpu.memory_space<vmem>>
    %dma_start3A_277 = tpu.memref_squeeze %dma_start3A_276 : memref<1x32x128xf32, #tpu.memory_space<vmem>> -> memref<32x128xf32, #tpu.memory_space<vmem>>
    %dma_start3A_278 = arith.constant 0 : i32
    %dma_start3A_279 = tpu.memref_slice %arg5[%dma_start3A_278, %multiple_of3A_266] : memref<32x1000000xf32, #tpu.memory_space<hbm>> -> memref<32x128xf32, #tpu.memory_space<hbm>>
    tpu.enqueue_dma source(%dma_start3A_279 : memref<32x128xf32, #tpu.memory_space<hbm>>) target(%dma_start3A_277 : memref<32x128xf32, #tpu.memory_space<vmem>>) target_semaphore(%arg15 : memref<!tpu.dma_semaphore, #tpu.memory_space<semaphore_mem>>)
    %slice3A_280 = vector.extract_strided_slice %get3A_61 {offsets = [5], sizes = [1], strides = [1]} : vector<16xi32> to vector<1xi32>
    %squeeze3A_281 = vector.extract %slice3A_280[0] : i32 from vector<1xi32>
    %shift_right_logical3A_282 = arith.constant 7 : i32
    %shift_right_logical3A_283 = arith.shrui %squeeze3A_281, %shift_right_logical3A_282 : i32
    %min3A_284 = arith.constant 7811 : i32
    %min3A_285 = arith.minsi %shift_right_logical3A_283, %min3A_284 : i32
    %mul3A_286 = arith.constant 128 : i32
    %mul3A_287 = arith.muli %min3A_285, %mul3A_286 : i32
    %multiple_of3A_288 = tpu.assume_multiple %mul3A_287, 128 : i32
    %dma_start3A_289 = arith.constant 5 : i32
    %dma_start3A_290 = arith.constant 0 : i32
    %dma_start3A_291 = arith.constant 0 : i32
    %dma_start3A_292 = tpu.memref_slice %arg9[%dma_start3A_289, %dma_start3A_290, %dma_start3A_291] : memref<8x32x128xf32, #tpu.memory_space<vmem>> -> memref<1x32x128xf32, #tpu.memory_space<vmem>>
    %dma_start3A_293 = tpu.memref_squeeze %dma_start3A_292 : memref<1x32x128xf32, #tpu.memory_space<vmem>> -> memref<32x128xf32, #tpu.memory_space<vmem>>
    %dma_start3A_294 = arith.constant 0 : i32
    %dma_start3A_295 = tpu.memref_slice %arg4[%dma_start3A_294, %multiple_of3A_288] : memref<32x1000000xf32, #tpu.memory_space<hbm>> -> memref<32x128xf32, #tpu.memory_space<hbm>>
    %dma_start3A_296 = arith.constant 0 : i32
    %dma_start3A_297 = arith.constant 0 : i32
    %dma_start3A_298 = tpu.memref_slice %arg9[%dma_start3A_289, %dma_start3A_296, %dma_start3A_297] : memref<8x32x128xf32, #tpu.memory_space<vmem>> -> memref<1x32x128xf32, #tpu.memory_space<vmem>>
    %dma_start3A_299 = tpu.memref_squeeze %dma_start3A_298 : memref<1x32x128xf32, #tpu.memory_space<vmem>> -> memref<32x128xf32, #tpu.memory_space<vmem>>
    %dma_start3A_300 = arith.constant 0 : i32
    %dma_start3A_301 = tpu.memref_slice %arg4[%dma_start3A_300, %multiple_of3A_288] : memref<32x1000000xf32, #tpu.memory_space<hbm>> -> memref<32x128xf32, #tpu.memory_space<hbm>>
    tpu.enqueue_dma source(%dma_start3A_301 : memref<32x128xf32, #tpu.memory_space<hbm>>) target(%dma_start3A_299 : memref<32x128xf32, #tpu.memory_space<vmem>>) target_semaphore(%arg15 : memref<!tpu.dma_semaphore, #tpu.memory_space<semaphore_mem>>)
    %slice3A_302 = vector.extract_strided_slice %get3A_64 {offsets = [5], sizes = [1], strides = [1]} : vector<16xi32> to vector<1xi32>
    %squeeze3A_303 = vector.extract %slice3A_302[0] : i32 from vector<1xi32>
    %shift_right_logical3A_304 = arith.constant 7 : i32
    %shift_right_logical3A_305 = arith.shrui %squeeze3A_303, %shift_right_logical3A_304 : i32
    %min3A_306 = arith.constant 7811 : i32
    %min3A_307 = arith.minsi %shift_right_logical3A_305, %min3A_306 : i32
    %mul3A_308 = arith.constant 128 : i32
    %mul3A_309 = arith.muli %min3A_307, %mul3A_308 : i32
    %multiple_of3A_310 = tpu.assume_multiple %mul3A_309, 128 : i32
    %dma_start3A_311 = arith.constant 5 : i32
    %dma_start3A_312 = arith.constant 0 : i32
    %dma_start3A_313 = arith.constant 0 : i32
    %dma_start3A_314 = tpu.memref_slice %arg10[%dma_start3A_311, %dma_start3A_312, %dma_start3A_313] : memref<8x32x128xf32, #tpu.memory_space<vmem>> -> memref<1x32x128xf32, #tpu.memory_space<vmem>>
    %dma_start3A_315 = tpu.memref_squeeze %dma_start3A_314 : memref<1x32x128xf32, #tpu.memory_space<vmem>> -> memref<32x128xf32, #tpu.memory_space<vmem>>
    %dma_start3A_316 = arith.constant 0 : i32
    %dma_start3A_317 = tpu.memref_slice %arg5[%dma_start3A_316, %multiple_of3A_310] : memref<32x1000000xf32, #tpu.memory_space<hbm>> -> memref<32x128xf32, #tpu.memory_space<hbm>>
    %dma_start3A_318 = arith.constant 0 : i32
    %dma_start3A_319 = arith.constant 0 : i32
    %dma_start3A_320 = tpu.memref_slice %arg10[%dma_start3A_311, %dma_start3A_318, %dma_start3A_319] : memref<8x32x128xf32, #tpu.memory_space<vmem>> -> memref<1x32x128xf32, #tpu.memory_space<vmem>>
    %dma_start3A_321 = tpu.memref_squeeze %dma_start3A_320 : memref<1x32x128xf32, #tpu.memory_space<vmem>> -> memref<32x128xf32, #tpu.memory_space<vmem>>
    %dma_start3A_322 = arith.constant 0 : i32
    %dma_start3A_323 = tpu.memref_slice %arg5[%dma_start3A_322, %multiple_of3A_310] : memref<32x1000000xf32, #tpu.memory_space<hbm>> -> memref<32x128xf32, #tpu.memory_space<hbm>>
    tpu.enqueue_dma source(%dma_start3A_323 : memref<32x128xf32, #tpu.memory_space<hbm>>) target(%dma_start3A_321 : memref<32x128xf32, #tpu.memory_space<vmem>>) target_semaphore(%arg15 : memref<!tpu.dma_semaphore, #tpu.memory_space<semaphore_mem>>)
    %slice3A_324 = vector.extract_strided_slice %get3A_61 {offsets = [6], sizes = [1], strides = [1]} : vector<16xi32> to vector<1xi32>
    %squeeze3A_325 = vector.extract %slice3A_324[0] : i32 from vector<1xi32>
    %shift_right_logical3A_326 = arith.constant 7 : i32
    %shift_right_logical3A_327 = arith.shrui %squeeze3A_325, %shift_right_logical3A_326 : i32
    %min3A_328 = arith.constant 7811 : i32
    %min3A_329 = arith.minsi %shift_right_logical3A_327, %min3A_328 : i32
    %mul3A_330 = arith.constant 128 : i32
    %mul3A_331 = arith.muli %min3A_329, %mul3A_330 : i32
    %multiple_of3A_332 = tpu.assume_multiple %mul3A_331, 128 : i32
    %dma_start3A_333 = arith.constant 6 : i32
    %dma_start3A_334 = arith.constant 0 : i32
    %dma_start3A_335 = arith.constant 0 : i32
    %dma_start3A_336 = tpu.memref_slice %arg9[%dma_start3A_333, %dma_start3A_334, %dma_start3A_335] : memref<8x32x128xf32, #tpu.memory_space<vmem>> -> memref<1x32x128xf32, #tpu.memory_space<vmem>>
    %dma_start3A_337 = tpu.memref_squeeze %dma_start3A_336 : memref<1x32x128xf32, #tpu.memory_space<vmem>> -> memref<32x128xf32, #tpu.memory_space<vmem>>
    %dma_start3A_338 = arith.constant 0 : i32
    %dma_start3A_339 = tpu.memref_slice %arg4[%dma_start3A_338, %multiple_of3A_332] : memref<32x1000000xf32, #tpu.memory_space<hbm>> -> memref<32x128xf32, #tpu.memory_space<hbm>>
    %dma_start3A_340 = arith.constant 0 : i32
    %dma_start3A_341 = arith.constant 0 : i32
    %dma_start3A_342 = tpu.memref_slice %arg9[%dma_start3A_333, %dma_start3A_340, %dma_start3A_341] : memref<8x32x128xf32, #tpu.memory_space<vmem>> -> memref<1x32x128xf32, #tpu.memory_space<vmem>>
    %dma_start3A_343 = tpu.memref_squeeze %dma_start3A_342 : memref<1x32x128xf32, #tpu.memory_space<vmem>> -> memref<32x128xf32, #tpu.memory_space<vmem>>
    %dma_start3A_344 = arith.constant 0 : i32
    %dma_start3A_345 = tpu.memref_slice %arg4[%dma_start3A_344, %multiple_of3A_332] : memref<32x1000000xf32, #tpu.memory_space<hbm>> -> memref<32x128xf32, #tpu.memory_space<hbm>>
    tpu.enqueue_dma source(%dma_start3A_345 : memref<32x128xf32, #tpu.memory_space<hbm>>) target(%dma_start3A_343 : memref<32x128xf32, #tpu.memory_space<vmem>>) target_semaphore(%arg15 : memref<!tpu.dma_semaphore, #tpu.memory_space<semaphore_mem>>)
    %slice3A_346 = vector.extract_strided_slice %get3A_64 {offsets = [6], sizes = [1], strides = [1]} : vector<16xi32> to vector<1xi32>
    %squeeze3A_347 = vector.extract %slice3A_346[0] : i32 from vector<1xi32>
    %shift_right_logical3A_348 = arith.constant 7 : i32
    %shift_right_logical3A_349 = arith.shrui %squeeze3A_347, %shift_right_logical3A_348 : i32
    %min3A_350 = arith.constant 7811 : i32
    %min3A_351 = arith.minsi %shift_right_logical3A_349, %min3A_350 : i32
    %mul3A_352 = arith.constant 128 : i32
    %mul3A_353 = arith.muli %min3A_351, %mul3A_352 : i32
    %multiple_of3A_354 = tpu.assume_multiple %mul3A_353, 128 : i32
    %dma_start3A_355 = arith.constant 6 : i32
    %dma_start3A_356 = arith.constant 0 : i32
    %dma_start3A_357 = arith.constant 0 : i32
    %dma_start3A_358 = tpu.memref_slice %arg10[%dma_start3A_355, %dma_start3A_356, %dma_start3A_357] : memref<8x32x128xf32, #tpu.memory_space<vmem>> -> memref<1x32x128xf32, #tpu.memory_space<vmem>>
    %dma_start3A_359 = tpu.memref_squeeze %dma_start3A_358 : memref<1x32x128xf32, #tpu.memory_space<vmem>> -> memref<32x128xf32, #tpu.memory_space<vmem>>
    %dma_start3A_360 = arith.constant 0 : i32
    %dma_start3A_361 = tpu.memref_slice %arg5[%dma_start3A_360, %multiple_of3A_354] : memref<32x1000000xf32, #tpu.memory_space<hbm>> -> memref<32x128xf32, #tpu.memory_space<hbm>>
    %dma_start3A_362 = arith.constant 0 : i32
    %dma_start3A_363 = arith.constant 0 : i32
    %dma_start3A_364 = tpu.memref_slice %arg10[%dma_start3A_355, %dma_start3A_362, %dma_start3A_363] : memref<8x32x128xf32, #tpu.memory_space<vmem>> -> memref<1x32x128xf32, #tpu.memory_space<vmem>>
    %dma_start3A_365 = tpu.memref_squeeze %dma_start3A_364 : memref<1x32x128xf32, #tpu.memory_space<vmem>> -> memref<32x128xf32, #tpu.memory_space<vmem>>
    %dma_start3A_366 = arith.constant 0 : i32
    %dma_start3A_367 = tpu.memref_slice %arg5[%dma_start3A_366, %multiple_of3A_354] : memref<32x1000000xf32, #tpu.memory_space<hbm>> -> memref<32x128xf32, #tpu.memory_space<hbm>>
    tpu.enqueue_dma source(%dma_start3A_367 : memref<32x128xf32, #tpu.memory_space<hbm>>) target(%dma_start3A_365 : memref<32x128xf32, #tpu.memory_space<vmem>>) target_semaphore(%arg15 : memref<!tpu.dma_semaphore, #tpu.memory_space<semaphore_mem>>)
    %slice3A_368 = vector.extract_strided_slice %get3A_61 {offsets = [7], sizes = [1], strides = [1]} : vector<16xi32> to vector<1xi32>
    %squeeze3A_369 = vector.extract %slice3A_368[0] : i32 from vector<1xi32>
    %shift_right_logical3A_370 = arith.constant 7 : i32
    %shift_right_logical3A_371 = arith.shrui %squeeze3A_369, %shift_right_logical3A_370 : i32
    %min3A_372 = arith.constant 7811 : i32
    %min3A_373 = arith.minsi %shift_right_logical3A_371, %min3A_372 : i32
    %mul3A_374 = arith.constant 128 : i32
    %mul3A_375 = arith.muli %min3A_373, %mul3A_374 : i32
    %multiple_of3A_376 = tpu.assume_multiple %mul3A_375, 128 : i32
    %dma_start3A_377 = arith.constant 7 : i32
    %dma_start3A_378 = arith.constant 0 : i32
    %dma_start3A_379 = arith.constant 0 : i32
    %dma_start3A_380 = tpu.memref_slice %arg9[%dma_start3A_377, %dma_start3A_378, %dma_start3A_379] : memref<8x32x128xf32, #tpu.memory_space<vmem>> -> memref<1x32x128xf32, #tpu.memory_space<vmem>>
    %dma_start3A_381 = tpu.memref_squeeze %dma_start3A_380 : memref<1x32x128xf32, #tpu.memory_space<vmem>> -> memref<32x128xf32, #tpu.memory_space<vmem>>
    %dma_start3A_382 = arith.constant 0 : i32
    %dma_start3A_383 = tpu.memref_slice %arg4[%dma_start3A_382, %multiple_of3A_376] : memref<32x1000000xf32, #tpu.memory_space<hbm>> -> memref<32x128xf32, #tpu.memory_space<hbm>>
    %dma_start3A_384 = arith.constant 0 : i32
    %dma_start3A_385 = arith.constant 0 : i32
    %dma_start3A_386 = tpu.memref_slice %arg9[%dma_start3A_377, %dma_start3A_384, %dma_start3A_385] : memref<8x32x128xf32, #tpu.memory_space<vmem>> -> memref<1x32x128xf32, #tpu.memory_space<vmem>>
    %dma_start3A_387 = tpu.memref_squeeze %dma_start3A_386 : memref<1x32x128xf32, #tpu.memory_space<vmem>> -> memref<32x128xf32, #tpu.memory_space<vmem>>
    %dma_start3A_388 = arith.constant 0 : i32
    %dma_start3A_389 = tpu.memref_slice %arg4[%dma_start3A_388, %multiple_of3A_376] : memref<32x1000000xf32, #tpu.memory_space<hbm>> -> memref<32x128xf32, #tpu.memory_space<hbm>>
    tpu.enqueue_dma source(%dma_start3A_389 : memref<32x128xf32, #tpu.memory_space<hbm>>) target(%dma_start3A_387 : memref<32x128xf32, #tpu.memory_space<vmem>>) target_semaphore(%arg15 : memref<!tpu.dma_semaphore, #tpu.memory_space<semaphore_mem>>)
    %slice3A_390 = vector.extract_strided_slice %get3A_64 {offsets = [7], sizes = [1], strides = [1]} : vector<16xi32> to vector<1xi32>
    %squeeze3A_391 = vector.extract %slice3A_390[0] : i32 from vector<1xi32>
    %shift_right_logical3A_392 = arith.constant 7 : i32
    %shift_right_logical3A_393 = arith.shrui %squeeze3A_391, %shift_right_logical3A_392 : i32
    %min3A_394 = arith.constant 7811 : i32
    %min3A_395 = arith.minsi %shift_right_logical3A_393, %min3A_394 : i32
    %mul3A_396 = arith.constant 128 : i32
    %mul3A_397 = arith.muli %min3A_395, %mul3A_396 : i32
    %multiple_of3A_398 = tpu.assume_multiple %mul3A_397, 128 : i32
    %dma_start3A_399 = arith.constant 7 : i32
    %dma_start3A_400 = arith.constant 0 : i32
    %dma_start3A_401 = arith.constant 0 : i32
    %dma_start3A_402 = tpu.memref_slice %arg10[%dma_start3A_399, %dma_start3A_400, %dma_start3A_401] : memref<8x32x128xf32, #tpu.memory_space<vmem>> -> memref<1x32x128xf32, #tpu.memory_space<vmem>>
    %dma_start3A_403 = tpu.memref_squeeze %dma_start3A_402 : memref<1x32x128xf32, #tpu.memory_space<vmem>> -> memref<32x128xf32, #tpu.memory_space<vmem>>
    %dma_start3A_404 = arith.constant 0 : i32
    %dma_start3A_405 = tpu.memref_slice %arg5[%dma_start3A_404, %multiple_of3A_398] : memref<32x1000000xf32, #tpu.memory_space<hbm>> -> memref<32x128xf32, #tpu.memory_space<hbm>>
    %dma_start3A_406 = arith.constant 0 : i32
    %dma_start3A_407 = arith.constant 0 : i32
    %dma_start3A_408 = tpu.memref_slice %arg10[%dma_start3A_399, %dma_start3A_406, %dma_start3A_407] : memref<8x32x128xf32, #tpu.memory_space<vmem>> -> memref<1x32x128xf32, #tpu.memory_space<vmem>>
    %dma_start3A_409 = tpu.memref_squeeze %dma_start3A_408 : memref<1x32x128xf32, #tpu.memory_space<vmem>> -> memref<32x128xf32, #tpu.memory_space<vmem>>
    %dma_start3A_410 = arith.constant 0 : i32
    %dma_start3A_411 = tpu.memref_slice %arg5[%dma_start3A_410, %multiple_of3A_398] : memref<32x1000000xf32, #tpu.memory_space<hbm>> -> memref<32x128xf32, #tpu.memory_space<hbm>>
    tpu.enqueue_dma source(%dma_start3A_411 : memref<32x128xf32, #tpu.memory_space<hbm>>) target(%dma_start3A_409 : memref<32x128xf32, #tpu.memory_space<vmem>>) target_semaphore(%arg15 : memref<!tpu.dma_semaphore, #tpu.memory_space<semaphore_mem>>)
    %scan3A = arith.constant 0 : i32
    %scan3A_412 = arith.constant 0 : i32
    %scan3A_413 = arith.constant 32 : i32
    %scan3A_414 = arith.addi %scan3A_412, %scan3A_413 : i32
    %scan3A_415 = arith.constant 1 : i32
    scf.for %scan3A_656 = %scan3A_412 to %scan3A_414 step %scan3A_415  : i32 {
      %min3A_657 = arith.constant 31 : i32
      %min3A_658 = arith.minsi %scan3A_656, %min3A_657 : i32
      %jit3A_659 = arith.constant 8 : i32
      %div3A_660 = arith.divsi %min3A_658, %jit3A_659 : i32
      %sign3A_661 = arith.constant 0 : i32
      %sign3A_662 = arith.cmpi sgt, %min3A_658, %sign3A_661 : i32
      %sign3A_663 = arith.extui %sign3A_662 : i1 to i32
      %sign3A_664 = arith.constant 0 : i32
      %sign3A_665 = arith.cmpi slt, %min3A_658, %sign3A_664 : i32
      %sign3A_666 = arith.extui %sign3A_665 : i1 to i32
      %sign3A_667 = arith.subi %sign3A_663, %sign3A_666 : i32
      %sign3A_668 = arith.constant 0 : i32
      %sign3A_669 = arith.cmpi sgt, %jit3A_659, %sign3A_668 : i32
      %sign3A_670 = arith.extui %sign3A_669 : i1 to i32
      %sign3A_671 = arith.constant 0 : i32
      %sign3A_672 = arith.cmpi slt, %jit3A_659, %sign3A_671 : i32
      %sign3A_673 = arith.extui %sign3A_672 : i1 to i32
      %sign3A_674 = arith.subi %sign3A_670, %sign3A_673 : i32
      %ne3A_675 = arith.cmpi ne, %sign3A_667, %sign3A_674 : i32
      %rem3A_676 = arith.remsi %min3A_658, %jit3A_659 : i32
      %ne3A_677 = arith.constant 0 : i32
      %ne3A_678 = arith.cmpi ne, %rem3A_676, %ne3A_677 : i32
      %and3A_679 = arith.andi %ne3A_675, %ne3A_678 : i1
      %sub3A_680 = arith.constant 1 : i32
      %sub3A_681 = arith.subi %div3A_660, %sub3A_680 : i32
      %select_n3A_682 = arith.select %and3A_679, %sub3A_681, %div3A_660 : i32
      %jit3A_683 = arith.constant 8 : i32
      %eq3A_684 = arith.constant 0 : i32
      %eq3A_685 = arith.cmpi eq, %jit3A_683, %eq3A_684 : i32
      %jit3A_686 = arith.constant 1 : i32
      %select_n3A_687 = arith.select %eq3A_685, %jit3A_686, %jit3A_683 : i32
      %rem3A_688 = arith.remsi %min3A_658, %select_n3A_687 : i32
      %ne3A_689 = arith.constant 0 : i32
      %ne3A_690 = arith.cmpi ne, %rem3A_688, %ne3A_689 : i32
      %lt3A_691 = arith.constant 0 : i32
      %lt3A_692 = arith.cmpi slt, %rem3A_688, %lt3A_691 : i32
      %lt3A_693 = arith.constant 0 : i32
      %lt3A_694 = arith.cmpi slt, %select_n3A_687, %lt3A_693 : i32
      %ne3A_695 = arith.xori %lt3A_692, %lt3A_694 : i1
      %and3A_696 = arith.andi %ne3A_695, %ne3A_690 : i1
      %add3A_697 = arith.addi %rem3A_688, %select_n3A_687 : i32
      %select_n3A_698 = arith.select %and3A_696, %add3A_697, %rem3A_688 : i32
      %mul3A_699 = arith.constant 16 : i32
      %mul3A_700 = arith.muli %select_n3A_698, %mul3A_699 : i32
      %get3A_701 = arith.index_cast %select_n3A_682 : i32 to index
      %get3A_702 = arith.index_cast %mul3A_700 : i32 to index
      %get3A_703 = tpu.vector_load %arg7[%get3A_701, %get3A_702] {strides = array<i32>} : memref<4x128xi32, #tpu.memory_space<vmem>>, vector<16xi32>,
      %get3A_704 = arith.index_cast %select_n3A_682 : i32 to index
      %get3A_705 = arith.index_cast %mul3A_700 : i32 to index
      %get3A_706 = tpu.vector_load %arg8[%get3A_704, %get3A_705] {strides = array<i32>} : memref<4x128xi32, #tpu.memory_space<vmem>>, vector<16xi32>,
      %add3A_707 = arith.constant 1 : i32
      %add3A_708 = arith.addi %scan3A_656, %add3A_707 : i32
      %min3A_709 = arith.constant 31 : i32
      %min3A_710 = arith.minsi %add3A_708, %min3A_709 : i32
      %jit3A_711 = arith.constant 8 : i32
      %div3A_712 = arith.divsi %min3A_710, %jit3A_711 : i32
      %sign3A_713 = arith.constant 0 : i32
      %sign3A_714 = arith.cmpi sgt, %min3A_710, %sign3A_713 : i32
      %sign3A_715 = arith.extui %sign3A_714 : i1 to i32
      %sign3A_716 = arith.constant 0 : i32
      %sign3A_717 = arith.cmpi slt, %min3A_710, %sign3A_716 : i32
      %sign3A_718 = arith.extui %sign3A_717 : i1 to i32
      %sign3A_719 = arith.subi %sign3A_715, %sign3A_718 : i32
      %sign3A_720 = arith.constant 0 : i32
      %sign3A_721 = arith.cmpi sgt, %jit3A_711, %sign3A_720 : i32
      %sign3A_722 = arith.extui %sign3A_721 : i1 to i32
      %sign3A_723 = arith.constant 0 : i32
      %sign3A_724 = arith.cmpi slt, %jit3A_711, %sign3A_723 : i32
      %sign3A_725 = arith.extui %sign3A_724 : i1 to i32
      %sign3A_726 = arith.subi %sign3A_722, %sign3A_725 : i32
      %ne3A_727 = arith.cmpi ne, %sign3A_719, %sign3A_726 : i32
      %rem3A_728 = arith.remsi %min3A_710, %jit3A_711 : i32
      %ne3A_729 = arith.constant 0 : i32
      %ne3A_730 = arith.cmpi ne, %rem3A_728, %ne3A_729 : i32
      %and3A_731 = arith.andi %ne3A_727, %ne3A_730 : i1
      %sub3A_732 = arith.constant 1 : i32
      %sub3A_733 = arith.subi %div3A_712, %sub3A_732 : i32
      %select_n3A_734 = arith.select %and3A_731, %sub3A_733, %div3A_712 : i32
      %jit3A_735 = arith.constant 8 : i32
      %eq3A_736 = arith.constant 0 : i32
      %eq3A_737 = arith.cmpi eq, %jit3A_735, %eq3A_736 : i32
      %jit3A_738 = arith.constant 1 : i32
      %select_n3A_739 = arith.select %eq3A_737, %jit3A_738, %jit3A_735 : i32
      %rem3A_740 = arith.remsi %min3A_710, %select_n3A_739 : i32
      %ne3A_741 = arith.constant 0 : i32
      %ne3A_742 = arith.cmpi ne, %rem3A_740, %ne3A_741 : i32
      %lt3A_743 = arith.constant 0 : i32
      %lt3A_744 = arith.cmpi slt, %rem3A_740, %lt3A_743 : i32
      %lt3A_745 = arith.constant 0 : i32
      %lt3A_746 = arith.cmpi slt, %select_n3A_739, %lt3A_745 : i32
      %ne3A_747 = arith.xori %lt3A_744, %lt3A_746 : i1
      %and3A_748 = arith.andi %ne3A_747, %ne3A_742 : i1
      %add3A_749 = arith.addi %rem3A_740, %select_n3A_739 : i32
      %select_n3A_750 = arith.select %and3A_748, %add3A_749, %rem3A_740 : i32
      %mul3A_751 = arith.constant 16 : i32
      %mul3A_752 = arith.muli %select_n3A_750, %mul3A_751 : i32
      %get3A_753 = arith.index_cast %select_n3A_734 : i32 to index
      %get3A_754 = arith.index_cast %mul3A_752 : i32 to index
      %get3A_755 = tpu.vector_load %arg7[%get3A_753, %get3A_754] {strides = array<i32>} : memref<4x128xi32, #tpu.memory_space<vmem>>, vector<16xi32>,
      %get3A_756 = arith.index_cast %select_n3A_734 : i32 to index
      %get3A_757 = arith.index_cast %mul3A_752 : i32 to index
      %get3A_758 = tpu.vector_load %arg8[%get3A_756, %get3A_757] {strides = array<i32>} : memref<4x128xi32, #tpu.memory_space<vmem>>, vector<16xi32>,
      %dma_wait3A_759 = arith.constant 0 : i32
      %dma_wait3A_760 = arith.constant 0 : i32
      %dma_wait3A_761 = arith.constant 0 : i32
      %dma_wait3A_762 = tpu.memref_slice %arg9[%dma_wait3A_759, %dma_wait3A_760, %dma_wait3A_761] : memref<8x32x128xf32, #tpu.memory_space<vmem>> -> memref<1x32x128xf32, #tpu.memory_space<vmem>>
      %dma_wait3A_763 = tpu.memref_squeeze %dma_wait3A_762 : memref<1x32x128xf32, #tpu.memory_space<vmem>> -> memref<32x128xf32, #tpu.memory_space<vmem>>
      %dma_wait3A_764 = arith.constant 0 : i32
      %dma_wait3A_765 = arith.constant 0 : i32
      %dma_wait3A_766 = tpu.memref_slice %arg4[%dma_wait3A_764, %dma_wait3A_765] : memref<32x1000000xf32, #tpu.memory_space<hbm>> -> memref<32x128xf32, #tpu.memory_space<hbm>>
      %dma_wait3A_767 = arith.constant 0 : i32
      %dma_wait3A_768 = arith.constant 0 : i32
      %dma_wait3A_769 = tpu.memref_slice %arg9[%dma_wait3A_759, %dma_wait3A_767, %dma_wait3A_768] : memref<8x32x128xf32, #tpu.memory_space<vmem>> -> memref<1x32x128xf32, #tpu.memory_space<vmem>>
      %dma_wait3A_770 = tpu.memref_squeeze %dma_wait3A_769 : memref<1x32x128xf32, #tpu.memory_space<vmem>> -> memref<32x128xf32, #tpu.memory_space<vmem>>
      %dma_wait3A_771 = arith.constant 0 : i32
      %dma_wait3A_772 = arith.constant 0 : i32
      %dma_wait3A_773 = tpu.memref_slice %arg4[%dma_wait3A_771, %dma_wait3A_772] : memref<32x1000000xf32, #tpu.memory_space<hbm>> -> memref<32x128xf32, #tpu.memory_space<hbm>>
      tpu.wait_dma2 semaphore(%arg15 : memref<!tpu.dma_semaphore, #tpu.memory_space<semaphore_mem>>) src(%dma_wait3A_773 : memref<32x128xf32, #tpu.memory_space<hbm>>) dst(%dma_wait3A_770 : memref<32x128xf32, #tpu.memory_space<vmem>>)
      %dma_wait3A_774 = arith.constant 0 : i32
      %dma_wait3A_775 = arith.constant 0 : i32
      %dma_wait3A_776 = arith.constant 0 : i32
      %dma_wait3A_777 = tpu.memref_slice %arg10[%dma_wait3A_774, %dma_wait3A_775, %dma_wait3A_776] : memref<8x32x128xf32, #tpu.memory_space<vmem>> -> memref<1x32x128xf32, #tpu.memory_space<vmem>>
      %dma_wait3A_778 = tpu.memref_squeeze %dma_wait3A_777 : memref<1x32x128xf32, #tpu.memory_space<vmem>> -> memref<32x128xf32, #tpu.memory_space<vmem>>
      %dma_wait3A_779 = arith.constant 0 : i32
      %dma_wait3A_780 = arith.constant 0 : i32
      %dma_wait3A_781 = tpu.memref_slice %arg5[%dma_wait3A_779, %dma_wait3A_780] : memref<32x1000000xf32, #tpu.memory_space<hbm>> -> memref<32x128xf32, #tpu.memory_space<hbm>>
      %dma_wait3A_782 = arith.constant 0 : i32
      %dma_wait3A_783 = arith.constant 0 : i32
      %dma_wait3A_784 = tpu.memref_slice %arg10[%dma_wait3A_774, %dma_wait3A_782, %dma_wait3A_783] : memref<8x32x128xf32, #tpu.memory_space<vmem>> -> memref<1x32x128xf32, #tpu.memory_space<vmem>>
      %dma_wait3A_785 = tpu.memref_squeeze %dma_wait3A_784 : memref<1x32x128xf32, #tpu.memory_space<vmem>> -> memref<32x128xf32, #tpu.memory_space<vmem>>
      %dma_wait3A_786 = arith.constant 0 : i32
      %dma_wait3A_787 = arith.constant 0 : i32
      %dma_wait3A_788 = tpu.memref_slice %arg5[%dma_wait3A_786, %dma_wait3A_787] : memref<32x1000000xf32, #tpu.memory_space<hbm>> -> memref<32x128xf32, #tpu.memory_space<hbm>>
      tpu.wait_dma2 semaphore(%arg15 : memref<!tpu.dma_semaphore, #tpu.memory_space<semaphore_mem>>) src(%dma_wait3A_788 : memref<32x128xf32, #tpu.memory_space<hbm>>) dst(%dma_wait3A_785 : memref<32x128xf32, #tpu.memory_space<vmem>>)
      %dma_wait3A_789 = arith.constant 1 : i32
      %dma_wait3A_790 = arith.constant 0 : i32
      %dma_wait3A_791 = arith.constant 0 : i32
      %dma_wait3A_792 = tpu.memref_slice %arg9[%dma_wait3A_789, %dma_wait3A_790, %dma_wait3A_791] : memref<8x32x128xf32, #tpu.memory_space<vmem>> -> memref<1x32x128xf32, #tpu.memory_space<vmem>>
      %dma_wait3A_793 = tpu.memref_squeeze %dma_wait3A_792 : memref<1x32x128xf32, #tpu.memory_space<vmem>> -> memref<32x128xf32, #tpu.memory_space<vmem>>
      %dma_wait3A_794 = arith.constant 0 : i32
      %dma_wait3A_795 = arith.constant 0 : i32
      %dma_wait3A_796 = tpu.memref_slice %arg4[%dma_wait3A_794, %dma_wait3A_795] : memref<32x1000000xf32, #tpu.memory_space<hbm>> -> memref<32x128xf32, #tpu.memory_space<hbm>>
      %dma_wait3A_797 = arith.constant 0 : i32
      %dma_wait3A_798 = arith.constant 0 : i32
      %dma_wait3A_799 = tpu.memref_slice %arg9[%dma_wait3A_789, %dma_wait3A_797, %dma_wait3A_798] : memref<8x32x128xf32, #tpu.memory_space<vmem>> -> memref<1x32x128xf32, #tpu.memory_space<vmem>>
      %dma_wait3A_800 = tpu.memref_squeeze %dma_wait3A_799 : memref<1x32x128xf32, #tpu.memory_space<vmem>> -> memref<32x128xf32, #tpu.memory_space<vmem>>
      %dma_wait3A_801 = arith.constant 0 : i32
      %dma_wait3A_802 = arith.constant 0 : i32
      %dma_wait3A_803 = tpu.memref_slice %arg4[%dma_wait3A_801, %dma_wait3A_802] : memref<32x1000000xf32, #tpu.memory_space<hbm>> -> memref<32x128xf32, #tpu.memory_space<hbm>>
      tpu.wait_dma2 semaphore(%arg15 : memref<!tpu.dma_semaphore, #tpu.memory_space<semaphore_mem>>) src(%dma_wait3A_803 : memref<32x128xf32, #tpu.memory_space<hbm>>) dst(%dma_wait3A_800 : memref<32x128xf32, #tpu.memory_space<vmem>>)
      %dma_wait3A_804 = arith.constant 1 : i32
      %dma_wait3A_805 = arith.constant 0 : i32
      %dma_wait3A_806 = arith.constant 0 : i32
      %dma_wait3A_807 = tpu.memref_slice %arg10[%dma_wait3A_804, %dma_wait3A_805, %dma_wait3A_806] : memref<8x32x128xf32, #tpu.memory_space<vmem>> -> memref<1x32x128xf32, #tpu.memory_space<vmem>>
      %dma_wait3A_808 = tpu.memref_squeeze %dma_wait3A_807 : memref<1x32x128xf32, #tpu.memory_space<vmem>> -> memref<32x128xf32, #tpu.memory_space<vmem>>
      %dma_wait3A_809 = arith.constant 0 : i32
      %dma_wait3A_810 = arith.constant 0 : i32
      %dma_wait3A_811 = tpu.memref_slice %arg5[%dma_wait3A_809, %dma_wait3A_810] : memref<32x1000000xf32, #tpu.memory_space<hbm>> -> memref<32x128xf32, #tpu.memory_space<hbm>>
      %dma_wait3A_812 = arith.constant 0 : i32
      %dma_wait3A_813 = arith.constant 0 : i32
      %dma_wait3A_814 = tpu.memref_slice %arg10[%dma_wait3A_804, %dma_wait3A_812, %dma_wait3A_813] : memref<8x32x128xf32, #tpu.memory_space<vmem>> -> memref<1x32x128xf32, #tpu.memory_space<vmem>>
      %dma_wait3A_815 = tpu.memref_squeeze %dma_wait3A_814 : memref<1x32x128xf32, #tpu.memory_space<vmem>> -> memref<32x128xf32, #tpu.memory_space<vmem>>
      %dma_wait3A_816 = arith.constant 0 : i32
      %dma_wait3A_817 = arith.constant 0 : i32
      %dma_wait3A_818 = tpu.memref_slice %arg5[%dma_wait3A_816, %dma_wait3A_817] : memref<32x1000000xf32, #tpu.memory_space<hbm>> -> memref<32x128xf32, #tpu.memory_space<hbm>>
      tpu.wait_dma2 semaphore(%arg15 : memref<!tpu.dma_semaphore, #tpu.memory_space<semaphore_mem>>) src(%dma_wait3A_818 : memref<32x128xf32, #tpu.memory_space<hbm>>) dst(%dma_wait3A_815 : memref<32x128xf32, #tpu.memory_space<vmem>>)
      %dma_wait3A_819 = arith.constant 2 : i32
      %dma_wait3A_820 = arith.constant 0 : i32
      %dma_wait3A_821 = arith.constant 0 : i32
      %dma_wait3A_822 = tpu.memref_slice %arg9[%dma_wait3A_819, %dma_wait3A_820, %dma_wait3A_821] : memref<8x32x128xf32, #tpu.memory_space<vmem>> -> memref<1x32x128xf32, #tpu.memory_space<vmem>>
      %dma_wait3A_823 = tpu.memref_squeeze %dma_wait3A_822 : memref<1x32x128xf32, #tpu.memory_space<vmem>> -> memref<32x128xf32, #tpu.memory_space<vmem>>
      %dma_wait3A_824 = arith.constant 0 : i32
      %dma_wait3A_825 = arith.constant 0 : i32
      %dma_wait3A_826 = tpu.memref_slice %arg4[%dma_wait3A_824, %dma_wait3A_825] : memref<32x1000000xf32, #tpu.memory_space<hbm>> -> memref<32x128xf32, #tpu.memory_space<hbm>>
      %dma_wait3A_827 = arith.constant 0 : i32
      %dma_wait3A_828 = arith.constant 0 : i32
      %dma_wait3A_829 = tpu.memref_slice %arg9[%dma_wait3A_819, %dma_wait3A_827, %dma_wait3A_828] : memref<8x32x128xf32, #tpu.memory_space<vmem>> -> memref<1x32x128xf32, #tpu.memory_space<vmem>>
      %dma_wait3A_830 = tpu.memref_squeeze %dma_wait3A_829 : memref<1x32x128xf32, #tpu.memory_space<vmem>> -> memref<32x128xf32, #tpu.memory_space<vmem>>
      %dma_wait3A_831 = arith.constant 0 : i32
      %dma_wait3A_832 = arith.constant 0 : i32
      %dma_wait3A_833 = tpu.memref_slice %arg4[%dma_wait3A_831, %dma_wait3A_832] : memref<32x1000000xf32, #tpu.memory_space<hbm>> -> memref<32x128xf32, #tpu.memory_space<hbm>>
      tpu.wait_dma2 semaphore(%arg15 : memref<!tpu.dma_semaphore, #tpu.memory_space<semaphore_mem>>) src(%dma_wait3A_833 : memref<32x128xf32, #tpu.memory_space<hbm>>) dst(%dma_wait3A_830 : memref<32x128xf32, #tpu.memory_space<vmem>>)
      %dma_wait3A_834 = arith.constant 2 : i32
      %dma_wait3A_835 = arith.constant 0 : i32
      %dma_wait3A_836 = arith.constant 0 : i32
      %dma_wait3A_837 = tpu.memref_slice %arg10[%dma_wait3A_834, %dma_wait3A_835, %dma_wait3A_836] : memref<8x32x128xf32, #tpu.memory_space<vmem>> -> memref<1x32x128xf32, #tpu.memory_space<vmem>>
      %dma_wait3A_838 = tpu.memref_squeeze %dma_wait3A_837 : memref<1x32x128xf32, #tpu.memory_space<vmem>> -> memref<32x128xf32, #tpu.memory_space<vmem>>
      %dma_wait3A_839 = arith.constant 0 : i32
      %dma_wait3A_840 = arith.constant 0 : i32
      %dma_wait3A_841 = tpu.memref_slice %arg5[%dma_wait3A_839, %dma_wait3A_840] : memref<32x1000000xf32, #tpu.memory_space<hbm>> -> memref<32x128xf32, #tpu.memory_space<hbm>>
      %dma_wait3A_842 = arith.constant 0 : i32
      %dma_wait3A_843 = arith.constant 0 : i32
      %dma_wait3A_844 = tpu.memref_slice %arg10[%dma_wait3A_834, %dma_wait3A_842, %dma_wait3A_843] : memref<8x32x128xf32, #tpu.memory_space<vmem>> -> memref<1x32x128xf32, #tpu.memory_space<vmem>>
      %dma_wait3A_845 = tpu.memref_squeeze %dma_wait3A_844 : memref<1x32x128xf32, #tpu.memory_space<vmem>> -> memref<32x128xf32, #tpu.memory_space<vmem>>
      %dma_wait3A_846 = arith.constant 0 : i32
      %dma_wait3A_847 = arith.constant 0 : i32
      %dma_wait3A_848 = tpu.memref_slice %arg5[%dma_wait3A_846, %dma_wait3A_847] : memref<32x1000000xf32, #tpu.memory_space<hbm>> -> memref<32x128xf32, #tpu.memory_space<hbm>>
      tpu.wait_dma2 semaphore(%arg15 : memref<!tpu.dma_semaphore, #tpu.memory_space<semaphore_mem>>) src(%dma_wait3A_848 : memref<32x128xf32, #tpu.memory_space<hbm>>) dst(%dma_wait3A_845 : memref<32x128xf32, #tpu.memory_space<vmem>>)
      %dma_wait3A_849 = arith.constant 3 : i32
      %dma_wait3A_850 = arith.constant 0 : i32
      %dma_wait3A_851 = arith.constant 0 : i32
      %dma_wait3A_852 = tpu.memref_slice %arg9[%dma_wait3A_849, %dma_wait3A_850, %dma_wait3A_851] : memref<8x32x128xf32, #tpu.memory_space<vmem>> -> memref<1x32x128xf32, #tpu.memory_space<vmem>>
      %dma_wait3A_853 = tpu.memref_squeeze %dma_wait3A_852 : memref<1x32x128xf32, #tpu.memory_space<vmem>> -> memref<32x128xf32, #tpu.memory_space<vmem>>
      %dma_wait3A_854 = arith.constant 0 : i32
      %dma_wait3A_855 = arith.constant 0 : i32
      %dma_wait3A_856 = tpu.memref_slice %arg4[%dma_wait3A_854, %dma_wait3A_855] : memref<32x1000000xf32, #tpu.memory_space<hbm>> -> memref<32x128xf32, #tpu.memory_space<hbm>>
      %dma_wait3A_857 = arith.constant 0 : i32
      %dma_wait3A_858 = arith.constant 0 : i32
      %dma_wait3A_859 = tpu.memref_slice %arg9[%dma_wait3A_849, %dma_wait3A_857, %dma_wait3A_858] : memref<8x32x128xf32, #tpu.memory_space<vmem>> -> memref<1x32x128xf32, #tpu.memory_space<vmem>>
      %dma_wait3A_860 = tpu.memref_squeeze %dma_wait3A_859 : memref<1x32x128xf32, #tpu.memory_space<vmem>> -> memref<32x128xf32, #tpu.memory_space<vmem>>
      %dma_wait3A_861 = arith.constant 0 : i32
      %dma_wait3A_862 = arith.constant 0 : i32
      %dma_wait3A_863 = tpu.memref_slice %arg4[%dma_wait3A_861, %dma_wait3A_862] : memref<32x1000000xf32, #tpu.memory_space<hbm>> -> memref<32x128xf32, #tpu.memory_space<hbm>>
      tpu.wait_dma2 semaphore(%arg15 : memref<!tpu.dma_semaphore, #tpu.memory_space<semaphore_mem>>) src(%dma_wait3A_863 : memref<32x128xf32, #tpu.memory_space<hbm>>) dst(%dma_wait3A_860 : memref<32x128xf32, #tpu.memory_space<vmem>>)
      %dma_wait3A_864 = arith.constant 3 : i32
      %dma_wait3A_865 = arith.constant 0 : i32
      %dma_wait3A_866 = arith.constant 0 : i32
      %dma_wait3A_867 = tpu.memref_slice %arg10[%dma_wait3A_864, %dma_wait3A_865, %dma_wait3A_866] : memref<8x32x128xf32, #tpu.memory_space<vmem>> -> memref<1x32x128xf32, #tpu.memory_space<vmem>>
      %dma_wait3A_868 = tpu.memref_squeeze %dma_wait3A_867 : memref<1x32x128xf32, #tpu.memory_space<vmem>> -> memref<32x128xf32, #tpu.memory_space<vmem>>
      %dma_wait3A_869 = arith.constant 0 : i32
      %dma_wait3A_870 = arith.constant 0 : i32
      %dma_wait3A_871 = tpu.memref_slice %arg5[%dma_wait3A_869, %dma_wait3A_870] : memref<32x1000000xf32, #tpu.memory_space<hbm>> -> memref<32x128xf32, #tpu.memory_space<hbm>>
      %dma_wait3A_872 = arith.constant 0 : i32
      %dma_wait3A_873 = arith.constant 0 : i32
      %dma_wait3A_874 = tpu.memref_slice %arg10[%dma_wait3A_864, %dma_wait3A_872, %dma_wait3A_873] : memref<8x32x128xf32, #tpu.memory_space<vmem>> -> memref<1x32x128xf32, #tpu.memory_space<vmem>>
      %dma_wait3A_875 = tpu.memref_squeeze %dma_wait3A_874 : memref<1x32x128xf32, #tpu.memory_space<vmem>> -> memref<32x128xf32, #tpu.memory_space<vmem>>
      %dma_wait3A_876 = arith.constant 0 : i32
      %dma_wait3A_877 = arith.constant 0 : i32
      %dma_wait3A_878 = tpu.memref_slice %arg5[%dma_wait3A_876, %dma_wait3A_877] : memref<32x1000000xf32, #tpu.memory_space<hbm>> -> memref<32x128xf32, #tpu.memory_space<hbm>>
      tpu.wait_dma2 semaphore(%arg15 : memref<!tpu.dma_semaphore, #tpu.memory_space<semaphore_mem>>) src(%dma_wait3A_878 : memref<32x128xf32, #tpu.memory_space<hbm>>) dst(%dma_wait3A_875 : memref<32x128xf32, #tpu.memory_space<vmem>>)
      %slice3A_879 = vector.extract_strided_slice %get3A_703 {offsets = [0], sizes = [1], strides = [1]} : vector<16xi32> to vector<1xi32>
      %squeeze3A_880 = vector.extract %slice3A_879[0] : i32 from vector<1xi32>
      %ge3A = arith.constant 999936 : i32
      %ge3A_881 = arith.cmpi sge, %squeeze3A_880, %ge3A : i32
      %and3A_882 = arith.constant 127 : i32
      %and3A_883 = arith.andi %squeeze3A_880, %and3A_882 : i32
      %sub3A_884 = arith.constant 999936 : i32
      %sub3A_885 = arith.subi %squeeze3A_880, %sub3A_884 : i32
      %min3A_886 = arith.constant 63 : i32
      %min3A_887 = arith.minsi %sub3A_885, %min3A_886 : i32
      %broadcast_in_dim3A = vector.broadcast %and3A_883 : i32 to vector<16xi32>
      %max3A = arith.constant 0 : i32
      %max3A_888 = arith.maxsi %min3A_887, %max3A : i32
      %broadcast_in_dim3A_889 = vector.broadcast %max3A_888 : i32 to vector<16xi32>
      %gather3A = arith.constant 0 : i32
      %gather3A_890 = arith.constant 0 : i32
      %gather3A_891 = arith.constant 0 : i32
      %gather3A_892 = tpu.memref_slice %arg9[%gather3A, %gather3A_890, %gather3A_891] : memref<8x32x128xf32, #tpu.memory_space<vmem>> -> memref<1x32x128xf32, #tpu.memory_space<vmem>>
      %gather3A_893 = tpu.memref_squeeze %gather3A_892 : memref<1x32x128xf32, #tpu.memory_space<vmem>> -> memref<32x128xf32, #tpu.memory_space<vmem>>
      %gather3A_894 = tpu.vector_load_idx %gather3A_893[%iota3A, %broadcast_in_dim3A] : memref<32x128xf32, #tpu.memory_space<vmem>>[vector<16xi32>, vector<16xi32>], vector<16xf32>,
      %add3A_895 = arith.constant 16 : i32
      %add3A_896 = vector.broadcast %add3A_895 : i32 to vector<16xi32>
      %add3A_897 = arith.addi %iota3A, %add3A_896 : vector<16xi32>
      %gather3A_898 = arith.constant 0 : i32
      %gather3A_899 = arith.constant 0 : i32
      %gather3A_900 = arith.constant 0 : i32
      %gather3A_901 = tpu.memref_slice %arg9[%gather3A_898, %gather3A_899, %gather3A_900] : memref<8x32x128xf32, #tpu.memory_space<vmem>> -> memref<1x32x128xf32, #tpu.memory_space<vmem>>
      %gather3A_902 = tpu.memref_squeeze %gather3A_901 : memref<1x32x128xf32, #tpu.memory_space<vmem>> -> memref<32x128xf32, #tpu.memory_space<vmem>>
      %gather3A_903 = tpu.vector_load_idx %gather3A_902[%add3A_897, %broadcast_in_dim3A] : memref<32x128xf32, #tpu.memory_space<vmem>>[vector<16xi32>, vector<16xi32>], vector<16xf32>,
      %gather3A_904 = tpu.vector_load_idx %arg11[%iota3A, %broadcast_in_dim3A_889] : memref<32x64xf32, #tpu.memory_space<vmem>>[vector<16xi32>, vector<16xi32>], vector<16xf32>,
      %add3A_905 = arith.constant 16 : i32
      %add3A_906 = vector.broadcast %add3A_905 : i32 to vector<16xi32>
      %add3A_907 = arith.addi %iota3A, %add3A_906 : vector<16xi32>
      %gather3A_908 = tpu.vector_load_idx %arg11[%add3A_907, %broadcast_in_dim3A_889] : memref<32x64xf32, #tpu.memory_space<vmem>>[vector<16xi32>, vector<16xi32>], vector<16xf32>,
      %select_n3A_909 = arith.select %ge3A_881, %gather3A_904, %gather3A_894 : vector<16xf32>
      %select_n3A_910 = arith.select %ge3A_881, %gather3A_908, %gather3A_903 : vector<16xf32>
      %slice3A_911 = vector.extract_strided_slice %get3A_706 {offsets = [0], sizes = [1], strides = [1]} : vector<16xi32> to vector<1xi32>
      %squeeze3A_912 = vector.extract %slice3A_911[0] : i32 from vector<1xi32>
      %ge3A_913 = arith.constant 999936 : i32
      %ge3A_914 = arith.cmpi sge, %squeeze3A_912, %ge3A_913 : i32
      %and3A_915 = arith.constant 127 : i32
      %and3A_916 = arith.andi %squeeze3A_912, %and3A_915 : i32
      %sub3A_917 = arith.constant 999936 : i32
      %sub3A_918 = arith.subi %squeeze3A_912, %sub3A_917 : i32
      %min3A_919 = arith.constant 63 : i32
      %min3A_920 = arith.minsi %sub3A_918, %min3A_919 : i32
      %broadcast_in_dim3A_921 = vector.broadcast %and3A_916 : i32 to vector<16xi32>
      %max3A_922 = arith.constant 0 : i32
      %max3A_923 = arith.maxsi %min3A_920, %max3A_922 : i32
      %broadcast_in_dim3A_924 = vector.broadcast %max3A_923 : i32 to vector<16xi32>
      %gather3A_925 = arith.constant 0 : i32
      %gather3A_926 = arith.constant 0 : i32
      %gather3A_927 = arith.constant 0 : i32
      %gather3A_928 = tpu.memref_slice %arg10[%gather3A_925, %gather3A_926, %gather3A_927] : memref<8x32x128xf32, #tpu.memory_space<vmem>> -> memref<1x32x128xf32, #tpu.memory_space<vmem>>
      %gather3A_929 = tpu.memref_squeeze %gather3A_928 : memref<1x32x128xf32, #tpu.memory_space<vmem>> -> memref<32x128xf32, #tpu.memory_space<vmem>>
      %gather3A_930 = tpu.vector_load_idx %gather3A_929[%iota3A, %broadcast_in_dim3A_921] : memref<32x128xf32, #tpu.memory_space<vmem>>[vector<16xi32>, vector<16xi32>], vector<16xf32>,
      %add3A_931 = arith.constant 16 : i32
      %add3A_932 = vector.broadcast %add3A_931 : i32 to vector<16xi32>
      %add3A_933 = arith.addi %iota3A, %add3A_932 : vector<16xi32>
      %gather3A_934 = arith.constant 0 : i32
      %gather3A_935 = arith.constant 0 : i32
      %gather3A_936 = arith.constant 0 : i32
      %gather3A_937 = tpu.memref_slice %arg10[%gather3A_934, %gather3A_935, %gather3A_936] : memref<8x32x128xf32, #tpu.memory_space<vmem>> -> memref<1x32x128xf32, #tpu.memory_space<vmem>>
      %gather3A_938 = tpu.memref_squeeze %gather3A_937 : memref<1x32x128xf32, #tpu.memory_space<vmem>> -> memref<32x128xf32, #tpu.memory_space<vmem>>
      %gather3A_939 = tpu.vector_load_idx %gather3A_938[%add3A_933, %broadcast_in_dim3A_921] : memref<32x128xf32, #tpu.memory_space<vmem>>[vector<16xi32>, vector<16xi32>], vector<16xf32>,
      %gather3A_940 = tpu.vector_load_idx %arg12[%iota3A, %broadcast_in_dim3A_924] : memref<32x64xf32, #tpu.memory_space<vmem>>[vector<16xi32>, vector<16xi32>], vector<16xf32>,
      %add3A_941 = arith.constant 16 : i32
      %add3A_942 = vector.broadcast %add3A_941 : i32 to vector<16xi32>
      %add3A_943 = arith.addi %iota3A, %add3A_942 : vector<16xi32>
      %gather3A_944 = tpu.vector_load_idx %arg12[%add3A_943, %broadcast_in_dim3A_924] : memref<32x64xf32, #tpu.memory_space<vmem>>[vector<16xi32>, vector<16xi32>], vector<16xf32>,
      %select_n3A_945 = arith.select %ge3A_914, %gather3A_940, %gather3A_930 : vector<16xf32>
      %select_n3A_946 = arith.select %ge3A_914, %gather3A_944, %gather3A_939 : vector<16xf32>
      %mul3A_947 = arith.mulf %select_n3A_909, %select_n3A_945 : vector<16xf32>
      %mul3A_948 = arith.mulf %select_n3A_910, %select_n3A_946 : vector<16xf32>
      %add3A_949 = arith.addf %mul3A_947, %mul3A_948 : vector<16xf32>
      %mul3A_950 = arith.constant 17 : i32
      %mul3A_951 = vector.broadcast %mul3A_950 : i32 to vector<16xi32>
      %mul3A_952 = arith.muli %iota3A, %mul3A_951 : vector<16xi32>
      %add3A_953 = arith.constant 0 : i32
      %add3A_954 = vector.broadcast %add3A_953 : i32 to vector<16xi32>
      %add3A_955 = arith.addi %mul3A_952, %add3A_954 : vector<16xi32>
      tpu.vector_store_idx %arg14[%add3A_955], %add3A_949 : memref<272xf32, #tpu.memory_space<vmem>>[vector<16xi32>], vector<16xf32>,
      %slice3A_956 = vector.extract_strided_slice %get3A_703 {offsets = [1], sizes = [1], strides = [1]} : vector<16xi32> to vector<1xi32>
      %squeeze3A_957 = vector.extract %slice3A_956[0] : i32 from vector<1xi32>
      %ge3A_958 = arith.constant 999936 : i32
      %ge3A_959 = arith.cmpi sge, %squeeze3A_957, %ge3A_958 : i32
      %and3A_960 = arith.constant 127 : i32
      %and3A_961 = arith.andi %squeeze3A_957, %and3A_960 : i32
      %sub3A_962 = arith.constant 999936 : i32
      %sub3A_963 = arith.subi %squeeze3A_957, %sub3A_962 : i32
      %min3A_964 = arith.constant 63 : i32
      %min3A_965 = arith.minsi %sub3A_963, %min3A_964 : i32
      %broadcast_in_dim3A_966 = vector.broadcast %and3A_961 : i32 to vector<16xi32>
      %max3A_967 = arith.constant 0 : i32
      %max3A_968 = arith.maxsi %min3A_965, %max3A_967 : i32
      %broadcast_in_dim3A_969 = vector.broadcast %max3A_968 : i32 to vector<16xi32>
      %gather3A_970 = arith.constant 1 : i32
      %gather3A_971 = arith.constant 0 : i32
      %gather3A_972 = arith.constant 0 : i32
      %gather3A_973 = tpu.memref_slice %arg9[%gather3A_970, %gather3A_971, %gather3A_972] : memref<8x32x128xf32, #tpu.memory_space<vmem>> -> memref<1x32x128xf32, #tpu.memory_space<vmem>>
      %gather3A_974 = tpu.memref_squeeze %gather3A_973 : memref<1x32x128xf32, #tpu.memory_space<vmem>> -> memref<32x128xf32, #tpu.memory_space<vmem>>
      %gather3A_975 = tpu.vector_load_idx %gather3A_974[%iota3A, %broadcast_in_dim3A_966] : memref<32x128xf32, #tpu.memory_space<vmem>>[vector<16xi32>, vector<16xi32>], vector<16xf32>,
      %add3A_976 = arith.constant 16 : i32
      %add3A_977 = vector.broadcast %add3A_976 : i32 to vector<16xi32>
      %add3A_978 = arith.addi %iota3A, %add3A_977 : vector<16xi32>
      %gather3A_979 = arith.constant 1 : i32
      %gather3A_980 = arith.constant 0 : i32
      %gather3A_981 = arith.constant 0 : i32
      %gather3A_982 = tpu.memref_slice %arg9[%gather3A_979, %gather3A_980, %gather3A_981] : memref<8x32x128xf32, #tpu.memory_space<vmem>> -> memref<1x32x128xf32, #tpu.memory_space<vmem>>
      %gather3A_983 = tpu.memref_squeeze %gather3A_982 : memref<1x32x128xf32, #tpu.memory_space<vmem>> -> memref<32x128xf32, #tpu.memory_space<vmem>>
      %gather3A_984 = tpu.vector_load_idx %gather3A_983[%add3A_978, %broadcast_in_dim3A_966] : memref<32x128xf32, #tpu.memory_space<vmem>>[vector<16xi32>, vector<16xi32>], vector<16xf32>,
      %gather3A_985 = tpu.vector_load_idx %arg11[%iota3A, %broadcast_in_dim3A_969] : memref<32x64xf32, #tpu.memory_space<vmem>>[vector<16xi32>, vector<16xi32>], vector<16xf32>,
      %add3A_986 = arith.constant 16 : i32
      %add3A_987 = vector.broadcast %add3A_986 : i32 to vector<16xi32>
      %add3A_988 = arith.addi %iota3A, %add3A_987 : vector<16xi32>
      %gather3A_989 = tpu.vector_load_idx %arg11[%add3A_988, %broadcast_in_dim3A_969] : memref<32x64xf32, #tpu.memory_space<vmem>>[vector<16xi32>, vector<16xi32>], vector<16xf32>,
      %select_n3A_990 = arith.select %ge3A_959, %gather3A_985, %gather3A_975 : vector<16xf32>
      %select_n3A_991 = arith.select %ge3A_959, %gather3A_989, %gather3A_984 : vector<16xf32>
      %slice3A_992 = vector.extract_strided_slice %get3A_706 {offsets = [1], sizes = [1], strides = [1]} : vector<16xi32> to vector<1xi32>
      %squeeze3A_993 = vector.extract %slice3A_992[0] : i32 from vector<1xi32>
      %ge3A_994 = arith.constant 999936 : i32
      %ge3A_995 = arith.cmpi sge, %squeeze3A_993, %ge3A_994 : i32
      %and3A_996 = arith.constant 127 : i32
      %and3A_997 = arith.andi %squeeze3A_993, %and3A_996 : i32
      %sub3A_998 = arith.constant 999936 : i32
      %sub3A_999 = arith.subi %squeeze3A_993, %sub3A_998 : i32
      %min3A_1000 = arith.constant 63 : i32
      %min3A_1001 = arith.minsi %sub3A_999, %min3A_1000 : i32
      %broadcast_in_dim3A_1002 = vector.broadcast %and3A_997 : i32 to vector<16xi32>
      %max3A_1003 = arith.constant 0 : i32
      %max3A_1004 = arith.maxsi %min3A_1001, %max3A_1003 : i32
      %broadcast_in_dim3A_1005 = vector.broadcast %max3A_1004 : i32 to vector<16xi32>
      %gather3A_1006 = arith.constant 1 : i32
      %gather3A_1007 = arith.constant 0 : i32
      %gather3A_1008 = arith.constant 0 : i32
      %gather3A_1009 = tpu.memref_slice %arg10[%gather3A_1006, %gather3A_1007, %gather3A_1008] : memref<8x32x128xf32, #tpu.memory_space<vmem>> -> memref<1x32x128xf32, #tpu.memory_space<vmem>>
      %gather3A_1010 = tpu.memref_squeeze %gather3A_1009 : memref<1x32x128xf32, #tpu.memory_space<vmem>> -> memref<32x128xf32, #tpu.memory_space<vmem>>
      %gather3A_1011 = tpu.vector_load_idx %gather3A_1010[%iota3A, %broadcast_in_dim3A_1002] : memref<32x128xf32, #tpu.memory_space<vmem>>[vector<16xi32>, vector<16xi32>], vector<16xf32>,
      %add3A_1012 = arith.constant 16 : i32
      %add3A_1013 = vector.broadcast %add3A_1012 : i32 to vector<16xi32>
      %add3A_1014 = arith.addi %iota3A, %add3A_1013 : vector<16xi32>
      %gather3A_1015 = arith.constant 1 : i32
      %gather3A_1016 = arith.constant 0 : i32
      %gather3A_1017 = arith.constant 0 : i32
      %gather3A_1018 = tpu.memref_slice %arg10[%gather3A_1015, %gather3A_1016, %gather3A_1017] : memref<8x32x128xf32, #tpu.memory_space<vmem>> -> memref<1x32x128xf32, #tpu.memory_space<vmem>>
      %gather3A_1019 = tpu.memref_squeeze %gather3A_1018 : memref<1x32x128xf32, #tpu.memory_space<vmem>> -> memref<32x128xf32, #tpu.memory_space<vmem>>
      %gather3A_1020 = tpu.vector_load_idx %gather3A_1019[%add3A_1014, %broadcast_in_dim3A_1002] : memref<32x128xf32, #tpu.memory_space<vmem>>[vector<16xi32>, vector<16xi32>], vector<16xf32>,
      %gather3A_1021 = tpu.vector_load_idx %arg12[%iota3A, %broadcast_in_dim3A_1005] : memref<32x64xf32, #tpu.memory_space<vmem>>[vector<16xi32>, vector<16xi32>], vector<16xf32>,
      %add3A_1022 = arith.constant 16 : i32
      %add3A_1023 = vector.broadcast %add3A_1022 : i32 to vector<16xi32>
      %add3A_1024 = arith.addi %iota3A, %add3A_1023 : vector<16xi32>
      %gather3A_1025 = tpu.vector_load_idx %arg12[%add3A_1024, %broadcast_in_dim3A_1005] : memref<32x64xf32, #tpu.memory_space<vmem>>[vector<16xi32>, vector<16xi32>], vector<16xf32>,
      %select_n3A_1026 = arith.select %ge3A_995, %gather3A_1021, %gather3A_1011 : vector<16xf32>
      %select_n3A_1027 = arith.select %ge3A_995, %gather3A_1025, %gather3A_1020 : vector<16xf32>
      %mul3A_1028 = arith.mulf %select_n3A_990, %select_n3A_1026 : vector<16xf32>
      %mul3A_1029 = arith.mulf %select_n3A_991, %select_n3A_1027 : vector<16xf32>
      %add3A_1030 = arith.addf %mul3A_1028, %mul3A_1029 : vector<16xf32>
      %mul3A_1031 = arith.constant 17 : i32
      %mul3A_1032 = vector.broadcast %mul3A_1031 : i32 to vector<16xi32>
      %mul3A_1033 = arith.muli %iota3A, %mul3A_1032 : vector<16xi32>
      %add3A_1034 = arith.constant 1 : i32
      %add3A_1035 = vector.broadcast %add3A_1034 : i32 to vector<16xi32>
      %add3A_1036 = arith.addi %mul3A_1033, %add3A_1035 : vector<16xi32>
      tpu.vector_store_idx %arg14[%add3A_1036], %add3A_1030 : memref<272xf32, #tpu.memory_space<vmem>>[vector<16xi32>], vector<16xf32>,
      %slice3A_1037 = vector.extract_strided_slice %get3A_703 {offsets = [2], sizes = [1], strides = [1]} : vector<16xi32> to vector<1xi32>
      %squeeze3A_1038 = vector.extract %slice3A_1037[0] : i32 from vector<1xi32>
      %ge3A_1039 = arith.constant 999936 : i32
      %ge3A_1040 = arith.cmpi sge, %squeeze3A_1038, %ge3A_1039 : i32
      %and3A_1041 = arith.constant 127 : i32
      %and3A_1042 = arith.andi %squeeze3A_1038, %and3A_1041 : i32
      %sub3A_1043 = arith.constant 999936 : i32
      %sub3A_1044 = arith.subi %squeeze3A_1038, %sub3A_1043 : i32
      %min3A_1045 = arith.constant 63 : i32
      %min3A_1046 = arith.minsi %sub3A_1044, %min3A_1045 : i32
      %broadcast_in_dim3A_1047 = vector.broadcast %and3A_1042 : i32 to vector<16xi32>
      %max3A_1048 = arith.constant 0 : i32
      %max3A_1049 = arith.maxsi %min3A_1046, %max3A_1048 : i32
      %broadcast_in_dim3A_1050 = vector.broadcast %max3A_1049 : i32 to vector<16xi32>
      %gather3A_1051 = arith.constant 2 : i32
      %gather3A_1052 = arith.constant 0 : i32
      %gather3A_1053 = arith.constant 0 : i32
      %gather3A_1054 = tpu.memref_slice %arg9[%gather3A_1051, %gather3A_1052, %gather3A_1053] : memref<8x32x128xf32, #tpu.memory_space<vmem>> -> memref<1x32x128xf32, #tpu.memory_space<vmem>>
      %gather3A_1055 = tpu.memref_squeeze %gather3A_1054 : memref<1x32x128xf32, #tpu.memory_space<vmem>> -> memref<32x128xf32, #tpu.memory_space<vmem>>
      %gather3A_1056 = tpu.vector_load_idx %gather3A_1055[%iota3A, %broadcast_in_dim3A_1047] : memref<32x128xf32, #tpu.memory_space<vmem>>[vector<16xi32>, vector<16xi32>], vector<16xf32>,
      %add3A_1057 = arith.constant 16 : i32
      %add3A_1058 = vector.broadcast %add3A_1057 : i32 to vector<16xi32>
      %add3A_1059 = arith.addi %iota3A, %add3A_1058 : vector<16xi32>
      %gather3A_1060 = arith.constant 2 : i32
      %gather3A_1061 = arith.constant 0 : i32
      %gather3A_1062 = arith.constant 0 : i32
      %gather3A_1063 = tpu.memref_slice %arg9[%gather3A_1060, %gather3A_1061, %gather3A_1062] : memref<8x32x128xf32, #tpu.memory_space<vmem>> -> memref<1x32x128xf32, #tpu.memory_space<vmem>>
      %gather3A_1064 = tpu.memref_squeeze %gather3A_1063 : memref<1x32x128xf32, #tpu.memory_space<vmem>> -> memref<32x128xf32, #tpu.memory_space<vmem>>
      %gather3A_1065 = tpu.vector_load_idx %gather3A_1064[%add3A_1059, %broadcast_in_dim3A_1047] : memref<32x128xf32, #tpu.memory_space<vmem>>[vector<16xi32>, vector<16xi32>], vector<16xf32>,
      %gather3A_1066 = tpu.vector_load_idx %arg11[%iota3A, %broadcast_in_dim3A_1050] : memref<32x64xf32, #tpu.memory_space<vmem>>[vector<16xi32>, vector<16xi32>], vector<16xf32>,
      %add3A_1067 = arith.constant 16 : i32
      %add3A_1068 = vector.broadcast %add3A_1067 : i32 to vector<16xi32>
      %add3A_1069 = arith.addi %iota3A, %add3A_1068 : vector<16xi32>
      %gather3A_1070 = tpu.vector_load_idx %arg11[%add3A_1069, %broadcast_in_dim3A_1050] : memref<32x64xf32, #tpu.memory_space<vmem>>[vector<16xi32>, vector<16xi32>], vector<16xf32>,
      %select_n3A_1071 = arith.select %ge3A_1040, %gather3A_1066, %gather3A_1056 : vector<16xf32>
      %select_n3A_1072 = arith.select %ge3A_1040, %gather3A_1070, %gather3A_1065 : vector<16xf32>
      %slice3A_1073 = vector.extract_strided_slice %get3A_706 {offsets = [2], sizes = [1], strides = [1]} : vector<16xi32> to vector<1xi32>
      %squeeze3A_1074 = vector.extract %slice3A_1073[0] : i32 from vector<1xi32>
      %ge3A_1075 = arith.constant 999936 : i32
      %ge3A_1076 = arith.cmpi sge, %squeeze3A_1074, %ge3A_1075 : i32
      %and3A_1077 = arith.constant 127 : i32
      %and3A_1078 = arith.andi %squeeze3A_1074, %and3A_1077 : i32
      %sub3A_1079 = arith.constant 999936 : i32
      %sub3A_1080 = arith.subi %squeeze3A_1074, %sub3A_1079 : i32
      %min3A_1081 = arith.constant 63 : i32
      %min3A_1082 = arith.minsi %sub3A_1080, %min3A_1081 : i32
      %broadcast_in_dim3A_1083 = vector.broadcast %and3A_1078 : i32 to vector<16xi32>
      %max3A_1084 = arith.constant 0 : i32
      %max3A_1085 = arith.maxsi %min3A_1082, %max3A_1084 : i32
      %broadcast_in_dim3A_1086 = vector.broadcast %max3A_1085 : i32 to vector<16xi32>
      %gather3A_1087 = arith.constant 2 : i32
      %gather3A_1088 = arith.constant 0 : i32
      %gather3A_1089 = arith.constant 0 : i32
      %gather3A_1090 = tpu.memref_slice %arg10[%gather3A_1087, %gather3A_1088, %gather3A_1089] : memref<8x32x128xf32, #tpu.memory_space<vmem>> -> memref<1x32x128xf32, #tpu.memory_space<vmem>>
      %gather3A_1091 = tpu.memref_squeeze %gather3A_1090 : memref<1x32x128xf32, #tpu.memory_space<vmem>> -> memref<32x128xf32, #tpu.memory_space<vmem>>
      %gather3A_1092 = tpu.vector_load_idx %gather3A_1091[%iota3A, %broadcast_in_dim3A_1083] : memref<32x128xf32, #tpu.memory_space<vmem>>[vector<16xi32>, vector<16xi32>], vector<16xf32>,
      %add3A_1093 = arith.constant 16 : i32
      %add3A_1094 = vector.broadcast %add3A_1093 : i32 to vector<16xi32>
      %add3A_1095 = arith.addi %iota3A, %add3A_1094 : vector<16xi32>
      %gather3A_1096 = arith.constant 2 : i32
      %gather3A_1097 = arith.constant 0 : i32
      %gather3A_1098 = arith.constant 0 : i32
      %gather3A_1099 = tpu.memref_slice %arg10[%gather3A_1096, %gather3A_1097, %gather3A_1098] : memref<8x32x128xf32, #tpu.memory_space<vmem>> -> memref<1x32x128xf32, #tpu.memory_space<vmem>>
      %gather3A_1100 = tpu.memref_squeeze %gather3A_1099 : memref<1x32x128xf32, #tpu.memory_space<vmem>> -> memref<32x128xf32, #tpu.memory_space<vmem>>
      %gather3A_1101 = tpu.vector_load_idx %gather3A_1100[%add3A_1095, %broadcast_in_dim3A_1083] : memref<32x128xf32, #tpu.memory_space<vmem>>[vector<16xi32>, vector<16xi32>], vector<16xf32>,
      %gather3A_1102 = tpu.vector_load_idx %arg12[%iota3A, %broadcast_in_dim3A_1086] : memref<32x64xf32, #tpu.memory_space<vmem>>[vector<16xi32>, vector<16xi32>], vector<16xf32>,
      %add3A_1103 = arith.constant 16 : i32
      %add3A_1104 = vector.broadcast %add3A_1103 : i32 to vector<16xi32>
      %add3A_1105 = arith.addi %iota3A, %add3A_1104 : vector<16xi32>
      %gather3A_1106 = tpu.vector_load_idx %arg12[%add3A_1105, %broadcast_in_dim3A_1086] : memref<32x64xf32, #tpu.memory_space<vmem>>[vector<16xi32>, vector<16xi32>], vector<16xf32>,
      %select_n3A_1107 = arith.select %ge3A_1076, %gather3A_1102, %gather3A_1092 : vector<16xf32>
      %select_n3A_1108 = arith.select %ge3A_1076, %gather3A_1106, %gather3A_1101 : vector<16xf32>
      %mul3A_1109 = arith.mulf %select_n3A_1071, %select_n3A_1107 : vector<16xf32>
      %mul3A_1110 = arith.mulf %select_n3A_1072, %select_n3A_1108 : vector<16xf32>
      %add3A_1111 = arith.addf %mul3A_1109, %mul3A_1110 : vector<16xf32>
      %mul3A_1112 = arith.constant 17 : i32
      %mul3A_1113 = vector.broadcast %mul3A_1112 : i32 to vector<16xi32>
      %mul3A_1114 = arith.muli %iota3A, %mul3A_1113 : vector<16xi32>
      %add3A_1115 = arith.constant 2 : i32
      %add3A_1116 = vector.broadcast %add3A_1115 : i32 to vector<16xi32>
      %add3A_1117 = arith.addi %mul3A_1114, %add3A_1116 : vector<16xi32>
      tpu.vector_store_idx %arg14[%add3A_1117], %add3A_1111 : memref<272xf32, #tpu.memory_space<vmem>>[vector<16xi32>], vector<16xf32>,
      %slice3A_1118 = vector.extract_strided_slice %get3A_703 {offsets = [3], sizes = [1], strides = [1]} : vector<16xi32> to vector<1xi32>
      %squeeze3A_1119 = vector.extract %slice3A_1118[0] : i32 from vector<1xi32>
      %ge3A_1120 = arith.constant 999936 : i32
      %ge3A_1121 = arith.cmpi sge, %squeeze3A_1119, %ge3A_1120 : i32
      %and3A_1122 = arith.constant 127 : i32
      %and3A_1123 = arith.andi %squeeze3A_1119, %and3A_1122 : i32
      %sub3A_1124 = arith.constant 999936 : i32
      %sub3A_1125 = arith.subi %squeeze3A_1119, %sub3A_1124 : i32
      %min3A_1126 = arith.constant 63 : i32
      %min3A_1127 = arith.minsi %sub3A_1125, %min3A_1126 : i32
      %broadcast_in_dim3A_1128 = vector.broadcast %and3A_1123 : i32 to vector<16xi32>
      %max3A_1129 = arith.constant 0 : i32
      %max3A_1130 = arith.maxsi %min3A_1127, %max3A_1129 : i32
      %broadcast_in_dim3A_1131 = vector.broadcast %max3A_1130 : i32 to vector<16xi32>
      %gather3A_1132 = arith.constant 3 : i32
      %gather3A_1133 = arith.constant 0 : i32
      %gather3A_1134 = arith.constant 0 : i32
      %gather3A_1135 = tpu.memref_slice %arg9[%gather3A_1132, %gather3A_1133, %gather3A_1134] : memref<8x32x128xf32, #tpu.memory_space<vmem>> -> memref<1x32x128xf32, #tpu.memory_space<vmem>>
      %gather3A_1136 = tpu.memref_squeeze %gather3A_1135 : memref<1x32x128xf32, #tpu.memory_space<vmem>> -> memref<32x128xf32, #tpu.memory_space<vmem>>
      %gather3A_1137 = tpu.vector_load_idx %gather3A_1136[%iota3A, %broadcast_in_dim3A_1128] : memref<32x128xf32, #tpu.memory_space<vmem>>[vector<16xi32>, vector<16xi32>], vector<16xf32>,
      %add3A_1138 = arith.constant 16 : i32
      %add3A_1139 = vector.broadcast %add3A_1138 : i32 to vector<16xi32>
      %add3A_1140 = arith.addi %iota3A, %add3A_1139 : vector<16xi32>
      %gather3A_1141 = arith.constant 3 : i32
      %gather3A_1142 = arith.constant 0 : i32
      %gather3A_1143 = arith.constant 0 : i32
      %gather3A_1144 = tpu.memref_slice %arg9[%gather3A_1141, %gather3A_1142, %gather3A_1143] : memref<8x32x128xf32, #tpu.memory_space<vmem>> -> memref<1x32x128xf32, #tpu.memory_space<vmem>>
      %gather3A_1145 = tpu.memref_squeeze %gather3A_1144 : memref<1x32x128xf32, #tpu.memory_space<vmem>> -> memref<32x128xf32, #tpu.memory_space<vmem>>
      %gather3A_1146 = tpu.vector_load_idx %gather3A_1145[%add3A_1140, %broadcast_in_dim3A_1128] : memref<32x128xf32, #tpu.memory_space<vmem>>[vector<16xi32>, vector<16xi32>], vector<16xf32>,
      %gather3A_1147 = tpu.vector_load_idx %arg11[%iota3A, %broadcast_in_dim3A_1131] : memref<32x64xf32, #tpu.memory_space<vmem>>[vector<16xi32>, vector<16xi32>], vector<16xf32>,
      %add3A_1148 = arith.constant 16 : i32
      %add3A_1149 = vector.broadcast %add3A_1148 : i32 to vector<16xi32>
      %add3A_1150 = arith.addi %iota3A, %add3A_1149 : vector<16xi32>
      %gather3A_1151 = tpu.vector_load_idx %arg11[%add3A_1150, %broadcast_in_dim3A_1131] : memref<32x64xf32, #tpu.memory_space<vmem>>[vector<16xi32>, vector<16xi32>], vector<16xf32>,
      %select_n3A_1152 = arith.select %ge3A_1121, %gather3A_1147, %gather3A_1137 : vector<16xf32>
      %select_n3A_1153 = arith.select %ge3A_1121, %gather3A_1151, %gather3A_1146 : vector<16xf32>
      %slice3A_1154 = vector.extract_strided_slice %get3A_706 {offsets = [3], sizes = [1], strides = [1]} : vector<16xi32> to vector<1xi32>
      %squeeze3A_1155 = vector.extract %slice3A_1154[0] : i32 from vector<1xi32>
      %ge3A_1156 = arith.constant 999936 : i32
      %ge3A_1157 = arith.cmpi sge, %squeeze3A_1155, %ge3A_1156 : i32
      %and3A_1158 = arith.constant 127 : i32
      %and3A_1159 = arith.andi %squeeze3A_1155, %and3A_1158 : i32
      %sub3A_1160 = arith.constant 999936 : i32
      %sub3A_1161 = arith.subi %squeeze3A_1155, %sub3A_1160 : i32
      %min3A_1162 = arith.constant 63 : i32
      %min3A_1163 = arith.minsi %sub3A_1161, %min3A_1162 : i32
      %broadcast_in_dim3A_1164 = vector.broadcast %and3A_1159 : i32 to vector<16xi32>
      %max3A_1165 = arith.constant 0 : i32
      %max3A_1166 = arith.maxsi %min3A_1163, %max3A_1165 : i32
      %broadcast_in_dim3A_1167 = vector.broadcast %max3A_1166 : i32 to vector<16xi32>
      %gather3A_1168 = arith.constant 3 : i32
      %gather3A_1169 = arith.constant 0 : i32
      %gather3A_1170 = arith.constant 0 : i32
      %gather3A_1171 = tpu.memref_slice %arg10[%gather3A_1168, %gather3A_1169, %gather3A_1170] : memref<8x32x128xf32, #tpu.memory_space<vmem>> -> memref<1x32x128xf32, #tpu.memory_space<vmem>>
      %gather3A_1172 = tpu.memref_squeeze %gather3A_1171 : memref<1x32x128xf32, #tpu.memory_space<vmem>> -> memref<32x128xf32, #tpu.memory_space<vmem>>
      %gather3A_1173 = tpu.vector_load_idx %gather3A_1172[%iota3A, %broadcast_in_dim3A_1164] : memref<32x128xf32, #tpu.memory_space<vmem>>[vector<16xi32>, vector<16xi32>], vector<16xf32>,
      %add3A_1174 = arith.constant 16 : i32
      %add3A_1175 = vector.broadcast %add3A_1174 : i32 to vector<16xi32>
      %add3A_1176 = arith.addi %iota3A, %add3A_1175 : vector<16xi32>
      %gather3A_1177 = arith.constant 3 : i32
      %gather3A_1178 = arith.constant 0 : i32
      %gather3A_1179 = arith.constant 0 : i32
      %gather3A_1180 = tpu.memref_slice %arg10[%gather3A_1177, %gather3A_1178, %gather3A_1179] : memref<8x32x128xf32, #tpu.memory_space<vmem>> -> memref<1x32x128xf32, #tpu.memory_space<vmem>>
      %gather3A_1181 = tpu.memref_squeeze %gather3A_1180 : memref<1x32x128xf32, #tpu.memory_space<vmem>> -> memref<32x128xf32, #tpu.memory_space<vmem>>
      %gather3A_1182 = tpu.vector_load_idx %gather3A_1181[%add3A_1176, %broadcast_in_dim3A_1164] : memref<32x128xf32, #tpu.memory_space<vmem>>[vector<16xi32>, vector<16xi32>], vector<16xf32>,
      %gather3A_1183 = tpu.vector_load_idx %arg12[%iota3A, %broadcast_in_dim3A_1167] : memref<32x64xf32, #tpu.memory_space<vmem>>[vector<16xi32>, vector<16xi32>], vector<16xf32>,
      %add3A_1184 = arith.constant 16 : i32
      %add3A_1185 = vector.broadcast %add3A_1184 : i32 to vector<16xi32>
      %add3A_1186 = arith.addi %iota3A, %add3A_1185 : vector<16xi32>
      %gather3A_1187 = tpu.vector_load_idx %arg12[%add3A_1186, %broadcast_in_dim3A_1167] : memref<32x64xf32, #tpu.memory_space<vmem>>[vector<16xi32>, vector<16xi32>], vector<16xf32>,
      %select_n3A_1188 = arith.select %ge3A_1157, %gather3A_1183, %gather3A_1173 : vector<16xf32>
      %select_n3A_1189 = arith.select %ge3A_1157, %gather3A_1187, %gather3A_1182 : vector<16xf32>
      %mul3A_1190 = arith.mulf %select_n3A_1152, %select_n3A_1188 : vector<16xf32>
      %mul3A_1191 = arith.mulf %select_n3A_1153, %select_n3A_1189 : vector<16xf32>
      %add3A_1192 = arith.addf %mul3A_1190, %mul3A_1191 : vector<16xf32>
      %mul3A_1193 = arith.constant 17 : i32
      %mul3A_1194 = vector.broadcast %mul3A_1193 : i32 to vector<16xi32>
      %mul3A_1195 = arith.muli %iota3A, %mul3A_1194 : vector<16xi32>
      %add3A_1196 = arith.constant 3 : i32
      %add3A_1197 = vector.broadcast %add3A_1196 : i32 to vector<16xi32>
      %add3A_1198 = arith.addi %mul3A_1195, %add3A_1197 : vector<16xi32>
      tpu.vector_store_idx %arg14[%add3A_1198], %add3A_1192 : memref<272xf32, #tpu.memory_space<vmem>>[vector<16xi32>], vector<16xf32>,
      %slice3A_1199 = vector.extract_strided_slice %get3A_703 {offsets = [8], sizes = [1], strides = [1]} : vector<16xi32> to vector<1xi32>
      %squeeze3A_1200 = vector.extract %slice3A_1199[0] : i32 from vector<1xi32>
      %shift_right_logical3A_1201 = arith.constant 7 : i32
      %shift_right_logical3A_1202 = arith.shrui %squeeze3A_1200, %shift_right_logical3A_1201 : i32
      %min3A_1203 = arith.constant 7811 : i32
      %min3A_1204 = arith.minsi %shift_right_logical3A_1202, %min3A_1203 : i32
      %mul3A_1205 = arith.constant 128 : i32
      %mul3A_1206 = arith.muli %min3A_1204, %mul3A_1205 : i32
      %multiple_of3A_1207 = tpu.assume_multiple %mul3A_1206, 128 : i32
      %dma_start3A_1208 = arith.constant 0 : i32
      %dma_start3A_1209 = arith.constant 0 : i32
      %dma_start3A_1210 = arith.constant 0 : i32
      %dma_start3A_1211 = tpu.memref_slice %arg9[%dma_start3A_1208, %dma_start3A_1209, %dma_start3A_1210] : memref<8x32x128xf32, #tpu.memory_space<vmem>> -> memref<1x32x128xf32, #tpu.memory_space<vmem>>
      %dma_start3A_1212 = tpu.memref_squeeze %dma_start3A_1211 : memref<1x32x128xf32, #tpu.memory_space<vmem>> -> memref<32x128xf32, #tpu.memory_space<vmem>>
      %dma_start3A_1213 = arith.constant 0 : i32
      %dma_start3A_1214 = tpu.memref_slice %arg4[%dma_start3A_1213, %multiple_of3A_1207] : memref<32x1000000xf32, #tpu.memory_space<hbm>> -> memref<32x128xf32, #tpu.memory_space<hbm>>
      %dma_start3A_1215 = arith.constant 0 : i32
      %dma_start3A_1216 = arith.constant 0 : i32
      %dma_start3A_1217 = tpu.memref_slice %arg9[%dma_start3A_1208, %dma_start3A_1215, %dma_start3A_1216] : memref<8x32x128xf32, #tpu.memory_space<vmem>> -> memref<1x32x128xf32, #tpu.memory_space<vmem>>
      %dma_start3A_1218 = tpu.memref_squeeze %dma_start3A_1217 : memref<1x32x128xf32, #tpu.memory_space<vmem>> -> memref<32x128xf32, #tpu.memory_space<vmem>>
      %dma_start3A_1219 = arith.constant 0 : i32
      %dma_start3A_1220 = tpu.memref_slice %arg4[%dma_start3A_1219, %multiple_of3A_1207] : memref<32x1000000xf32, #tpu.memory_space<hbm>> -> memref<32x128xf32, #tpu.memory_space<hbm>>
      tpu.enqueue_dma source(%dma_start3A_1220 : memref<32x128xf32, #tpu.memory_space<hbm>>) target(%dma_start3A_1218 : memref<32x128xf32, #tpu.memory_space<vmem>>) target_semaphore(%arg15 : memref<!tpu.dma_semaphore, #tpu.memory_space<semaphore_mem>>)
      %slice3A_1221 = vector.extract_strided_slice %get3A_706 {offsets = [8], sizes = [1], strides = [1]} : vector<16xi32> to vector<1xi32>
      %squeeze3A_1222 = vector.extract %slice3A_1221[0] : i32 from vector<1xi32>
      %shift_right_logical3A_1223 = arith.constant 7 : i32
      %shift_right_logical3A_1224 = arith.shrui %squeeze3A_1222, %shift_right_logical3A_1223 : i32
      %min3A_1225 = arith.constant 7811 : i32
      %min3A_1226 = arith.minsi %shift_right_logical3A_1224, %min3A_1225 : i32
      %mul3A_1227 = arith.constant 128 : i32
      %mul3A_1228 = arith.muli %min3A_1226, %mul3A_1227 : i32
      %multiple_of3A_1229 = tpu.assume_multiple %mul3A_1228, 128 : i32
      %dma_start3A_1230 = arith.constant 0 : i32
      %dma_start3A_1231 = arith.constant 0 : i32
      %dma_start3A_1232 = arith.constant 0 : i32
      %dma_start3A_1233 = tpu.memref_slice %arg10[%dma_start3A_1230, %dma_start3A_1231, %dma_start3A_1232] : memref<8x32x128xf32, #tpu.memory_space<vmem>> -> memref<1x32x128xf32, #tpu.memory_space<vmem>>
      %dma_start3A_1234 = tpu.memref_squeeze %dma_start3A_1233 : memref<1x32x128xf32, #tpu.memory_space<vmem>> -> memref<32x128xf32, #tpu.memory_space<vmem>>
      %dma_start3A_1235 = arith.constant 0 : i32
      %dma_start3A_1236 = tpu.memref_slice %arg5[%dma_start3A_1235, %multiple_of3A_1229] : memref<32x1000000xf32, #tpu.memory_space<hbm>> -> memref<32x128xf32, #tpu.memory_space<hbm>>
      %dma_start3A_1237 = arith.constant 0 : i32
      %dma_start3A_1238 = arith.constant 0 : i32
      %dma_start3A_1239 = tpu.memref_slice %arg10[%dma_start3A_1230, %dma_start3A_1237, %dma_start3A_1238] : memref<8x32x128xf32, #tpu.memory_space<vmem>> -> memref<1x32x128xf32, #tpu.memory_space<vmem>>
      %dma_start3A_1240 = tpu.memref_squeeze %dma_start3A_1239 : memref<1x32x128xf32, #tpu.memory_space<vmem>> -> memref<32x128xf32, #tpu.memory_space<vmem>>
      %dma_start3A_1241 = arith.constant 0 : i32
      %dma_start3A_1242 = tpu.memref_slice %arg5[%dma_start3A_1241, %multiple_of3A_1229] : memref<32x1000000xf32, #tpu.memory_space<hbm>> -> memref<32x128xf32, #tpu.memory_space<hbm>>
      tpu.enqueue_dma source(%dma_start3A_1242 : memref<32x128xf32, #tpu.memory_space<hbm>>) target(%dma_start3A_1240 : memref<32x128xf32, #tpu.memory_space<vmem>>) target_semaphore(%arg15 : memref<!tpu.dma_semaphore, #tpu.memory_space<semaphore_mem>>)
      %slice3A_1243 = vector.extract_strided_slice %get3A_703 {offsets = [9], sizes = [1], strides = [1]} : vector<16xi32> to vector<1xi32>
      %squeeze3A_1244 = vector.extract %slice3A_1243[0] : i32 from vector<1xi32>
      %shift_right_logical3A_1245 = arith.constant 7 : i32
      %shift_right_logical3A_1246 = arith.shrui %squeeze3A_1244, %shift_right_logical3A_1245 : i32
      %min3A_1247 = arith.constant 7811 : i32
      %min3A_1248 = arith.minsi %shift_right_logical3A_1246, %min3A_1247 : i32
      %mul3A_1249 = arith.constant 128 : i32
      %mul3A_1250 = arith.muli %min3A_1248, %mul3A_1249 : i32
      %multiple_of3A_1251 = tpu.assume_multiple %mul3A_1250, 128 : i32
      %dma_start3A_1252 = arith.constant 1 : i32
      %dma_start3A_1253 = arith.constant 0 : i32
      %dma_start3A_1254 = arith.constant 0 : i32
      %dma_start3A_1255 = tpu.memref_slice %arg9[%dma_start3A_1252, %dma_start3A_1253, %dma_start3A_1254] : memref<8x32x128xf32, #tpu.memory_space<vmem>> -> memref<1x32x128xf32, #tpu.memory_space<vmem>>
      %dma_start3A_1256 = tpu.memref_squeeze %dma_start3A_1255 : memref<1x32x128xf32, #tpu.memory_space<vmem>> -> memref<32x128xf32, #tpu.memory_space<vmem>>
      %dma_start3A_1257 = arith.constant 0 : i32
      %dma_start3A_1258 = tpu.memref_slice %arg4[%dma_start3A_1257, %multiple_of3A_1251] : memref<32x1000000xf32, #tpu.memory_space<hbm>> -> memref<32x128xf32, #tpu.memory_space<hbm>>
      %dma_start3A_1259 = arith.constant 0 : i32
      %dma_start3A_1260 = arith.constant 0 : i32
      %dma_start3A_1261 = tpu.memref_slice %arg9[%dma_start3A_1252, %dma_start3A_1259, %dma_start3A_1260] : memref<8x32x128xf32, #tpu.memory_space<vmem>> -> memref<1x32x128xf32, #tpu.memory_space<vmem>>
      %dma_start3A_1262 = tpu.memref_squeeze %dma_start3A_1261 : memref<1x32x128xf32, #tpu.memory_space<vmem>> -> memref<32x128xf32, #tpu.memory_space<vmem>>
      %dma_start3A_1263 = arith.constant 0 : i32
      %dma_start3A_1264 = tpu.memref_slice %arg4[%dma_start3A_1263, %multiple_of3A_1251] : memref<32x1000000xf32, #tpu.memory_space<hbm>> -> memref<32x128xf32, #tpu.memory_space<hbm>>
      tpu.enqueue_dma source(%dma_start3A_1264 : memref<32x128xf32, #tpu.memory_space<hbm>>) target(%dma_start3A_1262 : memref<32x128xf32, #tpu.memory_space<vmem>>) target_semaphore(%arg15 : memref<!tpu.dma_semaphore, #tpu.memory_space<semaphore_mem>>)
      %slice3A_1265 = vector.extract_strided_slice %get3A_706 {offsets = [9], sizes = [1], strides = [1]} : vector<16xi32> to vector<1xi32>
      %squeeze3A_1266 = vector.extract %slice3A_1265[0] : i32 from vector<1xi32>
      %shift_right_logical3A_1267 = arith.constant 7 : i32
      %shift_right_logical3A_1268 = arith.shrui %squeeze3A_1266, %shift_right_logical3A_1267 : i32
      %min3A_1269 = arith.constant 7811 : i32
      %min3A_1270 = arith.minsi %shift_right_logical3A_1268, %min3A_1269 : i32
      %mul3A_1271 = arith.constant 128 : i32
      %mul3A_1272 = arith.muli %min3A_1270, %mul3A_1271 : i32
      %multiple_of3A_1273 = tpu.assume_multiple %mul3A_1272, 128 : i32
      %dma_start3A_1274 = arith.constant 1 : i32
      %dma_start3A_1275 = arith.constant 0 : i32
      %dma_start3A_1276 = arith.constant 0 : i32
      %dma_start3A_1277 = tpu.memref_slice %arg10[%dma_start3A_1274, %dma_start3A_1275, %dma_start3A_1276] : memref<8x32x128xf32, #tpu.memory_space<vmem>> -> memref<1x32x128xf32, #tpu.memory_space<vmem>>
      %dma_start3A_1278 = tpu.memref_squeeze %dma_start3A_1277 : memref<1x32x128xf32, #tpu.memory_space<vmem>> -> memref<32x128xf32, #tpu.memory_space<vmem>>
      %dma_start3A_1279 = arith.constant 0 : i32
      %dma_start3A_1280 = tpu.memref_slice %arg5[%dma_start3A_1279, %multiple_of3A_1273] : memref<32x1000000xf32, #tpu.memory_space<hbm>> -> memref<32x128xf32, #tpu.memory_space<hbm>>
      %dma_start3A_1281 = arith.constant 0 : i32
      %dma_start3A_1282 = arith.constant 0 : i32
      %dma_start3A_1283 = tpu.memref_slice %arg10[%dma_start3A_1274, %dma_start3A_1281, %dma_start3A_1282] : memref<8x32x128xf32, #tpu.memory_space<vmem>> -> memref<1x32x128xf32, #tpu.memory_space<vmem>>
      %dma_start3A_1284 = tpu.memref_squeeze %dma_start3A_1283 : memref<1x32x128xf32, #tpu.memory_space<vmem>> -> memref<32x128xf32, #tpu.memory_space<vmem>>
      %dma_start3A_1285 = arith.constant 0 : i32
      %dma_start3A_1286 = tpu.memref_slice %arg5[%dma_start3A_1285, %multiple_of3A_1273] : memref<32x1000000xf32, #tpu.memory_space<hbm>> -> memref<32x128xf32, #tpu.memory_space<hbm>>
      tpu.enqueue_dma source(%dma_start3A_1286 : memref<32x128xf32, #tpu.memory_space<hbm>>) target(%dma_start3A_1284 : memref<32x128xf32, #tpu.memory_space<vmem>>) target_semaphore(%arg15 : memref<!tpu.dma_semaphore, #tpu.memory_space<semaphore_mem>>)
      %slice3A_1287 = vector.extract_strided_slice %get3A_703 {offsets = [10], sizes = [1], strides = [1]} : vector<16xi32> to vector<1xi32>
      %squeeze3A_1288 = vector.extract %slice3A_1287[0] : i32 from vector<1xi32>
      %shift_right_logical3A_1289 = arith.constant 7 : i32
      %shift_right_logical3A_1290 = arith.shrui %squeeze3A_1288, %shift_right_logical3A_1289 : i32
      %min3A_1291 = arith.constant 7811 : i32
      %min3A_1292 = arith.minsi %shift_right_logical3A_1290, %min3A_1291 : i32
      %mul3A_1293 = arith.constant 128 : i32
      %mul3A_1294 = arith.muli %min3A_1292, %mul3A_1293 : i32
      %multiple_of3A_1295 = tpu.assume_multiple %mul3A_1294, 128 : i32
      %dma_start3A_1296 = arith.constant 2 : i32
      %dma_start3A_1297 = arith.constant 0 : i32
      %dma_start3A_1298 = arith.constant 0 : i32
      %dma_start3A_1299 = tpu.memref_slice %arg9[%dma_start3A_1296, %dma_start3A_1297, %dma_start3A_1298] : memref<8x32x128xf32, #tpu.memory_space<vmem>> -> memref<1x32x128xf32, #tpu.memory_space<vmem>>
      %dma_start3A_1300 = tpu.memref_squeeze %dma_start3A_1299 : memref<1x32x128xf32, #tpu.memory_space<vmem>> -> memref<32x128xf32, #tpu.memory_space<vmem>>
      %dma_start3A_1301 = arith.constant 0 : i32
      %dma_start3A_1302 = tpu.memref_slice %arg4[%dma_start3A_1301, %multiple_of3A_1295] : memref<32x1000000xf32, #tpu.memory_space<hbm>> -> memref<32x128xf32, #tpu.memory_space<hbm>>
      %dma_start3A_1303 = arith.constant 0 : i32
      %dma_start3A_1304 = arith.constant 0 : i32
      %dma_start3A_1305 = tpu.memref_slice %arg9[%dma_start3A_1296, %dma_start3A_1303, %dma_start3A_1304] : memref<8x32x128xf32, #tpu.memory_space<vmem>> -> memref<1x32x128xf32, #tpu.memory_space<vmem>>
      %dma_start3A_1306 = tpu.memref_squeeze %dma_start3A_1305 : memref<1x32x128xf32, #tpu.memory_space<vmem>> -> memref<32x128xf32, #tpu.memory_space<vmem>>
      %dma_start3A_1307 = arith.constant 0 : i32
      %dma_start3A_1308 = tpu.memref_slice %arg4[%dma_start3A_1307, %multiple_of3A_1295] : memref<32x1000000xf32, #tpu.memory_space<hbm>> -> memref<32x128xf32, #tpu.memory_space<hbm>>
      tpu.enqueue_dma source(%dma_start3A_1308 : memref<32x128xf32, #tpu.memory_space<hbm>>) target(%dma_start3A_1306 : memref<32x128xf32, #tpu.memory_space<vmem>>) target_semaphore(%arg15 : memref<!tpu.dma_semaphore, #tpu.memory_space<semaphore_mem>>)
      %slice3A_1309 = vector.extract_strided_slice %get3A_706 {offsets = [10], sizes = [1], strides = [1]} : vector<16xi32> to vector<1xi32>
      %squeeze3A_1310 = vector.extract %slice3A_1309[0] : i32 from vector<1xi32>
      %shift_right_logical3A_1311 = arith.constant 7 : i32
      %shift_right_logical3A_1312 = arith.shrui %squeeze3A_1310, %shift_right_logical3A_1311 : i32
      %min3A_1313 = arith.constant 7811 : i32
      %min3A_1314 = arith.minsi %shift_right_logical3A_1312, %min3A_1313 : i32
      %mul3A_1315 = arith.constant 128 : i32
      %mul3A_1316 = arith.muli %min3A_1314, %mul3A_1315 : i32
      %multiple_of3A_1317 = tpu.assume_multiple %mul3A_1316, 128 : i32
      %dma_start3A_1318 = arith.constant 2 : i32
      %dma_start3A_1319 = arith.constant 0 : i32
      %dma_start3A_1320 = arith.constant 0 : i32
      %dma_start3A_1321 = tpu.memref_slice %arg10[%dma_start3A_1318, %dma_start3A_1319, %dma_start3A_1320] : memref<8x32x128xf32, #tpu.memory_space<vmem>> -> memref<1x32x128xf32, #tpu.memory_space<vmem>>
      %dma_start3A_1322 = tpu.memref_squeeze %dma_start3A_1321 : memref<1x32x128xf32, #tpu.memory_space<vmem>> -> memref<32x128xf32, #tpu.memory_space<vmem>>
      %dma_start3A_1323 = arith.constant 0 : i32
      %dma_start3A_1324 = tpu.memref_slice %arg5[%dma_start3A_1323, %multiple_of3A_1317] : memref<32x1000000xf32, #tpu.memory_space<hbm>> -> memref<32x128xf32, #tpu.memory_space<hbm>>
      %dma_start3A_1325 = arith.constant 0 : i32
      %dma_start3A_1326 = arith.constant 0 : i32
      %dma_start3A_1327 = tpu.memref_slice %arg10[%dma_start3A_1318, %dma_start3A_1325, %dma_start3A_1326] : memref<8x32x128xf32, #tpu.memory_space<vmem>> -> memref<1x32x128xf32, #tpu.memory_space<vmem>>
      %dma_start3A_1328 = tpu.memref_squeeze %dma_start3A_1327 : memref<1x32x128xf32, #tpu.memory_space<vmem>> -> memref<32x128xf32, #tpu.memory_space<vmem>>
      %dma_start3A_1329 = arith.constant 0 : i32
      %dma_start3A_1330 = tpu.memref_slice %arg5[%dma_start3A_1329, %multiple_of3A_1317] : memref<32x1000000xf32, #tpu.memory_space<hbm>> -> memref<32x128xf32, #tpu.memory_space<hbm>>
      tpu.enqueue_dma source(%dma_start3A_1330 : memref<32x128xf32, #tpu.memory_space<hbm>>) target(%dma_start3A_1328 : memref<32x128xf32, #tpu.memory_space<vmem>>) target_semaphore(%arg15 : memref<!tpu.dma_semaphore, #tpu.memory_space<semaphore_mem>>)
      %slice3A_1331 = vector.extract_strided_slice %get3A_703 {offsets = [11], sizes = [1], strides = [1]} : vector<16xi32> to vector<1xi32>
      %squeeze3A_1332 = vector.extract %slice3A_1331[0] : i32 from vector<1xi32>
      %shift_right_logical3A_1333 = arith.constant 7 : i32
      %shift_right_logical3A_1334 = arith.shrui %squeeze3A_1332, %shift_right_logical3A_1333 : i32
      %min3A_1335 = arith.constant 7811 : i32
      %min3A_1336 = arith.minsi %shift_right_logical3A_1334, %min3A_1335 : i32
      %mul3A_1337 = arith.constant 128 : i32
      %mul3A_1338 = arith.muli %min3A_1336, %mul3A_1337 : i32
      %multiple_of3A_1339 = tpu.assume_multiple %mul3A_1338, 128 : i32
      %dma_start3A_1340 = arith.constant 3 : i32
      %dma_start3A_1341 = arith.constant 0 : i32
      %dma_start3A_1342 = arith.constant 0 : i32
      %dma_start3A_1343 = tpu.memref_slice %arg9[%dma_start3A_1340, %dma_start3A_1341, %dma_start3A_1342] : memref<8x32x128xf32, #tpu.memory_space<vmem>> -> memref<1x32x128xf32, #tpu.memory_space<vmem>>
      %dma_start3A_1344 = tpu.memref_squeeze %dma_start3A_1343 : memref<1x32x128xf32, #tpu.memory_space<vmem>> -> memref<32x128xf32, #tpu.memory_space<vmem>>
      %dma_start3A_1345 = arith.constant 0 : i32
      %dma_start3A_1346 = tpu.memref_slice %arg4[%dma_start3A_1345, %multiple_of3A_1339] : memref<32x1000000xf32, #tpu.memory_space<hbm>> -> memref<32x128xf32, #tpu.memory_space<hbm>>
      %dma_start3A_1347 = arith.constant 0 : i32
      %dma_start3A_1348 = arith.constant 0 : i32
      %dma_start3A_1349 = tpu.memref_slice %arg9[%dma_start3A_1340, %dma_start3A_1347, %dma_start3A_1348] : memref<8x32x128xf32, #tpu.memory_space<vmem>> -> memref<1x32x128xf32, #tpu.memory_space<vmem>>
      %dma_start3A_1350 = tpu.memref_squeeze %dma_start3A_1349 : memref<1x32x128xf32, #tpu.memory_space<vmem>> -> memref<32x128xf32, #tpu.memory_space<vmem>>
      %dma_start3A_1351 = arith.constant 0 : i32
      %dma_start3A_1352 = tpu.memref_slice %arg4[%dma_start3A_1351, %multiple_of3A_1339] : memref<32x1000000xf32, #tpu.memory_space<hbm>> -> memref<32x128xf32, #tpu.memory_space<hbm>>
      tpu.enqueue_dma source(%dma_start3A_1352 : memref<32x128xf32, #tpu.memory_space<hbm>>) target(%dma_start3A_1350 : memref<32x128xf32, #tpu.memory_space<vmem>>) target_semaphore(%arg15 : memref<!tpu.dma_semaphore, #tpu.memory_space<semaphore_mem>>)
      %slice3A_1353 = vector.extract_strided_slice %get3A_706 {offsets = [11], sizes = [1], strides = [1]} : vector<16xi32> to vector<1xi32>
      %squeeze3A_1354 = vector.extract %slice3A_1353[0] : i32 from vector<1xi32>
      %shift_right_logical3A_1355 = arith.constant 7 : i32
      %shift_right_logical3A_1356 = arith.shrui %squeeze3A_1354, %shift_right_logical3A_1355 : i32
      %min3A_1357 = arith.constant 7811 : i32
      %min3A_1358 = arith.minsi %shift_right_logical3A_1356, %min3A_1357 : i32
      %mul3A_1359 = arith.constant 128 : i32
      %mul3A_1360 = arith.muli %min3A_1358, %mul3A_1359 : i32
      %multiple_of3A_1361 = tpu.assume_multiple %mul3A_1360, 128 : i32
      %dma_start3A_1362 = arith.constant 3 : i32
      %dma_start3A_1363 = arith.constant 0 : i32
      %dma_start3A_1364 = arith.constant 0 : i32
      %dma_start3A_1365 = tpu.memref_slice %arg10[%dma_start3A_1362, %dma_start3A_1363, %dma_start3A_1364] : memref<8x32x128xf32, #tpu.memory_space<vmem>> -> memref<1x32x128xf32, #tpu.memory_space<vmem>>
      %dma_start3A_1366 = tpu.memref_squeeze %dma_start3A_1365 : memref<1x32x128xf32, #tpu.memory_space<vmem>> -> memref<32x128xf32, #tpu.memory_space<vmem>>
      %dma_start3A_1367 = arith.constant 0 : i32
      %dma_start3A_1368 = tpu.memref_slice %arg5[%dma_start3A_1367, %multiple_of3A_1361] : memref<32x1000000xf32, #tpu.memory_space<hbm>> -> memref<32x128xf32, #tpu.memory_space<hbm>>
      %dma_start3A_1369 = arith.constant 0 : i32
      %dma_start3A_1370 = arith.constant 0 : i32
      %dma_start3A_1371 = tpu.memref_slice %arg10[%dma_start3A_1362, %dma_start3A_1369, %dma_start3A_1370] : memref<8x32x128xf32, #tpu.memory_space<vmem>> -> memref<1x32x128xf32, #tpu.memory_space<vmem>>
      %dma_start3A_1372 = tpu.memref_squeeze %dma_start3A_1371 : memref<1x32x128xf32, #tpu.memory_space<vmem>> -> memref<32x128xf32, #tpu.memory_space<vmem>>
      %dma_start3A_1373 = arith.constant 0 : i32
      %dma_start3A_1374 = tpu.memref_slice %arg5[%dma_start3A_1373, %multiple_of3A_1361] : memref<32x1000000xf32, #tpu.memory_space<hbm>> -> memref<32x128xf32, #tpu.memory_space<hbm>>
      tpu.enqueue_dma source(%dma_start3A_1374 : memref<32x128xf32, #tpu.memory_space<hbm>>) target(%dma_start3A_1372 : memref<32x128xf32, #tpu.memory_space<vmem>>) target_semaphore(%arg15 : memref<!tpu.dma_semaphore, #tpu.memory_space<semaphore_mem>>)
      %dma_wait3A_1375 = arith.constant 0 : i32
      %dma_wait3A_1376 = arith.constant 0 : i32
      %dma_wait3A_1377 = arith.constant 0 : i32
      %dma_wait3A_1378 = tpu.memref_slice %arg9[%dma_wait3A_1375, %dma_wait3A_1376, %dma_wait3A_1377] : memref<8x32x128xf32, #tpu.memory_space<vmem>> -> memref<1x32x128xf32, #tpu.memory_space<vmem>>
      %dma_wait3A_1379 = tpu.memref_squeeze %dma_wait3A_1378 : memref<1x32x128xf32, #tpu.memory_space<vmem>> -> memref<32x128xf32, #tpu.memory_space<vmem>>
      %dma_wait3A_1380 = arith.constant 0 : i32
      %dma_wait3A_1381 = arith.constant 0 : i32
      %dma_wait3A_1382 = tpu.memref_slice %arg4[%dma_wait3A_1380, %dma_wait3A_1381] : memref<32x1000000xf32, #tpu.memory_space<hbm>> -> memref<32x128xf32, #tpu.memory_space<hbm>>
      %dma_wait3A_1383 = arith.constant 0 : i32
      %dma_wait3A_1384 = arith.constant 0 : i32
      %dma_wait3A_1385 = tpu.memref_slice %arg9[%dma_wait3A_1375, %dma_wait3A_1383, %dma_wait3A_1384] : memref<8x32x128xf32, #tpu.memory_space<vmem>> -> memref<1x32x128xf32, #tpu.memory_space<vmem>>
      %dma_wait3A_1386 = tpu.memref_squeeze %dma_wait3A_1385 : memref<1x32x128xf32, #tpu.memory_space<vmem>> -> memref<32x128xf32, #tpu.memory_space<vmem>>
      %dma_wait3A_1387 = arith.constant 0 : i32
      %dma_wait3A_1388 = arith.constant 0 : i32
      %dma_wait3A_1389 = tpu.memref_slice %arg4[%dma_wait3A_1387, %dma_wait3A_1388] : memref<32x1000000xf32, #tpu.memory_space<hbm>> -> memref<32x128xf32, #tpu.memory_space<hbm>>
      tpu.wait_dma2 semaphore(%arg15 : memref<!tpu.dma_semaphore, #tpu.memory_space<semaphore_mem>>) src(%dma_wait3A_1389 : memref<32x128xf32, #tpu.memory_space<hbm>>) dst(%dma_wait3A_1386 : memref<32x128xf32, #tpu.memory_space<vmem>>)
      %dma_wait3A_1390 = arith.constant 0 : i32
      %dma_wait3A_1391 = arith.constant 0 : i32
      %dma_wait3A_1392 = arith.constant 0 : i32
      %dma_wait3A_1393 = tpu.memref_slice %arg10[%dma_wait3A_1390, %dma_wait3A_1391, %dma_wait3A_1392] : memref<8x32x128xf32, #tpu.memory_space<vmem>> -> memref<1x32x128xf32, #tpu.memory_space<vmem>>
      %dma_wait3A_1394 = tpu.memref_squeeze %dma_wait3A_1393 : memref<1x32x128xf32, #tpu.memory_space<vmem>> -> memref<32x128xf32, #tpu.memory_space<vmem>>
      %dma_wait3A_1395 = arith.constant 0 : i32
      %dma_wait3A_1396 = arith.constant 0 : i32
      %dma_wait3A_1397 = tpu.memref_slice %arg5[%dma_wait3A_1395, %dma_wait3A_1396] : memref<32x1000000xf32, #tpu.memory_space<hbm>> -> memref<32x128xf32, #tpu.memory_space<hbm>>
      %dma_wait3A_1398 = arith.constant 0 : i32
      %dma_wait3A_1399 = arith.constant 0 : i32
      %dma_wait3A_1400 = tpu.memref_slice %arg10[%dma_wait3A_1390, %dma_wait3A_1398, %dma_wait3A_1399] : memref<8x32x128xf32, #tpu.memory_space<vmem>> -> memref<1x32x128xf32, #tpu.memory_space<vmem>>
      %dma_wait3A_1401 = tpu.memref_squeeze %dma_wait3A_1400 : memref<1x32x128xf32, #tpu.memory_space<vmem>> -> memref<32x128xf32, #tpu.memory_space<vmem>>
      %dma_wait3A_1402 = arith.constant 0 : i32
      %dma_wait3A_1403 = arith.constant 0 : i32
      %dma_wait3A_1404 = tpu.memref_slice %arg5[%dma_wait3A_1402, %dma_wait3A_1403] : memref<32x1000000xf32, #tpu.memory_space<hbm>> -> memref<32x128xf32, #tpu.memory_space<hbm>>
      tpu.wait_dma2 semaphore(%arg15 : memref<!tpu.dma_semaphore, #tpu.memory_space<semaphore_mem>>) src(%dma_wait3A_1404 : memref<32x128xf32, #tpu.memory_space<hbm>>) dst(%dma_wait3A_1401 : memref<32x128xf32, #tpu.memory_space<vmem>>)
      %dma_wait3A_1405 = arith.constant 1 : i32
      %dma_wait3A_1406 = arith.constant 0 : i32
      %dma_wait3A_1407 = arith.constant 0 : i32
      %dma_wait3A_1408 = tpu.memref_slice %arg9[%dma_wait3A_1405, %dma_wait3A_1406, %dma_wait3A_1407] : memref<8x32x128xf32, #tpu.memory_space<vmem>> -> memref<1x32x128xf32, #tpu.memory_space<vmem>>
      %dma_wait3A_1409 = tpu.memref_squeeze %dma_wait3A_1408 : memref<1x32x128xf32, #tpu.memory_space<vmem>> -> memref<32x128xf32, #tpu.memory_space<vmem>>
      %dma_wait3A_1410 = arith.constant 0 : i32
      %dma_wait3A_1411 = arith.constant 0 : i32
      %dma_wait3A_1412 = tpu.memref_slice %arg4[%dma_wait3A_1410, %dma_wait3A_1411] : memref<32x1000000xf32, #tpu.memory_space<hbm>> -> memref<32x128xf32, #tpu.memory_space<hbm>>
      %dma_wait3A_1413 = arith.constant 0 : i32
      %dma_wait3A_1414 = arith.constant 0 : i32
      %dma_wait3A_1415 = tpu.memref_slice %arg9[%dma_wait3A_1405, %dma_wait3A_1413, %dma_wait3A_1414] : memref<8x32x128xf32, #tpu.memory_space<vmem>> -> memref<1x32x128xf32, #tpu.memory_space<vmem>>
      %dma_wait3A_1416 = tpu.memref_squeeze %dma_wait3A_1415 : memref<1x32x128xf32, #tpu.memory_space<vmem>> -> memref<32x128xf32, #tpu.memory_space<vmem>>
      %dma_wait3A_1417 = arith.constant 0 : i32
      %dma_wait3A_1418 = arith.constant 0 : i32
      %dma_wait3A_1419 = tpu.memref_slice %arg4[%dma_wait3A_1417, %dma_wait3A_1418] : memref<32x1000000xf32, #tpu.memory_space<hbm>> -> memref<32x128xf32, #tpu.memory_space<hbm>>
      tpu.wait_dma2 semaphore(%arg15 : memref<!tpu.dma_semaphore, #tpu.memory_space<semaphore_mem>>) src(%dma_wait3A_1419 : memref<32x128xf32, #tpu.memory_space<hbm>>) dst(%dma_wait3A_1416 : memref<32x128xf32, #tpu.memory_space<vmem>>)
      %dma_wait3A_1420 = arith.constant 1 : i32
      %dma_wait3A_1421 = arith.constant 0 : i32
      %dma_wait3A_1422 = arith.constant 0 : i32
      %dma_wait3A_1423 = tpu.memref_slice %arg10[%dma_wait3A_1420, %dma_wait3A_1421, %dma_wait3A_1422] : memref<8x32x128xf32, #tpu.memory_space<vmem>> -> memref<1x32x128xf32, #tpu.memory_space<vmem>>
      %dma_wait3A_1424 = tpu.memref_squeeze %dma_wait3A_1423 : memref<1x32x128xf32, #tpu.memory_space<vmem>> -> memref<32x128xf32, #tpu.memory_space<vmem>>
      %dma_wait3A_1425 = arith.constant 0 : i32
      %dma_wait3A_1426 = arith.constant 0 : i32
      %dma_wait3A_1427 = tpu.memref_slice %arg5[%dma_wait3A_1425, %dma_wait3A_1426] : memref<32x1000000xf32, #tpu.memory_space<hbm>> -> memref<32x128xf32, #tpu.memory_space<hbm>>
      %dma_wait3A_1428 = arith.constant 0 : i32
      %dma_wait3A_1429 = arith.constant 0 : i32
      %dma_wait3A_1430 = tpu.memref_slice %arg10[%dma_wait3A_1420, %dma_wait3A_1428, %dma_wait3A_1429] : memref<8x32x128xf32, #tpu.memory_space<vmem>> -> memref<1x32x128xf32, #tpu.memory_space<vmem>>
      %dma_wait3A_1431 = tpu.memref_squeeze %dma_wait3A_1430 : memref<1x32x128xf32, #tpu.memory_space<vmem>> -> memref<32x128xf32, #tpu.memory_space<vmem>>
      %dma_wait3A_1432 = arith.constant 0 : i32
      %dma_wait3A_1433 = arith.constant 0 : i32
      %dma_wait3A_1434 = tpu.memref_slice %arg5[%dma_wait3A_1432, %dma_wait3A_1433] : memref<32x1000000xf32, #tpu.memory_space<hbm>> -> memref<32x128xf32, #tpu.memory_space<hbm>>
      tpu.wait_dma2 semaphore(%arg15 : memref<!tpu.dma_semaphore, #tpu.memory_space<semaphore_mem>>) src(%dma_wait3A_1434 : memref<32x128xf32, #tpu.memory_space<hbm>>) dst(%dma_wait3A_1431 : memref<32x128xf32, #tpu.memory_space<vmem>>)
      %dma_wait3A_1435 = arith.constant 2 : i32
      %dma_wait3A_1436 = arith.constant 0 : i32
      %dma_wait3A_1437 = arith.constant 0 : i32
      %dma_wait3A_1438 = tpu.memref_slice %arg9[%dma_wait3A_1435, %dma_wait3A_1436, %dma_wait3A_1437] : memref<8x32x128xf32, #tpu.memory_space<vmem>> -> memref<1x32x128xf32, #tpu.memory_space<vmem>>
      %dma_wait3A_1439 = tpu.memref_squeeze %dma_wait3A_1438 : memref<1x32x128xf32, #tpu.memory_space<vmem>> -> memref<32x128xf32, #tpu.memory_space<vmem>>
      %dma_wait3A_1440 = arith.constant 0 : i32
      %dma_wait3A_1441 = arith.constant 0 : i32
      %dma_wait3A_1442 = tpu.memref_slice %arg4[%dma_wait3A_1440, %dma_wait3A_1441] : memref<32x1000000xf32, #tpu.memory_space<hbm>> -> memref<32x128xf32, #tpu.memory_space<hbm>>
      %dma_wait3A_1443 = arith.constant 0 : i32
      %dma_wait3A_1444 = arith.constant 0 : i32
      %dma_wait3A_1445 = tpu.memref_slice %arg9[%dma_wait3A_1435, %dma_wait3A_1443, %dma_wait3A_1444] : memref<8x32x128xf32, #tpu.memory_space<vmem>> -> memref<1x32x128xf32, #tpu.memory_space<vmem>>
      %dma_wait3A_1446 = tpu.memref_squeeze %dma_wait3A_1445 : memref<1x32x128xf32, #tpu.memory_space<vmem>> -> memref<32x128xf32, #tpu.memory_space<vmem>>
      %dma_wait3A_1447 = arith.constant 0 : i32
      %dma_wait3A_1448 = arith.constant 0 : i32
      %dma_wait3A_1449 = tpu.memref_slice %arg4[%dma_wait3A_1447, %dma_wait3A_1448] : memref<32x1000000xf32, #tpu.memory_space<hbm>> -> memref<32x128xf32, #tpu.memory_space<hbm>>
      tpu.wait_dma2 semaphore(%arg15 : memref<!tpu.dma_semaphore, #tpu.memory_space<semaphore_mem>>) src(%dma_wait3A_1449 : memref<32x128xf32, #tpu.memory_space<hbm>>) dst(%dma_wait3A_1446 : memref<32x128xf32, #tpu.memory_space<vmem>>)
      %dma_wait3A_1450 = arith.constant 2 : i32
      %dma_wait3A_1451 = arith.constant 0 : i32
      %dma_wait3A_1452 = arith.constant 0 : i32
      %dma_wait3A_1453 = tpu.memref_slice %arg10[%dma_wait3A_1450, %dma_wait3A_1451, %dma_wait3A_1452] : memref<8x32x128xf32, #tpu.memory_space<vmem>> -> memref<1x32x128xf32, #tpu.memory_space<vmem>>
      %dma_wait3A_1454 = tpu.memref_squeeze %dma_wait3A_1453 : memref<1x32x128xf32, #tpu.memory_space<vmem>> -> memref<32x128xf32, #tpu.memory_space<vmem>>
      %dma_wait3A_1455 = arith.constant 0 : i32
      %dma_wait3A_1456 = arith.constant 0 : i32
      %dma_wait3A_1457 = tpu.memref_slice %arg5[%dma_wait3A_1455, %dma_wait3A_1456] : memref<32x1000000xf32, #tpu.memory_space<hbm>> -> memref<32x128xf32, #tpu.memory_space<hbm>>
      %dma_wait3A_1458 = arith.constant 0 : i32
      %dma_wait3A_1459 = arith.constant 0 : i32
      %dma_wait3A_1460 = tpu.memref_slice %arg10[%dma_wait3A_1450, %dma_wait3A_1458, %dma_wait3A_1459] : memref<8x32x128xf32, #tpu.memory_space<vmem>> -> memref<1x32x128xf32, #tpu.memory_space<vmem>>
      %dma_wait3A_1461 = tpu.memref_squeeze %dma_wait3A_1460 : memref<1x32x128xf32, #tpu.memory_space<vmem>> -> memref<32x128xf32, #tpu.memory_space<vmem>>
      %dma_wait3A_1462 = arith.constant 0 : i32
      %dma_wait3A_1463 = arith.constant 0 : i32
      %dma_wait3A_1464 = tpu.memref_slice %arg5[%dma_wait3A_1462, %dma_wait3A_1463] : memref<32x1000000xf32, #tpu.memory_space<hbm>> -> memref<32x128xf32, #tpu.memory_space<hbm>>
      tpu.wait_dma2 semaphore(%arg15 : memref<!tpu.dma_semaphore, #tpu.memory_space<semaphore_mem>>) src(%dma_wait3A_1464 : memref<32x128xf32, #tpu.memory_space<hbm>>) dst(%dma_wait3A_1461 : memref<32x128xf32, #tpu.memory_space<vmem>>)
      %dma_wait3A_1465 = arith.constant 3 : i32
      %dma_wait3A_1466 = arith.constant 0 : i32
      %dma_wait3A_1467 = arith.constant 0 : i32
      %dma_wait3A_1468 = tpu.memref_slice %arg9[%dma_wait3A_1465, %dma_wait3A_1466, %dma_wait3A_1467] : memref<8x32x128xf32, #tpu.memory_space<vmem>> -> memref<1x32x128xf32, #tpu.memory_space<vmem>>
      %dma_wait3A_1469 = tpu.memref_squeeze %dma_wait3A_1468 : memref<1x32x128xf32, #tpu.memory_space<vmem>> -> memref<32x128xf32, #tpu.memory_space<vmem>>
      %dma_wait3A_1470 = arith.constant 0 : i32
      %dma_wait3A_1471 = arith.constant 0 : i32
      %dma_wait3A_1472 = tpu.memref_slice %arg4[%dma_wait3A_1470, %dma_wait3A_1471] : memref<32x1000000xf32, #tpu.memory_space<hbm>> -> memref<32x128xf32, #tpu.memory_space<hbm>>
      %dma_wait3A_1473 = arith.constant 0 : i32
      %dma_wait3A_1474 = arith.constant 0 : i32
      %dma_wait3A_1475 = tpu.memref_slice %arg9[%dma_wait3A_1465, %dma_wait3A_1473, %dma_wait3A_1474] : memref<8x32x128xf32, #tpu.memory_space<vmem>> -> memref<1x32x128xf32, #tpu.memory_space<vmem>>
      %dma_wait3A_1476 = tpu.memref_squeeze %dma_wait3A_1475 : memref<1x32x128xf32, #tpu.memory_space<vmem>> -> memref<32x128xf32, #tpu.memory_space<vmem>>
      %dma_wait3A_1477 = arith.constant 0 : i32
      %dma_wait3A_1478 = arith.constant 0 : i32
      %dma_wait3A_1479 = tpu.memref_slice %arg4[%dma_wait3A_1477, %dma_wait3A_1478] : memref<32x1000000xf32, #tpu.memory_space<hbm>> -> memref<32x128xf32, #tpu.memory_space<hbm>>
      tpu.wait_dma2 semaphore(%arg15 : memref<!tpu.dma_semaphore, #tpu.memory_space<semaphore_mem>>) src(%dma_wait3A_1479 : memref<32x128xf32, #tpu.memory_space<hbm>>) dst(%dma_wait3A_1476 : memref<32x128xf32, #tpu.memory_space<vmem>>)
      %dma_wait3A_1480 = arith.constant 3 : i32
      %dma_wait3A_1481 = arith.constant 0 : i32
      %dma_wait3A_1482 = arith.constant 0 : i32
      %dma_wait3A_1483 = tpu.memref_slice %arg10[%dma_wait3A_1480, %dma_wait3A_1481, %dma_wait3A_1482] : memref<8x32x128xf32, #tpu.memory_space<vmem>> -> memref<1x32x128xf32, #tpu.memory_space<vmem>>
      %dma_wait3A_1484 = tpu.memref_squeeze %dma_wait3A_1483 : memref<1x32x128xf32, #tpu.memory_space<vmem>> -> memref<32x128xf32, #tpu.memory_space<vmem>>
      %dma_wait3A_1485 = arith.constant 0 : i32
      %dma_wait3A_1486 = arith.constant 0 : i32
      %dma_wait3A_1487 = tpu.memref_slice %arg5[%dma_wait3A_1485, %dma_wait3A_1486] : memref<32x1000000xf32, #tpu.memory_space<hbm>> -> memref<32x128xf32, #tpu.memory_space<hbm>>
      %dma_wait3A_1488 = arith.constant 0 : i32
      %dma_wait3A_1489 = arith.constant 0 : i32
      %dma_wait3A_1490 = tpu.memref_slice %arg10[%dma_wait3A_1480, %dma_wait3A_1488, %dma_wait3A_1489] : memref<8x32x128xf32, #tpu.memory_space<vmem>> -> memref<1x32x128xf32, #tpu.memory_space<vmem>>
      %dma_wait3A_1491 = tpu.memref_squeeze %dma_wait3A_1490 : memref<1x32x128xf32, #tpu.memory_space<vmem>> -> memref<32x128xf32, #tpu.memory_space<vmem>>
      %dma_wait3A_1492 = arith.constant 0 : i32
      %dma_wait3A_1493 = arith.constant 0 : i32
      %dma_wait3A_1494 = tpu.memref_slice %arg5[%dma_wait3A_1492, %dma_wait3A_1493] : memref<32x1000000xf32, #tpu.memory_space<hbm>> -> memref<32x128xf32, #tpu.memory_space<hbm>>
      tpu.wait_dma2 semaphore(%arg15 : memref<!tpu.dma_semaphore, #tpu.memory_space<semaphore_mem>>) src(%dma_wait3A_1494 : memref<32x128xf32, #tpu.memory_space<hbm>>) dst(%dma_wait3A_1491 : memref<32x128xf32, #tpu.memory_space<vmem>>)
      %slice3A_1495 = vector.extract_strided_slice %get3A_703 {offsets = [4], sizes = [1], strides = [1]} : vector<16xi32> to vector<1xi32>
      %squeeze3A_1496 = vector.extract %slice3A_1495[0] : i32 from vector<1xi32>
      %ge3A_1497 = arith.constant 999936 : i32
      %ge3A_1498 = arith.cmpi sge, %squeeze3A_1496, %ge3A_1497 : i32
      %and3A_1499 = arith.constant 127 : i32
      %and3A_1500 = arith.andi %squeeze3A_1496, %and3A_1499 : i32
      %sub3A_1501 = arith.constant 999936 : i32
      %sub3A_1502 = arith.subi %squeeze3A_1496, %sub3A_1501 : i32
      %min3A_1503 = arith.constant 63 : i32
      %min3A_1504 = arith.minsi %sub3A_1502, %min3A_1503 : i32
      %broadcast_in_dim3A_1505 = vector.broadcast %and3A_1500 : i32 to vector<16xi32>
      %max3A_1506 = arith.constant 0 : i32
      %max3A_1507 = arith.maxsi %min3A_1504, %max3A_1506 : i32
      %broadcast_in_dim3A_1508 = vector.broadcast %max3A_1507 : i32 to vector<16xi32>
      %gather3A_1509 = arith.constant 4 : i32
      %gather3A_1510 = arith.constant 0 : i32
      %gather3A_1511 = arith.constant 0 : i32
      %gather3A_1512 = tpu.memref_slice %arg9[%gather3A_1509, %gather3A_1510, %gather3A_1511] : memref<8x32x128xf32, #tpu.memory_space<vmem>> -> memref<1x32x128xf32, #tpu.memory_space<vmem>>
      %gather3A_1513 = tpu.memref_squeeze %gather3A_1512 : memref<1x32x128xf32, #tpu.memory_space<vmem>> -> memref<32x128xf32, #tpu.memory_space<vmem>>
      %gather3A_1514 = tpu.vector_load_idx %gather3A_1513[%iota3A, %broadcast_in_dim3A_1505] : memref<32x128xf32, #tpu.memory_space<vmem>>[vector<16xi32>, vector<16xi32>], vector<16xf32>,
      %add3A_1515 = arith.constant 16 : i32
      %add3A_1516 = vector.broadcast %add3A_1515 : i32 to vector<16xi32>
      %add3A_1517 = arith.addi %iota3A, %add3A_1516 : vector<16xi32>
      %gather3A_1518 = arith.constant 4 : i32
      %gather3A_1519 = arith.constant 0 : i32
      %gather3A_1520 = arith.constant 0 : i32
      %gather3A_1521 = tpu.memref_slice %arg9[%gather3A_1518, %gather3A_1519, %gather3A_1520] : memref<8x32x128xf32, #tpu.memory_space<vmem>> -> memref<1x32x128xf32, #tpu.memory_space<vmem>>
      %gather3A_1522 = tpu.memref_squeeze %gather3A_1521 : memref<1x32x128xf32, #tpu.memory_space<vmem>> -> memref<32x128xf32, #tpu.memory_space<vmem>>
      %gather3A_1523 = tpu.vector_load_idx %gather3A_1522[%add3A_1517, %broadcast_in_dim3A_1505] : memref<32x128xf32, #tpu.memory_space<vmem>>[vector<16xi32>, vector<16xi32>], vector<16xf32>,
      %gather3A_1524 = tpu.vector_load_idx %arg11[%iota3A, %broadcast_in_dim3A_1508] : memref<32x64xf32, #tpu.memory_space<vmem>>[vector<16xi32>, vector<16xi32>], vector<16xf32>,
      %add3A_1525 = arith.constant 16 : i32
      %add3A_1526 = vector.broadcast %add3A_1525 : i32 to vector<16xi32>
      %add3A_1527 = arith.addi %iota3A, %add3A_1526 : vector<16xi32>
      %gather3A_1528 = tpu.vector_load_idx %arg11[%add3A_1527, %broadcast_in_dim3A_1508] : memref<32x64xf32, #tpu.memory_space<vmem>>[vector<16xi32>, vector<16xi32>], vector<16xf32>,
      %select_n3A_1529 = arith.select %ge3A_1498, %gather3A_1524, %gather3A_1514 : vector<16xf32>
      %select_n3A_1530 = arith.select %ge3A_1498, %gather3A_1528, %gather3A_1523 : vector<16xf32>
      %slice3A_1531 = vector.extract_strided_slice %get3A_706 {offsets = [4], sizes = [1], strides = [1]} : vector<16xi32> to vector<1xi32>
      %squeeze3A_1532 = vector.extract %slice3A_1531[0] : i32 from vector<1xi32>
      %ge3A_1533 = arith.constant 999936 : i32
      %ge3A_1534 = arith.cmpi sge, %squeeze3A_1532, %ge3A_1533 : i32
      %and3A_1535 = arith.constant 127 : i32
      %and3A_1536 = arith.andi %squeeze3A_1532, %and3A_1535 : i32
      %sub3A_1537 = arith.constant 999936 : i32
      %sub3A_1538 = arith.subi %squeeze3A_1532, %sub3A_1537 : i32
      %min3A_1539 = arith.constant 63 : i32
      %min3A_1540 = arith.minsi %sub3A_1538, %min3A_1539 : i32
      %broadcast_in_dim3A_1541 = vector.broadcast %and3A_1536 : i32 to vector<16xi32>
      %max3A_1542 = arith.constant 0 : i32
      %max3A_1543 = arith.maxsi %min3A_1540, %max3A_1542 : i32
      %broadcast_in_dim3A_1544 = vector.broadcast %max3A_1543 : i32 to vector<16xi32>
      %gather3A_1545 = arith.constant 4 : i32
      %gather3A_1546 = arith.constant 0 : i32
      %gather3A_1547 = arith.constant 0 : i32
      %gather3A_1548 = tpu.memref_slice %arg10[%gather3A_1545, %gather3A_1546, %gather3A_1547] : memref<8x32x128xf32, #tpu.memory_space<vmem>> -> memref<1x32x128xf32, #tpu.memory_space<vmem>>
      %gather3A_1549 = tpu.memref_squeeze %gather3A_1548 : memref<1x32x128xf32, #tpu.memory_space<vmem>> -> memref<32x128xf32, #tpu.memory_space<vmem>>
      %gather3A_1550 = tpu.vector_load_idx %gather3A_1549[%iota3A, %broadcast_in_dim3A_1541] : memref<32x128xf32, #tpu.memory_space<vmem>>[vector<16xi32>, vector<16xi32>], vector<16xf32>,
      %add3A_1551 = arith.constant 16 : i32
      %add3A_1552 = vector.broadcast %add3A_1551 : i32 to vector<16xi32>
      %add3A_1553 = arith.addi %iota3A, %add3A_1552 : vector<16xi32>
      %gather3A_1554 = arith.constant 4 : i32
      %gather3A_1555 = arith.constant 0 : i32
      %gather3A_1556 = arith.constant 0 : i32
      %gather3A_1557 = tpu.memref_slice %arg10[%gather3A_1554, %gather3A_1555, %gather3A_1556] : memref<8x32x128xf32, #tpu.memory_space<vmem>> -> memref<1x32x128xf32, #tpu.memory_space<vmem>>
      %gather3A_1558 = tpu.memref_squeeze %gather3A_1557 : memref<1x32x128xf32, #tpu.memory_space<vmem>> -> memref<32x128xf32, #tpu.memory_space<vmem>>
      %gather3A_1559 = tpu.vector_load_idx %gather3A_1558[%add3A_1553, %broadcast_in_dim3A_1541] : memref<32x128xf32, #tpu.memory_space<vmem>>[vector<16xi32>, vector<16xi32>], vector<16xf32>,
      %gather3A_1560 = tpu.vector_load_idx %arg12[%iota3A, %broadcast_in_dim3A_1544] : memref<32x64xf32, #tpu.memory_space<vmem>>[vector<16xi32>, vector<16xi32>], vector<16xf32>,
      %add3A_1561 = arith.constant 16 : i32
      %add3A_1562 = vector.broadcast %add3A_1561 : i32 to vector<16xi32>
      %add3A_1563 = arith.addi %iota3A, %add3A_1562 : vector<16xi32>
      %gather3A_1564 = tpu.vector_load_idx %arg12[%add3A_1563, %broadcast_in_dim3A_1544] : memref<32x64xf32, #tpu.memory_space<vmem>>[vector<16xi32>, vector<16xi32>], vector<16xf32>,
      %select_n3A_1565 = arith.select %ge3A_1534, %gather3A_1560, %gather3A_1550 : vector<16xf32>
      %select_n3A_1566 = arith.select %ge3A_1534, %gather3A_1564, %gather3A_1559 : vector<16xf32>
      %mul3A_1567 = arith.mulf %select_n3A_1529, %select_n3A_1565 : vector<16xf32>
      %mul3A_1568 = arith.mulf %select_n3A_1530, %select_n3A_1566 : vector<16xf32>
      %add3A_1569 = arith.addf %mul3A_1567, %mul3A_1568 : vector<16xf32>
      %mul3A_1570 = arith.constant 17 : i32
      %mul3A_1571 = vector.broadcast %mul3A_1570 : i32 to vector<16xi32>
      %mul3A_1572 = arith.muli %iota3A, %mul3A_1571 : vector<16xi32>
      %add3A_1573 = arith.constant 4 : i32
      %add3A_1574 = vector.broadcast %add3A_1573 : i32 to vector<16xi32>
      %add3A_1575 = arith.addi %mul3A_1572, %add3A_1574 : vector<16xi32>
      tpu.vector_store_idx %arg14[%add3A_1575], %add3A_1569 : memref<272xf32, #tpu.memory_space<vmem>>[vector<16xi32>], vector<16xf32>,
      %slice3A_1576 = vector.extract_strided_slice %get3A_703 {offsets = [5], sizes = [1], strides = [1]} : vector<16xi32> to vector<1xi32>
      %squeeze3A_1577 = vector.extract %slice3A_1576[0] : i32 from vector<1xi32>
      %ge3A_1578 = arith.constant 999936 : i32
      %ge3A_1579 = arith.cmpi sge, %squeeze3A_1577, %ge3A_1578 : i32
      %and3A_1580 = arith.constant 127 : i32
      %and3A_1581 = arith.andi %squeeze3A_1577, %and3A_1580 : i32
      %sub3A_1582 = arith.constant 999936 : i32
      %sub3A_1583 = arith.subi %squeeze3A_1577, %sub3A_1582 : i32
      %min3A_1584 = arith.constant 63 : i32
      %min3A_1585 = arith.minsi %sub3A_1583, %min3A_1584 : i32
      %broadcast_in_dim3A_1586 = vector.broadcast %and3A_1581 : i32 to vector<16xi32>
      %max3A_1587 = arith.constant 0 : i32
      %max3A_1588 = arith.maxsi %min3A_1585, %max3A_1587 : i32
      %broadcast_in_dim3A_1589 = vector.broadcast %max3A_1588 : i32 to vector<16xi32>
      %gather3A_1590 = arith.constant 5 : i32
      %gather3A_1591 = arith.constant 0 : i32
      %gather3A_1592 = arith.constant 0 : i32
      %gather3A_1593 = tpu.memref_slice %arg9[%gather3A_1590, %gather3A_1591, %gather3A_1592] : memref<8x32x128xf32, #tpu.memory_space<vmem>> -> memref<1x32x128xf32, #tpu.memory_space<vmem>>
      %gather3A_1594 = tpu.memref_squeeze %gather3A_1593 : memref<1x32x128xf32, #tpu.memory_space<vmem>> -> memref<32x128xf32, #tpu.memory_space<vmem>>
      %gather3A_1595 = tpu.vector_load_idx %gather3A_1594[%iota3A, %broadcast_in_dim3A_1586] : memref<32x128xf32, #tpu.memory_space<vmem>>[vector<16xi32>, vector<16xi32>], vector<16xf32>,
      %add3A_1596 = arith.constant 16 : i32
      %add3A_1597 = vector.broadcast %add3A_1596 : i32 to vector<16xi32>
      %add3A_1598 = arith.addi %iota3A, %add3A_1597 : vector<16xi32>
      %gather3A_1599 = arith.constant 5 : i32
      %gather3A_1600 = arith.constant 0 : i32
      %gather3A_1601 = arith.constant 0 : i32
      %gather3A_1602 = tpu.memref_slice %arg9[%gather3A_1599, %gather3A_1600, %gather3A_1601] : memref<8x32x128xf32, #tpu.memory_space<vmem>> -> memref<1x32x128xf32, #tpu.memory_space<vmem>>
      %gather3A_1603 = tpu.memref_squeeze %gather3A_1602 : memref<1x32x128xf32, #tpu.memory_space<vmem>> -> memref<32x128xf32, #tpu.memory_space<vmem>>
      %gather3A_1604 = tpu.vector_load_idx %gather3A_1603[%add3A_1598, %broadcast_in_dim3A_1586] : memref<32x128xf32, #tpu.memory_space<vmem>>[vector<16xi32>, vector<16xi32>], vector<16xf32>,
      %gather3A_1605 = tpu.vector_load_idx %arg11[%iota3A, %broadcast_in_dim3A_1589] : memref<32x64xf32, #tpu.memory_space<vmem>>[vector<16xi32>, vector<16xi32>], vector<16xf32>,
      %add3A_1606 = arith.constant 16 : i32
      %add3A_1607 = vector.broadcast %add3A_1606 : i32 to vector<16xi32>
      %add3A_1608 = arith.addi %iota3A, %add3A_1607 : vector<16xi32>
      %gather3A_1609 = tpu.vector_load_idx %arg11[%add3A_1608, %broadcast_in_dim3A_1589] : memref<32x64xf32, #tpu.memory_space<vmem>>[vector<16xi32>, vector<16xi32>], vector<16xf32>,
      %select_n3A_1610 = arith.select %ge3A_1579, %gather3A_1605, %gather3A_1595 : vector<16xf32>
      %select_n3A_1611 = arith.select %ge3A_1579, %gather3A_1609, %gather3A_1604 : vector<16xf32>
      %slice3A_1612 = vector.extract_strided_slice %get3A_706 {offsets = [5], sizes = [1], strides = [1]} : vector<16xi32> to vector<1xi32>
      %squeeze3A_1613 = vector.extract %slice3A_1612[0] : i32 from vector<1xi32>
      %ge3A_1614 = arith.constant 999936 : i32
      %ge3A_1615 = arith.cmpi sge, %squeeze3A_1613, %ge3A_1614 : i32
      %and3A_1616 = arith.constant 127 : i32
      %and3A_1617 = arith.andi %squeeze3A_1613, %and3A_1616 : i32
      %sub3A_1618 = arith.constant 999936 : i32
      %sub3A_1619 = arith.subi %squeeze3A_1613, %sub3A_1618 : i32
      %min3A_1620 = arith.constant 63 : i32
      %min3A_1621 = arith.minsi %sub3A_1619, %min3A_1620 : i32
      %broadcast_in_dim3A_1622 = vector.broadcast %and3A_1617 : i32 to vector<16xi32>
      %max3A_1623 = arith.constant 0 : i32
      %max3A_1624 = arith.maxsi %min3A_1621, %max3A_1623 : i32
      %broadcast_in_dim3A_1625 = vector.broadcast %max3A_1624 : i32 to vector<16xi32>
      %gather3A_1626 = arith.constant 5 : i32
      %gather3A_1627 = arith.constant 0 : i32
      %gather3A_1628 = arith.constant 0 : i32
      %gather3A_1629 = tpu.memref_slice %arg10[%gather3A_1626, %gather3A_1627, %gather3A_1628] : memref<8x32x128xf32, #tpu.memory_space<vmem>> -> memref<1x32x128xf32, #tpu.memory_space<vmem>>
      %gather3A_1630 = tpu.memref_squeeze %gather3A_1629 : memref<1x32x128xf32, #tpu.memory_space<vmem>> -> memref<32x128xf32, #tpu.memory_space<vmem>>
      %gather3A_1631 = tpu.vector_load_idx %gather3A_1630[%iota3A, %broadcast_in_dim3A_1622] : memref<32x128xf32, #tpu.memory_space<vmem>>[vector<16xi32>, vector<16xi32>], vector<16xf32>,
      %add3A_1632 = arith.constant 16 : i32
      %add3A_1633 = vector.broadcast %add3A_1632 : i32 to vector<16xi32>
      %add3A_1634 = arith.addi %iota3A, %add3A_1633 : vector<16xi32>
      %gather3A_1635 = arith.constant 5 : i32
      %gather3A_1636 = arith.constant 0 : i32
      %gather3A_1637 = arith.constant 0 : i32
      %gather3A_1638 = tpu.memref_slice %arg10[%gather3A_1635, %gather3A_1636, %gather3A_1637] : memref<8x32x128xf32, #tpu.memory_space<vmem>> -> memref<1x32x128xf32, #tpu.memory_space<vmem>>
      %gather3A_1639 = tpu.memref_squeeze %gather3A_1638 : memref<1x32x128xf32, #tpu.memory_space<vmem>> -> memref<32x128xf32, #tpu.memory_space<vmem>>
      %gather3A_1640 = tpu.vector_load_idx %gather3A_1639[%add3A_1634, %broadcast_in_dim3A_1622] : memref<32x128xf32, #tpu.memory_space<vmem>>[vector<16xi32>, vector<16xi32>], vector<16xf32>,
      %gather3A_1641 = tpu.vector_load_idx %arg12[%iota3A, %broadcast_in_dim3A_1625] : memref<32x64xf32, #tpu.memory_space<vmem>>[vector<16xi32>, vector<16xi32>], vector<16xf32>,
      %add3A_1642 = arith.constant 16 : i32
      %add3A_1643 = vector.broadcast %add3A_1642 : i32 to vector<16xi32>
      %add3A_1644 = arith.addi %iota3A, %add3A_1643 : vector<16xi32>
      %gather3A_1645 = tpu.vector_load_idx %arg12[%add3A_1644, %broadcast_in_dim3A_1625] : memref<32x64xf32, #tpu.memory_space<vmem>>[vector<16xi32>, vector<16xi32>], vector<16xf32>,
      %select_n3A_1646 = arith.select %ge3A_1615, %gather3A_1641, %gather3A_1631 : vector<16xf32>
      %select_n3A_1647 = arith.select %ge3A_1615, %gather3A_1645, %gather3A_1640 : vector<16xf32>
      %mul3A_1648 = arith.mulf %select_n3A_1610, %select_n3A_1646 : vector<16xf32>
      %mul3A_1649 = arith.mulf %select_n3A_1611, %select_n3A_1647 : vector<16xf32>
      %add3A_1650 = arith.addf %mul3A_1648, %mul3A_1649 : vector<16xf32>
      %mul3A_1651 = arith.constant 17 : i32
      %mul3A_1652 = vector.broadcast %mul3A_1651 : i32 to vector<16xi32>
      %mul3A_1653 = arith.muli %iota3A, %mul3A_1652 : vector<16xi32>
      %add3A_1654 = arith.constant 5 : i32
      %add3A_1655 = vector.broadcast %add3A_1654 : i32 to vector<16xi32>
      %add3A_1656 = arith.addi %mul3A_1653, %add3A_1655 : vector<16xi32>
      tpu.vector_store_idx %arg14[%add3A_1656], %add3A_1650 : memref<272xf32, #tpu.memory_space<vmem>>[vector<16xi32>], vector<16xf32>,
      %slice3A_1657 = vector.extract_strided_slice %get3A_703 {offsets = [6], sizes = [1], strides = [1]} : vector<16xi32> to vector<1xi32>
      %squeeze3A_1658 = vector.extract %slice3A_1657[0] : i32 from vector<1xi32>
      %ge3A_1659 = arith.constant 999936 : i32
      %ge3A_1660 = arith.cmpi sge, %squeeze3A_1658, %ge3A_1659 : i32
      %and3A_1661 = arith.constant 127 : i32
      %and3A_1662 = arith.andi %squeeze3A_1658, %and3A_1661 : i32
      %sub3A_1663 = arith.constant 999936 : i32
      %sub3A_1664 = arith.subi %squeeze3A_1658, %sub3A_1663 : i32
      %min3A_1665 = arith.constant 63 : i32
      %min3A_1666 = arith.minsi %sub3A_1664, %min3A_1665 : i32
      %broadcast_in_dim3A_1667 = vector.broadcast %and3A_1662 : i32 to vector<16xi32>
      %max3A_1668 = arith.constant 0 : i32
      %max3A_1669 = arith.maxsi %min3A_1666, %max3A_1668 : i32
      %broadcast_in_dim3A_1670 = vector.broadcast %max3A_1669 : i32 to vector<16xi32>
      %gather3A_1671 = arith.constant 6 : i32
      %gather3A_1672 = arith.constant 0 : i32
      %gather3A_1673 = arith.constant 0 : i32
      %gather3A_1674 = tpu.memref_slice %arg9[%gather3A_1671, %gather3A_1672, %gather3A_1673] : memref<8x32x128xf32, #tpu.memory_space<vmem>> -> memref<1x32x128xf32, #tpu.memory_space<vmem>>
      %gather3A_1675 = tpu.memref_squeeze %gather3A_1674 : memref<1x32x128xf32, #tpu.memory_space<vmem>> -> memref<32x128xf32, #tpu.memory_space<vmem>>
      %gather3A_1676 = tpu.vector_load_idx %gather3A_1675[%iota3A, %broadcast_in_dim3A_1667] : memref<32x128xf32, #tpu.memory_space<vmem>>[vector<16xi32>, vector<16xi32>], vector<16xf32>,
      %add3A_1677 = arith.constant 16 : i32
      %add3A_1678 = vector.broadcast %add3A_1677 : i32 to vector<16xi32>
      %add3A_1679 = arith.addi %iota3A, %add3A_1678 : vector<16xi32>
      %gather3A_1680 = arith.constant 6 : i32
      %gather3A_1681 = arith.constant 0 : i32
      %gather3A_1682 = arith.constant 0 : i32
      %gather3A_1683 = tpu.memref_slice %arg9[%gather3A_1680, %gather3A_1681, %gather3A_1682] : memref<8x32x128xf32, #tpu.memory_space<vmem>> -> memref<1x32x128xf32, #tpu.memory_space<vmem>>
      %gather3A_1684 = tpu.memref_squeeze %gather3A_1683 : memref<1x32x128xf32, #tpu.memory_space<vmem>> -> memref<32x128xf32, #tpu.memory_space<vmem>>
      %gather3A_1685 = tpu.vector_load_idx %gather3A_1684[%add3A_1679, %broadcast_in_dim3A_1667] : memref<32x128xf32, #tpu.memory_space<vmem>>[vector<16xi32>, vector<16xi32>], vector<16xf32>,
      %gather3A_1686 = tpu.vector_load_idx %arg11[%iota3A, %broadcast_in_dim3A_1670] : memref<32x64xf32, #tpu.memory_space<vmem>>[vector<16xi32>, vector<16xi32>], vector<16xf32>,
      %add3A_1687 = arith.constant 16 : i32
      %add3A_1688 = vector.broadcast %add3A_1687 : i32 to vector<16xi32>
      %add3A_1689 = arith.addi %iota3A, %add3A_1688 : vector<16xi32>
      %gather3A_1690 = tpu.vector_load_idx %arg11[%add3A_1689, %broadcast_in_dim3A_1670] : memref<32x64xf32, #tpu.memory_space<vmem>>[vector<16xi32>, vector<16xi32>], vector<16xf32>,
      %select_n3A_1691 = arith.select %ge3A_1660, %gather3A_1686, %gather3A_1676 : vector<16xf32>
      %select_n3A_1692 = arith.select %ge3A_1660, %gather3A_1690, %gather3A_1685 : vector<16xf32>
      %slice3A_1693 = vector.extract_strided_slice %get3A_706 {offsets = [6], sizes = [1], strides = [1]} : vector<16xi32> to vector<1xi32>
      %squeeze3A_1694 = vector.extract %slice3A_1693[0] : i32 from vector<1xi32>
      %ge3A_1695 = arith.constant 999936 : i32
      %ge3A_1696 = arith.cmpi sge, %squeeze3A_1694, %ge3A_1695 : i32
      %and3A_1697 = arith.constant 127 : i32
      %and3A_1698 = arith.andi %squeeze3A_1694, %and3A_1697 : i32
      %sub3A_1699 = arith.constant 999936 : i32
      %sub3A_1700 = arith.subi %squeeze3A_1694, %sub3A_1699 : i32
      %min3A_1701 = arith.constant 63 : i32
      %min3A_1702 = arith.minsi %sub3A_1700, %min3A_1701 : i32
      %broadcast_in_dim3A_1703 = vector.broadcast %and3A_1698 : i32 to vector<16xi32>
      %max3A_1704 = arith.constant 0 : i32
      %max3A_1705 = arith.maxsi %min3A_1702, %max3A_1704 : i32
      %broadcast_in_dim3A_1706 = vector.broadcast %max3A_1705 : i32 to vector<16xi32>
      %gather3A_1707 = arith.constant 6 : i32
      %gather3A_1708 = arith.constant 0 : i32
      %gather3A_1709 = arith.constant 0 : i32
      %gather3A_1710 = tpu.memref_slice %arg10[%gather3A_1707, %gather3A_1708, %gather3A_1709] : memref<8x32x128xf32, #tpu.memory_space<vmem>> -> memref<1x32x128xf32, #tpu.memory_space<vmem>>
      %gather3A_1711 = tpu.memref_squeeze %gather3A_1710 : memref<1x32x128xf32, #tpu.memory_space<vmem>> -> memref<32x128xf32, #tpu.memory_space<vmem>>
      %gather3A_1712 = tpu.vector_load_idx %gather3A_1711[%iota3A, %broadcast_in_dim3A_1703] : memref<32x128xf32, #tpu.memory_space<vmem>>[vector<16xi32>, vector<16xi32>], vector<16xf32>,
      %add3A_1713 = arith.constant 16 : i32
      %add3A_1714 = vector.broadcast %add3A_1713 : i32 to vector<16xi32>
      %add3A_1715 = arith.addi %iota3A, %add3A_1714 : vector<16xi32>
      %gather3A_1716 = arith.constant 6 : i32
      %gather3A_1717 = arith.constant 0 : i32
      %gather3A_1718 = arith.constant 0 : i32
      %gather3A_1719 = tpu.memref_slice %arg10[%gather3A_1716, %gather3A_1717, %gather3A_1718] : memref<8x32x128xf32, #tpu.memory_space<vmem>> -> memref<1x32x128xf32, #tpu.memory_space<vmem>>
      %gather3A_1720 = tpu.memref_squeeze %gather3A_1719 : memref<1x32x128xf32, #tpu.memory_space<vmem>> -> memref<32x128xf32, #tpu.memory_space<vmem>>
      %gather3A_1721 = tpu.vector_load_idx %gather3A_1720[%add3A_1715, %broadcast_in_dim3A_1703] : memref<32x128xf32, #tpu.memory_space<vmem>>[vector<16xi32>, vector<16xi32>], vector<16xf32>,
      %gather3A_1722 = tpu.vector_load_idx %arg12[%iota3A, %broadcast_in_dim3A_1706] : memref<32x64xf32, #tpu.memory_space<vmem>>[vector<16xi32>, vector<16xi32>], vector<16xf32>,
      %add3A_1723 = arith.constant 16 : i32
      %add3A_1724 = vector.broadcast %add3A_1723 : i32 to vector<16xi32>
      %add3A_1725 = arith.addi %iota3A, %add3A_1724 : vector<16xi32>
      %gather3A_1726 = tpu.vector_load_idx %arg12[%add3A_1725, %broadcast_in_dim3A_1706] : memref<32x64xf32, #tpu.memory_space<vmem>>[vector<16xi32>, vector<16xi32>], vector<16xf32>,
      %select_n3A_1727 = arith.select %ge3A_1696, %gather3A_1722, %gather3A_1712 : vector<16xf32>
      %select_n3A_1728 = arith.select %ge3A_1696, %gather3A_1726, %gather3A_1721 : vector<16xf32>
      %mul3A_1729 = arith.mulf %select_n3A_1691, %select_n3A_1727 : vector<16xf32>
      %mul3A_1730 = arith.mulf %select_n3A_1692, %select_n3A_1728 : vector<16xf32>
      %add3A_1731 = arith.addf %mul3A_1729, %mul3A_1730 : vector<16xf32>
      %mul3A_1732 = arith.constant 17 : i32
      %mul3A_1733 = vector.broadcast %mul3A_1732 : i32 to vector<16xi32>
      %mul3A_1734 = arith.muli %iota3A, %mul3A_1733 : vector<16xi32>
      %add3A_1735 = arith.constant 6 : i32
      %add3A_1736 = vector.broadcast %add3A_1735 : i32 to vector<16xi32>
      %add3A_1737 = arith.addi %mul3A_1734, %add3A_1736 : vector<16xi32>
      tpu.vector_store_idx %arg14[%add3A_1737], %add3A_1731 : memref<272xf32, #tpu.memory_space<vmem>>[vector<16xi32>], vector<16xf32>,
      %slice3A_1738 = vector.extract_strided_slice %get3A_703 {offsets = [7], sizes = [1], strides = [1]} : vector<16xi32> to vector<1xi32>
      %squeeze3A_1739 = vector.extract %slice3A_1738[0] : i32 from vector<1xi32>
      %ge3A_1740 = arith.constant 999936 : i32
      %ge3A_1741 = arith.cmpi sge, %squeeze3A_1739, %ge3A_1740 : i32
      %and3A_1742 = arith.constant 127 : i32
      %and3A_1743 = arith.andi %squeeze3A_1739, %and3A_1742 : i32
      %sub3A_1744 = arith.constant 999936 : i32
      %sub3A_1745 = arith.subi %squeeze3A_1739, %sub3A_1744 : i32
      %min3A_1746 = arith.constant 63 : i32
      %min3A_1747 = arith.minsi %sub3A_1745, %min3A_1746 : i32
      %broadcast_in_dim3A_1748 = vector.broadcast %and3A_1743 : i32 to vector<16xi32>
      %max3A_1749 = arith.constant 0 : i32
      %max3A_1750 = arith.maxsi %min3A_1747, %max3A_1749 : i32
      %broadcast_in_dim3A_1751 = vector.broadcast %max3A_1750 : i32 to vector<16xi32>
      %gather3A_1752 = arith.constant 7 : i32
      %gather3A_1753 = arith.constant 0 : i32
      %gather3A_1754 = arith.constant 0 : i32
      %gather3A_1755 = tpu.memref_slice %arg9[%gather3A_1752, %gather3A_1753, %gather3A_1754] : memref<8x32x128xf32, #tpu.memory_space<vmem>> -> memref<1x32x128xf32, #tpu.memory_space<vmem>>
      %gather3A_1756 = tpu.memref_squeeze %gather3A_1755 : memref<1x32x128xf32, #tpu.memory_space<vmem>> -> memref<32x128xf32, #tpu.memory_space<vmem>>
      %gather3A_1757 = tpu.vector_load_idx %gather3A_1756[%iota3A, %broadcast_in_dim3A_1748] : memref<32x128xf32, #tpu.memory_space<vmem>>[vector<16xi32>, vector<16xi32>], vector<16xf32>,
      %add3A_1758 = arith.constant 16 : i32
      %add3A_1759 = vector.broadcast %add3A_1758 : i32 to vector<16xi32>
      %add3A_1760 = arith.addi %iota3A, %add3A_1759 : vector<16xi32>
      %gather3A_1761 = arith.constant 7 : i32
      %gather3A_1762 = arith.constant 0 : i32
      %gather3A_1763 = arith.constant 0 : i32
      %gather3A_1764 = tpu.memref_slice %arg9[%gather3A_1761, %gather3A_1762, %gather3A_1763] : memref<8x32x128xf32, #tpu.memory_space<vmem>> -> memref<1x32x128xf32, #tpu.memory_space<vmem>>
      %gather3A_1765 = tpu.memref_squeeze %gather3A_1764 : memref<1x32x128xf32, #tpu.memory_space<vmem>> -> memref<32x128xf32, #tpu.memory_space<vmem>>
      %gather3A_1766 = tpu.vector_load_idx %gather3A_1765[%add3A_1760, %broadcast_in_dim3A_1748] : memref<32x128xf32, #tpu.memory_space<vmem>>[vector<16xi32>, vector<16xi32>], vector<16xf32>,
      %gather3A_1767 = tpu.vector_load_idx %arg11[%iota3A, %broadcast_in_dim3A_1751] : memref<32x64xf32, #tpu.memory_space<vmem>>[vector<16xi32>, vector<16xi32>], vector<16xf32>,
      %add3A_1768 = arith.constant 16 : i32
      %add3A_1769 = vector.broadcast %add3A_1768 : i32 to vector<16xi32>
      %add3A_1770 = arith.addi %iota3A, %add3A_1769 : vector<16xi32>
      %gather3A_1771 = tpu.vector_load_idx %arg11[%add3A_1770, %broadcast_in_dim3A_1751] : memref<32x64xf32, #tpu.memory_space<vmem>>[vector<16xi32>, vector<16xi32>], vector<16xf32>,
      %select_n3A_1772 = arith.select %ge3A_1741, %gather3A_1767, %gather3A_1757 : vector<16xf32>
      %select_n3A_1773 = arith.select %ge3A_1741, %gather3A_1771, %gather3A_1766 : vector<16xf32>
      %slice3A_1774 = vector.extract_strided_slice %get3A_706 {offsets = [7], sizes = [1], strides = [1]} : vector<16xi32> to vector<1xi32>
      %squeeze3A_1775 = vector.extract %slice3A_1774[0] : i32 from vector<1xi32>
      %ge3A_1776 = arith.constant 999936 : i32
      %ge3A_1777 = arith.cmpi sge, %squeeze3A_1775, %ge3A_1776 : i32
      %and3A_1778 = arith.constant 127 : i32
      %and3A_1779 = arith.andi %squeeze3A_1775, %and3A_1778 : i32
      %sub3A_1780 = arith.constant 999936 : i32
      %sub3A_1781 = arith.subi %squeeze3A_1775, %sub3A_1780 : i32
      %min3A_1782 = arith.constant 63 : i32
      %min3A_1783 = arith.minsi %sub3A_1781, %min3A_1782 : i32
      %broadcast_in_dim3A_1784 = vector.broadcast %and3A_1779 : i32 to vector<16xi32>
      %max3A_1785 = arith.constant 0 : i32
      %max3A_1786 = arith.maxsi %min3A_1783, %max3A_1785 : i32
      %broadcast_in_dim3A_1787 = vector.broadcast %max3A_1786 : i32 to vector<16xi32>
      %gather3A_1788 = arith.constant 7 : i32
      %gather3A_1789 = arith.constant 0 : i32
      %gather3A_1790 = arith.constant 0 : i32
      %gather3A_1791 = tpu.memref_slice %arg10[%gather3A_1788, %gather3A_1789, %gather3A_1790] : memref<8x32x128xf32, #tpu.memory_space<vmem>> -> memref<1x32x128xf32, #tpu.memory_space<vmem>>
      %gather3A_1792 = tpu.memref_squeeze %gather3A_1791 : memref<1x32x128xf32, #tpu.memory_space<vmem>> -> memref<32x128xf32, #tpu.memory_space<vmem>>
      %gather3A_1793 = tpu.vector_load_idx %gather3A_1792[%iota3A, %broadcast_in_dim3A_1784] : memref<32x128xf32, #tpu.memory_space<vmem>>[vector<16xi32>, vector<16xi32>], vector<16xf32>,
      %add3A_1794 = arith.constant 16 : i32
      %add3A_1795 = vector.broadcast %add3A_1794 : i32 to vector<16xi32>
      %add3A_1796 = arith.addi %iota3A, %add3A_1795 : vector<16xi32>
      %gather3A_1797 = arith.constant 7 : i32
      %gather3A_1798 = arith.constant 0 : i32
      %gather3A_1799 = arith.constant 0 : i32
      %gather3A_1800 = tpu.memref_slice %arg10[%gather3A_1797, %gather3A_1798, %gather3A_1799] : memref<8x32x128xf32, #tpu.memory_space<vmem>> -> memref<1x32x128xf32, #tpu.memory_space<vmem>>
      %gather3A_1801 = tpu.memref_squeeze %gather3A_1800 : memref<1x32x128xf32, #tpu.memory_space<vmem>> -> memref<32x128xf32, #tpu.memory_space<vmem>>
      %gather3A_1802 = tpu.vector_load_idx %gather3A_1801[%add3A_1796, %broadcast_in_dim3A_1784] : memref<32x128xf32, #tpu.memory_space<vmem>>[vector<16xi32>, vector<16xi32>], vector<16xf32>,
      %gather3A_1803 = tpu.vector_load_idx %arg12[%iota3A, %broadcast_in_dim3A_1787] : memref<32x64xf32, #tpu.memory_space<vmem>>[vector<16xi32>, vector<16xi32>], vector<16xf32>,
      %add3A_1804 = arith.constant 16 : i32
      %add3A_1805 = vector.broadcast %add3A_1804 : i32 to vector<16xi32>
      %add3A_1806 = arith.addi %iota3A, %add3A_1805 : vector<16xi32>
      %gather3A_1807 = tpu.vector_load_idx %arg12[%add3A_1806, %broadcast_in_dim3A_1787] : memref<32x64xf32, #tpu.memory_space<vmem>>[vector<16xi32>, vector<16xi32>], vector<16xf32>,
      %select_n3A_1808 = arith.select %ge3A_1777, %gather3A_1803, %gather3A_1793 : vector<16xf32>
      %select_n3A_1809 = arith.select %ge3A_1777, %gather3A_1807, %gather3A_1802 : vector<16xf32>
      %mul3A_1810 = arith.mulf %select_n3A_1772, %select_n3A_1808 : vector<16xf32>
      %mul3A_1811 = arith.mulf %select_n3A_1773, %select_n3A_1809 : vector<16xf32>
      %add3A_1812 = arith.addf %mul3A_1810, %mul3A_1811 : vector<16xf32>
      %mul3A_1813 = arith.constant 17 : i32
      %mul3A_1814 = vector.broadcast %mul3A_1813 : i32 to vector<16xi32>
      %mul3A_1815 = arith.muli %iota3A, %mul3A_1814 : vector<16xi32>
      %add3A_1816 = arith.constant 7 : i32
      %add3A_1817 = vector.broadcast %add3A_1816 : i32 to vector<16xi32>
      %add3A_1818 = arith.addi %mul3A_1815, %add3A_1817 : vector<16xi32>
      tpu.vector_store_idx %arg14[%add3A_1818], %add3A_1812 : memref<272xf32, #tpu.memory_space<vmem>>[vector<16xi32>], vector<16xf32>,
      %slice3A_1819 = vector.extract_strided_slice %get3A_703 {offsets = [12], sizes = [1], strides = [1]} : vector<16xi32> to vector<1xi32>
      %squeeze3A_1820 = vector.extract %slice3A_1819[0] : i32 from vector<1xi32>
      %shift_right_logical3A_1821 = arith.constant 7 : i32
      %shift_right_logical3A_1822 = arith.shrui %squeeze3A_1820, %shift_right_logical3A_1821 : i32
      %min3A_1823 = arith.constant 7811 : i32
      %min3A_1824 = arith.minsi %shift_right_logical3A_1822, %min3A_1823 : i32
      %mul3A_1825 = arith.constant 128 : i32
      %mul3A_1826 = arith.muli %min3A_1824, %mul3A_1825 : i32
      %multiple_of3A_1827 = tpu.assume_multiple %mul3A_1826, 128 : i32
      %dma_start3A_1828 = arith.constant 4 : i32
      %dma_start3A_1829 = arith.constant 0 : i32
      %dma_start3A_1830 = arith.constant 0 : i32
      %dma_start3A_1831 = tpu.memref_slice %arg9[%dma_start3A_1828, %dma_start3A_1829, %dma_start3A_1830] : memref<8x32x128xf32, #tpu.memory_space<vmem>> -> memref<1x32x128xf32, #tpu.memory_space<vmem>>
      %dma_start3A_1832 = tpu.memref_squeeze %dma_start3A_1831 : memref<1x32x128xf32, #tpu.memory_space<vmem>> -> memref<32x128xf32, #tpu.memory_space<vmem>>
      %dma_start3A_1833 = arith.constant 0 : i32
      %dma_start3A_1834 = tpu.memref_slice %arg4[%dma_start3A_1833, %multiple_of3A_1827] : memref<32x1000000xf32, #tpu.memory_space<hbm>> -> memref<32x128xf32, #tpu.memory_space<hbm>>
      %dma_start3A_1835 = arith.constant 0 : i32
      %dma_start3A_1836 = arith.constant 0 : i32
      %dma_start3A_1837 = tpu.memref_slice %arg9[%dma_start3A_1828, %dma_start3A_1835, %dma_start3A_1836] : memref<8x32x128xf32, #tpu.memory_space<vmem>> -> memref<1x32x128xf32, #tpu.memory_space<vmem>>
      %dma_start3A_1838 = tpu.memref_squeeze %dma_start3A_1837 : memref<1x32x128xf32, #tpu.memory_space<vmem>> -> memref<32x128xf32, #tpu.memory_space<vmem>>
      %dma_start3A_1839 = arith.constant 0 : i32
      %dma_start3A_1840 = tpu.memref_slice %arg4[%dma_start3A_1839, %multiple_of3A_1827] : memref<32x1000000xf32, #tpu.memory_space<hbm>> -> memref<32x128xf32, #tpu.memory_space<hbm>>
      tpu.enqueue_dma source(%dma_start3A_1840 : memref<32x128xf32, #tpu.memory_space<hbm>>) target(%dma_start3A_1838 : memref<32x128xf32, #tpu.memory_space<vmem>>) target_semaphore(%arg15 : memref<!tpu.dma_semaphore, #tpu.memory_space<semaphore_mem>>)
      %slice3A_1841 = vector.extract_strided_slice %get3A_706 {offsets = [12], sizes = [1], strides = [1]} : vector<16xi32> to vector<1xi32>
      %squeeze3A_1842 = vector.extract %slice3A_1841[0] : i32 from vector<1xi32>
      %shift_right_logical3A_1843 = arith.constant 7 : i32
      %shift_right_logical3A_1844 = arith.shrui %squeeze3A_1842, %shift_right_logical3A_1843 : i32
      %min3A_1845 = arith.constant 7811 : i32
      %min3A_1846 = arith.minsi %shift_right_logical3A_1844, %min3A_1845 : i32
      %mul3A_1847 = arith.constant 128 : i32
      %mul3A_1848 = arith.muli %min3A_1846, %mul3A_1847 : i32
      %multiple_of3A_1849 = tpu.assume_multiple %mul3A_1848, 128 : i32
      %dma_start3A_1850 = arith.constant 4 : i32
      %dma_start3A_1851 = arith.constant 0 : i32
      %dma_start3A_1852 = arith.constant 0 : i32
      %dma_start3A_1853 = tpu.memref_slice %arg10[%dma_start3A_1850, %dma_start3A_1851, %dma_start3A_1852] : memref<8x32x128xf32, #tpu.memory_space<vmem>> -> memref<1x32x128xf32, #tpu.memory_space<vmem>>
      %dma_start3A_1854 = tpu.memref_squeeze %dma_start3A_1853 : memref<1x32x128xf32, #tpu.memory_space<vmem>> -> memref<32x128xf32, #tpu.memory_space<vmem>>
      %dma_start3A_1855 = arith.constant 0 : i32
      %dma_start3A_1856 = tpu.memref_slice %arg5[%dma_start3A_1855, %multiple_of3A_1849] : memref<32x1000000xf32, #tpu.memory_space<hbm>> -> memref<32x128xf32, #tpu.memory_space<hbm>>
      %dma_start3A_1857 = arith.constant 0 : i32
      %dma_start3A_1858 = arith.constant 0 : i32
      %dma_start3A_1859 = tpu.memref_slice %arg10[%dma_start3A_1850, %dma_start3A_1857, %dma_start3A_1858] : memref<8x32x128xf32, #tpu.memory_space<vmem>> -> memref<1x32x128xf32, #tpu.memory_space<vmem>>
      %dma_start3A_1860 = tpu.memref_squeeze %dma_start3A_1859 : memref<1x32x128xf32, #tpu.memory_space<vmem>> -> memref<32x128xf32, #tpu.memory_space<vmem>>
      %dma_start3A_1861 = arith.constant 0 : i32
      %dma_start3A_1862 = tpu.memref_slice %arg5[%dma_start3A_1861, %multiple_of3A_1849] : memref<32x1000000xf32, #tpu.memory_space<hbm>> -> memref<32x128xf32, #tpu.memory_space<hbm>>
      tpu.enqueue_dma source(%dma_start3A_1862 : memref<32x128xf32, #tpu.memory_space<hbm>>) target(%dma_start3A_1860 : memref<32x128xf32, #tpu.memory_space<vmem>>) target_semaphore(%arg15 : memref<!tpu.dma_semaphore, #tpu.memory_space<semaphore_mem>>)
      %slice3A_1863 = vector.extract_strided_slice %get3A_703 {offsets = [13], sizes = [1], strides = [1]} : vector<16xi32> to vector<1xi32>
      %squeeze3A_1864 = vector.extract %slice3A_1863[0] : i32 from vector<1xi32>
      %shift_right_logical3A_1865 = arith.constant 7 : i32
      %shift_right_logical3A_1866 = arith.shrui %squeeze3A_1864, %shift_right_logical3A_1865 : i32
      %min3A_1867 = arith.constant 7811 : i32
      %min3A_1868 = arith.minsi %shift_right_logical3A_1866, %min3A_1867 : i32
      %mul3A_1869 = arith.constant 128 : i32
      %mul3A_1870 = arith.muli %min3A_1868, %mul3A_1869 : i32
      %multiple_of3A_1871 = tpu.assume_multiple %mul3A_1870, 128 : i32
      %dma_start3A_1872 = arith.constant 5 : i32
      %dma_start3A_1873 = arith.constant 0 : i32
      %dma_start3A_1874 = arith.constant 0 : i32
      %dma_start3A_1875 = tpu.memref_slice %arg9[%dma_start3A_1872, %dma_start3A_1873, %dma_start3A_1874] : memref<8x32x128xf32, #tpu.memory_space<vmem>> -> memref<1x32x128xf32, #tpu.memory_space<vmem>>
      %dma_start3A_1876 = tpu.memref_squeeze %dma_start3A_1875 : memref<1x32x128xf32, #tpu.memory_space<vmem>> -> memref<32x128xf32, #tpu.memory_space<vmem>>
      %dma_start3A_1877 = arith.constant 0 : i32
      %dma_start3A_1878 = tpu.memref_slice %arg4[%dma_start3A_1877, %multiple_of3A_1871] : memref<32x1000000xf32, #tpu.memory_space<hbm>> -> memref<32x128xf32, #tpu.memory_space<hbm>>
      %dma_start3A_1879 = arith.constant 0 : i32
      %dma_start3A_1880 = arith.constant 0 : i32
      %dma_start3A_1881 = tpu.memref_slice %arg9[%dma_start3A_1872, %dma_start3A_1879, %dma_start3A_1880] : memref<8x32x128xf32, #tpu.memory_space<vmem>> -> memref<1x32x128xf32, #tpu.memory_space<vmem>>
      %dma_start3A_1882 = tpu.memref_squeeze %dma_start3A_1881 : memref<1x32x128xf32, #tpu.memory_space<vmem>> -> memref<32x128xf32, #tpu.memory_space<vmem>>
      %dma_start3A_1883 = arith.constant 0 : i32
      %dma_start3A_1884 = tpu.memref_slice %arg4[%dma_start3A_1883, %multiple_of3A_1871] : memref<32x1000000xf32, #tpu.memory_space<hbm>> -> memref<32x128xf32, #tpu.memory_space<hbm>>
      tpu.enqueue_dma source(%dma_start3A_1884 : memref<32x128xf32, #tpu.memory_space<hbm>>) target(%dma_start3A_1882 : memref<32x128xf32, #tpu.memory_space<vmem>>) target_semaphore(%arg15 : memref<!tpu.dma_semaphore, #tpu.memory_space<semaphore_mem>>)
      %slice3A_1885 = vector.extract_strided_slice %get3A_706 {offsets = [13], sizes = [1], strides = [1]} : vector<16xi32> to vector<1xi32>
      %squeeze3A_1886 = vector.extract %slice3A_1885[0] : i32 from vector<1xi32>
      %shift_right_logical3A_1887 = arith.constant 7 : i32
      %shift_right_logical3A_1888 = arith.shrui %squeeze3A_1886, %shift_right_logical3A_1887 : i32
      %min3A_1889 = arith.constant 7811 : i32
      %min3A_1890 = arith.minsi %shift_right_logical3A_1888, %min3A_1889 : i32
      %mul3A_1891 = arith.constant 128 : i32
      %mul3A_1892 = arith.muli %min3A_1890, %mul3A_1891 : i32
      %multiple_of3A_1893 = tpu.assume_multiple %mul3A_1892, 128 : i32
      %dma_start3A_1894 = arith.constant 5 : i32
      %dma_start3A_1895 = arith.constant 0 : i32
      %dma_start3A_1896 = arith.constant 0 : i32
      %dma_start3A_1897 = tpu.memref_slice %arg10[%dma_start3A_1894, %dma_start3A_1895, %dma_start3A_1896] : memref<8x32x128xf32, #tpu.memory_space<vmem>> -> memref<1x32x128xf32, #tpu.memory_space<vmem>>
      %dma_start3A_1898 = tpu.memref_squeeze %dma_start3A_1897 : memref<1x32x128xf32, #tpu.memory_space<vmem>> -> memref<32x128xf32, #tpu.memory_space<vmem>>
      %dma_start3A_1899 = arith.constant 0 : i32
      %dma_start3A_1900 = tpu.memref_slice %arg5[%dma_start3A_1899, %multiple_of3A_1893] : memref<32x1000000xf32, #tpu.memory_space<hbm>> -> memref<32x128xf32, #tpu.memory_space<hbm>>
      %dma_start3A_1901 = arith.constant 0 : i32
      %dma_start3A_1902 = arith.constant 0 : i32
      %dma_start3A_1903 = tpu.memref_slice %arg10[%dma_start3A_1894, %dma_start3A_1901, %dma_start3A_1902] : memref<8x32x128xf32, #tpu.memory_space<vmem>> -> memref<1x32x128xf32, #tpu.memory_space<vmem>>
      %dma_start3A_1904 = tpu.memref_squeeze %dma_start3A_1903 : memref<1x32x128xf32, #tpu.memory_space<vmem>> -> memref<32x128xf32, #tpu.memory_space<vmem>>
      %dma_start3A_1905 = arith.constant 0 : i32
      %dma_start3A_1906 = tpu.memref_slice %arg5[%dma_start3A_1905, %multiple_of3A_1893] : memref<32x1000000xf32, #tpu.memory_space<hbm>> -> memref<32x128xf32, #tpu.memory_space<hbm>>
      tpu.enqueue_dma source(%dma_start3A_1906 : memref<32x128xf32, #tpu.memory_space<hbm>>) target(%dma_start3A_1904 : memref<32x128xf32, #tpu.memory_space<vmem>>) target_semaphore(%arg15 : memref<!tpu.dma_semaphore, #tpu.memory_space<semaphore_mem>>)
      %slice3A_1907 = vector.extract_strided_slice %get3A_703 {offsets = [14], sizes = [1], strides = [1]} : vector<16xi32> to vector<1xi32>
      %squeeze3A_1908 = vector.extract %slice3A_1907[0] : i32 from vector<1xi32>
      %shift_right_logical3A_1909 = arith.constant 7 : i32
      %shift_right_logical3A_1910 = arith.shrui %squeeze3A_1908, %shift_right_logical3A_1909 : i32
      %min3A_1911 = arith.constant 7811 : i32
      %min3A_1912 = arith.minsi %shift_right_logical3A_1910, %min3A_1911 : i32
      %mul3A_1913 = arith.constant 128 : i32
      %mul3A_1914 = arith.muli %min3A_1912, %mul3A_1913 : i32
      %multiple_of3A_1915 = tpu.assume_multiple %mul3A_1914, 128 : i32
      %dma_start3A_1916 = arith.constant 6 : i32
      %dma_start3A_1917 = arith.constant 0 : i32
      %dma_start3A_1918 = arith.constant 0 : i32
      %dma_start3A_1919 = tpu.memref_slice %arg9[%dma_start3A_1916, %dma_start3A_1917, %dma_start3A_1918] : memref<8x32x128xf32, #tpu.memory_space<vmem>> -> memref<1x32x128xf32, #tpu.memory_space<vmem>>
      %dma_start3A_1920 = tpu.memref_squeeze %dma_start3A_1919 : memref<1x32x128xf32, #tpu.memory_space<vmem>> -> memref<32x128xf32, #tpu.memory_space<vmem>>
      %dma_start3A_1921 = arith.constant 0 : i32
      %dma_start3A_1922 = tpu.memref_slice %arg4[%dma_start3A_1921, %multiple_of3A_1915] : memref<32x1000000xf32, #tpu.memory_space<hbm>> -> memref<32x128xf32, #tpu.memory_space<hbm>>
      %dma_start3A_1923 = arith.constant 0 : i32
      %dma_start3A_1924 = arith.constant 0 : i32
      %dma_start3A_1925 = tpu.memref_slice %arg9[%dma_start3A_1916, %dma_start3A_1923, %dma_start3A_1924] : memref<8x32x128xf32, #tpu.memory_space<vmem>> -> memref<1x32x128xf32, #tpu.memory_space<vmem>>
      %dma_start3A_1926 = tpu.memref_squeeze %dma_start3A_1925 : memref<1x32x128xf32, #tpu.memory_space<vmem>> -> memref<32x128xf32, #tpu.memory_space<vmem>>
      %dma_start3A_1927 = arith.constant 0 : i32
      %dma_start3A_1928 = tpu.memref_slice %arg4[%dma_start3A_1927, %multiple_of3A_1915] : memref<32x1000000xf32, #tpu.memory_space<hbm>> -> memref<32x128xf32, #tpu.memory_space<hbm>>
      tpu.enqueue_dma source(%dma_start3A_1928 : memref<32x128xf32, #tpu.memory_space<hbm>>) target(%dma_start3A_1926 : memref<32x128xf32, #tpu.memory_space<vmem>>) target_semaphore(%arg15 : memref<!tpu.dma_semaphore, #tpu.memory_space<semaphore_mem>>)
      %slice3A_1929 = vector.extract_strided_slice %get3A_706 {offsets = [14], sizes = [1], strides = [1]} : vector<16xi32> to vector<1xi32>
      %squeeze3A_1930 = vector.extract %slice3A_1929[0] : i32 from vector<1xi32>
      %shift_right_logical3A_1931 = arith.constant 7 : i32
      %shift_right_logical3A_1932 = arith.shrui %squeeze3A_1930, %shift_right_logical3A_1931 : i32
      %min3A_1933 = arith.constant 7811 : i32
      %min3A_1934 = arith.minsi %shift_right_logical3A_1932, %min3A_1933 : i32
      %mul3A_1935 = arith.constant 128 : i32
      %mul3A_1936 = arith.muli %min3A_1934, %mul3A_1935 : i32
      %multiple_of3A_1937 = tpu.assume_multiple %mul3A_1936, 128 : i32
      %dma_start3A_1938 = arith.constant 6 : i32
      %dma_start3A_1939 = arith.constant 0 : i32
      %dma_start3A_1940 = arith.constant 0 : i32
      %dma_start3A_1941 = tpu.memref_slice %arg10[%dma_start3A_1938, %dma_start3A_1939, %dma_start3A_1940] : memref<8x32x128xf32, #tpu.memory_space<vmem>> -> memref<1x32x128xf32, #tpu.memory_space<vmem>>
      %dma_start3A_1942 = tpu.memref_squeeze %dma_start3A_1941 : memref<1x32x128xf32, #tpu.memory_space<vmem>> -> memref<32x128xf32, #tpu.memory_space<vmem>>
      %dma_start3A_1943 = arith.constant 0 : i32
      %dma_start3A_1944 = tpu.memref_slice %arg5[%dma_start3A_1943, %multiple_of3A_1937] : memref<32x1000000xf32, #tpu.memory_space<hbm>> -> memref<32x128xf32, #tpu.memory_space<hbm>>
      %dma_start3A_1945 = arith.constant 0 : i32
      %dma_start3A_1946 = arith.constant 0 : i32
      %dma_start3A_1947 = tpu.memref_slice %arg10[%dma_start3A_1938, %dma_start3A_1945, %dma_start3A_1946] : memref<8x32x128xf32, #tpu.memory_space<vmem>> -> memref<1x32x128xf32, #tpu.memory_space<vmem>>
      %dma_start3A_1948 = tpu.memref_squeeze %dma_start3A_1947 : memref<1x32x128xf32, #tpu.memory_space<vmem>> -> memref<32x128xf32, #tpu.memory_space<vmem>>
      %dma_start3A_1949 = arith.constant 0 : i32
      %dma_start3A_1950 = tpu.memref_slice %arg5[%dma_start3A_1949, %multiple_of3A_1937] : memref<32x1000000xf32, #tpu.memory_space<hbm>> -> memref<32x128xf32, #tpu.memory_space<hbm>>
      tpu.enqueue_dma source(%dma_start3A_1950 : memref<32x128xf32, #tpu.memory_space<hbm>>) target(%dma_start3A_1948 : memref<32x128xf32, #tpu.memory_space<vmem>>) target_semaphore(%arg15 : memref<!tpu.dma_semaphore, #tpu.memory_space<semaphore_mem>>)
      %slice3A_1951 = vector.extract_strided_slice %get3A_703 {offsets = [15], sizes = [1], strides = [1]} : vector<16xi32> to vector<1xi32>
      %squeeze3A_1952 = vector.extract %slice3A_1951[0] : i32 from vector<1xi32>
      %shift_right_logical3A_1953 = arith.constant 7 : i32
      %shift_right_logical3A_1954 = arith.shrui %squeeze3A_1952, %shift_right_logical3A_1953 : i32
      %min3A_1955 = arith.constant 7811 : i32
      %min3A_1956 = arith.minsi %shift_right_logical3A_1954, %min3A_1955 : i32
      %mul3A_1957 = arith.constant 128 : i32
      %mul3A_1958 = arith.muli %min3A_1956, %mul3A_1957 : i32
      %multiple_of3A_1959 = tpu.assume_multiple %mul3A_1958, 128 : i32
      %dma_start3A_1960 = arith.constant 7 : i32
      %dma_start3A_1961 = arith.constant 0 : i32
      %dma_start3A_1962 = arith.constant 0 : i32
      %dma_start3A_1963 = tpu.memref_slice %arg9[%dma_start3A_1960, %dma_start3A_1961, %dma_start3A_1962] : memref<8x32x128xf32, #tpu.memory_space<vmem>> -> memref<1x32x128xf32, #tpu.memory_space<vmem>>
      %dma_start3A_1964 = tpu.memref_squeeze %dma_start3A_1963 : memref<1x32x128xf32, #tpu.memory_space<vmem>> -> memref<32x128xf32, #tpu.memory_space<vmem>>
      %dma_start3A_1965 = arith.constant 0 : i32
      %dma_start3A_1966 = tpu.memref_slice %arg4[%dma_start3A_1965, %multiple_of3A_1959] : memref<32x1000000xf32, #tpu.memory_space<hbm>> -> memref<32x128xf32, #tpu.memory_space<hbm>>
      %dma_start3A_1967 = arith.constant 0 : i32
      %dma_start3A_1968 = arith.constant 0 : i32
      %dma_start3A_1969 = tpu.memref_slice %arg9[%dma_start3A_1960, %dma_start3A_1967, %dma_start3A_1968] : memref<8x32x128xf32, #tpu.memory_space<vmem>> -> memref<1x32x128xf32, #tpu.memory_space<vmem>>
      %dma_start3A_1970 = tpu.memref_squeeze %dma_start3A_1969 : memref<1x32x128xf32, #tpu.memory_space<vmem>> -> memref<32x128xf32, #tpu.memory_space<vmem>>
      %dma_start3A_1971 = arith.constant 0 : i32
      %dma_start3A_1972 = tpu.memref_slice %arg4[%dma_start3A_1971, %multiple_of3A_1959] : memref<32x1000000xf32, #tpu.memory_space<hbm>> -> memref<32x128xf32, #tpu.memory_space<hbm>>
      tpu.enqueue_dma source(%dma_start3A_1972 : memref<32x128xf32, #tpu.memory_space<hbm>>) target(%dma_start3A_1970 : memref<32x128xf32, #tpu.memory_space<vmem>>) target_semaphore(%arg15 : memref<!tpu.dma_semaphore, #tpu.memory_space<semaphore_mem>>)
      %slice3A_1973 = vector.extract_strided_slice %get3A_706 {offsets = [15], sizes = [1], strides = [1]} : vector<16xi32> to vector<1xi32>
      %squeeze3A_1974 = vector.extract %slice3A_1973[0] : i32 from vector<1xi32>
      %shift_right_logical3A_1975 = arith.constant 7 : i32
      %shift_right_logical3A_1976 = arith.shrui %squeeze3A_1974, %shift_right_logical3A_1975 : i32
      %min3A_1977 = arith.constant 7811 : i32
      %min3A_1978 = arith.minsi %shift_right_logical3A_1976, %min3A_1977 : i32
      %mul3A_1979 = arith.constant 128 : i32
      %mul3A_1980 = arith.muli %min3A_1978, %mul3A_1979 : i32
      %multiple_of3A_1981 = tpu.assume_multiple %mul3A_1980, 128 : i32
      %dma_start3A_1982 = arith.constant 7 : i32
      %dma_start3A_1983 = arith.constant 0 : i32
      %dma_start3A_1984 = arith.constant 0 : i32
      %dma_start3A_1985 = tpu.memref_slice %arg10[%dma_start3A_1982, %dma_start3A_1983, %dma_start3A_1984] : memref<8x32x128xf32, #tpu.memory_space<vmem>> -> memref<1x32x128xf32, #tpu.memory_space<vmem>>
      %dma_start3A_1986 = tpu.memref_squeeze %dma_start3A_1985 : memref<1x32x128xf32, #tpu.memory_space<vmem>> -> memref<32x128xf32, #tpu.memory_space<vmem>>
      %dma_start3A_1987 = arith.constant 0 : i32
      %dma_start3A_1988 = tpu.memref_slice %arg5[%dma_start3A_1987, %multiple_of3A_1981] : memref<32x1000000xf32, #tpu.memory_space<hbm>> -> memref<32x128xf32, #tpu.memory_space<hbm>>
      %dma_start3A_1989 = arith.constant 0 : i32
      %dma_start3A_1990 = arith.constant 0 : i32
      %dma_start3A_1991 = tpu.memref_slice %arg10[%dma_start3A_1982, %dma_start3A_1989, %dma_start3A_1990] : memref<8x32x128xf32, #tpu.memory_space<vmem>> -> memref<1x32x128xf32, #tpu.memory_space<vmem>>
      %dma_start3A_1992 = tpu.memref_squeeze %dma_start3A_1991 : memref<1x32x128xf32, #tpu.memory_space<vmem>> -> memref<32x128xf32, #tpu.memory_space<vmem>>
      %dma_start3A_1993 = arith.constant 0 : i32
      %dma_start3A_1994 = tpu.memref_slice %arg5[%dma_start3A_1993, %multiple_of3A_1981] : memref<32x1000000xf32, #tpu.memory_space<hbm>> -> memref<32x128xf32, #tpu.memory_space<hbm>>
      tpu.enqueue_dma source(%dma_start3A_1994 : memref<32x128xf32, #tpu.memory_space<hbm>>) target(%dma_start3A_1992 : memref<32x128xf32, #tpu.memory_space<vmem>>) target_semaphore(%arg15 : memref<!tpu.dma_semaphore, #tpu.memory_space<semaphore_mem>>)
      %dma_wait3A_1995 = arith.constant 0 : i32
      %dma_wait3A_1996 = arith.constant 0 : i32
      %dma_wait3A_1997 = arith.constant 0 : i32
      %dma_wait3A_1998 = tpu.memref_slice %arg9[%dma_wait3A_1995, %dma_wait3A_1996, %dma_wait3A_1997] : memref<8x32x128xf32, #tpu.memory_space<vmem>> -> memref<1x32x128xf32, #tpu.memory_space<vmem>>
      %dma_wait3A_1999 = tpu.memref_squeeze %dma_wait3A_1998 : memref<1x32x128xf32, #tpu.memory_space<vmem>> -> memref<32x128xf32, #tpu.memory_space<vmem>>
      %dma_wait3A_2000 = arith.constant 0 : i32
      %dma_wait3A_2001 = arith.constant 0 : i32
      %dma_wait3A_2002 = tpu.memref_slice %arg4[%dma_wait3A_2000, %dma_wait3A_2001] : memref<32x1000000xf32, #tpu.memory_space<hbm>> -> memref<32x128xf32, #tpu.memory_space<hbm>>
      %dma_wait3A_2003 = arith.constant 0 : i32
      %dma_wait3A_2004 = arith.constant 0 : i32
      %dma_wait3A_2005 = tpu.memref_slice %arg9[%dma_wait3A_1995, %dma_wait3A_2003, %dma_wait3A_2004] : memref<8x32x128xf32, #tpu.memory_space<vmem>> -> memref<1x32x128xf32, #tpu.memory_space<vmem>>
      %dma_wait3A_2006 = tpu.memref_squeeze %dma_wait3A_2005 : memref<1x32x128xf32, #tpu.memory_space<vmem>> -> memref<32x128xf32, #tpu.memory_space<vmem>>
      %dma_wait3A_2007 = arith.constant 0 : i32
      %dma_wait3A_2008 = arith.constant 0 : i32
      %dma_wait3A_2009 = tpu.memref_slice %arg4[%dma_wait3A_2007, %dma_wait3A_2008] : memref<32x1000000xf32, #tpu.memory_space<hbm>> -> memref<32x128xf32, #tpu.memory_space<hbm>>
      tpu.wait_dma2 semaphore(%arg15 : memref<!tpu.dma_semaphore, #tpu.memory_space<semaphore_mem>>) src(%dma_wait3A_2009 : memref<32x128xf32, #tpu.memory_space<hbm>>) dst(%dma_wait3A_2006 : memref<32x128xf32, #tpu.memory_space<vmem>>)
      %dma_wait3A_2010 = arith.constant 0 : i32
      %dma_wait3A_2011 = arith.constant 0 : i32
      %dma_wait3A_2012 = arith.constant 0 : i32
      %dma_wait3A_2013 = tpu.memref_slice %arg10[%dma_wait3A_2010, %dma_wait3A_2011, %dma_wait3A_2012] : memref<8x32x128xf32, #tpu.memory_space<vmem>> -> memref<1x32x128xf32, #tpu.memory_space<vmem>>
      %dma_wait3A_2014 = tpu.memref_squeeze %dma_wait3A_2013 : memref<1x32x128xf32, #tpu.memory_space<vmem>> -> memref<32x128xf32, #tpu.memory_space<vmem>>
      %dma_wait3A_2015 = arith.constant 0 : i32
      %dma_wait3A_2016 = arith.constant 0 : i32
      %dma_wait3A_2017 = tpu.memref_slice %arg5[%dma_wait3A_2015, %dma_wait3A_2016] : memref<32x1000000xf32, #tpu.memory_space<hbm>> -> memref<32x128xf32, #tpu.memory_space<hbm>>
      %dma_wait3A_2018 = arith.constant 0 : i32
      %dma_wait3A_2019 = arith.constant 0 : i32
      %dma_wait3A_2020 = tpu.memref_slice %arg10[%dma_wait3A_2010, %dma_wait3A_2018, %dma_wait3A_2019] : memref<8x32x128xf32, #tpu.memory_space<vmem>> -> memref<1x32x128xf32, #tpu.memory_space<vmem>>
      %dma_wait3A_2021 = tpu.memref_squeeze %dma_wait3A_2020 : memref<1x32x128xf32, #tpu.memory_space<vmem>> -> memref<32x128xf32, #tpu.memory_space<vmem>>
      %dma_wait3A_2022 = arith.constant 0 : i32
      %dma_wait3A_2023 = arith.constant 0 : i32
      %dma_wait3A_2024 = tpu.memref_slice %arg5[%dma_wait3A_2022, %dma_wait3A_2023] : memref<32x1000000xf32, #tpu.memory_space<hbm>> -> memref<32x128xf32, #tpu.memory_space<hbm>>
      tpu.wait_dma2 semaphore(%arg15 : memref<!tpu.dma_semaphore, #tpu.memory_space<semaphore_mem>>) src(%dma_wait3A_2024 : memref<32x128xf32, #tpu.memory_space<hbm>>) dst(%dma_wait3A_2021 : memref<32x128xf32, #tpu.memory_space<vmem>>)
      %dma_wait3A_2025 = arith.constant 1 : i32
      %dma_wait3A_2026 = arith.constant 0 : i32
      %dma_wait3A_2027 = arith.constant 0 : i32
      %dma_wait3A_2028 = tpu.memref_slice %arg9[%dma_wait3A_2025, %dma_wait3A_2026, %dma_wait3A_2027] : memref<8x32x128xf32, #tpu.memory_space<vmem>> -> memref<1x32x128xf32, #tpu.memory_space<vmem>>
      %dma_wait3A_2029 = tpu.memref_squeeze %dma_wait3A_2028 : memref<1x32x128xf32, #tpu.memory_space<vmem>> -> memref<32x128xf32, #tpu.memory_space<vmem>>
      %dma_wait3A_2030 = arith.constant 0 : i32
      %dma_wait3A_2031 = arith.constant 0 : i32
      %dma_wait3A_2032 = tpu.memref_slice %arg4[%dma_wait3A_2030, %dma_wait3A_2031] : memref<32x1000000xf32, #tpu.memory_space<hbm>> -> memref<32x128xf32, #tpu.memory_space<hbm>>
      %dma_wait3A_2033 = arith.constant 0 : i32
      %dma_wait3A_2034 = arith.constant 0 : i32
      %dma_wait3A_2035 = tpu.memref_slice %arg9[%dma_wait3A_2025, %dma_wait3A_2033, %dma_wait3A_2034] : memref<8x32x128xf32, #tpu.memory_space<vmem>> -> memref<1x32x128xf32, #tpu.memory_space<vmem>>
      %dma_wait3A_2036 = tpu.memref_squeeze %dma_wait3A_2035 : memref<1x32x128xf32, #tpu.memory_space<vmem>> -> memref<32x128xf32, #tpu.memory_space<vmem>>
      %dma_wait3A_2037 = arith.constant 0 : i32
      %dma_wait3A_2038 = arith.constant 0 : i32
      %dma_wait3A_2039 = tpu.memref_slice %arg4[%dma_wait3A_2037, %dma_wait3A_2038] : memref<32x1000000xf32, #tpu.memory_space<hbm>> -> memref<32x128xf32, #tpu.memory_space<hbm>>
      tpu.wait_dma2 semaphore(%arg15 : memref<!tpu.dma_semaphore, #tpu.memory_space<semaphore_mem>>) src(%dma_wait3A_2039 : memref<32x128xf32, #tpu.memory_space<hbm>>) dst(%dma_wait3A_2036 : memref<32x128xf32, #tpu.memory_space<vmem>>)
      %dma_wait3A_2040 = arith.constant 1 : i32
      %dma_wait3A_2041 = arith.constant 0 : i32
      %dma_wait3A_2042 = arith.constant 0 : i32
      %dma_wait3A_2043 = tpu.memref_slice %arg10[%dma_wait3A_2040, %dma_wait3A_2041, %dma_wait3A_2042] : memref<8x32x128xf32, #tpu.memory_space<vmem>> -> memref<1x32x128xf32, #tpu.memory_space<vmem>>
      %dma_wait3A_2044 = tpu.memref_squeeze %dma_wait3A_2043 : memref<1x32x128xf32, #tpu.memory_space<vmem>> -> memref<32x128xf32, #tpu.memory_space<vmem>>
      %dma_wait3A_2045 = arith.constant 0 : i32
      %dma_wait3A_2046 = arith.constant 0 : i32
      %dma_wait3A_2047 = tpu.memref_slice %arg5[%dma_wait3A_2045, %dma_wait3A_2046] : memref<32x1000000xf32, #tpu.memory_space<hbm>> -> memref<32x128xf32, #tpu.memory_space<hbm>>
      %dma_wait3A_2048 = arith.constant 0 : i32
      %dma_wait3A_2049 = arith.constant 0 : i32
      %dma_wait3A_2050 = tpu.memref_slice %arg10[%dma_wait3A_2040, %dma_wait3A_2048, %dma_wait3A_2049] : memref<8x32x128xf32, #tpu.memory_space<vmem>> -> memref<1x32x128xf32, #tpu.memory_space<vmem>>
      %dma_wait3A_2051 = tpu.memref_squeeze %dma_wait3A_2050 : memref<1x32x128xf32, #tpu.memory_space<vmem>> -> memref<32x128xf32, #tpu.memory_space<vmem>>
      %dma_wait3A_2052 = arith.constant 0 : i32
      %dma_wait3A_2053 = arith.constant 0 : i32
      %dma_wait3A_2054 = tpu.memref_slice %arg5[%dma_wait3A_2052, %dma_wait3A_2053] : memref<32x1000000xf32, #tpu.memory_space<hbm>> -> memref<32x128xf32, #tpu.memory_space<hbm>>
      tpu.wait_dma2 semaphore(%arg15 : memref<!tpu.dma_semaphore, #tpu.memory_space<semaphore_mem>>) src(%dma_wait3A_2054 : memref<32x128xf32, #tpu.memory_space<hbm>>) dst(%dma_wait3A_2051 : memref<32x128xf32, #tpu.memory_space<vmem>>)
      %dma_wait3A_2055 = arith.constant 2 : i32
      %dma_wait3A_2056 = arith.constant 0 : i32
      %dma_wait3A_2057 = arith.constant 0 : i32
      %dma_wait3A_2058 = tpu.memref_slice %arg9[%dma_wait3A_2055, %dma_wait3A_2056, %dma_wait3A_2057] : memref<8x32x128xf32, #tpu.memory_space<vmem>> -> memref<1x32x128xf32, #tpu.memory_space<vmem>>
      %dma_wait3A_2059 = tpu.memref_squeeze %dma_wait3A_2058 : memref<1x32x128xf32, #tpu.memory_space<vmem>> -> memref<32x128xf32, #tpu.memory_space<vmem>>
      %dma_wait3A_2060 = arith.constant 0 : i32
      %dma_wait3A_2061 = arith.constant 0 : i32
      %dma_wait3A_2062 = tpu.memref_slice %arg4[%dma_wait3A_2060, %dma_wait3A_2061] : memref<32x1000000xf32, #tpu.memory_space<hbm>> -> memref<32x128xf32, #tpu.memory_space<hbm>>
      %dma_wait3A_2063 = arith.constant 0 : i32
      %dma_wait3A_2064 = arith.constant 0 : i32
      %dma_wait3A_2065 = tpu.memref_slice %arg9[%dma_wait3A_2055, %dma_wait3A_2063, %dma_wait3A_2064] : memref<8x32x128xf32, #tpu.memory_space<vmem>> -> memref<1x32x128xf32, #tpu.memory_space<vmem>>
      %dma_wait3A_2066 = tpu.memref_squeeze %dma_wait3A_2065 : memref<1x32x128xf32, #tpu.memory_space<vmem>> -> memref<32x128xf32, #tpu.memory_space<vmem>>
      %dma_wait3A_2067 = arith.constant 0 : i32
      %dma_wait3A_2068 = arith.constant 0 : i32
      %dma_wait3A_2069 = tpu.memref_slice %arg4[%dma_wait3A_2067, %dma_wait3A_2068] : memref<32x1000000xf32, #tpu.memory_space<hbm>> -> memref<32x128xf32, #tpu.memory_space<hbm>>
      tpu.wait_dma2 semaphore(%arg15 : memref<!tpu.dma_semaphore, #tpu.memory_space<semaphore_mem>>) src(%dma_wait3A_2069 : memref<32x128xf32, #tpu.memory_space<hbm>>) dst(%dma_wait3A_2066 : memref<32x128xf32, #tpu.memory_space<vmem>>)
      %dma_wait3A_2070 = arith.constant 2 : i32
      %dma_wait3A_2071 = arith.constant 0 : i32
      %dma_wait3A_2072 = arith.constant 0 : i32
      %dma_wait3A_2073 = tpu.memref_slice %arg10[%dma_wait3A_2070, %dma_wait3A_2071, %dma_wait3A_2072] : memref<8x32x128xf32, #tpu.memory_space<vmem>> -> memref<1x32x128xf32, #tpu.memory_space<vmem>>
      %dma_wait3A_2074 = tpu.memref_squeeze %dma_wait3A_2073 : memref<1x32x128xf32, #tpu.memory_space<vmem>> -> memref<32x128xf32, #tpu.memory_space<vmem>>
      %dma_wait3A_2075 = arith.constant 0 : i32
      %dma_wait3A_2076 = arith.constant 0 : i32
      %dma_wait3A_2077 = tpu.memref_slice %arg5[%dma_wait3A_2075, %dma_wait3A_2076] : memref<32x1000000xf32, #tpu.memory_space<hbm>> -> memref<32x128xf32, #tpu.memory_space<hbm>>
      %dma_wait3A_2078 = arith.constant 0 : i32
      %dma_wait3A_2079 = arith.constant 0 : i32
      %dma_wait3A_2080 = tpu.memref_slice %arg10[%dma_wait3A_2070, %dma_wait3A_2078, %dma_wait3A_2079] : memref<8x32x128xf32, #tpu.memory_space<vmem>> -> memref<1x32x128xf32, #tpu.memory_space<vmem>>
      %dma_wait3A_2081 = tpu.memref_squeeze %dma_wait3A_2080 : memref<1x32x128xf32, #tpu.memory_space<vmem>> -> memref<32x128xf32, #tpu.memory_space<vmem>>
      %dma_wait3A_2082 = arith.constant 0 : i32
      %dma_wait3A_2083 = arith.constant 0 : i32
      %dma_wait3A_2084 = tpu.memref_slice %arg5[%dma_wait3A_2082, %dma_wait3A_2083] : memref<32x1000000xf32, #tpu.memory_space<hbm>> -> memref<32x128xf32, #tpu.memory_space<hbm>>
      tpu.wait_dma2 semaphore(%arg15 : memref<!tpu.dma_semaphore, #tpu.memory_space<semaphore_mem>>) src(%dma_wait3A_2084 : memref<32x128xf32, #tpu.memory_space<hbm>>) dst(%dma_wait3A_2081 : memref<32x128xf32, #tpu.memory_space<vmem>>)
      %dma_wait3A_2085 = arith.constant 3 : i32
      %dma_wait3A_2086 = arith.constant 0 : i32
      %dma_wait3A_2087 = arith.constant 0 : i32
      %dma_wait3A_2088 = tpu.memref_slice %arg9[%dma_wait3A_2085, %dma_wait3A_2086, %dma_wait3A_2087] : memref<8x32x128xf32, #tpu.memory_space<vmem>> -> memref<1x32x128xf32, #tpu.memory_space<vmem>>
      %dma_wait3A_2089 = tpu.memref_squeeze %dma_wait3A_2088 : memref<1x32x128xf32, #tpu.memory_space<vmem>> -> memref<32x128xf32, #tpu.memory_space<vmem>>
      %dma_wait3A_2090 = arith.constant 0 : i32
      %dma_wait3A_2091 = arith.constant 0 : i32
      %dma_wait3A_2092 = tpu.memref_slice %arg4[%dma_wait3A_2090, %dma_wait3A_2091] : memref<32x1000000xf32, #tpu.memory_space<hbm>> -> memref<32x128xf32, #tpu.memory_space<hbm>>
      %dma_wait3A_2093 = arith.constant 0 : i32
      %dma_wait3A_2094 = arith.constant 0 : i32
      %dma_wait3A_2095 = tpu.memref_slice %arg9[%dma_wait3A_2085, %dma_wait3A_2093, %dma_wait3A_2094] : memref<8x32x128xf32, #tpu.memory_space<vmem>> -> memref<1x32x128xf32, #tpu.memory_space<vmem>>
      %dma_wait3A_2096 = tpu.memref_squeeze %dma_wait3A_2095 : memref<1x32x128xf32, #tpu.memory_space<vmem>> -> memref<32x128xf32, #tpu.memory_space<vmem>>
      %dma_wait3A_2097 = arith.constant 0 : i32
      %dma_wait3A_2098 = arith.constant 0 : i32
      %dma_wait3A_2099 = tpu.memref_slice %arg4[%dma_wait3A_2097, %dma_wait3A_2098] : memref<32x1000000xf32, #tpu.memory_space<hbm>> -> memref<32x128xf32, #tpu.memory_space<hbm>>
      tpu.wait_dma2 semaphore(%arg15 : memref<!tpu.dma_semaphore, #tpu.memory_space<semaphore_mem>>) src(%dma_wait3A_2099 : memref<32x128xf32, #tpu.memory_space<hbm>>) dst(%dma_wait3A_2096 : memref<32x128xf32, #tpu.memory_space<vmem>>)
      %dma_wait3A_2100 = arith.constant 3 : i32
      %dma_wait3A_2101 = arith.constant 0 : i32
      %dma_wait3A_2102 = arith.constant 0 : i32
      %dma_wait3A_2103 = tpu.memref_slice %arg10[%dma_wait3A_2100, %dma_wait3A_2101, %dma_wait3A_2102] : memref<8x32x128xf32, #tpu.memory_space<vmem>> -> memref<1x32x128xf32, #tpu.memory_space<vmem>>
      %dma_wait3A_2104 = tpu.memref_squeeze %dma_wait3A_2103 : memref<1x32x128xf32, #tpu.memory_space<vmem>> -> memref<32x128xf32, #tpu.memory_space<vmem>>
      %dma_wait3A_2105 = arith.constant 0 : i32
      %dma_wait3A_2106 = arith.constant 0 : i32
      %dma_wait3A_2107 = tpu.memref_slice %arg5[%dma_wait3A_2105, %dma_wait3A_2106] : memref<32x1000000xf32, #tpu.memory_space<hbm>> -> memref<32x128xf32, #tpu.memory_space<hbm>>
      %dma_wait3A_2108 = arith.constant 0 : i32
      %dma_wait3A_2109 = arith.constant 0 : i32
      %dma_wait3A_2110 = tpu.memref_slice %arg10[%dma_wait3A_2100, %dma_wait3A_2108, %dma_wait3A_2109] : memref<8x32x128xf32, #tpu.memory_space<vmem>> -> memref<1x32x128xf32, #tpu.memory_space<vmem>>
      %dma_wait3A_2111 = tpu.memref_squeeze %dma_wait3A_2110 : memref<1x32x128xf32, #tpu.memory_space<vmem>> -> memref<32x128xf32, #tpu.memory_space<vmem>>
      %dma_wait3A_2112 = arith.constant 0 : i32
      %dma_wait3A_2113 = arith.constant 0 : i32
      %dma_wait3A_2114 = tpu.memref_slice %arg5[%dma_wait3A_2112, %dma_wait3A_2113] : memref<32x1000000xf32, #tpu.memory_space<hbm>> -> memref<32x128xf32, #tpu.memory_space<hbm>>
      tpu.wait_dma2 semaphore(%arg15 : memref<!tpu.dma_semaphore, #tpu.memory_space<semaphore_mem>>) src(%dma_wait3A_2114 : memref<32x128xf32, #tpu.memory_space<hbm>>) dst(%dma_wait3A_2111 : memref<32x128xf32, #tpu.memory_space<vmem>>)
      %slice3A_2115 = vector.extract_strided_slice %get3A_703 {offsets = [8], sizes = [1], strides = [1]} : vector<16xi32> to vector<1xi32>
      %squeeze3A_2116 = vector.extract %slice3A_2115[0] : i32 from vector<1xi32>
      %ge3A_2117 = arith.constant 999936 : i32
      %ge3A_2118 = arith.cmpi sge, %squeeze3A_2116, %ge3A_2117 : i32
      %and3A_2119 = arith.constant 127 : i32
      %and3A_2120 = arith.andi %squeeze3A_2116, %and3A_2119 : i32
      %sub3A_2121 = arith.constant 999936 : i32
      %sub3A_2122 = arith.subi %squeeze3A_2116, %sub3A_2121 : i32
      %min3A_2123 = arith.constant 63 : i32
      %min3A_2124 = arith.minsi %sub3A_2122, %min3A_2123 : i32
      %broadcast_in_dim3A_2125 = vector.broadcast %and3A_2120 : i32 to vector<16xi32>
      %max3A_2126 = arith.constant 0 : i32
      %max3A_2127 = arith.maxsi %min3A_2124, %max3A_2126 : i32
      %broadcast_in_dim3A_2128 = vector.broadcast %max3A_2127 : i32 to vector<16xi32>
      %gather3A_2129 = arith.constant 0 : i32
      %gather3A_2130 = arith.constant 0 : i32
      %gather3A_2131 = arith.constant 0 : i32
      %gather3A_2132 = tpu.memref_slice %arg9[%gather3A_2129, %gather3A_2130, %gather3A_2131] : memref<8x32x128xf32, #tpu.memory_space<vmem>> -> memref<1x32x128xf32, #tpu.memory_space<vmem>>
      %gather3A_2133 = tpu.memref_squeeze %gather3A_2132 : memref<1x32x128xf32, #tpu.memory_space<vmem>> -> memref<32x128xf32, #tpu.memory_space<vmem>>
      %gather3A_2134 = tpu.vector_load_idx %gather3A_2133[%iota3A, %broadcast_in_dim3A_2125] : memref<32x128xf32, #tpu.memory_space<vmem>>[vector<16xi32>, vector<16xi32>], vector<16xf32>,
      %add3A_2135 = arith.constant 16 : i32
      %add3A_2136 = vector.broadcast %add3A_2135 : i32 to vector<16xi32>
      %add3A_2137 = arith.addi %iota3A, %add3A_2136 : vector<16xi32>
      %gather3A_2138 = arith.constant 0 : i32
      %gather3A_2139 = arith.constant 0 : i32
      %gather3A_2140 = arith.constant 0 : i32
      %gather3A_2141 = tpu.memref_slice %arg9[%gather3A_2138, %gather3A_2139, %gather3A_2140] : memref<8x32x128xf32, #tpu.memory_space<vmem>> -> memref<1x32x128xf32, #tpu.memory_space<vmem>>
      %gather3A_2142 = tpu.memref_squeeze %gather3A_2141 : memref<1x32x128xf32, #tpu.memory_space<vmem>> -> memref<32x128xf32, #tpu.memory_space<vmem>>
      %gather3A_2143 = tpu.vector_load_idx %gather3A_2142[%add3A_2137, %broadcast_in_dim3A_2125] : memref<32x128xf32, #tpu.memory_space<vmem>>[vector<16xi32>, vector<16xi32>], vector<16xf32>,
      %gather3A_2144 = tpu.vector_load_idx %arg11[%iota3A, %broadcast_in_dim3A_2128] : memref<32x64xf32, #tpu.memory_space<vmem>>[vector<16xi32>, vector<16xi32>], vector<16xf32>,
      %add3A_2145 = arith.constant 16 : i32
      %add3A_2146 = vector.broadcast %add3A_2145 : i32 to vector<16xi32>
      %add3A_2147 = arith.addi %iota3A, %add3A_2146 : vector<16xi32>
      %gather3A_2148 = tpu.vector_load_idx %arg11[%add3A_2147, %broadcast_in_dim3A_2128] : memref<32x64xf32, #tpu.memory_space<vmem>>[vector<16xi32>, vector<16xi32>], vector<16xf32>,
      %select_n3A_2149 = arith.select %ge3A_2118, %gather3A_2144, %gather3A_2134 : vector<16xf32>
      %select_n3A_2150 = arith.select %ge3A_2118, %gather3A_2148, %gather3A_2143 : vector<16xf32>
      %slice3A_2151 = vector.extract_strided_slice %get3A_706 {offsets = [8], sizes = [1], strides = [1]} : vector<16xi32> to vector<1xi32>
      %squeeze3A_2152 = vector.extract %slice3A_2151[0] : i32 from vector<1xi32>
      %ge3A_2153 = arith.constant 999936 : i32
      %ge3A_2154 = arith.cmpi sge, %squeeze3A_2152, %ge3A_2153 : i32
      %and3A_2155 = arith.constant 127 : i32
      %and3A_2156 = arith.andi %squeeze3A_2152, %and3A_2155 : i32
      %sub3A_2157 = arith.constant 999936 : i32
      %sub3A_2158 = arith.subi %squeeze3A_2152, %sub3A_2157 : i32
      %min3A_2159 = arith.constant 63 : i32
      %min3A_2160 = arith.minsi %sub3A_2158, %min3A_2159 : i32
      %broadcast_in_dim3A_2161 = vector.broadcast %and3A_2156 : i32 to vector<16xi32>
      %max3A_2162 = arith.constant 0 : i32
      %max3A_2163 = arith.maxsi %min3A_2160, %max3A_2162 : i32
      %broadcast_in_dim3A_2164 = vector.broadcast %max3A_2163 : i32 to vector<16xi32>
      %gather3A_2165 = arith.constant 0 : i32
      %gather3A_2166 = arith.constant 0 : i32
      %gather3A_2167 = arith.constant 0 : i32
      %gather3A_2168 = tpu.memref_slice %arg10[%gather3A_2165, %gather3A_2166, %gather3A_2167] : memref<8x32x128xf32, #tpu.memory_space<vmem>> -> memref<1x32x128xf32, #tpu.memory_space<vmem>>
      %gather3A_2169 = tpu.memref_squeeze %gather3A_2168 : memref<1x32x128xf32, #tpu.memory_space<vmem>> -> memref<32x128xf32, #tpu.memory_space<vmem>>
      %gather3A_2170 = tpu.vector_load_idx %gather3A_2169[%iota3A, %broadcast_in_dim3A_2161] : memref<32x128xf32, #tpu.memory_space<vmem>>[vector<16xi32>, vector<16xi32>], vector<16xf32>,
      %add3A_2171 = arith.constant 16 : i32
      %add3A_2172 = vector.broadcast %add3A_2171 : i32 to vector<16xi32>
      %add3A_2173 = arith.addi %iota3A, %add3A_2172 : vector<16xi32>
      %gather3A_2174 = arith.constant 0 : i32
      %gather3A_2175 = arith.constant 0 : i32
      %gather3A_2176 = arith.constant 0 : i32
      %gather3A_2177 = tpu.memref_slice %arg10[%gather3A_2174, %gather3A_2175, %gather3A_2176] : memref<8x32x128xf32, #tpu.memory_space<vmem>> -> memref<1x32x128xf32, #tpu.memory_space<vmem>>
      %gather3A_2178 = tpu.memref_squeeze %gather3A_2177 : memref<1x32x128xf32, #tpu.memory_space<vmem>> -> memref<32x128xf32, #tpu.memory_space<vmem>>
      %gather3A_2179 = tpu.vector_load_idx %gather3A_2178[%add3A_2173, %broadcast_in_dim3A_2161] : memref<32x128xf32, #tpu.memory_space<vmem>>[vector<16xi32>, vector<16xi32>], vector<16xf32>,
      %gather3A_2180 = tpu.vector_load_idx %arg12[%iota3A, %broadcast_in_dim3A_2164] : memref<32x64xf32, #tpu.memory_space<vmem>>[vector<16xi32>, vector<16xi32>], vector<16xf32>,
      %add3A_2181 = arith.constant 16 : i32
      %add3A_2182 = vector.broadcast %add3A_2181 : i32 to vector<16xi32>
      %add3A_2183 = arith.addi %iota3A, %add3A_2182 : vector<16xi32>
      %gather3A_2184 = tpu.vector_load_idx %arg12[%add3A_2183, %broadcast_in_dim3A_2164] : memref<32x64xf32, #tpu.memory_space<vmem>>[vector<16xi32>, vector<16xi32>], vector<16xf32>,
      %select_n3A_2185 = arith.select %ge3A_2154, %gather3A_2180, %gather3A_2170 : vector<16xf32>
      %select_n3A_2186 = arith.select %ge3A_2154, %gather3A_2184, %gather3A_2179 : vector<16xf32>
      %mul3A_2187 = arith.mulf %select_n3A_2149, %select_n3A_2185 : vector<16xf32>
      %mul3A_2188 = arith.mulf %select_n3A_2150, %select_n3A_2186 : vector<16xf32>
      %add3A_2189 = arith.addf %mul3A_2187, %mul3A_2188 : vector<16xf32>
      %mul3A_2190 = arith.constant 17 : i32
      %mul3A_2191 = vector.broadcast %mul3A_2190 : i32 to vector<16xi32>
      %mul3A_2192 = arith.muli %iota3A, %mul3A_2191 : vector<16xi32>
      %add3A_2193 = arith.constant 8 : i32
      %add3A_2194 = vector.broadcast %add3A_2193 : i32 to vector<16xi32>
      %add3A_2195 = arith.addi %mul3A_2192, %add3A_2194 : vector<16xi32>
      tpu.vector_store_idx %arg14[%add3A_2195], %add3A_2189 : memref<272xf32, #tpu.memory_space<vmem>>[vector<16xi32>], vector<16xf32>,
      %slice3A_2196 = vector.extract_strided_slice %get3A_703 {offsets = [9], sizes = [1], strides = [1]} : vector<16xi32> to vector<1xi32>
      %squeeze3A_2197 = vector.extract %slice3A_2196[0] : i32 from vector<1xi32>
      %ge3A_2198 = arith.constant 999936 : i32
      %ge3A_2199 = arith.cmpi sge, %squeeze3A_2197, %ge3A_2198 : i32
      %and3A_2200 = arith.constant 127 : i32
      %and3A_2201 = arith.andi %squeeze3A_2197, %and3A_2200 : i32
      %sub3A_2202 = arith.constant 999936 : i32
      %sub3A_2203 = arith.subi %squeeze3A_2197, %sub3A_2202 : i32
      %min3A_2204 = arith.constant 63 : i32
      %min3A_2205 = arith.minsi %sub3A_2203, %min3A_2204 : i32
      %broadcast_in_dim3A_2206 = vector.broadcast %and3A_2201 : i32 to vector<16xi32>
      %max3A_2207 = arith.constant 0 : i32
      %max3A_2208 = arith.maxsi %min3A_2205, %max3A_2207 : i32
      %broadcast_in_dim3A_2209 = vector.broadcast %max3A_2208 : i32 to vector<16xi32>
      %gather3A_2210 = arith.constant 1 : i32
      %gather3A_2211 = arith.constant 0 : i32
      %gather3A_2212 = arith.constant 0 : i32
      %gather3A_2213 = tpu.memref_slice %arg9[%gather3A_2210, %gather3A_2211, %gather3A_2212] : memref<8x32x128xf32, #tpu.memory_space<vmem>> -> memref<1x32x128xf32, #tpu.memory_space<vmem>>
      %gather3A_2214 = tpu.memref_squeeze %gather3A_2213 : memref<1x32x128xf32, #tpu.memory_space<vmem>> -> memref<32x128xf32, #tpu.memory_space<vmem>>
      %gather3A_2215 = tpu.vector_load_idx %gather3A_2214[%iota3A, %broadcast_in_dim3A_2206] : memref<32x128xf32, #tpu.memory_space<vmem>>[vector<16xi32>, vector<16xi32>], vector<16xf32>,
      %add3A_2216 = arith.constant 16 : i32
      %add3A_2217 = vector.broadcast %add3A_2216 : i32 to vector<16xi32>
      %add3A_2218 = arith.addi %iota3A, %add3A_2217 : vector<16xi32>
      %gather3A_2219 = arith.constant 1 : i32
      %gather3A_2220 = arith.constant 0 : i32
      %gather3A_2221 = arith.constant 0 : i32
      %gather3A_2222 = tpu.memref_slice %arg9[%gather3A_2219, %gather3A_2220, %gather3A_2221] : memref<8x32x128xf32, #tpu.memory_space<vmem>> -> memref<1x32x128xf32, #tpu.memory_space<vmem>>
      %gather3A_2223 = tpu.memref_squeeze %gather3A_2222 : memref<1x32x128xf32, #tpu.memory_space<vmem>> -> memref<32x128xf32, #tpu.memory_space<vmem>>
      %gather3A_2224 = tpu.vector_load_idx %gather3A_2223[%add3A_2218, %broadcast_in_dim3A_2206] : memref<32x128xf32, #tpu.memory_space<vmem>>[vector<16xi32>, vector<16xi32>], vector<16xf32>,
      %gather3A_2225 = tpu.vector_load_idx %arg11[%iota3A, %broadcast_in_dim3A_2209] : memref<32x64xf32, #tpu.memory_space<vmem>>[vector<16xi32>, vector<16xi32>], vector<16xf32>,
      %add3A_2226 = arith.constant 16 : i32
      %add3A_2227 = vector.broadcast %add3A_2226 : i32 to vector<16xi32>
      %add3A_2228 = arith.addi %iota3A, %add3A_2227 : vector<16xi32>
      %gather3A_2229 = tpu.vector_load_idx %arg11[%add3A_2228, %broadcast_in_dim3A_2209] : memref<32x64xf32, #tpu.memory_space<vmem>>[vector<16xi32>, vector<16xi32>], vector<16xf32>,
      %select_n3A_2230 = arith.select %ge3A_2199, %gather3A_2225, %gather3A_2215 : vector<16xf32>
      %select_n3A_2231 = arith.select %ge3A_2199, %gather3A_2229, %gather3A_2224 : vector<16xf32>
      %slice3A_2232 = vector.extract_strided_slice %get3A_706 {offsets = [9], sizes = [1], strides = [1]} : vector<16xi32> to vector<1xi32>
      %squeeze3A_2233 = vector.extract %slice3A_2232[0] : i32 from vector<1xi32>
      %ge3A_2234 = arith.constant 999936 : i32
      %ge3A_2235 = arith.cmpi sge, %squeeze3A_2233, %ge3A_2234 : i32
      %and3A_2236 = arith.constant 127 : i32
      %and3A_2237 = arith.andi %squeeze3A_2233, %and3A_2236 : i32
      %sub3A_2238 = arith.constant 999936 : i32
      %sub3A_2239 = arith.subi %squeeze3A_2233, %sub3A_2238 : i32
      %min3A_2240 = arith.constant 63 : i32
      %min3A_2241 = arith.minsi %sub3A_2239, %min3A_2240 : i32
      %broadcast_in_dim3A_2242 = vector.broadcast %and3A_2237 : i32 to vector<16xi32>
      %max3A_2243 = arith.constant 0 : i32
      %max3A_2244 = arith.maxsi %min3A_2241, %max3A_2243 : i32
      %broadcast_in_dim3A_2245 = vector.broadcast %max3A_2244 : i32 to vector<16xi32>
      %gather3A_2246 = arith.constant 1 : i32
      %gather3A_2247 = arith.constant 0 : i32
      %gather3A_2248 = arith.constant 0 : i32
      %gather3A_2249 = tpu.memref_slice %arg10[%gather3A_2246, %gather3A_2247, %gather3A_2248] : memref<8x32x128xf32, #tpu.memory_space<vmem>> -> memref<1x32x128xf32, #tpu.memory_space<vmem>>
      %gather3A_2250 = tpu.memref_squeeze %gather3A_2249 : memref<1x32x128xf32, #tpu.memory_space<vmem>> -> memref<32x128xf32, #tpu.memory_space<vmem>>
      %gather3A_2251 = tpu.vector_load_idx %gather3A_2250[%iota3A, %broadcast_in_dim3A_2242] : memref<32x128xf32, #tpu.memory_space<vmem>>[vector<16xi32>, vector<16xi32>], vector<16xf32>,
      %add3A_2252 = arith.constant 16 : i32
      %add3A_2253 = vector.broadcast %add3A_2252 : i32 to vector<16xi32>
      %add3A_2254 = arith.addi %iota3A, %add3A_2253 : vector<16xi32>
      %gather3A_2255 = arith.constant 1 : i32
      %gather3A_2256 = arith.constant 0 : i32
      %gather3A_2257 = arith.constant 0 : i32
      %gather3A_2258 = tpu.memref_slice %arg10[%gather3A_2255, %gather3A_2256, %gather3A_2257] : memref<8x32x128xf32, #tpu.memory_space<vmem>> -> memref<1x32x128xf32, #tpu.memory_space<vmem>>
      %gather3A_2259 = tpu.memref_squeeze %gather3A_2258 : memref<1x32x128xf32, #tpu.memory_space<vmem>> -> memref<32x128xf32, #tpu.memory_space<vmem>>
      %gather3A_2260 = tpu.vector_load_idx %gather3A_2259[%add3A_2254, %broadcast_in_dim3A_2242] : memref<32x128xf32, #tpu.memory_space<vmem>>[vector<16xi32>, vector<16xi32>], vector<16xf32>,
      %gather3A_2261 = tpu.vector_load_idx %arg12[%iota3A, %broadcast_in_dim3A_2245] : memref<32x64xf32, #tpu.memory_space<vmem>>[vector<16xi32>, vector<16xi32>], vector<16xf32>,
      %add3A_2262 = arith.constant 16 : i32
      %add3A_2263 = vector.broadcast %add3A_2262 : i32 to vector<16xi32>
      %add3A_2264 = arith.addi %iota3A, %add3A_2263 : vector<16xi32>
      %gather3A_2265 = tpu.vector_load_idx %arg12[%add3A_2264, %broadcast_in_dim3A_2245] : memref<32x64xf32, #tpu.memory_space<vmem>>[vector<16xi32>, vector<16xi32>], vector<16xf32>,
      %select_n3A_2266 = arith.select %ge3A_2235, %gather3A_2261, %gather3A_2251 : vector<16xf32>
      %select_n3A_2267 = arith.select %ge3A_2235, %gather3A_2265, %gather3A_2260 : vector<16xf32>
      %mul3A_2268 = arith.mulf %select_n3A_2230, %select_n3A_2266 : vector<16xf32>
      %mul3A_2269 = arith.mulf %select_n3A_2231, %select_n3A_2267 : vector<16xf32>
      %add3A_2270 = arith.addf %mul3A_2268, %mul3A_2269 : vector<16xf32>
      %mul3A_2271 = arith.constant 17 : i32
      %mul3A_2272 = vector.broadcast %mul3A_2271 : i32 to vector<16xi32>
      %mul3A_2273 = arith.muli %iota3A, %mul3A_2272 : vector<16xi32>
      %add3A_2274 = arith.constant 9 : i32
      %add3A_2275 = vector.broadcast %add3A_2274 : i32 to vector<16xi32>
      %add3A_2276 = arith.addi %mul3A_2273, %add3A_2275 : vector<16xi32>
      tpu.vector_store_idx %arg14[%add3A_2276], %add3A_2270 : memref<272xf32, #tpu.memory_space<vmem>>[vector<16xi32>], vector<16xf32>,
      %slice3A_2277 = vector.extract_strided_slice %get3A_703 {offsets = [10], sizes = [1], strides = [1]} : vector<16xi32> to vector<1xi32>
      %squeeze3A_2278 = vector.extract %slice3A_2277[0] : i32 from vector<1xi32>
      %ge3A_2279 = arith.constant 999936 : i32
      %ge3A_2280 = arith.cmpi sge, %squeeze3A_2278, %ge3A_2279 : i32
      %and3A_2281 = arith.constant 127 : i32
      %and3A_2282 = arith.andi %squeeze3A_2278, %and3A_2281 : i32
      %sub3A_2283 = arith.constant 999936 : i32
      %sub3A_2284 = arith.subi %squeeze3A_2278, %sub3A_2283 : i32
      %min3A_2285 = arith.constant 63 : i32
      %min3A_2286 = arith.minsi %sub3A_2284, %min3A_2285 : i32
      %broadcast_in_dim3A_2287 = vector.broadcast %and3A_2282 : i32 to vector<16xi32>
      %max3A_2288 = arith.constant 0 : i32
      %max3A_2289 = arith.maxsi %min3A_2286, %max3A_2288 : i32
      %broadcast_in_dim3A_2290 = vector.broadcast %max3A_2289 : i32 to vector<16xi32>
      %gather3A_2291 = arith.constant 2 : i32
      %gather3A_2292 = arith.constant 0 : i32
      %gather3A_2293 = arith.constant 0 : i32
      %gather3A_2294 = tpu.memref_slice %arg9[%gather3A_2291, %gather3A_2292, %gather3A_2293] : memref<8x32x128xf32, #tpu.memory_space<vmem>> -> memref<1x32x128xf32, #tpu.memory_space<vmem>>
      %gather3A_2295 = tpu.memref_squeeze %gather3A_2294 : memref<1x32x128xf32, #tpu.memory_space<vmem>> -> memref<32x128xf32, #tpu.memory_space<vmem>>
      %gather3A_2296 = tpu.vector_load_idx %gather3A_2295[%iota3A, %broadcast_in_dim3A_2287] : memref<32x128xf32, #tpu.memory_space<vmem>>[vector<16xi32>, vector<16xi32>], vector<16xf32>,
      %add3A_2297 = arith.constant 16 : i32
      %add3A_2298 = vector.broadcast %add3A_2297 : i32 to vector<16xi32>
      %add3A_2299 = arith.addi %iota3A, %add3A_2298 : vector<16xi32>
      %gather3A_2300 = arith.constant 2 : i32
      %gather3A_2301 = arith.constant 0 : i32
      %gather3A_2302 = arith.constant 0 : i32
      %gather3A_2303 = tpu.memref_slice %arg9[%gather3A_2300, %gather3A_2301, %gather3A_2302] : memref<8x32x128xf32, #tpu.memory_space<vmem>> -> memref<1x32x128xf32, #tpu.memory_space<vmem>>
      %gather3A_2304 = tpu.memref_squeeze %gather3A_2303 : memref<1x32x128xf32, #tpu.memory_space<vmem>> -> memref<32x128xf32, #tpu.memory_space<vmem>>
      %gather3A_2305 = tpu.vector_load_idx %gather3A_2304[%add3A_2299, %broadcast_in_dim3A_2287] : memref<32x128xf32, #tpu.memory_space<vmem>>[vector<16xi32>, vector<16xi32>], vector<16xf32>,
      %gather3A_2306 = tpu.vector_load_idx %arg11[%iota3A, %broadcast_in_dim3A_2290] : memref<32x64xf32, #tpu.memory_space<vmem>>[vector<16xi32>, vector<16xi32>], vector<16xf32>,
      %add3A_2307 = arith.constant 16 : i32
      %add3A_2308 = vector.broadcast %add3A_2307 : i32 to vector<16xi32>
      %add3A_2309 = arith.addi %iota3A, %add3A_2308 : vector<16xi32>
      %gather3A_2310 = tpu.vector_load_idx %arg11[%add3A_2309, %broadcast_in_dim3A_2290] : memref<32x64xf32, #tpu.memory_space<vmem>>[vector<16xi32>, vector<16xi32>], vector<16xf32>,
      %select_n3A_2311 = arith.select %ge3A_2280, %gather3A_2306, %gather3A_2296 : vector<16xf32>
      %select_n3A_2312 = arith.select %ge3A_2280, %gather3A_2310, %gather3A_2305 : vector<16xf32>
      %slice3A_2313 = vector.extract_strided_slice %get3A_706 {offsets = [10], sizes = [1], strides = [1]} : vector<16xi32> to vector<1xi32>
      %squeeze3A_2314 = vector.extract %slice3A_2313[0] : i32 from vector<1xi32>
      %ge3A_2315 = arith.constant 999936 : i32
      %ge3A_2316 = arith.cmpi sge, %squeeze3A_2314, %ge3A_2315 : i32
      %and3A_2317 = arith.constant 127 : i32
      %and3A_2318 = arith.andi %squeeze3A_2314, %and3A_2317 : i32
      %sub3A_2319 = arith.constant 999936 : i32
      %sub3A_2320 = arith.subi %squeeze3A_2314, %sub3A_2319 : i32
      %min3A_2321 = arith.constant 63 : i32
      %min3A_2322 = arith.minsi %sub3A_2320, %min3A_2321 : i32
      %broadcast_in_dim3A_2323 = vector.broadcast %and3A_2318 : i32 to vector<16xi32>
      %max3A_2324 = arith.constant 0 : i32
      %max3A_2325 = arith.maxsi %min3A_2322, %max3A_2324 : i32
      %broadcast_in_dim3A_2326 = vector.broadcast %max3A_2325 : i32 to vector<16xi32>
      %gather3A_2327 = arith.constant 2 : i32
      %gather3A_2328 = arith.constant 0 : i32
      %gather3A_2329 = arith.constant 0 : i32
      %gather3A_2330 = tpu.memref_slice %arg10[%gather3A_2327, %gather3A_2328, %gather3A_2329] : memref<8x32x128xf32, #tpu.memory_space<vmem>> -> memref<1x32x128xf32, #tpu.memory_space<vmem>>
      %gather3A_2331 = tpu.memref_squeeze %gather3A_2330 : memref<1x32x128xf32, #tpu.memory_space<vmem>> -> memref<32x128xf32, #tpu.memory_space<vmem>>
      %gather3A_2332 = tpu.vector_load_idx %gather3A_2331[%iota3A, %broadcast_in_dim3A_2323] : memref<32x128xf32, #tpu.memory_space<vmem>>[vector<16xi32>, vector<16xi32>], vector<16xf32>,
      %add3A_2333 = arith.constant 16 : i32
      %add3A_2334 = vector.broadcast %add3A_2333 : i32 to vector<16xi32>
      %add3A_2335 = arith.addi %iota3A, %add3A_2334 : vector<16xi32>
      %gather3A_2336 = arith.constant 2 : i32
      %gather3A_2337 = arith.constant 0 : i32
      %gather3A_2338 = arith.constant 0 : i32
      %gather3A_2339 = tpu.memref_slice %arg10[%gather3A_2336, %gather3A_2337, %gather3A_2338] : memref<8x32x128xf32, #tpu.memory_space<vmem>> -> memref<1x32x128xf32, #tpu.memory_space<vmem>>
      %gather3A_2340 = tpu.memref_squeeze %gather3A_2339 : memref<1x32x128xf32, #tpu.memory_space<vmem>> -> memref<32x128xf32, #tpu.memory_space<vmem>>
      %gather3A_2341 = tpu.vector_load_idx %gather3A_2340[%add3A_2335, %broadcast_in_dim3A_2323] : memref<32x128xf32, #tpu.memory_space<vmem>>[vector<16xi32>, vector<16xi32>], vector<16xf32>,
      %gather3A_2342 = tpu.vector_load_idx %arg12[%iota3A, %broadcast_in_dim3A_2326] : memref<32x64xf32, #tpu.memory_space<vmem>>[vector<16xi32>, vector<16xi32>], vector<16xf32>,
      %add3A_2343 = arith.constant 16 : i32
      %add3A_2344 = vector.broadcast %add3A_2343 : i32 to vector<16xi32>
      %add3A_2345 = arith.addi %iota3A, %add3A_2344 : vector<16xi32>
      %gather3A_2346 = tpu.vector_load_idx %arg12[%add3A_2345, %broadcast_in_dim3A_2326] : memref<32x64xf32, #tpu.memory_space<vmem>>[vector<16xi32>, vector<16xi32>], vector<16xf32>,
      %select_n3A_2347 = arith.select %ge3A_2316, %gather3A_2342, %gather3A_2332 : vector<16xf32>
      %select_n3A_2348 = arith.select %ge3A_2316, %gather3A_2346, %gather3A_2341 : vector<16xf32>
      %mul3A_2349 = arith.mulf %select_n3A_2311, %select_n3A_2347 : vector<16xf32>
      %mul3A_2350 = arith.mulf %select_n3A_2312, %select_n3A_2348 : vector<16xf32>
      %add3A_2351 = arith.addf %mul3A_2349, %mul3A_2350 : vector<16xf32>
      %mul3A_2352 = arith.constant 17 : i32
      %mul3A_2353 = vector.broadcast %mul3A_2352 : i32 to vector<16xi32>
      %mul3A_2354 = arith.muli %iota3A, %mul3A_2353 : vector<16xi32>
      %add3A_2355 = arith.constant 10 : i32
      %add3A_2356 = vector.broadcast %add3A_2355 : i32 to vector<16xi32>
      %add3A_2357 = arith.addi %mul3A_2354, %add3A_2356 : vector<16xi32>
      tpu.vector_store_idx %arg14[%add3A_2357], %add3A_2351 : memref<272xf32, #tpu.memory_space<vmem>>[vector<16xi32>], vector<16xf32>,
      %slice3A_2358 = vector.extract_strided_slice %get3A_703 {offsets = [11], sizes = [1], strides = [1]} : vector<16xi32> to vector<1xi32>
      %squeeze3A_2359 = vector.extract %slice3A_2358[0] : i32 from vector<1xi32>
      %ge3A_2360 = arith.constant 999936 : i32
      %ge3A_2361 = arith.cmpi sge, %squeeze3A_2359, %ge3A_2360 : i32
      %and3A_2362 = arith.constant 127 : i32
      %and3A_2363 = arith.andi %squeeze3A_2359, %and3A_2362 : i32
      %sub3A_2364 = arith.constant 999936 : i32
      %sub3A_2365 = arith.subi %squeeze3A_2359, %sub3A_2364 : i32
      %min3A_2366 = arith.constant 63 : i32
      %min3A_2367 = arith.minsi %sub3A_2365, %min3A_2366 : i32
      %broadcast_in_dim3A_2368 = vector.broadcast %and3A_2363 : i32 to vector<16xi32>
      %max3A_2369 = arith.constant 0 : i32
      %max3A_2370 = arith.maxsi %min3A_2367, %max3A_2369 : i32
      %broadcast_in_dim3A_2371 = vector.broadcast %max3A_2370 : i32 to vector<16xi32>
      %gather3A_2372 = arith.constant 3 : i32
      %gather3A_2373 = arith.constant 0 : i32
      %gather3A_2374 = arith.constant 0 : i32
      %gather3A_2375 = tpu.memref_slice %arg9[%gather3A_2372, %gather3A_2373, %gather3A_2374] : memref<8x32x128xf32, #tpu.memory_space<vmem>> -> memref<1x32x128xf32, #tpu.memory_space<vmem>>
      %gather3A_2376 = tpu.memref_squeeze %gather3A_2375 : memref<1x32x128xf32, #tpu.memory_space<vmem>> -> memref<32x128xf32, #tpu.memory_space<vmem>>
      %gather3A_2377 = tpu.vector_load_idx %gather3A_2376[%iota3A, %broadcast_in_dim3A_2368] : memref<32x128xf32, #tpu.memory_space<vmem>>[vector<16xi32>, vector<16xi32>], vector<16xf32>,
      %add3A_2378 = arith.constant 16 : i32
      %add3A_2379 = vector.broadcast %add3A_2378 : i32 to vector<16xi32>
      %add3A_2380 = arith.addi %iota3A, %add3A_2379 : vector<16xi32>
      %gather3A_2381 = arith.constant 3 : i32
      %gather3A_2382 = arith.constant 0 : i32
      %gather3A_2383 = arith.constant 0 : i32
      %gather3A_2384 = tpu.memref_slice %arg9[%gather3A_2381, %gather3A_2382, %gather3A_2383] : memref<8x32x128xf32, #tpu.memory_space<vmem>> -> memref<1x32x128xf32, #tpu.memory_space<vmem>>
      %gather3A_2385 = tpu.memref_squeeze %gather3A_2384 : memref<1x32x128xf32, #tpu.memory_space<vmem>> -> memref<32x128xf32, #tpu.memory_space<vmem>>
      %gather3A_2386 = tpu.vector_load_idx %gather3A_2385[%add3A_2380, %broadcast_in_dim3A_2368] : memref<32x128xf32, #tpu.memory_space<vmem>>[vector<16xi32>, vector<16xi32>], vector<16xf32>,
      %gather3A_2387 = tpu.vector_load_idx %arg11[%iota3A, %broadcast_in_dim3A_2371] : memref<32x64xf32, #tpu.memory_space<vmem>>[vector<16xi32>, vector<16xi32>], vector<16xf32>,
      %add3A_2388 = arith.constant 16 : i32
      %add3A_2389 = vector.broadcast %add3A_2388 : i32 to vector<16xi32>
      %add3A_2390 = arith.addi %iota3A, %add3A_2389 : vector<16xi32>
      %gather3A_2391 = tpu.vector_load_idx %arg11[%add3A_2390, %broadcast_in_dim3A_2371] : memref<32x64xf32, #tpu.memory_space<vmem>>[vector<16xi32>, vector<16xi32>], vector<16xf32>,
      %select_n3A_2392 = arith.select %ge3A_2361, %gather3A_2387, %gather3A_2377 : vector<16xf32>
      %select_n3A_2393 = arith.select %ge3A_2361, %gather3A_2391, %gather3A_2386 : vector<16xf32>
      %slice3A_2394 = vector.extract_strided_slice %get3A_706 {offsets = [11], sizes = [1], strides = [1]} : vector<16xi32> to vector<1xi32>
      %squeeze3A_2395 = vector.extract %slice3A_2394[0] : i32 from vector<1xi32>
      %ge3A_2396 = arith.constant 999936 : i32
      %ge3A_2397 = arith.cmpi sge, %squeeze3A_2395, %ge3A_2396 : i32
      %and3A_2398 = arith.constant 127 : i32
      %and3A_2399 = arith.andi %squeeze3A_2395, %and3A_2398 : i32
      %sub3A_2400 = arith.constant 999936 : i32
      %sub3A_2401 = arith.subi %squeeze3A_2395, %sub3A_2400 : i32
      %min3A_2402 = arith.constant 63 : i32
      %min3A_2403 = arith.minsi %sub3A_2401, %min3A_2402 : i32
      %broadcast_in_dim3A_2404 = vector.broadcast %and3A_2399 : i32 to vector<16xi32>
      %max3A_2405 = arith.constant 0 : i32
      %max3A_2406 = arith.maxsi %min3A_2403, %max3A_2405 : i32
      %broadcast_in_dim3A_2407 = vector.broadcast %max3A_2406 : i32 to vector<16xi32>
      %gather3A_2408 = arith.constant 3 : i32
      %gather3A_2409 = arith.constant 0 : i32
      %gather3A_2410 = arith.constant 0 : i32
      %gather3A_2411 = tpu.memref_slice %arg10[%gather3A_2408, %gather3A_2409, %gather3A_2410] : memref<8x32x128xf32, #tpu.memory_space<vmem>> -> memref<1x32x128xf32, #tpu.memory_space<vmem>>
      %gather3A_2412 = tpu.memref_squeeze %gather3A_2411 : memref<1x32x128xf32, #tpu.memory_space<vmem>> -> memref<32x128xf32, #tpu.memory_space<vmem>>
      %gather3A_2413 = tpu.vector_load_idx %gather3A_2412[%iota3A, %broadcast_in_dim3A_2404] : memref<32x128xf32, #tpu.memory_space<vmem>>[vector<16xi32>, vector<16xi32>], vector<16xf32>,
      %add3A_2414 = arith.constant 16 : i32
      %add3A_2415 = vector.broadcast %add3A_2414 : i32 to vector<16xi32>
      %add3A_2416 = arith.addi %iota3A, %add3A_2415 : vector<16xi32>
      %gather3A_2417 = arith.constant 3 : i32
      %gather3A_2418 = arith.constant 0 : i32
      %gather3A_2419 = arith.constant 0 : i32
      %gather3A_2420 = tpu.memref_slice %arg10[%gather3A_2417, %gather3A_2418, %gather3A_2419] : memref<8x32x128xf32, #tpu.memory_space<vmem>> -> memref<1x32x128xf32, #tpu.memory_space<vmem>>
      %gather3A_2421 = tpu.memref_squeeze %gather3A_2420 : memref<1x32x128xf32, #tpu.memory_space<vmem>> -> memref<32x128xf32, #tpu.memory_space<vmem>>
      %gather3A_2422 = tpu.vector_load_idx %gather3A_2421[%add3A_2416, %broadcast_in_dim3A_2404] : memref<32x128xf32, #tpu.memory_space<vmem>>[vector<16xi32>, vector<16xi32>], vector<16xf32>,
      %gather3A_2423 = tpu.vector_load_idx %arg12[%iota3A, %broadcast_in_dim3A_2407] : memref<32x64xf32, #tpu.memory_space<vmem>>[vector<16xi32>, vector<16xi32>], vector<16xf32>,
      %add3A_2424 = arith.constant 16 : i32
      %add3A_2425 = vector.broadcast %add3A_2424 : i32 to vector<16xi32>
      %add3A_2426 = arith.addi %iota3A, %add3A_2425 : vector<16xi32>
      %gather3A_2427 = tpu.vector_load_idx %arg12[%add3A_2426, %broadcast_in_dim3A_2407] : memref<32x64xf32, #tpu.memory_space<vmem>>[vector<16xi32>, vector<16xi32>], vector<16xf32>,
      %select_n3A_2428 = arith.select %ge3A_2397, %gather3A_2423, %gather3A_2413 : vector<16xf32>
      %select_n3A_2429 = arith.select %ge3A_2397, %gather3A_2427, %gather3A_2422 : vector<16xf32>
      %mul3A_2430 = arith.mulf %select_n3A_2392, %select_n3A_2428 : vector<16xf32>
      %mul3A_2431 = arith.mulf %select_n3A_2393, %select_n3A_2429 : vector<16xf32>
      %add3A_2432 = arith.addf %mul3A_2430, %mul3A_2431 : vector<16xf32>
      %mul3A_2433 = arith.constant 17 : i32
      %mul3A_2434 = vector.broadcast %mul3A_2433 : i32 to vector<16xi32>
      %mul3A_2435 = arith.muli %iota3A, %mul3A_2434 : vector<16xi32>
      %add3A_2436 = arith.constant 11 : i32
      %add3A_2437 = vector.broadcast %add3A_2436 : i32 to vector<16xi32>
      %add3A_2438 = arith.addi %mul3A_2435, %add3A_2437 : vector<16xi32>
      tpu.vector_store_idx %arg14[%add3A_2438], %add3A_2432 : memref<272xf32, #tpu.memory_space<vmem>>[vector<16xi32>], vector<16xf32>,
      %slice3A_2439 = vector.extract_strided_slice %get3A_755 {offsets = [0], sizes = [1], strides = [1]} : vector<16xi32> to vector<1xi32>
      %squeeze3A_2440 = vector.extract %slice3A_2439[0] : i32 from vector<1xi32>
      %shift_right_logical3A_2441 = arith.constant 7 : i32
      %shift_right_logical3A_2442 = arith.shrui %squeeze3A_2440, %shift_right_logical3A_2441 : i32
      %min3A_2443 = arith.constant 7811 : i32
      %min3A_2444 = arith.minsi %shift_right_logical3A_2442, %min3A_2443 : i32
      %mul3A_2445 = arith.constant 128 : i32
      %mul3A_2446 = arith.muli %min3A_2444, %mul3A_2445 : i32
      %multiple_of3A_2447 = tpu.assume_multiple %mul3A_2446, 128 : i32
      %dma_start3A_2448 = arith.constant 0 : i32
      %dma_start3A_2449 = arith.constant 0 : i32
      %dma_start3A_2450 = arith.constant 0 : i32
      %dma_start3A_2451 = tpu.memref_slice %arg9[%dma_start3A_2448, %dma_start3A_2449, %dma_start3A_2450] : memref<8x32x128xf32, #tpu.memory_space<vmem>> -> memref<1x32x128xf32, #tpu.memory_space<vmem>>
      %dma_start3A_2452 = tpu.memref_squeeze %dma_start3A_2451 : memref<1x32x128xf32, #tpu.memory_space<vmem>> -> memref<32x128xf32, #tpu.memory_space<vmem>>
      %dma_start3A_2453 = arith.constant 0 : i32
      %dma_start3A_2454 = tpu.memref_slice %arg4[%dma_start3A_2453, %multiple_of3A_2447] : memref<32x1000000xf32, #tpu.memory_space<hbm>> -> memref<32x128xf32, #tpu.memory_space<hbm>>
      %dma_start3A_2455 = arith.constant 0 : i32
      %dma_start3A_2456 = arith.constant 0 : i32
      %dma_start3A_2457 = tpu.memref_slice %arg9[%dma_start3A_2448, %dma_start3A_2455, %dma_start3A_2456] : memref<8x32x128xf32, #tpu.memory_space<vmem>> -> memref<1x32x128xf32, #tpu.memory_space<vmem>>
      %dma_start3A_2458 = tpu.memref_squeeze %dma_start3A_2457 : memref<1x32x128xf32, #tpu.memory_space<vmem>> -> memref<32x128xf32, #tpu.memory_space<vmem>>
      %dma_start3A_2459 = arith.constant 0 : i32
      %dma_start3A_2460 = tpu.memref_slice %arg4[%dma_start3A_2459, %multiple_of3A_2447] : memref<32x1000000xf32, #tpu.memory_space<hbm>> -> memref<32x128xf32, #tpu.memory_space<hbm>>
      tpu.enqueue_dma source(%dma_start3A_2460 : memref<32x128xf32, #tpu.memory_space<hbm>>) target(%dma_start3A_2458 : memref<32x128xf32, #tpu.memory_space<vmem>>) target_semaphore(%arg15 : memref<!tpu.dma_semaphore, #tpu.memory_space<semaphore_mem>>)
      %slice3A_2461 = vector.extract_strided_slice %get3A_758 {offsets = [0], sizes = [1], strides = [1]} : vector<16xi32> to vector<1xi32>
      %squeeze3A_2462 = vector.extract %slice3A_2461[0] : i32 from vector<1xi32>
      %shift_right_logical3A_2463 = arith.constant 7 : i32
      %shift_right_logical3A_2464 = arith.shrui %squeeze3A_2462, %shift_right_logical3A_2463 : i32
      %min3A_2465 = arith.constant 7811 : i32
      %min3A_2466 = arith.minsi %shift_right_logical3A_2464, %min3A_2465 : i32
      %mul3A_2467 = arith.constant 128 : i32
      %mul3A_2468 = arith.muli %min3A_2466, %mul3A_2467 : i32
      %multiple_of3A_2469 = tpu.assume_multiple %mul3A_2468, 128 : i32
      %dma_start3A_2470 = arith.constant 0 : i32
      %dma_start3A_2471 = arith.constant 0 : i32
      %dma_start3A_2472 = arith.constant 0 : i32
      %dma_start3A_2473 = tpu.memref_slice %arg10[%dma_start3A_2470, %dma_start3A_2471, %dma_start3A_2472] : memref<8x32x128xf32, #tpu.memory_space<vmem>> -> memref<1x32x128xf32, #tpu.memory_space<vmem>>
      %dma_start3A_2474 = tpu.memref_squeeze %dma_start3A_2473 : memref<1x32x128xf32, #tpu.memory_space<vmem>> -> memref<32x128xf32, #tpu.memory_space<vmem>>
      %dma_start3A_2475 = arith.constant 0 : i32
      %dma_start3A_2476 = tpu.memref_slice %arg5[%dma_start3A_2475, %multiple_of3A_2469] : memref<32x1000000xf32, #tpu.memory_space<hbm>> -> memref<32x128xf32, #tpu.memory_space<hbm>>
      %dma_start3A_2477 = arith.constant 0 : i32
      %dma_start3A_2478 = arith.constant 0 : i32
      %dma_start3A_2479 = tpu.memref_slice %arg10[%dma_start3A_2470, %dma_start3A_2477, %dma_start3A_2478] : memref<8x32x128xf32, #tpu.memory_space<vmem>> -> memref<1x32x128xf32, #tpu.memory_space<vmem>>
      %dma_start3A_2480 = tpu.memref_squeeze %dma_start3A_2479 : memref<1x32x128xf32, #tpu.memory_space<vmem>> -> memref<32x128xf32, #tpu.memory_space<vmem>>
      %dma_start3A_2481 = arith.constant 0 : i32
      %dma_start3A_2482 = tpu.memref_slice %arg5[%dma_start3A_2481, %multiple_of3A_2469] : memref<32x1000000xf32, #tpu.memory_space<hbm>> -> memref<32x128xf32, #tpu.memory_space<hbm>>
      tpu.enqueue_dma source(%dma_start3A_2482 : memref<32x128xf32, #tpu.memory_space<hbm>>) target(%dma_start3A_2480 : memref<32x128xf32, #tpu.memory_space<vmem>>) target_semaphore(%arg15 : memref<!tpu.dma_semaphore, #tpu.memory_space<semaphore_mem>>)
      %slice3A_2483 = vector.extract_strided_slice %get3A_755 {offsets = [1], sizes = [1], strides = [1]} : vector<16xi32> to vector<1xi32>
      %squeeze3A_2484 = vector.extract %slice3A_2483[0] : i32 from vector<1xi32>
      %shift_right_logical3A_2485 = arith.constant 7 : i32
      %shift_right_logical3A_2486 = arith.shrui %squeeze3A_2484, %shift_right_logical3A_2485 : i32
      %min3A_2487 = arith.constant 7811 : i32
      %min3A_2488 = arith.minsi %shift_right_logical3A_2486, %min3A_2487 : i32
      %mul3A_2489 = arith.constant 128 : i32
      %mul3A_2490 = arith.muli %min3A_2488, %mul3A_2489 : i32
      %multiple_of3A_2491 = tpu.assume_multiple %mul3A_2490, 128 : i32
      %dma_start3A_2492 = arith.constant 1 : i32
      %dma_start3A_2493 = arith.constant 0 : i32
      %dma_start3A_2494 = arith.constant 0 : i32
      %dma_start3A_2495 = tpu.memref_slice %arg9[%dma_start3A_2492, %dma_start3A_2493, %dma_start3A_2494] : memref<8x32x128xf32, #tpu.memory_space<vmem>> -> memref<1x32x128xf32, #tpu.memory_space<vmem>>
      %dma_start3A_2496 = tpu.memref_squeeze %dma_start3A_2495 : memref<1x32x128xf32, #tpu.memory_space<vmem>> -> memref<32x128xf32, #tpu.memory_space<vmem>>
      %dma_start3A_2497 = arith.constant 0 : i32
      %dma_start3A_2498 = tpu.memref_slice %arg4[%dma_start3A_2497, %multiple_of3A_2491] : memref<32x1000000xf32, #tpu.memory_space<hbm>> -> memref<32x128xf32, #tpu.memory_space<hbm>>
      %dma_start3A_2499 = arith.constant 0 : i32
      %dma_start3A_2500 = arith.constant 0 : i32
      %dma_start3A_2501 = tpu.memref_slice %arg9[%dma_start3A_2492, %dma_start3A_2499, %dma_start3A_2500] : memref<8x32x128xf32, #tpu.memory_space<vmem>> -> memref<1x32x128xf32, #tpu.memory_space<vmem>>
      %dma_start3A_2502 = tpu.memref_squeeze %dma_start3A_2501 : memref<1x32x128xf32, #tpu.memory_space<vmem>> -> memref<32x128xf32, #tpu.memory_space<vmem>>
      %dma_start3A_2503 = arith.constant 0 : i32
      %dma_start3A_2504 = tpu.memref_slice %arg4[%dma_start3A_2503, %multiple_of3A_2491] : memref<32x1000000xf32, #tpu.memory_space<hbm>> -> memref<32x128xf32, #tpu.memory_space<hbm>>
      tpu.enqueue_dma source(%dma_start3A_2504 : memref<32x128xf32, #tpu.memory_space<hbm>>) target(%dma_start3A_2502 : memref<32x128xf32, #tpu.memory_space<vmem>>) target_semaphore(%arg15 : memref<!tpu.dma_semaphore, #tpu.memory_space<semaphore_mem>>)
      %slice3A_2505 = vector.extract_strided_slice %get3A_758 {offsets = [1], sizes = [1], strides = [1]} : vector<16xi32> to vector<1xi32>
      %squeeze3A_2506 = vector.extract %slice3A_2505[0] : i32 from vector<1xi32>
      %shift_right_logical3A_2507 = arith.constant 7 : i32
      %shift_right_logical3A_2508 = arith.shrui %squeeze3A_2506, %shift_right_logical3A_2507 : i32
      %min3A_2509 = arith.constant 7811 : i32
      %min3A_2510 = arith.minsi %shift_right_logical3A_2508, %min3A_2509 : i32
      %mul3A_2511 = arith.constant 128 : i32
      %mul3A_2512 = arith.muli %min3A_2510, %mul3A_2511 : i32
      %multiple_of3A_2513 = tpu.assume_multiple %mul3A_2512, 128 : i32
      %dma_start3A_2514 = arith.constant 1 : i32
      %dma_start3A_2515 = arith.constant 0 : i32
      %dma_start3A_2516 = arith.constant 0 : i32
      %dma_start3A_2517 = tpu.memref_slice %arg10[%dma_start3A_2514, %dma_start3A_2515, %dma_start3A_2516] : memref<8x32x128xf32, #tpu.memory_space<vmem>> -> memref<1x32x128xf32, #tpu.memory_space<vmem>>
      %dma_start3A_2518 = tpu.memref_squeeze %dma_start3A_2517 : memref<1x32x128xf32, #tpu.memory_space<vmem>> -> memref<32x128xf32, #tpu.memory_space<vmem>>
      %dma_start3A_2519 = arith.constant 0 : i32
      %dma_start3A_2520 = tpu.memref_slice %arg5[%dma_start3A_2519, %multiple_of3A_2513] : memref<32x1000000xf32, #tpu.memory_space<hbm>> -> memref<32x128xf32, #tpu.memory_space<hbm>>
      %dma_start3A_2521 = arith.constant 0 : i32
      %dma_start3A_2522 = arith.constant 0 : i32
      %dma_start3A_2523 = tpu.memref_slice %arg10[%dma_start3A_2514, %dma_start3A_2521, %dma_start3A_2522] : memref<8x32x128xf32, #tpu.memory_space<vmem>> -> memref<1x32x128xf32, #tpu.memory_space<vmem>>
      %dma_start3A_2524 = tpu.memref_squeeze %dma_start3A_2523 : memref<1x32x128xf32, #tpu.memory_space<vmem>> -> memref<32x128xf32, #tpu.memory_space<vmem>>
      %dma_start3A_2525 = arith.constant 0 : i32
      %dma_start3A_2526 = tpu.memref_slice %arg5[%dma_start3A_2525, %multiple_of3A_2513] : memref<32x1000000xf32, #tpu.memory_space<hbm>> -> memref<32x128xf32, #tpu.memory_space<hbm>>
      tpu.enqueue_dma source(%dma_start3A_2526 : memref<32x128xf32, #tpu.memory_space<hbm>>) target(%dma_start3A_2524 : memref<32x128xf32, #tpu.memory_space<vmem>>) target_semaphore(%arg15 : memref<!tpu.dma_semaphore, #tpu.memory_space<semaphore_mem>>)
      %slice3A_2527 = vector.extract_strided_slice %get3A_755 {offsets = [2], sizes = [1], strides = [1]} : vector<16xi32> to vector<1xi32>
      %squeeze3A_2528 = vector.extract %slice3A_2527[0] : i32 from vector<1xi32>
      %shift_right_logical3A_2529 = arith.constant 7 : i32
      %shift_right_logical3A_2530 = arith.shrui %squeeze3A_2528, %shift_right_logical3A_2529 : i32
      %min3A_2531 = arith.constant 7811 : i32
      %min3A_2532 = arith.minsi %shift_right_logical3A_2530, %min3A_2531 : i32
      %mul3A_2533 = arith.constant 128 : i32
      %mul3A_2534 = arith.muli %min3A_2532, %mul3A_2533 : i32
      %multiple_of3A_2535 = tpu.assume_multiple %mul3A_2534, 128 : i32
      %dma_start3A_2536 = arith.constant 2 : i32
      %dma_start3A_2537 = arith.constant 0 : i32
      %dma_start3A_2538 = arith.constant 0 : i32
      %dma_start3A_2539 = tpu.memref_slice %arg9[%dma_start3A_2536, %dma_start3A_2537, %dma_start3A_2538] : memref<8x32x128xf32, #tpu.memory_space<vmem>> -> memref<1x32x128xf32, #tpu.memory_space<vmem>>
      %dma_start3A_2540 = tpu.memref_squeeze %dma_start3A_2539 : memref<1x32x128xf32, #tpu.memory_space<vmem>> -> memref<32x128xf32, #tpu.memory_space<vmem>>
      %dma_start3A_2541 = arith.constant 0 : i32
      %dma_start3A_2542 = tpu.memref_slice %arg4[%dma_start3A_2541, %multiple_of3A_2535] : memref<32x1000000xf32, #tpu.memory_space<hbm>> -> memref<32x128xf32, #tpu.memory_space<hbm>>
      %dma_start3A_2543 = arith.constant 0 : i32
      %dma_start3A_2544 = arith.constant 0 : i32
      %dma_start3A_2545 = tpu.memref_slice %arg9[%dma_start3A_2536, %dma_start3A_2543, %dma_start3A_2544] : memref<8x32x128xf32, #tpu.memory_space<vmem>> -> memref<1x32x128xf32, #tpu.memory_space<vmem>>
      %dma_start3A_2546 = tpu.memref_squeeze %dma_start3A_2545 : memref<1x32x128xf32, #tpu.memory_space<vmem>> -> memref<32x128xf32, #tpu.memory_space<vmem>>
      %dma_start3A_2547 = arith.constant 0 : i32
      %dma_start3A_2548 = tpu.memref_slice %arg4[%dma_start3A_2547, %multiple_of3A_2535] : memref<32x1000000xf32, #tpu.memory_space<hbm>> -> memref<32x128xf32, #tpu.memory_space<hbm>>
      tpu.enqueue_dma source(%dma_start3A_2548 : memref<32x128xf32, #tpu.memory_space<hbm>>) target(%dma_start3A_2546 : memref<32x128xf32, #tpu.memory_space<vmem>>) target_semaphore(%arg15 : memref<!tpu.dma_semaphore, #tpu.memory_space<semaphore_mem>>)
      %slice3A_2549 = vector.extract_strided_slice %get3A_758 {offsets = [2], sizes = [1], strides = [1]} : vector<16xi32> to vector<1xi32>
      %squeeze3A_2550 = vector.extract %slice3A_2549[0] : i32 from vector<1xi32>
      %shift_right_logical3A_2551 = arith.constant 7 : i32
      %shift_right_logical3A_2552 = arith.shrui %squeeze3A_2550, %shift_right_logical3A_2551 : i32
      %min3A_2553 = arith.constant 7811 : i32
      %min3A_2554 = arith.minsi %shift_right_logical3A_2552, %min3A_2553 : i32
      %mul3A_2555 = arith.constant 128 : i32
      %mul3A_2556 = arith.muli %min3A_2554, %mul3A_2555 : i32
      %multiple_of3A_2557 = tpu.assume_multiple %mul3A_2556, 128 : i32
      %dma_start3A_2558 = arith.constant 2 : i32
      %dma_start3A_2559 = arith.constant 0 : i32
      %dma_start3A_2560 = arith.constant 0 : i32
      %dma_start3A_2561 = tpu.memref_slice %arg10[%dma_start3A_2558, %dma_start3A_2559, %dma_start3A_2560] : memref<8x32x128xf32, #tpu.memory_space<vmem>> -> memref<1x32x128xf32, #tpu.memory_space<vmem>>
      %dma_start3A_2562 = tpu.memref_squeeze %dma_start3A_2561 : memref<1x32x128xf32, #tpu.memory_space<vmem>> -> memref<32x128xf32, #tpu.memory_space<vmem>>
      %dma_start3A_2563 = arith.constant 0 : i32
      %dma_start3A_2564 = tpu.memref_slice %arg5[%dma_start3A_2563, %multiple_of3A_2557] : memref<32x1000000xf32, #tpu.memory_space<hbm>> -> memref<32x128xf32, #tpu.memory_space<hbm>>
      %dma_start3A_2565 = arith.constant 0 : i32
      %dma_start3A_2566 = arith.constant 0 : i32
      %dma_start3A_2567 = tpu.memref_slice %arg10[%dma_start3A_2558, %dma_start3A_2565, %dma_start3A_2566] : memref<8x32x128xf32, #tpu.memory_space<vmem>> -> memref<1x32x128xf32, #tpu.memory_space<vmem>>
      %dma_start3A_2568 = tpu.memref_squeeze %dma_start3A_2567 : memref<1x32x128xf32, #tpu.memory_space<vmem>> -> memref<32x128xf32, #tpu.memory_space<vmem>>
      %dma_start3A_2569 = arith.constant 0 : i32
      %dma_start3A_2570 = tpu.memref_slice %arg5[%dma_start3A_2569, %multiple_of3A_2557] : memref<32x1000000xf32, #tpu.memory_space<hbm>> -> memref<32x128xf32, #tpu.memory_space<hbm>>
      tpu.enqueue_dma source(%dma_start3A_2570 : memref<32x128xf32, #tpu.memory_space<hbm>>) target(%dma_start3A_2568 : memref<32x128xf32, #tpu.memory_space<vmem>>) target_semaphore(%arg15 : memref<!tpu.dma_semaphore, #tpu.memory_space<semaphore_mem>>)
      %slice3A_2571 = vector.extract_strided_slice %get3A_755 {offsets = [3], sizes = [1], strides = [1]} : vector<16xi32> to vector<1xi32>
      %squeeze3A_2572 = vector.extract %slice3A_2571[0] : i32 from vector<1xi32>
      %shift_right_logical3A_2573 = arith.constant 7 : i32
      %shift_right_logical3A_2574 = arith.shrui %squeeze3A_2572, %shift_right_logical3A_2573 : i32
      %min3A_2575 = arith.constant 7811 : i32
      %min3A_2576 = arith.minsi %shift_right_logical3A_2574, %min3A_2575 : i32
      %mul3A_2577 = arith.constant 128 : i32
      %mul3A_2578 = arith.muli %min3A_2576, %mul3A_2577 : i32
      %multiple_of3A_2579 = tpu.assume_multiple %mul3A_2578, 128 : i32
      %dma_start3A_2580 = arith.constant 3 : i32
      %dma_start3A_2581 = arith.constant 0 : i32
      %dma_start3A_2582 = arith.constant 0 : i32
      %dma_start3A_2583 = tpu.memref_slice %arg9[%dma_start3A_2580, %dma_start3A_2581, %dma_start3A_2582] : memref<8x32x128xf32, #tpu.memory_space<vmem>> -> memref<1x32x128xf32, #tpu.memory_space<vmem>>
      %dma_start3A_2584 = tpu.memref_squeeze %dma_start3A_2583 : memref<1x32x128xf32, #tpu.memory_space<vmem>> -> memref<32x128xf32, #tpu.memory_space<vmem>>
      %dma_start3A_2585 = arith.constant 0 : i32
      %dma_start3A_2586 = tpu.memref_slice %arg4[%dma_start3A_2585, %multiple_of3A_2579] : memref<32x1000000xf32, #tpu.memory_space<hbm>> -> memref<32x128xf32, #tpu.memory_space<hbm>>
      %dma_start3A_2587 = arith.constant 0 : i32
      %dma_start3A_2588 = arith.constant 0 : i32
      %dma_start3A_2589 = tpu.memref_slice %arg9[%dma_start3A_2580, %dma_start3A_2587, %dma_start3A_2588] : memref<8x32x128xf32, #tpu.memory_space<vmem>> -> memref<1x32x128xf32, #tpu.memory_space<vmem>>
      %dma_start3A_2590 = tpu.memref_squeeze %dma_start3A_2589 : memref<1x32x128xf32, #tpu.memory_space<vmem>> -> memref<32x128xf32, #tpu.memory_space<vmem>>
      %dma_start3A_2591 = arith.constant 0 : i32
      %dma_start3A_2592 = tpu.memref_slice %arg4[%dma_start3A_2591, %multiple_of3A_2579] : memref<32x1000000xf32, #tpu.memory_space<hbm>> -> memref<32x128xf32, #tpu.memory_space<hbm>>
      tpu.enqueue_dma source(%dma_start3A_2592 : memref<32x128xf32, #tpu.memory_space<hbm>>) target(%dma_start3A_2590 : memref<32x128xf32, #tpu.memory_space<vmem>>) target_semaphore(%arg15 : memref<!tpu.dma_semaphore, #tpu.memory_space<semaphore_mem>>)
      %slice3A_2593 = vector.extract_strided_slice %get3A_758 {offsets = [3], sizes = [1], strides = [1]} : vector<16xi32> to vector<1xi32>
      %squeeze3A_2594 = vector.extract %slice3A_2593[0] : i32 from vector<1xi32>
      %shift_right_logical3A_2595 = arith.constant 7 : i32
      %shift_right_logical3A_2596 = arith.shrui %squeeze3A_2594, %shift_right_logical3A_2595 : i32
      %min3A_2597 = arith.constant 7811 : i32
      %min3A_2598 = arith.minsi %shift_right_logical3A_2596, %min3A_2597 : i32
      %mul3A_2599 = arith.constant 128 : i32
      %mul3A_2600 = arith.muli %min3A_2598, %mul3A_2599 : i32
      %multiple_of3A_2601 = tpu.assume_multiple %mul3A_2600, 128 : i32
      %dma_start3A_2602 = arith.constant 3 : i32
      %dma_start3A_2603 = arith.constant 0 : i32
      %dma_start3A_2604 = arith.constant 0 : i32
      %dma_start3A_2605 = tpu.memref_slice %arg10[%dma_start3A_2602, %dma_start3A_2603, %dma_start3A_2604] : memref<8x32x128xf32, #tpu.memory_space<vmem>> -> memref<1x32x128xf32, #tpu.memory_space<vmem>>
      %dma_start3A_2606 = tpu.memref_squeeze %dma_start3A_2605 : memref<1x32x128xf32, #tpu.memory_space<vmem>> -> memref<32x128xf32, #tpu.memory_space<vmem>>
      %dma_start3A_2607 = arith.constant 0 : i32
      %dma_start3A_2608 = tpu.memref_slice %arg5[%dma_start3A_2607, %multiple_of3A_2601] : memref<32x1000000xf32, #tpu.memory_space<hbm>> -> memref<32x128xf32, #tpu.memory_space<hbm>>
      %dma_start3A_2609 = arith.constant 0 : i32
      %dma_start3A_2610 = arith.constant 0 : i32
      %dma_start3A_2611 = tpu.memref_slice %arg10[%dma_start3A_2602, %dma_start3A_2609, %dma_start3A_2610] : memref<8x32x128xf32, #tpu.memory_space<vmem>> -> memref<1x32x128xf32, #tpu.memory_space<vmem>>
      %dma_start3A_2612 = tpu.memref_squeeze %dma_start3A_2611 : memref<1x32x128xf32, #tpu.memory_space<vmem>> -> memref<32x128xf32, #tpu.memory_space<vmem>>
      %dma_start3A_2613 = arith.constant 0 : i32
      %dma_start3A_2614 = tpu.memref_slice %arg5[%dma_start3A_2613, %multiple_of3A_2601] : memref<32x1000000xf32, #tpu.memory_space<hbm>> -> memref<32x128xf32, #tpu.memory_space<hbm>>
      tpu.enqueue_dma source(%dma_start3A_2614 : memref<32x128xf32, #tpu.memory_space<hbm>>) target(%dma_start3A_2612 : memref<32x128xf32, #tpu.memory_space<vmem>>) target_semaphore(%arg15 : memref<!tpu.dma_semaphore, #tpu.memory_space<semaphore_mem>>)
      %dma_wait3A_2615 = arith.constant 0 : i32
      %dma_wait3A_2616 = arith.constant 0 : i32
      %dma_wait3A_2617 = arith.constant 0 : i32
      %dma_wait3A_2618 = tpu.memref_slice %arg9[%dma_wait3A_2615, %dma_wait3A_2616, %dma_wait3A_2617] : memref<8x32x128xf32, #tpu.memory_space<vmem>> -> memref<1x32x128xf32, #tpu.memory_space<vmem>>
      %dma_wait3A_2619 = tpu.memref_squeeze %dma_wait3A_2618 : memref<1x32x128xf32, #tpu.memory_space<vmem>> -> memref<32x128xf32, #tpu.memory_space<vmem>>
      %dma_wait3A_2620 = arith.constant 0 : i32
      %dma_wait3A_2621 = arith.constant 0 : i32
      %dma_wait3A_2622 = tpu.memref_slice %arg4[%dma_wait3A_2620, %dma_wait3A_2621] : memref<32x1000000xf32, #tpu.memory_space<hbm>> -> memref<32x128xf32, #tpu.memory_space<hbm>>
      %dma_wait3A_2623 = arith.constant 0 : i32
      %dma_wait3A_2624 = arith.constant 0 : i32
      %dma_wait3A_2625 = tpu.memref_slice %arg9[%dma_wait3A_2615, %dma_wait3A_2623, %dma_wait3A_2624] : memref<8x32x128xf32, #tpu.memory_space<vmem>> -> memref<1x32x128xf32, #tpu.memory_space<vmem>>
      %dma_wait3A_2626 = tpu.memref_squeeze %dma_wait3A_2625 : memref<1x32x128xf32, #tpu.memory_space<vmem>> -> memref<32x128xf32, #tpu.memory_space<vmem>>
      %dma_wait3A_2627 = arith.constant 0 : i32
      %dma_wait3A_2628 = arith.constant 0 : i32
      %dma_wait3A_2629 = tpu.memref_slice %arg4[%dma_wait3A_2627, %dma_wait3A_2628] : memref<32x1000000xf32, #tpu.memory_space<hbm>> -> memref<32x128xf32, #tpu.memory_space<hbm>>
      tpu.wait_dma2 semaphore(%arg15 : memref<!tpu.dma_semaphore, #tpu.memory_space<semaphore_mem>>) src(%dma_wait3A_2629 : memref<32x128xf32, #tpu.memory_space<hbm>>) dst(%dma_wait3A_2626 : memref<32x128xf32, #tpu.memory_space<vmem>>)
      %dma_wait3A_2630 = arith.constant 0 : i32
      %dma_wait3A_2631 = arith.constant 0 : i32
      %dma_wait3A_2632 = arith.constant 0 : i32
      %dma_wait3A_2633 = tpu.memref_slice %arg10[%dma_wait3A_2630, %dma_wait3A_2631, %dma_wait3A_2632] : memref<8x32x128xf32, #tpu.memory_space<vmem>> -> memref<1x32x128xf32, #tpu.memory_space<vmem>>
      %dma_wait3A_2634 = tpu.memref_squeeze %dma_wait3A_2633 : memref<1x32x128xf32, #tpu.memory_space<vmem>> -> memref<32x128xf32, #tpu.memory_space<vmem>>
      %dma_wait3A_2635 = arith.constant 0 : i32
      %dma_wait3A_2636 = arith.constant 0 : i32
      %dma_wait3A_2637 = tpu.memref_slice %arg5[%dma_wait3A_2635, %dma_wait3A_2636] : memref<32x1000000xf32, #tpu.memory_space<hbm>> -> memref<32x128xf32, #tpu.memory_space<hbm>>
      %dma_wait3A_2638 = arith.constant 0 : i32
      %dma_wait3A_2639 = arith.constant 0 : i32
      %dma_wait3A_2640 = tpu.memref_slice %arg10[%dma_wait3A_2630, %dma_wait3A_2638, %dma_wait3A_2639] : memref<8x32x128xf32, #tpu.memory_space<vmem>> -> memref<1x32x128xf32, #tpu.memory_space<vmem>>
      %dma_wait3A_2641 = tpu.memref_squeeze %dma_wait3A_2640 : memref<1x32x128xf32, #tpu.memory_space<vmem>> -> memref<32x128xf32, #tpu.memory_space<vmem>>
      %dma_wait3A_2642 = arith.constant 0 : i32
      %dma_wait3A_2643 = arith.constant 0 : i32
      %dma_wait3A_2644 = tpu.memref_slice %arg5[%dma_wait3A_2642, %dma_wait3A_2643] : memref<32x1000000xf32, #tpu.memory_space<hbm>> -> memref<32x128xf32, #tpu.memory_space<hbm>>
      tpu.wait_dma2 semaphore(%arg15 : memref<!tpu.dma_semaphore, #tpu.memory_space<semaphore_mem>>) src(%dma_wait3A_2644 : memref<32x128xf32, #tpu.memory_space<hbm>>) dst(%dma_wait3A_2641 : memref<32x128xf32, #tpu.memory_space<vmem>>)
      %dma_wait3A_2645 = arith.constant 1 : i32
      %dma_wait3A_2646 = arith.constant 0 : i32
      %dma_wait3A_2647 = arith.constant 0 : i32
      %dma_wait3A_2648 = tpu.memref_slice %arg9[%dma_wait3A_2645, %dma_wait3A_2646, %dma_wait3A_2647] : memref<8x32x128xf32, #tpu.memory_space<vmem>> -> memref<1x32x128xf32, #tpu.memory_space<vmem>>
      %dma_wait3A_2649 = tpu.memref_squeeze %dma_wait3A_2648 : memref<1x32x128xf32, #tpu.memory_space<vmem>> -> memref<32x128xf32, #tpu.memory_space<vmem>>
      %dma_wait3A_2650 = arith.constant 0 : i32
      %dma_wait3A_2651 = arith.constant 0 : i32
      %dma_wait3A_2652 = tpu.memref_slice %arg4[%dma_wait3A_2650, %dma_wait3A_2651] : memref<32x1000000xf32, #tpu.memory_space<hbm>> -> memref<32x128xf32, #tpu.memory_space<hbm>>
      %dma_wait3A_2653 = arith.constant 0 : i32
      %dma_wait3A_2654 = arith.constant 0 : i32
      %dma_wait3A_2655 = tpu.memref_slice %arg9[%dma_wait3A_2645, %dma_wait3A_2653, %dma_wait3A_2654] : memref<8x32x128xf32, #tpu.memory_space<vmem>> -> memref<1x32x128xf32, #tpu.memory_space<vmem>>
      %dma_wait3A_2656 = tpu.memref_squeeze %dma_wait3A_2655 : memref<1x32x128xf32, #tpu.memory_space<vmem>> -> memref<32x128xf32, #tpu.memory_space<vmem>>
      %dma_wait3A_2657 = arith.constant 0 : i32
      %dma_wait3A_2658 = arith.constant 0 : i32
      %dma_wait3A_2659 = tpu.memref_slice %arg4[%dma_wait3A_2657, %dma_wait3A_2658] : memref<32x1000000xf32, #tpu.memory_space<hbm>> -> memref<32x128xf32, #tpu.memory_space<hbm>>
      tpu.wait_dma2 semaphore(%arg15 : memref<!tpu.dma_semaphore, #tpu.memory_space<semaphore_mem>>) src(%dma_wait3A_2659 : memref<32x128xf32, #tpu.memory_space<hbm>>) dst(%dma_wait3A_2656 : memref<32x128xf32, #tpu.memory_space<vmem>>)
      %dma_wait3A_2660 = arith.constant 1 : i32
      %dma_wait3A_2661 = arith.constant 0 : i32
      %dma_wait3A_2662 = arith.constant 0 : i32
      %dma_wait3A_2663 = tpu.memref_slice %arg10[%dma_wait3A_2660, %dma_wait3A_2661, %dma_wait3A_2662] : memref<8x32x128xf32, #tpu.memory_space<vmem>> -> memref<1x32x128xf32, #tpu.memory_space<vmem>>
      %dma_wait3A_2664 = tpu.memref_squeeze %dma_wait3A_2663 : memref<1x32x128xf32, #tpu.memory_space<vmem>> -> memref<32x128xf32, #tpu.memory_space<vmem>>
      %dma_wait3A_2665 = arith.constant 0 : i32
      %dma_wait3A_2666 = arith.constant 0 : i32
      %dma_wait3A_2667 = tpu.memref_slice %arg5[%dma_wait3A_2665, %dma_wait3A_2666] : memref<32x1000000xf32, #tpu.memory_space<hbm>> -> memref<32x128xf32, #tpu.memory_space<hbm>>
      %dma_wait3A_2668 = arith.constant 0 : i32
      %dma_wait3A_2669 = arith.constant 0 : i32
      %dma_wait3A_2670 = tpu.memref_slice %arg10[%dma_wait3A_2660, %dma_wait3A_2668, %dma_wait3A_2669] : memref<8x32x128xf32, #tpu.memory_space<vmem>> -> memref<1x32x128xf32, #tpu.memory_space<vmem>>
      %dma_wait3A_2671 = tpu.memref_squeeze %dma_wait3A_2670 : memref<1x32x128xf32, #tpu.memory_space<vmem>> -> memref<32x128xf32, #tpu.memory_space<vmem>>
      %dma_wait3A_2672 = arith.constant 0 : i32
      %dma_wait3A_2673 = arith.constant 0 : i32
      %dma_wait3A_2674 = tpu.memref_slice %arg5[%dma_wait3A_2672, %dma_wait3A_2673] : memref<32x1000000xf32, #tpu.memory_space<hbm>> -> memref<32x128xf32, #tpu.memory_space<hbm>>
      tpu.wait_dma2 semaphore(%arg15 : memref<!tpu.dma_semaphore, #tpu.memory_space<semaphore_mem>>) src(%dma_wait3A_2674 : memref<32x128xf32, #tpu.memory_space<hbm>>) dst(%dma_wait3A_2671 : memref<32x128xf32, #tpu.memory_space<vmem>>)
      %dma_wait3A_2675 = arith.constant 2 : i32
      %dma_wait3A_2676 = arith.constant 0 : i32
      %dma_wait3A_2677 = arith.constant 0 : i32
      %dma_wait3A_2678 = tpu.memref_slice %arg9[%dma_wait3A_2675, %dma_wait3A_2676, %dma_wait3A_2677] : memref<8x32x128xf32, #tpu.memory_space<vmem>> -> memref<1x32x128xf32, #tpu.memory_space<vmem>>
      %dma_wait3A_2679 = tpu.memref_squeeze %dma_wait3A_2678 : memref<1x32x128xf32, #tpu.memory_space<vmem>> -> memref<32x128xf32, #tpu.memory_space<vmem>>
      %dma_wait3A_2680 = arith.constant 0 : i32
      %dma_wait3A_2681 = arith.constant 0 : i32
      %dma_wait3A_2682 = tpu.memref_slice %arg4[%dma_wait3A_2680, %dma_wait3A_2681] : memref<32x1000000xf32, #tpu.memory_space<hbm>> -> memref<32x128xf32, #tpu.memory_space<hbm>>
      %dma_wait3A_2683 = arith.constant 0 : i32
      %dma_wait3A_2684 = arith.constant 0 : i32
      %dma_wait3A_2685 = tpu.memref_slice %arg9[%dma_wait3A_2675, %dma_wait3A_2683, %dma_wait3A_2684] : memref<8x32x128xf32, #tpu.memory_space<vmem>> -> memref<1x32x128xf32, #tpu.memory_space<vmem>>
      %dma_wait3A_2686 = tpu.memref_squeeze %dma_wait3A_2685 : memref<1x32x128xf32, #tpu.memory_space<vmem>> -> memref<32x128xf32, #tpu.memory_space<vmem>>
      %dma_wait3A_2687 = arith.constant 0 : i32
      %dma_wait3A_2688 = arith.constant 0 : i32
      %dma_wait3A_2689 = tpu.memref_slice %arg4[%dma_wait3A_2687, %dma_wait3A_2688] : memref<32x1000000xf32, #tpu.memory_space<hbm>> -> memref<32x128xf32, #tpu.memory_space<hbm>>
      tpu.wait_dma2 semaphore(%arg15 : memref<!tpu.dma_semaphore, #tpu.memory_space<semaphore_mem>>) src(%dma_wait3A_2689 : memref<32x128xf32, #tpu.memory_space<hbm>>) dst(%dma_wait3A_2686 : memref<32x128xf32, #tpu.memory_space<vmem>>)
      %dma_wait3A_2690 = arith.constant 2 : i32
      %dma_wait3A_2691 = arith.constant 0 : i32
      %dma_wait3A_2692 = arith.constant 0 : i32
      %dma_wait3A_2693 = tpu.memref_slice %arg10[%dma_wait3A_2690, %dma_wait3A_2691, %dma_wait3A_2692] : memref<8x32x128xf32, #tpu.memory_space<vmem>> -> memref<1x32x128xf32, #tpu.memory_space<vmem>>
      %dma_wait3A_2694 = tpu.memref_squeeze %dma_wait3A_2693 : memref<1x32x128xf32, #tpu.memory_space<vmem>> -> memref<32x128xf32, #tpu.memory_space<vmem>>
      %dma_wait3A_2695 = arith.constant 0 : i32
      %dma_wait3A_2696 = arith.constant 0 : i32
      %dma_wait3A_2697 = tpu.memref_slice %arg5[%dma_wait3A_2695, %dma_wait3A_2696] : memref<32x1000000xf32, #tpu.memory_space<hbm>> -> memref<32x128xf32, #tpu.memory_space<hbm>>
      %dma_wait3A_2698 = arith.constant 0 : i32
      %dma_wait3A_2699 = arith.constant 0 : i32
      %dma_wait3A_2700 = tpu.memref_slice %arg10[%dma_wait3A_2690, %dma_wait3A_2698, %dma_wait3A_2699] : memref<8x32x128xf32, #tpu.memory_space<vmem>> -> memref<1x32x128xf32, #tpu.memory_space<vmem>>
      %dma_wait3A_2701 = tpu.memref_squeeze %dma_wait3A_2700 : memref<1x32x128xf32, #tpu.memory_space<vmem>> -> memref<32x128xf32, #tpu.memory_space<vmem>>
      %dma_wait3A_2702 = arith.constant 0 : i32
      %dma_wait3A_2703 = arith.constant 0 : i32
      %dma_wait3A_2704 = tpu.memref_slice %arg5[%dma_wait3A_2702, %dma_wait3A_2703] : memref<32x1000000xf32, #tpu.memory_space<hbm>> -> memref<32x128xf32, #tpu.memory_space<hbm>>
      tpu.wait_dma2 semaphore(%arg15 : memref<!tpu.dma_semaphore, #tpu.memory_space<semaphore_mem>>) src(%dma_wait3A_2704 : memref<32x128xf32, #tpu.memory_space<hbm>>) dst(%dma_wait3A_2701 : memref<32x128xf32, #tpu.memory_space<vmem>>)
      %dma_wait3A_2705 = arith.constant 3 : i32
      %dma_wait3A_2706 = arith.constant 0 : i32
      %dma_wait3A_2707 = arith.constant 0 : i32
      %dma_wait3A_2708 = tpu.memref_slice %arg9[%dma_wait3A_2705, %dma_wait3A_2706, %dma_wait3A_2707] : memref<8x32x128xf32, #tpu.memory_space<vmem>> -> memref<1x32x128xf32, #tpu.memory_space<vmem>>
      %dma_wait3A_2709 = tpu.memref_squeeze %dma_wait3A_2708 : memref<1x32x128xf32, #tpu.memory_space<vmem>> -> memref<32x128xf32, #tpu.memory_space<vmem>>
      %dma_wait3A_2710 = arith.constant 0 : i32
      %dma_wait3A_2711 = arith.constant 0 : i32
      %dma_wait3A_2712 = tpu.memref_slice %arg4[%dma_wait3A_2710, %dma_wait3A_2711] : memref<32x1000000xf32, #tpu.memory_space<hbm>> -> memref<32x128xf32, #tpu.memory_space<hbm>>
      %dma_wait3A_2713 = arith.constant 0 : i32
      %dma_wait3A_2714 = arith.constant 0 : i32
      %dma_wait3A_2715 = tpu.memref_slice %arg9[%dma_wait3A_2705, %dma_wait3A_2713, %dma_wait3A_2714] : memref<8x32x128xf32, #tpu.memory_space<vmem>> -> memref<1x32x128xf32, #tpu.memory_space<vmem>>
      %dma_wait3A_2716 = tpu.memref_squeeze %dma_wait3A_2715 : memref<1x32x128xf32, #tpu.memory_space<vmem>> -> memref<32x128xf32, #tpu.memory_space<vmem>>
      %dma_wait3A_2717 = arith.constant 0 : i32
      %dma_wait3A_2718 = arith.constant 0 : i32
      %dma_wait3A_2719 = tpu.memref_slice %arg4[%dma_wait3A_2717, %dma_wait3A_2718] : memref<32x1000000xf32, #tpu.memory_space<hbm>> -> memref<32x128xf32, #tpu.memory_space<hbm>>
      tpu.wait_dma2 semaphore(%arg15 : memref<!tpu.dma_semaphore, #tpu.memory_space<semaphore_mem>>) src(%dma_wait3A_2719 : memref<32x128xf32, #tpu.memory_space<hbm>>) dst(%dma_wait3A_2716 : memref<32x128xf32, #tpu.memory_space<vmem>>)
      %dma_wait3A_2720 = arith.constant 3 : i32
      %dma_wait3A_2721 = arith.constant 0 : i32
      %dma_wait3A_2722 = arith.constant 0 : i32
      %dma_wait3A_2723 = tpu.memref_slice %arg10[%dma_wait3A_2720, %dma_wait3A_2721, %dma_wait3A_2722] : memref<8x32x128xf32, #tpu.memory_space<vmem>> -> memref<1x32x128xf32, #tpu.memory_space<vmem>>
      %dma_wait3A_2724 = tpu.memref_squeeze %dma_wait3A_2723 : memref<1x32x128xf32, #tpu.memory_space<vmem>> -> memref<32x128xf32, #tpu.memory_space<vmem>>
      %dma_wait3A_2725 = arith.constant 0 : i32
      %dma_wait3A_2726 = arith.constant 0 : i32
      %dma_wait3A_2727 = tpu.memref_slice %arg5[%dma_wait3A_2725, %dma_wait3A_2726] : memref<32x1000000xf32, #tpu.memory_space<hbm>> -> memref<32x128xf32, #tpu.memory_space<hbm>>
      %dma_wait3A_2728 = arith.constant 0 : i32
      %dma_wait3A_2729 = arith.constant 0 : i32
      %dma_wait3A_2730 = tpu.memref_slice %arg10[%dma_wait3A_2720, %dma_wait3A_2728, %dma_wait3A_2729] : memref<8x32x128xf32, #tpu.memory_space<vmem>> -> memref<1x32x128xf32, #tpu.memory_space<vmem>>
      %dma_wait3A_2731 = tpu.memref_squeeze %dma_wait3A_2730 : memref<1x32x128xf32, #tpu.memory_space<vmem>> -> memref<32x128xf32, #tpu.memory_space<vmem>>
      %dma_wait3A_2732 = arith.constant 0 : i32
      %dma_wait3A_2733 = arith.constant 0 : i32
      %dma_wait3A_2734 = tpu.memref_slice %arg5[%dma_wait3A_2732, %dma_wait3A_2733] : memref<32x1000000xf32, #tpu.memory_space<hbm>> -> memref<32x128xf32, #tpu.memory_space<hbm>>
      tpu.wait_dma2 semaphore(%arg15 : memref<!tpu.dma_semaphore, #tpu.memory_space<semaphore_mem>>) src(%dma_wait3A_2734 : memref<32x128xf32, #tpu.memory_space<hbm>>) dst(%dma_wait3A_2731 : memref<32x128xf32, #tpu.memory_space<vmem>>)
      %slice3A_2735 = vector.extract_strided_slice %get3A_703 {offsets = [12], sizes = [1], strides = [1]} : vector<16xi32> to vector<1xi32>
      %squeeze3A_2736 = vector.extract %slice3A_2735[0] : i32 from vector<1xi32>
      %ge3A_2737 = arith.constant 999936 : i32
      %ge3A_2738 = arith.cmpi sge, %squeeze3A_2736, %ge3A_2737 : i32
      %and3A_2739 = arith.constant 127 : i32
      %and3A_2740 = arith.andi %squeeze3A_2736, %and3A_2739 : i32
      %sub3A_2741 = arith.constant 999936 : i32
      %sub3A_2742 = arith.subi %squeeze3A_2736, %sub3A_2741 : i32
      %min3A_2743 = arith.constant 63 : i32
      %min3A_2744 = arith.minsi %sub3A_2742, %min3A_2743 : i32
      %broadcast_in_dim3A_2745 = vector.broadcast %and3A_2740 : i32 to vector<16xi32>
      %max3A_2746 = arith.constant 0 : i32
      %max3A_2747 = arith.maxsi %min3A_2744, %max3A_2746 : i32
      %broadcast_in_dim3A_2748 = vector.broadcast %max3A_2747 : i32 to vector<16xi32>
      %gather3A_2749 = arith.constant 4 : i32
      %gather3A_2750 = arith.constant 0 : i32
      %gather3A_2751 = arith.constant 0 : i32
      %gather3A_2752 = tpu.memref_slice %arg9[%gather3A_2749, %gather3A_2750, %gather3A_2751] : memref<8x32x128xf32, #tpu.memory_space<vmem>> -> memref<1x32x128xf32, #tpu.memory_space<vmem>>
      %gather3A_2753 = tpu.memref_squeeze %gather3A_2752 : memref<1x32x128xf32, #tpu.memory_space<vmem>> -> memref<32x128xf32, #tpu.memory_space<vmem>>
      %gather3A_2754 = tpu.vector_load_idx %gather3A_2753[%iota3A, %broadcast_in_dim3A_2745] : memref<32x128xf32, #tpu.memory_space<vmem>>[vector<16xi32>, vector<16xi32>], vector<16xf32>,
      %add3A_2755 = arith.constant 16 : i32
      %add3A_2756 = vector.broadcast %add3A_2755 : i32 to vector<16xi32>
      %add3A_2757 = arith.addi %iota3A, %add3A_2756 : vector<16xi32>
      %gather3A_2758 = arith.constant 4 : i32
      %gather3A_2759 = arith.constant 0 : i32
      %gather3A_2760 = arith.constant 0 : i32
      %gather3A_2761 = tpu.memref_slice %arg9[%gather3A_2758, %gather3A_2759, %gather3A_2760] : memref<8x32x128xf32, #tpu.memory_space<vmem>> -> memref<1x32x128xf32, #tpu.memory_space<vmem>>
      %gather3A_2762 = tpu.memref_squeeze %gather3A_2761 : memref<1x32x128xf32, #tpu.memory_space<vmem>> -> memref<32x128xf32, #tpu.memory_space<vmem>>
      %gather3A_2763 = tpu.vector_load_idx %gather3A_2762[%add3A_2757, %broadcast_in_dim3A_2745] : memref<32x128xf32, #tpu.memory_space<vmem>>[vector<16xi32>, vector<16xi32>], vector<16xf32>,
      %gather3A_2764 = tpu.vector_load_idx %arg11[%iota3A, %broadcast_in_dim3A_2748] : memref<32x64xf32, #tpu.memory_space<vmem>>[vector<16xi32>, vector<16xi32>], vector<16xf32>,
      %add3A_2765 = arith.constant 16 : i32
      %add3A_2766 = vector.broadcast %add3A_2765 : i32 to vector<16xi32>
      %add3A_2767 = arith.addi %iota3A, %add3A_2766 : vector<16xi32>
      %gather3A_2768 = tpu.vector_load_idx %arg11[%add3A_2767, %broadcast_in_dim3A_2748] : memref<32x64xf32, #tpu.memory_space<vmem>>[vector<16xi32>, vector<16xi32>], vector<16xf32>,
      %select_n3A_2769 = arith.select %ge3A_2738, %gather3A_2764, %gather3A_2754 : vector<16xf32>
      %select_n3A_2770 = arith.select %ge3A_2738, %gather3A_2768, %gather3A_2763 : vector<16xf32>
      %slice3A_2771 = vector.extract_strided_slice %get3A_706 {offsets = [12], sizes = [1], strides = [1]} : vector<16xi32> to vector<1xi32>
      %squeeze3A_2772 = vector.extract %slice3A_2771[0] : i32 from vector<1xi32>
      %ge3A_2773 = arith.constant 999936 : i32
      %ge3A_2774 = arith.cmpi sge, %squeeze3A_2772, %ge3A_2773 : i32
      %and3A_2775 = arith.constant 127 : i32
      %and3A_2776 = arith.andi %squeeze3A_2772, %and3A_2775 : i32
      %sub3A_2777 = arith.constant 999936 : i32
      %sub3A_2778 = arith.subi %squeeze3A_2772, %sub3A_2777 : i32
      %min3A_2779 = arith.constant 63 : i32
      %min3A_2780 = arith.minsi %sub3A_2778, %min3A_2779 : i32
      %broadcast_in_dim3A_2781 = vector.broadcast %and3A_2776 : i32 to vector<16xi32>
      %max3A_2782 = arith.constant 0 : i32
      %max3A_2783 = arith.maxsi %min3A_2780, %max3A_2782 : i32
      %broadcast_in_dim3A_2784 = vector.broadcast %max3A_2783 : i32 to vector<16xi32>
      %gather3A_2785 = arith.constant 4 : i32
      %gather3A_2786 = arith.constant 0 : i32
      %gather3A_2787 = arith.constant 0 : i32
      %gather3A_2788 = tpu.memref_slice %arg10[%gather3A_2785, %gather3A_2786, %gather3A_2787] : memref<8x32x128xf32, #tpu.memory_space<vmem>> -> memref<1x32x128xf32, #tpu.memory_space<vmem>>
      %gather3A_2789 = tpu.memref_squeeze %gather3A_2788 : memref<1x32x128xf32, #tpu.memory_space<vmem>> -> memref<32x128xf32, #tpu.memory_space<vmem>>
      %gather3A_2790 = tpu.vector_load_idx %gather3A_2789[%iota3A, %broadcast_in_dim3A_2781] : memref<32x128xf32, #tpu.memory_space<vmem>>[vector<16xi32>, vector<16xi32>], vector<16xf32>,
      %add3A_2791 = arith.constant 16 : i32
      %add3A_2792 = vector.broadcast %add3A_2791 : i32 to vector<16xi32>
      %add3A_2793 = arith.addi %iota3A, %add3A_2792 : vector<16xi32>
      %gather3A_2794 = arith.constant 4 : i32
      %gather3A_2795 = arith.constant 0 : i32
      %gather3A_2796 = arith.constant 0 : i32
      %gather3A_2797 = tpu.memref_slice %arg10[%gather3A_2794, %gather3A_2795, %gather3A_2796] : memref<8x32x128xf32, #tpu.memory_space<vmem>> -> memref<1x32x128xf32, #tpu.memory_space<vmem>>
      %gather3A_2798 = tpu.memref_squeeze %gather3A_2797 : memref<1x32x128xf32, #tpu.memory_space<vmem>> -> memref<32x128xf32, #tpu.memory_space<vmem>>
      %gather3A_2799 = tpu.vector_load_idx %gather3A_2798[%add3A_2793, %broadcast_in_dim3A_2781] : memref<32x128xf32, #tpu.memory_space<vmem>>[vector<16xi32>, vector<16xi32>], vector<16xf32>,
      %gather3A_2800 = tpu.vector_load_idx %arg12[%iota3A, %broadcast_in_dim3A_2784] : memref<32x64xf32, #tpu.memory_space<vmem>>[vector<16xi32>, vector<16xi32>], vector<16xf32>,
      %add3A_2801 = arith.constant 16 : i32
      %add3A_2802 = vector.broadcast %add3A_2801 : i32 to vector<16xi32>
      %add3A_2803 = arith.addi %iota3A, %add3A_2802 : vector<16xi32>
      %gather3A_2804 = tpu.vector_load_idx %arg12[%add3A_2803, %broadcast_in_dim3A_2784] : memref<32x64xf32, #tpu.memory_space<vmem>>[vector<16xi32>, vector<16xi32>], vector<16xf32>,
      %select_n3A_2805 = arith.select %ge3A_2774, %gather3A_2800, %gather3A_2790 : vector<16xf32>
      %select_n3A_2806 = arith.select %ge3A_2774, %gather3A_2804, %gather3A_2799 : vector<16xf32>
      %mul3A_2807 = arith.mulf %select_n3A_2769, %select_n3A_2805 : vector<16xf32>
      %mul3A_2808 = arith.mulf %select_n3A_2770, %select_n3A_2806 : vector<16xf32>
      %add3A_2809 = arith.addf %mul3A_2807, %mul3A_2808 : vector<16xf32>
      %mul3A_2810 = arith.constant 17 : i32
      %mul3A_2811 = vector.broadcast %mul3A_2810 : i32 to vector<16xi32>
      %mul3A_2812 = arith.muli %iota3A, %mul3A_2811 : vector<16xi32>
      %add3A_2813 = arith.constant 12 : i32
      %add3A_2814 = vector.broadcast %add3A_2813 : i32 to vector<16xi32>
      %add3A_2815 = arith.addi %mul3A_2812, %add3A_2814 : vector<16xi32>
      tpu.vector_store_idx %arg14[%add3A_2815], %add3A_2809 : memref<272xf32, #tpu.memory_space<vmem>>[vector<16xi32>], vector<16xf32>,
      %slice3A_2816 = vector.extract_strided_slice %get3A_703 {offsets = [13], sizes = [1], strides = [1]} : vector<16xi32> to vector<1xi32>
      %squeeze3A_2817 = vector.extract %slice3A_2816[0] : i32 from vector<1xi32>
      %ge3A_2818 = arith.constant 999936 : i32
      %ge3A_2819 = arith.cmpi sge, %squeeze3A_2817, %ge3A_2818 : i32
      %and3A_2820 = arith.constant 127 : i32
      %and3A_2821 = arith.andi %squeeze3A_2817, %and3A_2820 : i32
      %sub3A_2822 = arith.constant 999936 : i32
      %sub3A_2823 = arith.subi %squeeze3A_2817, %sub3A_2822 : i32
      %min3A_2824 = arith.constant 63 : i32
      %min3A_2825 = arith.minsi %sub3A_2823, %min3A_2824 : i32
      %broadcast_in_dim3A_2826 = vector.broadcast %and3A_2821 : i32 to vector<16xi32>
      %max3A_2827 = arith.constant 0 : i32
      %max3A_2828 = arith.maxsi %min3A_2825, %max3A_2827 : i32
      %broadcast_in_dim3A_2829 = vector.broadcast %max3A_2828 : i32 to vector<16xi32>
      %gather3A_2830 = arith.constant 5 : i32
      %gather3A_2831 = arith.constant 0 : i32
      %gather3A_2832 = arith.constant 0 : i32
      %gather3A_2833 = tpu.memref_slice %arg9[%gather3A_2830, %gather3A_2831, %gather3A_2832] : memref<8x32x128xf32, #tpu.memory_space<vmem>> -> memref<1x32x128xf32, #tpu.memory_space<vmem>>
      %gather3A_2834 = tpu.memref_squeeze %gather3A_2833 : memref<1x32x128xf32, #tpu.memory_space<vmem>> -> memref<32x128xf32, #tpu.memory_space<vmem>>
      %gather3A_2835 = tpu.vector_load_idx %gather3A_2834[%iota3A, %broadcast_in_dim3A_2826] : memref<32x128xf32, #tpu.memory_space<vmem>>[vector<16xi32>, vector<16xi32>], vector<16xf32>,
      %add3A_2836 = arith.constant 16 : i32
      %add3A_2837 = vector.broadcast %add3A_2836 : i32 to vector<16xi32>
      %add3A_2838 = arith.addi %iota3A, %add3A_2837 : vector<16xi32>
      %gather3A_2839 = arith.constant 5 : i32
      %gather3A_2840 = arith.constant 0 : i32
      %gather3A_2841 = arith.constant 0 : i32
      %gather3A_2842 = tpu.memref_slice %arg9[%gather3A_2839, %gather3A_2840, %gather3A_2841] : memref<8x32x128xf32, #tpu.memory_space<vmem>> -> memref<1x32x128xf32, #tpu.memory_space<vmem>>
      %gather3A_2843 = tpu.memref_squeeze %gather3A_2842 : memref<1x32x128xf32, #tpu.memory_space<vmem>> -> memref<32x128xf32, #tpu.memory_space<vmem>>
      %gather3A_2844 = tpu.vector_load_idx %gather3A_2843[%add3A_2838, %broadcast_in_dim3A_2826] : memref<32x128xf32, #tpu.memory_space<vmem>>[vector<16xi32>, vector<16xi32>], vector<16xf32>,
      %gather3A_2845 = tpu.vector_load_idx %arg11[%iota3A, %broadcast_in_dim3A_2829] : memref<32x64xf32, #tpu.memory_space<vmem>>[vector<16xi32>, vector<16xi32>], vector<16xf32>,
      %add3A_2846 = arith.constant 16 : i32
      %add3A_2847 = vector.broadcast %add3A_2846 : i32 to vector<16xi32>
      %add3A_2848 = arith.addi %iota3A, %add3A_2847 : vector<16xi32>
      %gather3A_2849 = tpu.vector_load_idx %arg11[%add3A_2848, %broadcast_in_dim3A_2829] : memref<32x64xf32, #tpu.memory_space<vmem>>[vector<16xi32>, vector<16xi32>], vector<16xf32>,
      %select_n3A_2850 = arith.select %ge3A_2819, %gather3A_2845, %gather3A_2835 : vector<16xf32>
      %select_n3A_2851 = arith.select %ge3A_2819, %gather3A_2849, %gather3A_2844 : vector<16xf32>
      %slice3A_2852 = vector.extract_strided_slice %get3A_706 {offsets = [13], sizes = [1], strides = [1]} : vector<16xi32> to vector<1xi32>
      %squeeze3A_2853 = vector.extract %slice3A_2852[0] : i32 from vector<1xi32>
      %ge3A_2854 = arith.constant 999936 : i32
      %ge3A_2855 = arith.cmpi sge, %squeeze3A_2853, %ge3A_2854 : i32
      %and3A_2856 = arith.constant 127 : i32
      %and3A_2857 = arith.andi %squeeze3A_2853, %and3A_2856 : i32
      %sub3A_2858 = arith.constant 999936 : i32
      %sub3A_2859 = arith.subi %squeeze3A_2853, %sub3A_2858 : i32
      %min3A_2860 = arith.constant 63 : i32
      %min3A_2861 = arith.minsi %sub3A_2859, %min3A_2860 : i32
      %broadcast_in_dim3A_2862 = vector.broadcast %and3A_2857 : i32 to vector<16xi32>
      %max3A_2863 = arith.constant 0 : i32
      %max3A_2864 = arith.maxsi %min3A_2861, %max3A_2863 : i32
      %broadcast_in_dim3A_2865 = vector.broadcast %max3A_2864 : i32 to vector<16xi32>
      %gather3A_2866 = arith.constant 5 : i32
      %gather3A_2867 = arith.constant 0 : i32
      %gather3A_2868 = arith.constant 0 : i32
      %gather3A_2869 = tpu.memref_slice %arg10[%gather3A_2866, %gather3A_2867, %gather3A_2868] : memref<8x32x128xf32, #tpu.memory_space<vmem>> -> memref<1x32x128xf32, #tpu.memory_space<vmem>>
      %gather3A_2870 = tpu.memref_squeeze %gather3A_2869 : memref<1x32x128xf32, #tpu.memory_space<vmem>> -> memref<32x128xf32, #tpu.memory_space<vmem>>
      %gather3A_2871 = tpu.vector_load_idx %gather3A_2870[%iota3A, %broadcast_in_dim3A_2862] : memref<32x128xf32, #tpu.memory_space<vmem>>[vector<16xi32>, vector<16xi32>], vector<16xf32>,
      %add3A_2872 = arith.constant 16 : i32
      %add3A_2873 = vector.broadcast %add3A_2872 : i32 to vector<16xi32>
      %add3A_2874 = arith.addi %iota3A, %add3A_2873 : vector<16xi32>
      %gather3A_2875 = arith.constant 5 : i32
      %gather3A_2876 = arith.constant 0 : i32
      %gather3A_2877 = arith.constant 0 : i32
      %gather3A_2878 = tpu.memref_slice %arg10[%gather3A_2875, %gather3A_2876, %gather3A_2877] : memref<8x32x128xf32, #tpu.memory_space<vmem>> -> memref<1x32x128xf32, #tpu.memory_space<vmem>>
      %gather3A_2879 = tpu.memref_squeeze %gather3A_2878 : memref<1x32x128xf32, #tpu.memory_space<vmem>> -> memref<32x128xf32, #tpu.memory_space<vmem>>
      %gather3A_2880 = tpu.vector_load_idx %gather3A_2879[%add3A_2874, %broadcast_in_dim3A_2862] : memref<32x128xf32, #tpu.memory_space<vmem>>[vector<16xi32>, vector<16xi32>], vector<16xf32>,
      %gather3A_2881 = tpu.vector_load_idx %arg12[%iota3A, %broadcast_in_dim3A_2865] : memref<32x64xf32, #tpu.memory_space<vmem>>[vector<16xi32>, vector<16xi32>], vector<16xf32>,
      %add3A_2882 = arith.constant 16 : i32
      %add3A_2883 = vector.broadcast %add3A_2882 : i32 to vector<16xi32>
      %add3A_2884 = arith.addi %iota3A, %add3A_2883 : vector<16xi32>
      %gather3A_2885 = tpu.vector_load_idx %arg12[%add3A_2884, %broadcast_in_dim3A_2865] : memref<32x64xf32, #tpu.memory_space<vmem>>[vector<16xi32>, vector<16xi32>], vector<16xf32>,
      %select_n3A_2886 = arith.select %ge3A_2855, %gather3A_2881, %gather3A_2871 : vector<16xf32>
      %select_n3A_2887 = arith.select %ge3A_2855, %gather3A_2885, %gather3A_2880 : vector<16xf32>
      %mul3A_2888 = arith.mulf %select_n3A_2850, %select_n3A_2886 : vector<16xf32>
      %mul3A_2889 = arith.mulf %select_n3A_2851, %select_n3A_2887 : vector<16xf32>
      %add3A_2890 = arith.addf %mul3A_2888, %mul3A_2889 : vector<16xf32>
      %mul3A_2891 = arith.constant 17 : i32
      %mul3A_2892 = vector.broadcast %mul3A_2891 : i32 to vector<16xi32>
      %mul3A_2893 = arith.muli %iota3A, %mul3A_2892 : vector<16xi32>
      %add3A_2894 = arith.constant 13 : i32
      %add3A_2895 = vector.broadcast %add3A_2894 : i32 to vector<16xi32>
      %add3A_2896 = arith.addi %mul3A_2893, %add3A_2895 : vector<16xi32>
      tpu.vector_store_idx %arg14[%add3A_2896], %add3A_2890 : memref<272xf32, #tpu.memory_space<vmem>>[vector<16xi32>], vector<16xf32>,
      %slice3A_2897 = vector.extract_strided_slice %get3A_703 {offsets = [14], sizes = [1], strides = [1]} : vector<16xi32> to vector<1xi32>
      %squeeze3A_2898 = vector.extract %slice3A_2897[0] : i32 from vector<1xi32>
      %ge3A_2899 = arith.constant 999936 : i32
      %ge3A_2900 = arith.cmpi sge, %squeeze3A_2898, %ge3A_2899 : i32
      %and3A_2901 = arith.constant 127 : i32
      %and3A_2902 = arith.andi %squeeze3A_2898, %and3A_2901 : i32
      %sub3A_2903 = arith.constant 999936 : i32
      %sub3A_2904 = arith.subi %squeeze3A_2898, %sub3A_2903 : i32
      %min3A_2905 = arith.constant 63 : i32
      %min3A_2906 = arith.minsi %sub3A_2904, %min3A_2905 : i32
      %broadcast_in_dim3A_2907 = vector.broadcast %and3A_2902 : i32 to vector<16xi32>
      %max3A_2908 = arith.constant 0 : i32
      %max3A_2909 = arith.maxsi %min3A_2906, %max3A_2908 : i32
      %broadcast_in_dim3A_2910 = vector.broadcast %max3A_2909 : i32 to vector<16xi32>
      %gather3A_2911 = arith.constant 6 : i32
      %gather3A_2912 = arith.constant 0 : i32
      %gather3A_2913 = arith.constant 0 : i32
      %gather3A_2914 = tpu.memref_slice %arg9[%gather3A_2911, %gather3A_2912, %gather3A_2913] : memref<8x32x128xf32, #tpu.memory_space<vmem>> -> memref<1x32x128xf32, #tpu.memory_space<vmem>>
      %gather3A_2915 = tpu.memref_squeeze %gather3A_2914 : memref<1x32x128xf32, #tpu.memory_space<vmem>> -> memref<32x128xf32, #tpu.memory_space<vmem>>
      %gather3A_2916 = tpu.vector_load_idx %gather3A_2915[%iota3A, %broadcast_in_dim3A_2907] : memref<32x128xf32, #tpu.memory_space<vmem>>[vector<16xi32>, vector<16xi32>], vector<16xf32>,
      %add3A_2917 = arith.constant 16 : i32
      %add3A_2918 = vector.broadcast %add3A_2917 : i32 to vector<16xi32>
      %add3A_2919 = arith.addi %iota3A, %add3A_2918 : vector<16xi32>
      %gather3A_2920 = arith.constant 6 : i32
      %gather3A_2921 = arith.constant 0 : i32
      %gather3A_2922 = arith.constant 0 : i32
      %gather3A_2923 = tpu.memref_slice %arg9[%gather3A_2920, %gather3A_2921, %gather3A_2922] : memref<8x32x128xf32, #tpu.memory_space<vmem>> -> memref<1x32x128xf32, #tpu.memory_space<vmem>>
      %gather3A_2924 = tpu.memref_squeeze %gather3A_2923 : memref<1x32x128xf32, #tpu.memory_space<vmem>> -> memref<32x128xf32, #tpu.memory_space<vmem>>
      %gather3A_2925 = tpu.vector_load_idx %gather3A_2924[%add3A_2919, %broadcast_in_dim3A_2907] : memref<32x128xf32, #tpu.memory_space<vmem>>[vector<16xi32>, vector<16xi32>], vector<16xf32>,
      %gather3A_2926 = tpu.vector_load_idx %arg11[%iota3A, %broadcast_in_dim3A_2910] : memref<32x64xf32, #tpu.memory_space<vmem>>[vector<16xi32>, vector<16xi32>], vector<16xf32>,
      %add3A_2927 = arith.constant 16 : i32
      %add3A_2928 = vector.broadcast %add3A_2927 : i32 to vector<16xi32>
      %add3A_2929 = arith.addi %iota3A, %add3A_2928 : vector<16xi32>
      %gather3A_2930 = tpu.vector_load_idx %arg11[%add3A_2929, %broadcast_in_dim3A_2910] : memref<32x64xf32, #tpu.memory_space<vmem>>[vector<16xi32>, vector<16xi32>], vector<16xf32>,
      %select_n3A_2931 = arith.select %ge3A_2900, %gather3A_2926, %gather3A_2916 : vector<16xf32>
      %select_n3A_2932 = arith.select %ge3A_2900, %gather3A_2930, %gather3A_2925 : vector<16xf32>
      %slice3A_2933 = vector.extract_strided_slice %get3A_706 {offsets = [14], sizes = [1], strides = [1]} : vector<16xi32> to vector<1xi32>
      %squeeze3A_2934 = vector.extract %slice3A_2933[0] : i32 from vector<1xi32>
      %ge3A_2935 = arith.constant 999936 : i32
      %ge3A_2936 = arith.cmpi sge, %squeeze3A_2934, %ge3A_2935 : i32
      %and3A_2937 = arith.constant 127 : i32
      %and3A_2938 = arith.andi %squeeze3A_2934, %and3A_2937 : i32
      %sub3A_2939 = arith.constant 999936 : i32
      %sub3A_2940 = arith.subi %squeeze3A_2934, %sub3A_2939 : i32
      %min3A_2941 = arith.constant 63 : i32
      %min3A_2942 = arith.minsi %sub3A_2940, %min3A_2941 : i32
      %broadcast_in_dim3A_2943 = vector.broadcast %and3A_2938 : i32 to vector<16xi32>
      %max3A_2944 = arith.constant 0 : i32
      %max3A_2945 = arith.maxsi %min3A_2942, %max3A_2944 : i32
      %broadcast_in_dim3A_2946 = vector.broadcast %max3A_2945 : i32 to vector<16xi32>
      %gather3A_2947 = arith.constant 6 : i32
      %gather3A_2948 = arith.constant 0 : i32
      %gather3A_2949 = arith.constant 0 : i32
      %gather3A_2950 = tpu.memref_slice %arg10[%gather3A_2947, %gather3A_2948, %gather3A_2949] : memref<8x32x128xf32, #tpu.memory_space<vmem>> -> memref<1x32x128xf32, #tpu.memory_space<vmem>>
      %gather3A_2951 = tpu.memref_squeeze %gather3A_2950 : memref<1x32x128xf32, #tpu.memory_space<vmem>> -> memref<32x128xf32, #tpu.memory_space<vmem>>
      %gather3A_2952 = tpu.vector_load_idx %gather3A_2951[%iota3A, %broadcast_in_dim3A_2943] : memref<32x128xf32, #tpu.memory_space<vmem>>[vector<16xi32>, vector<16xi32>], vector<16xf32>,
      %add3A_2953 = arith.constant 16 : i32
      %add3A_2954 = vector.broadcast %add3A_2953 : i32 to vector<16xi32>
      %add3A_2955 = arith.addi %iota3A, %add3A_2954 : vector<16xi32>
      %gather3A_2956 = arith.constant 6 : i32
      %gather3A_2957 = arith.constant 0 : i32
      %gather3A_2958 = arith.constant 0 : i32
      %gather3A_2959 = tpu.memref_slice %arg10[%gather3A_2956, %gather3A_2957, %gather3A_2958] : memref<8x32x128xf32, #tpu.memory_space<vmem>> -> memref<1x32x128xf32, #tpu.memory_space<vmem>>
      %gather3A_2960 = tpu.memref_squeeze %gather3A_2959 : memref<1x32x128xf32, #tpu.memory_space<vmem>> -> memref<32x128xf32, #tpu.memory_space<vmem>>
      %gather3A_2961 = tpu.vector_load_idx %gather3A_2960[%add3A_2955, %broadcast_in_dim3A_2943] : memref<32x128xf32, #tpu.memory_space<vmem>>[vector<16xi32>, vector<16xi32>], vector<16xf32>,
      %gather3A_2962 = tpu.vector_load_idx %arg12[%iota3A, %broadcast_in_dim3A_2946] : memref<32x64xf32, #tpu.memory_space<vmem>>[vector<16xi32>, vector<16xi32>], vector<16xf32>,
      %add3A_2963 = arith.constant 16 : i32
      %add3A_2964 = vector.broadcast %add3A_2963 : i32 to vector<16xi32>
      %add3A_2965 = arith.addi %iota3A, %add3A_2964 : vector<16xi32>
      %gather3A_2966 = tpu.vector_load_idx %arg12[%add3A_2965, %broadcast_in_dim3A_2946] : memref<32x64xf32, #tpu.memory_space<vmem>>[vector<16xi32>, vector<16xi32>], vector<16xf32>,
      %select_n3A_2967 = arith.select %ge3A_2936, %gather3A_2962, %gather3A_2952 : vector<16xf32>
      %select_n3A_2968 = arith.select %ge3A_2936, %gather3A_2966, %gather3A_2961 : vector<16xf32>
      %mul3A_2969 = arith.mulf %select_n3A_2931, %select_n3A_2967 : vector<16xf32>
      %mul3A_2970 = arith.mulf %select_n3A_2932, %select_n3A_2968 : vector<16xf32>
      %add3A_2971 = arith.addf %mul3A_2969, %mul3A_2970 : vector<16xf32>
      %mul3A_2972 = arith.constant 17 : i32
      %mul3A_2973 = vector.broadcast %mul3A_2972 : i32 to vector<16xi32>
      %mul3A_2974 = arith.muli %iota3A, %mul3A_2973 : vector<16xi32>
      %add3A_2975 = arith.constant 14 : i32
      %add3A_2976 = vector.broadcast %add3A_2975 : i32 to vector<16xi32>
      %add3A_2977 = arith.addi %mul3A_2974, %add3A_2976 : vector<16xi32>
      tpu.vector_store_idx %arg14[%add3A_2977], %add3A_2971 : memref<272xf32, #tpu.memory_space<vmem>>[vector<16xi32>], vector<16xf32>,
      %slice3A_2978 = vector.extract_strided_slice %get3A_703 {offsets = [15], sizes = [1], strides = [1]} : vector<16xi32> to vector<1xi32>
      %squeeze3A_2979 = vector.extract %slice3A_2978[0] : i32 from vector<1xi32>
      %ge3A_2980 = arith.constant 999936 : i32
      %ge3A_2981 = arith.cmpi sge, %squeeze3A_2979, %ge3A_2980 : i32
      %and3A_2982 = arith.constant 127 : i32
      %and3A_2983 = arith.andi %squeeze3A_2979, %and3A_2982 : i32
      %sub3A_2984 = arith.constant 999936 : i32
      %sub3A_2985 = arith.subi %squeeze3A_2979, %sub3A_2984 : i32
      %min3A_2986 = arith.constant 63 : i32
      %min3A_2987 = arith.minsi %sub3A_2985, %min3A_2986 : i32
      %broadcast_in_dim3A_2988 = vector.broadcast %and3A_2983 : i32 to vector<16xi32>
      %max3A_2989 = arith.constant 0 : i32
      %max3A_2990 = arith.maxsi %min3A_2987, %max3A_2989 : i32
      %broadcast_in_dim3A_2991 = vector.broadcast %max3A_2990 : i32 to vector<16xi32>
      %gather3A_2992 = arith.constant 7 : i32
      %gather3A_2993 = arith.constant 0 : i32
      %gather3A_2994 = arith.constant 0 : i32
      %gather3A_2995 = tpu.memref_slice %arg9[%gather3A_2992, %gather3A_2993, %gather3A_2994] : memref<8x32x128xf32, #tpu.memory_space<vmem>> -> memref<1x32x128xf32, #tpu.memory_space<vmem>>
      %gather3A_2996 = tpu.memref_squeeze %gather3A_2995 : memref<1x32x128xf32, #tpu.memory_space<vmem>> -> memref<32x128xf32, #tpu.memory_space<vmem>>
      %gather3A_2997 = tpu.vector_load_idx %gather3A_2996[%iota3A, %broadcast_in_dim3A_2988] : memref<32x128xf32, #tpu.memory_space<vmem>>[vector<16xi32>, vector<16xi32>], vector<16xf32>,
      %add3A_2998 = arith.constant 16 : i32
      %add3A_2999 = vector.broadcast %add3A_2998 : i32 to vector<16xi32>
      %add3A_3000 = arith.addi %iota3A, %add3A_2999 : vector<16xi32>
      %gather3A_3001 = arith.constant 7 : i32
      %gather3A_3002 = arith.constant 0 : i32
      %gather3A_3003 = arith.constant 0 : i32
      %gather3A_3004 = tpu.memref_slice %arg9[%gather3A_3001, %gather3A_3002, %gather3A_3003] : memref<8x32x128xf32, #tpu.memory_space<vmem>> -> memref<1x32x128xf32, #tpu.memory_space<vmem>>
      %gather3A_3005 = tpu.memref_squeeze %gather3A_3004 : memref<1x32x128xf32, #tpu.memory_space<vmem>> -> memref<32x128xf32, #tpu.memory_space<vmem>>
      %gather3A_3006 = tpu.vector_load_idx %gather3A_3005[%add3A_3000, %broadcast_in_dim3A_2988] : memref<32x128xf32, #tpu.memory_space<vmem>>[vector<16xi32>, vector<16xi32>], vector<16xf32>,
      %gather3A_3007 = tpu.vector_load_idx %arg11[%iota3A, %broadcast_in_dim3A_2991] : memref<32x64xf32, #tpu.memory_space<vmem>>[vector<16xi32>, vector<16xi32>], vector<16xf32>,
      %add3A_3008 = arith.constant 16 : i32
      %add3A_3009 = vector.broadcast %add3A_3008 : i32 to vector<16xi32>
      %add3A_3010 = arith.addi %iota3A, %add3A_3009 : vector<16xi32>
      %gather3A_3011 = tpu.vector_load_idx %arg11[%add3A_3010, %broadcast_in_dim3A_2991] : memref<32x64xf32, #tpu.memory_space<vmem>>[vector<16xi32>, vector<16xi32>], vector<16xf32>,
      %select_n3A_3012 = arith.select %ge3A_2981, %gather3A_3007, %gather3A_2997 : vector<16xf32>
      %select_n3A_3013 = arith.select %ge3A_2981, %gather3A_3011, %gather3A_3006 : vector<16xf32>
      %slice3A_3014 = vector.extract_strided_slice %get3A_706 {offsets = [15], sizes = [1], strides = [1]} : vector<16xi32> to vector<1xi32>
      %squeeze3A_3015 = vector.extract %slice3A_3014[0] : i32 from vector<1xi32>
      %ge3A_3016 = arith.constant 999936 : i32
      %ge3A_3017 = arith.cmpi sge, %squeeze3A_3015, %ge3A_3016 : i32
      %and3A_3018 = arith.constant 127 : i32
      %and3A_3019 = arith.andi %squeeze3A_3015, %and3A_3018 : i32
      %sub3A_3020 = arith.constant 999936 : i32
      %sub3A_3021 = arith.subi %squeeze3A_3015, %sub3A_3020 : i32
      %min3A_3022 = arith.constant 63 : i32
      %min3A_3023 = arith.minsi %sub3A_3021, %min3A_3022 : i32
      %broadcast_in_dim3A_3024 = vector.broadcast %and3A_3019 : i32 to vector<16xi32>
      %max3A_3025 = arith.constant 0 : i32
      %max3A_3026 = arith.maxsi %min3A_3023, %max3A_3025 : i32
      %broadcast_in_dim3A_3027 = vector.broadcast %max3A_3026 : i32 to vector<16xi32>
      %gather3A_3028 = arith.constant 7 : i32
      %gather3A_3029 = arith.constant 0 : i32
      %gather3A_3030 = arith.constant 0 : i32
      %gather3A_3031 = tpu.memref_slice %arg10[%gather3A_3028, %gather3A_3029, %gather3A_3030] : memref<8x32x128xf32, #tpu.memory_space<vmem>> -> memref<1x32x128xf32, #tpu.memory_space<vmem>>
      %gather3A_3032 = tpu.memref_squeeze %gather3A_3031 : memref<1x32x128xf32, #tpu.memory_space<vmem>> -> memref<32x128xf32, #tpu.memory_space<vmem>>
      %gather3A_3033 = tpu.vector_load_idx %gather3A_3032[%iota3A, %broadcast_in_dim3A_3024] : memref<32x128xf32, #tpu.memory_space<vmem>>[vector<16xi32>, vector<16xi32>], vector<16xf32>,
      %add3A_3034 = arith.constant 16 : i32
      %add3A_3035 = vector.broadcast %add3A_3034 : i32 to vector<16xi32>
      %add3A_3036 = arith.addi %iota3A, %add3A_3035 : vector<16xi32>
      %gather3A_3037 = arith.constant 7 : i32
      %gather3A_3038 = arith.constant 0 : i32
      %gather3A_3039 = arith.constant 0 : i32
      %gather3A_3040 = tpu.memref_slice %arg10[%gather3A_3037, %gather3A_3038, %gather3A_3039] : memref<8x32x128xf32, #tpu.memory_space<vmem>> -> memref<1x32x128xf32, #tpu.memory_space<vmem>>
      %gather3A_3041 = tpu.memref_squeeze %gather3A_3040 : memref<1x32x128xf32, #tpu.memory_space<vmem>> -> memref<32x128xf32, #tpu.memory_space<vmem>>
      %gather3A_3042 = tpu.vector_load_idx %gather3A_3041[%add3A_3036, %broadcast_in_dim3A_3024] : memref<32x128xf32, #tpu.memory_space<vmem>>[vector<16xi32>, vector<16xi32>], vector<16xf32>,
      %gather3A_3043 = tpu.vector_load_idx %arg12[%iota3A, %broadcast_in_dim3A_3027] : memref<32x64xf32, #tpu.memory_space<vmem>>[vector<16xi32>, vector<16xi32>], vector<16xf32>,
      %add3A_3044 = arith.constant 16 : i32
      %add3A_3045 = vector.broadcast %add3A_3044 : i32 to vector<16xi32>
      %add3A_3046 = arith.addi %iota3A, %add3A_3045 : vector<16xi32>
      %gather3A_3047 = tpu.vector_load_idx %arg12[%add3A_3046, %broadcast_in_dim3A_3027] : memref<32x64xf32, #tpu.memory_space<vmem>>[vector<16xi32>, vector<16xi32>], vector<16xf32>,
      %select_n3A_3048 = arith.select %ge3A_3017, %gather3A_3043, %gather3A_3033 : vector<16xf32>
      %select_n3A_3049 = arith.select %ge3A_3017, %gather3A_3047, %gather3A_3042 : vector<16xf32>
      %mul3A_3050 = arith.mulf %select_n3A_3012, %select_n3A_3048 : vector<16xf32>
      %mul3A_3051 = arith.mulf %select_n3A_3013, %select_n3A_3049 : vector<16xf32>
      %add3A_3052 = arith.addf %mul3A_3050, %mul3A_3051 : vector<16xf32>
      %mul3A_3053 = arith.constant 17 : i32
      %mul3A_3054 = vector.broadcast %mul3A_3053 : i32 to vector<16xi32>
      %mul3A_3055 = arith.muli %iota3A, %mul3A_3054 : vector<16xi32>
      %add3A_3056 = arith.constant 15 : i32
      %add3A_3057 = vector.broadcast %add3A_3056 : i32 to vector<16xi32>
      %add3A_3058 = arith.addi %mul3A_3055, %add3A_3057 : vector<16xi32>
      tpu.vector_store_idx %arg14[%add3A_3058], %add3A_3052 : memref<272xf32, #tpu.memory_space<vmem>>[vector<16xi32>], vector<16xf32>,
      %slice3A_3059 = vector.extract_strided_slice %get3A_755 {offsets = [4], sizes = [1], strides = [1]} : vector<16xi32> to vector<1xi32>
      %squeeze3A_3060 = vector.extract %slice3A_3059[0] : i32 from vector<1xi32>
      %shift_right_logical3A_3061 = arith.constant 7 : i32
      %shift_right_logical3A_3062 = arith.shrui %squeeze3A_3060, %shift_right_logical3A_3061 : i32
      %min3A_3063 = arith.constant 7811 : i32
      %min3A_3064 = arith.minsi %shift_right_logical3A_3062, %min3A_3063 : i32
      %mul3A_3065 = arith.constant 128 : i32
      %mul3A_3066 = arith.muli %min3A_3064, %mul3A_3065 : i32
      %multiple_of3A_3067 = tpu.assume_multiple %mul3A_3066, 128 : i32
      %dma_start3A_3068 = arith.constant 4 : i32
      %dma_start3A_3069 = arith.constant 0 : i32
      %dma_start3A_3070 = arith.constant 0 : i32
      %dma_start3A_3071 = tpu.memref_slice %arg9[%dma_start3A_3068, %dma_start3A_3069, %dma_start3A_3070] : memref<8x32x128xf32, #tpu.memory_space<vmem>> -> memref<1x32x128xf32, #tpu.memory_space<vmem>>
      %dma_start3A_3072 = tpu.memref_squeeze %dma_start3A_3071 : memref<1x32x128xf32, #tpu.memory_space<vmem>> -> memref<32x128xf32, #tpu.memory_space<vmem>>
      %dma_start3A_3073 = arith.constant 0 : i32
      %dma_start3A_3074 = tpu.memref_slice %arg4[%dma_start3A_3073, %multiple_of3A_3067] : memref<32x1000000xf32, #tpu.memory_space<hbm>> -> memref<32x128xf32, #tpu.memory_space<hbm>>
      %dma_start3A_3075 = arith.constant 0 : i32
      %dma_start3A_3076 = arith.constant 0 : i32
      %dma_start3A_3077 = tpu.memref_slice %arg9[%dma_start3A_3068, %dma_start3A_3075, %dma_start3A_3076] : memref<8x32x128xf32, #tpu.memory_space<vmem>> -> memref<1x32x128xf32, #tpu.memory_space<vmem>>
      %dma_start3A_3078 = tpu.memref_squeeze %dma_start3A_3077 : memref<1x32x128xf32, #tpu.memory_space<vmem>> -> memref<32x128xf32, #tpu.memory_space<vmem>>
      %dma_start3A_3079 = arith.constant 0 : i32
      %dma_start3A_3080 = tpu.memref_slice %arg4[%dma_start3A_3079, %multiple_of3A_3067] : memref<32x1000000xf32, #tpu.memory_space<hbm>> -> memref<32x128xf32, #tpu.memory_space<hbm>>
      tpu.enqueue_dma source(%dma_start3A_3080 : memref<32x128xf32, #tpu.memory_space<hbm>>) target(%dma_start3A_3078 : memref<32x128xf32, #tpu.memory_space<vmem>>) target_semaphore(%arg15 : memref<!tpu.dma_semaphore, #tpu.memory_space<semaphore_mem>>)
      %slice3A_3081 = vector.extract_strided_slice %get3A_758 {offsets = [4], sizes = [1], strides = [1]} : vector<16xi32> to vector<1xi32>
      %squeeze3A_3082 = vector.extract %slice3A_3081[0] : i32 from vector<1xi32>
      %shift_right_logical3A_3083 = arith.constant 7 : i32
      %shift_right_logical3A_3084 = arith.shrui %squeeze3A_3082, %shift_right_logical3A_3083 : i32
      %min3A_3085 = arith.constant 7811 : i32
      %min3A_3086 = arith.minsi %shift_right_logical3A_3084, %min3A_3085 : i32
      %mul3A_3087 = arith.constant 128 : i32
      %mul3A_3088 = arith.muli %min3A_3086, %mul3A_3087 : i32
      %multiple_of3A_3089 = tpu.assume_multiple %mul3A_3088, 128 : i32
      %dma_start3A_3090 = arith.constant 4 : i32
      %dma_start3A_3091 = arith.constant 0 : i32
      %dma_start3A_3092 = arith.constant 0 : i32
      %dma_start3A_3093 = tpu.memref_slice %arg10[%dma_start3A_3090, %dma_start3A_3091, %dma_start3A_3092] : memref<8x32x128xf32, #tpu.memory_space<vmem>> -> memref<1x32x128xf32, #tpu.memory_space<vmem>>
      %dma_start3A_3094 = tpu.memref_squeeze %dma_start3A_3093 : memref<1x32x128xf32, #tpu.memory_space<vmem>> -> memref<32x128xf32, #tpu.memory_space<vmem>>
      %dma_start3A_3095 = arith.constant 0 : i32
      %dma_start3A_3096 = tpu.memref_slice %arg5[%dma_start3A_3095, %multiple_of3A_3089] : memref<32x1000000xf32, #tpu.memory_space<hbm>> -> memref<32x128xf32, #tpu.memory_space<hbm>>
      %dma_start3A_3097 = arith.constant 0 : i32
      %dma_start3A_3098 = arith.constant 0 : i32
      %dma_start3A_3099 = tpu.memref_slice %arg10[%dma_start3A_3090, %dma_start3A_3097, %dma_start3A_3098] : memref<8x32x128xf32, #tpu.memory_space<vmem>> -> memref<1x32x128xf32, #tpu.memory_space<vmem>>
      %dma_start3A_3100 = tpu.memref_squeeze %dma_start3A_3099 : memref<1x32x128xf32, #tpu.memory_space<vmem>> -> memref<32x128xf32, #tpu.memory_space<vmem>>
      %dma_start3A_3101 = arith.constant 0 : i32
      %dma_start3A_3102 = tpu.memref_slice %arg5[%dma_start3A_3101, %multiple_of3A_3089] : memref<32x1000000xf32, #tpu.memory_space<hbm>> -> memref<32x128xf32, #tpu.memory_space<hbm>>
      tpu.enqueue_dma source(%dma_start3A_3102 : memref<32x128xf32, #tpu.memory_space<hbm>>) target(%dma_start3A_3100 : memref<32x128xf32, #tpu.memory_space<vmem>>) target_semaphore(%arg15 : memref<!tpu.dma_semaphore, #tpu.memory_space<semaphore_mem>>)
      %slice3A_3103 = vector.extract_strided_slice %get3A_755 {offsets = [5], sizes = [1], strides = [1]} : vector<16xi32> to vector<1xi32>
      %squeeze3A_3104 = vector.extract %slice3A_3103[0] : i32 from vector<1xi32>
      %shift_right_logical3A_3105 = arith.constant 7 : i32
      %shift_right_logical3A_3106 = arith.shrui %squeeze3A_3104, %shift_right_logical3A_3105 : i32
      %min3A_3107 = arith.constant 7811 : i32
      %min3A_3108 = arith.minsi %shift_right_logical3A_3106, %min3A_3107 : i32
      %mul3A_3109 = arith.constant 128 : i32
      %mul3A_3110 = arith.muli %min3A_3108, %mul3A_3109 : i32
      %multiple_of3A_3111 = tpu.assume_multiple %mul3A_3110, 128 : i32
      %dma_start3A_3112 = arith.constant 5 : i32
      %dma_start3A_3113 = arith.constant 0 : i32
      %dma_start3A_3114 = arith.constant 0 : i32
      %dma_start3A_3115 = tpu.memref_slice %arg9[%dma_start3A_3112, %dma_start3A_3113, %dma_start3A_3114] : memref<8x32x128xf32, #tpu.memory_space<vmem>> -> memref<1x32x128xf32, #tpu.memory_space<vmem>>
      %dma_start3A_3116 = tpu.memref_squeeze %dma_start3A_3115 : memref<1x32x128xf32, #tpu.memory_space<vmem>> -> memref<32x128xf32, #tpu.memory_space<vmem>>
      %dma_start3A_3117 = arith.constant 0 : i32
      %dma_start3A_3118 = tpu.memref_slice %arg4[%dma_start3A_3117, %multiple_of3A_3111] : memref<32x1000000xf32, #tpu.memory_space<hbm>> -> memref<32x128xf32, #tpu.memory_space<hbm>>
      %dma_start3A_3119 = arith.constant 0 : i32
      %dma_start3A_3120 = arith.constant 0 : i32
      %dma_start3A_3121 = tpu.memref_slice %arg9[%dma_start3A_3112, %dma_start3A_3119, %dma_start3A_3120] : memref<8x32x128xf32, #tpu.memory_space<vmem>> -> memref<1x32x128xf32, #tpu.memory_space<vmem>>
      %dma_start3A_3122 = tpu.memref_squeeze %dma_start3A_3121 : memref<1x32x128xf32, #tpu.memory_space<vmem>> -> memref<32x128xf32, #tpu.memory_space<vmem>>
      %dma_start3A_3123 = arith.constant 0 : i32
      %dma_start3A_3124 = tpu.memref_slice %arg4[%dma_start3A_3123, %multiple_of3A_3111] : memref<32x1000000xf32, #tpu.memory_space<hbm>> -> memref<32x128xf32, #tpu.memory_space<hbm>>
      tpu.enqueue_dma source(%dma_start3A_3124 : memref<32x128xf32, #tpu.memory_space<hbm>>) target(%dma_start3A_3122 : memref<32x128xf32, #tpu.memory_space<vmem>>) target_semaphore(%arg15 : memref<!tpu.dma_semaphore, #tpu.memory_space<semaphore_mem>>)
      %slice3A_3125 = vector.extract_strided_slice %get3A_758 {offsets = [5], sizes = [1], strides = [1]} : vector<16xi32> to vector<1xi32>
      %squeeze3A_3126 = vector.extract %slice3A_3125[0] : i32 from vector<1xi32>
      %shift_right_logical3A_3127 = arith.constant 7 : i32
      %shift_right_logical3A_3128 = arith.shrui %squeeze3A_3126, %shift_right_logical3A_3127 : i32
      %min3A_3129 = arith.constant 7811 : i32
      %min3A_3130 = arith.minsi %shift_right_logical3A_3128, %min3A_3129 : i32
      %mul3A_3131 = arith.constant 128 : i32
      %mul3A_3132 = arith.muli %min3A_3130, %mul3A_3131 : i32
      %multiple_of3A_3133 = tpu.assume_multiple %mul3A_3132, 128 : i32
      %dma_start3A_3134 = arith.constant 5 : i32
      %dma_start3A_3135 = arith.constant 0 : i32
      %dma_start3A_3136 = arith.constant 0 : i32
      %dma_start3A_3137 = tpu.memref_slice %arg10[%dma_start3A_3134, %dma_start3A_3135, %dma_start3A_3136] : memref<8x32x128xf32, #tpu.memory_space<vmem>> -> memref<1x32x128xf32, #tpu.memory_space<vmem>>
      %dma_start3A_3138 = tpu.memref_squeeze %dma_start3A_3137 : memref<1x32x128xf32, #tpu.memory_space<vmem>> -> memref<32x128xf32, #tpu.memory_space<vmem>>
      %dma_start3A_3139 = arith.constant 0 : i32
      %dma_start3A_3140 = tpu.memref_slice %arg5[%dma_start3A_3139, %multiple_of3A_3133] : memref<32x1000000xf32, #tpu.memory_space<hbm>> -> memref<32x128xf32, #tpu.memory_space<hbm>>
      %dma_start3A_3141 = arith.constant 0 : i32
      %dma_start3A_3142 = arith.constant 0 : i32
      %dma_start3A_3143 = tpu.memref_slice %arg10[%dma_start3A_3134, %dma_start3A_3141, %dma_start3A_3142] : memref<8x32x128xf32, #tpu.memory_space<vmem>> -> memref<1x32x128xf32, #tpu.memory_space<vmem>>
      %dma_start3A_3144 = tpu.memref_squeeze %dma_start3A_3143 : memref<1x32x128xf32, #tpu.memory_space<vmem>> -> memref<32x128xf32, #tpu.memory_space<vmem>>
      %dma_start3A_3145 = arith.constant 0 : i32
      %dma_start3A_3146 = tpu.memref_slice %arg5[%dma_start3A_3145, %multiple_of3A_3133] : memref<32x1000000xf32, #tpu.memory_space<hbm>> -> memref<32x128xf32, #tpu.memory_space<hbm>>
      tpu.enqueue_dma source(%dma_start3A_3146 : memref<32x128xf32, #tpu.memory_space<hbm>>) target(%dma_start3A_3144 : memref<32x128xf32, #tpu.memory_space<vmem>>) target_semaphore(%arg15 : memref<!tpu.dma_semaphore, #tpu.memory_space<semaphore_mem>>)
      %slice3A_3147 = vector.extract_strided_slice %get3A_755 {offsets = [6], sizes = [1], strides = [1]} : vector<16xi32> to vector<1xi32>
      %squeeze3A_3148 = vector.extract %slice3A_3147[0] : i32 from vector<1xi32>
      %shift_right_logical3A_3149 = arith.constant 7 : i32
      %shift_right_logical3A_3150 = arith.shrui %squeeze3A_3148, %shift_right_logical3A_3149 : i32
      %min3A_3151 = arith.constant 7811 : i32
      %min3A_3152 = arith.minsi %shift_right_logical3A_3150, %min3A_3151 : i32
      %mul3A_3153 = arith.constant 128 : i32
      %mul3A_3154 = arith.muli %min3A_3152, %mul3A_3153 : i32
      %multiple_of3A_3155 = tpu.assume_multiple %mul3A_3154, 128 : i32
      %dma_start3A_3156 = arith.constant 6 : i32
      %dma_start3A_3157 = arith.constant 0 : i32
      %dma_start3A_3158 = arith.constant 0 : i32
      %dma_start3A_3159 = tpu.memref_slice %arg9[%dma_start3A_3156, %dma_start3A_3157, %dma_start3A_3158] : memref<8x32x128xf32, #tpu.memory_space<vmem>> -> memref<1x32x128xf32, #tpu.memory_space<vmem>>
      %dma_start3A_3160 = tpu.memref_squeeze %dma_start3A_3159 : memref<1x32x128xf32, #tpu.memory_space<vmem>> -> memref<32x128xf32, #tpu.memory_space<vmem>>
      %dma_start3A_3161 = arith.constant 0 : i32
      %dma_start3A_3162 = tpu.memref_slice %arg4[%dma_start3A_3161, %multiple_of3A_3155] : memref<32x1000000xf32, #tpu.memory_space<hbm>> -> memref<32x128xf32, #tpu.memory_space<hbm>>
      %dma_start3A_3163 = arith.constant 0 : i32
      %dma_start3A_3164 = arith.constant 0 : i32
      %dma_start3A_3165 = tpu.memref_slice %arg9[%dma_start3A_3156, %dma_start3A_3163, %dma_start3A_3164] : memref<8x32x128xf32, #tpu.memory_space<vmem>> -> memref<1x32x128xf32, #tpu.memory_space<vmem>>
      %dma_start3A_3166 = tpu.memref_squeeze %dma_start3A_3165 : memref<1x32x128xf32, #tpu.memory_space<vmem>> -> memref<32x128xf32, #tpu.memory_space<vmem>>
      %dma_start3A_3167 = arith.constant 0 : i32
      %dma_start3A_3168 = tpu.memref_slice %arg4[%dma_start3A_3167, %multiple_of3A_3155] : memref<32x1000000xf32, #tpu.memory_space<hbm>> -> memref<32x128xf32, #tpu.memory_space<hbm>>
      tpu.enqueue_dma source(%dma_start3A_3168 : memref<32x128xf32, #tpu.memory_space<hbm>>) target(%dma_start3A_3166 : memref<32x128xf32, #tpu.memory_space<vmem>>) target_semaphore(%arg15 : memref<!tpu.dma_semaphore, #tpu.memory_space<semaphore_mem>>)
      %slice3A_3169 = vector.extract_strided_slice %get3A_758 {offsets = [6], sizes = [1], strides = [1]} : vector<16xi32> to vector<1xi32>
      %squeeze3A_3170 = vector.extract %slice3A_3169[0] : i32 from vector<1xi32>
      %shift_right_logical3A_3171 = arith.constant 7 : i32
      %shift_right_logical3A_3172 = arith.shrui %squeeze3A_3170, %shift_right_logical3A_3171 : i32
      %min3A_3173 = arith.constant 7811 : i32
      %min3A_3174 = arith.minsi %shift_right_logical3A_3172, %min3A_3173 : i32
      %mul3A_3175 = arith.constant 128 : i32
      %mul3A_3176 = arith.muli %min3A_3174, %mul3A_3175 : i32
      %multiple_of3A_3177 = tpu.assume_multiple %mul3A_3176, 128 : i32
      %dma_start3A_3178 = arith.constant 6 : i32
      %dma_start3A_3179 = arith.constant 0 : i32
      %dma_start3A_3180 = arith.constant 0 : i32
      %dma_start3A_3181 = tpu.memref_slice %arg10[%dma_start3A_3178, %dma_start3A_3179, %dma_start3A_3180] : memref<8x32x128xf32, #tpu.memory_space<vmem>> -> memref<1x32x128xf32, #tpu.memory_space<vmem>>
      %dma_start3A_3182 = tpu.memref_squeeze %dma_start3A_3181 : memref<1x32x128xf32, #tpu.memory_space<vmem>> -> memref<32x128xf32, #tpu.memory_space<vmem>>
      %dma_start3A_3183 = arith.constant 0 : i32
      %dma_start3A_3184 = tpu.memref_slice %arg5[%dma_start3A_3183, %multiple_of3A_3177] : memref<32x1000000xf32, #tpu.memory_space<hbm>> -> memref<32x128xf32, #tpu.memory_space<hbm>>
      %dma_start3A_3185 = arith.constant 0 : i32
      %dma_start3A_3186 = arith.constant 0 : i32
      %dma_start3A_3187 = tpu.memref_slice %arg10[%dma_start3A_3178, %dma_start3A_3185, %dma_start3A_3186] : memref<8x32x128xf32, #tpu.memory_space<vmem>> -> memref<1x32x128xf32, #tpu.memory_space<vmem>>
      %dma_start3A_3188 = tpu.memref_squeeze %dma_start3A_3187 : memref<1x32x128xf32, #tpu.memory_space<vmem>> -> memref<32x128xf32, #tpu.memory_space<vmem>>
      %dma_start3A_3189 = arith.constant 0 : i32
      %dma_start3A_3190 = tpu.memref_slice %arg5[%dma_start3A_3189, %multiple_of3A_3177] : memref<32x1000000xf32, #tpu.memory_space<hbm>> -> memref<32x128xf32, #tpu.memory_space<hbm>>
      tpu.enqueue_dma source(%dma_start3A_3190 : memref<32x128xf32, #tpu.memory_space<hbm>>) target(%dma_start3A_3188 : memref<32x128xf32, #tpu.memory_space<vmem>>) target_semaphore(%arg15 : memref<!tpu.dma_semaphore, #tpu.memory_space<semaphore_mem>>)
      %slice3A_3191 = vector.extract_strided_slice %get3A_755 {offsets = [7], sizes = [1], strides = [1]} : vector<16xi32> to vector<1xi32>
      %squeeze3A_3192 = vector.extract %slice3A_3191[0] : i32 from vector<1xi32>
      %shift_right_logical3A_3193 = arith.constant 7 : i32
      %shift_right_logical3A_3194 = arith.shrui %squeeze3A_3192, %shift_right_logical3A_3193 : i32
      %min3A_3195 = arith.constant 7811 : i32
      %min3A_3196 = arith.minsi %shift_right_logical3A_3194, %min3A_3195 : i32
      %mul3A_3197 = arith.constant 128 : i32
      %mul3A_3198 = arith.muli %min3A_3196, %mul3A_3197 : i32
      %multiple_of3A_3199 = tpu.assume_multiple %mul3A_3198, 128 : i32
      %dma_start3A_3200 = arith.constant 7 : i32
      %dma_start3A_3201 = arith.constant 0 : i32
      %dma_start3A_3202 = arith.constant 0 : i32
      %dma_start3A_3203 = tpu.memref_slice %arg9[%dma_start3A_3200, %dma_start3A_3201, %dma_start3A_3202] : memref<8x32x128xf32, #tpu.memory_space<vmem>> -> memref<1x32x128xf32, #tpu.memory_space<vmem>>
      %dma_start3A_3204 = tpu.memref_squeeze %dma_start3A_3203 : memref<1x32x128xf32, #tpu.memory_space<vmem>> -> memref<32x128xf32, #tpu.memory_space<vmem>>
      %dma_start3A_3205 = arith.constant 0 : i32
      %dma_start3A_3206 = tpu.memref_slice %arg4[%dma_start3A_3205, %multiple_of3A_3199] : memref<32x1000000xf32, #tpu.memory_space<hbm>> -> memref<32x128xf32, #tpu.memory_space<hbm>>
      %dma_start3A_3207 = arith.constant 0 : i32
      %dma_start3A_3208 = arith.constant 0 : i32
      %dma_start3A_3209 = tpu.memref_slice %arg9[%dma_start3A_3200, %dma_start3A_3207, %dma_start3A_3208] : memref<8x32x128xf32, #tpu.memory_space<vmem>> -> memref<1x32x128xf32, #tpu.memory_space<vmem>>
      %dma_start3A_3210 = tpu.memref_squeeze %dma_start3A_3209 : memref<1x32x128xf32, #tpu.memory_space<vmem>> -> memref<32x128xf32, #tpu.memory_space<vmem>>
      %dma_start3A_3211 = arith.constant 0 : i32
      %dma_start3A_3212 = tpu.memref_slice %arg4[%dma_start3A_3211, %multiple_of3A_3199] : memref<32x1000000xf32, #tpu.memory_space<hbm>> -> memref<32x128xf32, #tpu.memory_space<hbm>>
      tpu.enqueue_dma source(%dma_start3A_3212 : memref<32x128xf32, #tpu.memory_space<hbm>>) target(%dma_start3A_3210 : memref<32x128xf32, #tpu.memory_space<vmem>>) target_semaphore(%arg15 : memref<!tpu.dma_semaphore, #tpu.memory_space<semaphore_mem>>)
      %slice3A_3213 = vector.extract_strided_slice %get3A_758 {offsets = [7], sizes = [1], strides = [1]} : vector<16xi32> to vector<1xi32>
      %squeeze3A_3214 = vector.extract %slice3A_3213[0] : i32 from vector<1xi32>
      %shift_right_logical3A_3215 = arith.constant 7 : i32
      %shift_right_logical3A_3216 = arith.shrui %squeeze3A_3214, %shift_right_logical3A_3215 : i32
      %min3A_3217 = arith.constant 7811 : i32
      %min3A_3218 = arith.minsi %shift_right_logical3A_3216, %min3A_3217 : i32
      %mul3A_3219 = arith.constant 128 : i32
      %mul3A_3220 = arith.muli %min3A_3218, %mul3A_3219 : i32
      %multiple_of3A_3221 = tpu.assume_multiple %mul3A_3220, 128 : i32
      %dma_start3A_3222 = arith.constant 7 : i32
      %dma_start3A_3223 = arith.constant 0 : i32
      %dma_start3A_3224 = arith.constant 0 : i32
      %dma_start3A_3225 = tpu.memref_slice %arg10[%dma_start3A_3222, %dma_start3A_3223, %dma_start3A_3224] : memref<8x32x128xf32, #tpu.memory_space<vmem>> -> memref<1x32x128xf32, #tpu.memory_space<vmem>>
      %dma_start3A_3226 = tpu.memref_squeeze %dma_start3A_3225 : memref<1x32x128xf32, #tpu.memory_space<vmem>> -> memref<32x128xf32, #tpu.memory_space<vmem>>
      %dma_start3A_3227 = arith.constant 0 : i32
      %dma_start3A_3228 = tpu.memref_slice %arg5[%dma_start3A_3227, %multiple_of3A_3221] : memref<32x1000000xf32, #tpu.memory_space<hbm>> -> memref<32x128xf32, #tpu.memory_space<hbm>>
      %dma_start3A_3229 = arith.constant 0 : i32
      %dma_start3A_3230 = arith.constant 0 : i32
      %dma_start3A_3231 = tpu.memref_slice %arg10[%dma_start3A_3222, %dma_start3A_3229, %dma_start3A_3230] : memref<8x32x128xf32, #tpu.memory_space<vmem>> -> memref<1x32x128xf32, #tpu.memory_space<vmem>>
      %dma_start3A_3232 = tpu.memref_squeeze %dma_start3A_3231 : memref<1x32x128xf32, #tpu.memory_space<vmem>> -> memref<32x128xf32, #tpu.memory_space<vmem>>
      %dma_start3A_3233 = arith.constant 0 : i32
      %dma_start3A_3234 = tpu.memref_slice %arg5[%dma_start3A_3233, %multiple_of3A_3221] : memref<32x1000000xf32, #tpu.memory_space<hbm>> -> memref<32x128xf32, #tpu.memory_space<hbm>>
      tpu.enqueue_dma source(%dma_start3A_3234 : memref<32x128xf32, #tpu.memory_space<hbm>>) target(%dma_start3A_3232 : memref<32x128xf32, #tpu.memory_space<vmem>>) target_semaphore(%arg15 : memref<!tpu.dma_semaphore, #tpu.memory_space<semaphore_mem>>)
      %get3A_3235 = arith.constant 0 : index
      %get3A_3236 = tpu.vector_load %arg14[%get3A_3235] {strides = array<i32>} : memref<272xf32, #tpu.memory_space<vmem>>, vector<16xf32>,
      %get3A_3237 = arith.constant 17 : index
      %get3A_3238 = tpu.vector_load %arg14[%get3A_3237] {strides = array<i32>} : memref<272xf32, #tpu.memory_space<vmem>>, vector<16xf32>,
      %add3A_3239 = arith.addf %get3A_3236, %get3A_3238 : vector<16xf32>
      %get3A_3240 = arith.constant 34 : index
      %get3A_3241 = tpu.vector_load %arg14[%get3A_3240] {strides = array<i32>} : memref<272xf32, #tpu.memory_space<vmem>>, vector<16xf32>,
      %add3A_3242 = arith.addf %add3A_3239, %get3A_3241 : vector<16xf32>
      %get3A_3243 = arith.constant 51 : index
      %get3A_3244 = tpu.vector_load %arg14[%get3A_3243] {strides = array<i32>} : memref<272xf32, #tpu.memory_space<vmem>>, vector<16xf32>,
      %add3A_3245 = arith.addf %add3A_3242, %get3A_3244 : vector<16xf32>
      %get3A_3246 = arith.constant 68 : index
      %get3A_3247 = tpu.vector_load %arg14[%get3A_3246] {strides = array<i32>} : memref<272xf32, #tpu.memory_space<vmem>>, vector<16xf32>,
      %add3A_3248 = arith.addf %add3A_3245, %get3A_3247 : vector<16xf32>
      %get3A_3249 = arith.constant 85 : index
      %get3A_3250 = tpu.vector_load %arg14[%get3A_3249] {strides = array<i32>} : memref<272xf32, #tpu.memory_space<vmem>>, vector<16xf32>,
      %add3A_3251 = arith.addf %add3A_3248, %get3A_3250 : vector<16xf32>
      %get3A_3252 = arith.constant 102 : index
      %get3A_3253 = tpu.vector_load %arg14[%get3A_3252] {strides = array<i32>} : memref<272xf32, #tpu.memory_space<vmem>>, vector<16xf32>,
      %add3A_3254 = arith.addf %add3A_3251, %get3A_3253 : vector<16xf32>
      %get3A_3255 = arith.constant 119 : index
      %get3A_3256 = tpu.vector_load %arg14[%get3A_3255] {strides = array<i32>} : memref<272xf32, #tpu.memory_space<vmem>>, vector<16xf32>,
      %add3A_3257 = arith.addf %add3A_3254, %get3A_3256 : vector<16xf32>
      %get3A_3258 = arith.constant 136 : index
      %get3A_3259 = tpu.vector_load %arg14[%get3A_3258] {strides = array<i32>} : memref<272xf32, #tpu.memory_space<vmem>>, vector<16xf32>,
      %add3A_3260 = arith.addf %add3A_3257, %get3A_3259 : vector<16xf32>
      %get3A_3261 = arith.constant 153 : index
      %get3A_3262 = tpu.vector_load %arg14[%get3A_3261] {strides = array<i32>} : memref<272xf32, #tpu.memory_space<vmem>>, vector<16xf32>,
      %add3A_3263 = arith.addf %add3A_3260, %get3A_3262 : vector<16xf32>
      %get3A_3264 = arith.constant 170 : index
      %get3A_3265 = tpu.vector_load %arg14[%get3A_3264] {strides = array<i32>} : memref<272xf32, #tpu.memory_space<vmem>>, vector<16xf32>,
      %add3A_3266 = arith.addf %add3A_3263, %get3A_3265 : vector<16xf32>
      %get3A_3267 = arith.constant 187 : index
      %get3A_3268 = tpu.vector_load %arg14[%get3A_3267] {strides = array<i32>} : memref<272xf32, #tpu.memory_space<vmem>>, vector<16xf32>,
      %add3A_3269 = arith.addf %add3A_3266, %get3A_3268 : vector<16xf32>
      %get3A_3270 = arith.constant 204 : index
      %get3A_3271 = tpu.vector_load %arg14[%get3A_3270] {strides = array<i32>} : memref<272xf32, #tpu.memory_space<vmem>>, vector<16xf32>,
      %add3A_3272 = arith.addf %add3A_3269, %get3A_3271 : vector<16xf32>
      %get3A_3273 = arith.constant 221 : index
      %get3A_3274 = tpu.vector_load %arg14[%get3A_3273] {strides = array<i32>} : memref<272xf32, #tpu.memory_space<vmem>>, vector<16xf32>,
      %add3A_3275 = arith.addf %add3A_3272, %get3A_3274 : vector<16xf32>
      %get3A_3276 = arith.constant 238 : index
      %get3A_3277 = tpu.vector_load %arg14[%get3A_3276] {strides = array<i32>} : memref<272xf32, #tpu.memory_space<vmem>>, vector<16xf32>,
      %add3A_3278 = arith.addf %add3A_3275, %get3A_3277 : vector<16xf32>
      %get3A_3279 = arith.constant 255 : index
      %get3A_3280 = tpu.vector_load %arg14[%get3A_3279] {strides = array<i32>} : memref<272xf32, #tpu.memory_space<vmem>>, vector<16xf32>,
      %add3A_3281 = arith.addf %add3A_3278, %get3A_3280 : vector<16xf32>
      %neg3A = arith.constant 0.000000e+00 : f32
      %neg3A_3282 = vector.broadcast %neg3A : f32 to vector<16xf32>
      %neg3A_3283 = arith.subf %neg3A_3282, %add3A_3281 : vector<16xf32>
      %exp3A = math.exp %neg3A_3283 : vector<16xf32>
      %add3A_3284 = arith.constant 1.000000e+00 : f32
      %add3A_3285 = vector.broadcast %add3A_3284 : f32 to vector<16xf32>
      %add3A_3286 = arith.addf %add3A_3285, %exp3A : vector<16xf32>
      %div3A_3287 = arith.constant 1.000000e+00 : f32
      %div3A_3288 = vector.broadcast %div3A_3287 : f32 to vector<16xf32>
      %div3A_3289 = arith.divf %div3A_3288, %add3A_3286 : vector<16xf32>
      %mul3A_3290 = arith.constant 16 : i32
      %mul3A_3291 = arith.muli %scan3A_656, %mul3A_3290 : i32
      %swap3A = arith.index_cast %mul3A_3291 : i32 to index
      %swap3A_3292 = tpu.vector_load %arg13[%swap3A] {strides = array<i32>} : memref<512xf32, #tpu.memory_space<vmem>>, vector<16xf32>,
      tpu.vector_store %arg13[%swap3A], %div3A_3289 {strides = array<i32>} : memref<512xf32, #tpu.memory_space<vmem>>, vector<16xf32>,
    }
    %scan3A_416 = arith.constant 32 : i32
    %dma_wait3A = arith.constant 0 : i32
    %dma_wait3A_417 = arith.constant 0 : i32
    %dma_wait3A_418 = arith.constant 0 : i32
    %dma_wait3A_419 = tpu.memref_slice %arg9[%dma_wait3A, %dma_wait3A_417, %dma_wait3A_418] : memref<8x32x128xf32, #tpu.memory_space<vmem>> -> memref<1x32x128xf32, #tpu.memory_space<vmem>>
    %dma_wait3A_420 = tpu.memref_squeeze %dma_wait3A_419 : memref<1x32x128xf32, #tpu.memory_space<vmem>> -> memref<32x128xf32, #tpu.memory_space<vmem>>
    %dma_wait3A_421 = arith.constant 0 : i32
    %dma_wait3A_422 = arith.constant 0 : i32
    %dma_wait3A_423 = tpu.memref_slice %arg4[%dma_wait3A_421, %dma_wait3A_422] : memref<32x1000000xf32, #tpu.memory_space<hbm>> -> memref<32x128xf32, #tpu.memory_space<hbm>>
    %dma_wait3A_424 = arith.constant 0 : i32
    %dma_wait3A_425 = arith.constant 0 : i32
    %dma_wait3A_426 = tpu.memref_slice %arg9[%dma_wait3A, %dma_wait3A_424, %dma_wait3A_425] : memref<8x32x128xf32, #tpu.memory_space<vmem>> -> memref<1x32x128xf32, #tpu.memory_space<vmem>>
    %dma_wait3A_427 = tpu.memref_squeeze %dma_wait3A_426 : memref<1x32x128xf32, #tpu.memory_space<vmem>> -> memref<32x128xf32, #tpu.memory_space<vmem>>
    %dma_wait3A_428 = arith.constant 0 : i32
    %dma_wait3A_429 = arith.constant 0 : i32
    %dma_wait3A_430 = tpu.memref_slice %arg4[%dma_wait3A_428, %dma_wait3A_429] : memref<32x1000000xf32, #tpu.memory_space<hbm>> -> memref<32x128xf32, #tpu.memory_space<hbm>>
    tpu.wait_dma2 semaphore(%arg15 : memref<!tpu.dma_semaphore, #tpu.memory_space<semaphore_mem>>) src(%dma_wait3A_430 : memref<32x128xf32, #tpu.memory_space<hbm>>) dst(%dma_wait3A_427 : memref<32x128xf32, #tpu.memory_space<vmem>>)
    %dma_wait3A_431 = arith.constant 0 : i32
    %dma_wait3A_432 = arith.constant 0 : i32
    %dma_wait3A_433 = arith.constant 0 : i32
    %dma_wait3A_434 = tpu.memref_slice %arg10[%dma_wait3A_431, %dma_wait3A_432, %dma_wait3A_433] : memref<8x32x128xf32, #tpu.memory_space<vmem>> -> memref<1x32x128xf32, #tpu.memory_space<vmem>>
    %dma_wait3A_435 = tpu.memref_squeeze %dma_wait3A_434 : memref<1x32x128xf32, #tpu.memory_space<vmem>> -> memref<32x128xf32, #tpu.memory_space<vmem>>
    %dma_wait3A_436 = arith.constant 0 : i32
    %dma_wait3A_437 = arith.constant 0 : i32
    %dma_wait3A_438 = tpu.memref_slice %arg5[%dma_wait3A_436, %dma_wait3A_437] : memref<32x1000000xf32, #tpu.memory_space<hbm>> -> memref<32x128xf32, #tpu.memory_space<hbm>>
    %dma_wait3A_439 = arith.constant 0 : i32
    %dma_wait3A_440 = arith.constant 0 : i32
    %dma_wait3A_441 = tpu.memref_slice %arg10[%dma_wait3A_431, %dma_wait3A_439, %dma_wait3A_440] : memref<8x32x128xf32, #tpu.memory_space<vmem>> -> memref<1x32x128xf32, #tpu.memory_space<vmem>>
    %dma_wait3A_442 = tpu.memref_squeeze %dma_wait3A_441 : memref<1x32x128xf32, #tpu.memory_space<vmem>> -> memref<32x128xf32, #tpu.memory_space<vmem>>
    %dma_wait3A_443 = arith.constant 0 : i32
    %dma_wait3A_444 = arith.constant 0 : i32
    %dma_wait3A_445 = tpu.memref_slice %arg5[%dma_wait3A_443, %dma_wait3A_444] : memref<32x1000000xf32, #tpu.memory_space<hbm>> -> memref<32x128xf32, #tpu.memory_space<hbm>>
    tpu.wait_dma2 semaphore(%arg15 : memref<!tpu.dma_semaphore, #tpu.memory_space<semaphore_mem>>) src(%dma_wait3A_445 : memref<32x128xf32, #tpu.memory_space<hbm>>) dst(%dma_wait3A_442 : memref<32x128xf32, #tpu.memory_space<vmem>>)
    %dma_wait3A_446 = arith.constant 1 : i32
    %dma_wait3A_447 = arith.constant 0 : i32
    %dma_wait3A_448 = arith.constant 0 : i32
    %dma_wait3A_449 = tpu.memref_slice %arg9[%dma_wait3A_446, %dma_wait3A_447, %dma_wait3A_448] : memref<8x32x128xf32, #tpu.memory_space<vmem>> -> memref<1x32x128xf32, #tpu.memory_space<vmem>>
    %dma_wait3A_450 = tpu.memref_squeeze %dma_wait3A_449 : memref<1x32x128xf32, #tpu.memory_space<vmem>> -> memref<32x128xf32, #tpu.memory_space<vmem>>
    %dma_wait3A_451 = arith.constant 0 : i32
    %dma_wait3A_452 = arith.constant 0 : i32
    %dma_wait3A_453 = tpu.memref_slice %arg4[%dma_wait3A_451, %dma_wait3A_452] : memref<32x1000000xf32, #tpu.memory_space<hbm>> -> memref<32x128xf32, #tpu.memory_space<hbm>>
    %dma_wait3A_454 = arith.constant 0 : i32
    %dma_wait3A_455 = arith.constant 0 : i32
    %dma_wait3A_456 = tpu.memref_slice %arg9[%dma_wait3A_446, %dma_wait3A_454, %dma_wait3A_455] : memref<8x32x128xf32, #tpu.memory_space<vmem>> -> memref<1x32x128xf32, #tpu.memory_space<vmem>>
    %dma_wait3A_457 = tpu.memref_squeeze %dma_wait3A_456 : memref<1x32x128xf32, #tpu.memory_space<vmem>> -> memref<32x128xf32, #tpu.memory_space<vmem>>
    %dma_wait3A_458 = arith.constant 0 : i32
    %dma_wait3A_459 = arith.constant 0 : i32
    %dma_wait3A_460 = tpu.memref_slice %arg4[%dma_wait3A_458, %dma_wait3A_459] : memref<32x1000000xf32, #tpu.memory_space<hbm>> -> memref<32x128xf32, #tpu.memory_space<hbm>>
    tpu.wait_dma2 semaphore(%arg15 : memref<!tpu.dma_semaphore, #tpu.memory_space<semaphore_mem>>) src(%dma_wait3A_460 : memref<32x128xf32, #tpu.memory_space<hbm>>) dst(%dma_wait3A_457 : memref<32x128xf32, #tpu.memory_space<vmem>>)
    %dma_wait3A_461 = arith.constant 1 : i32
    %dma_wait3A_462 = arith.constant 0 : i32
    %dma_wait3A_463 = arith.constant 0 : i32
    %dma_wait3A_464 = tpu.memref_slice %arg10[%dma_wait3A_461, %dma_wait3A_462, %dma_wait3A_463] : memref<8x32x128xf32, #tpu.memory_space<vmem>> -> memref<1x32x128xf32, #tpu.memory_space<vmem>>
    %dma_wait3A_465 = tpu.memref_squeeze %dma_wait3A_464 : memref<1x32x128xf32, #tpu.memory_space<vmem>> -> memref<32x128xf32, #tpu.memory_space<vmem>>
    %dma_wait3A_466 = arith.constant 0 : i32
    %dma_wait3A_467 = arith.constant 0 : i32
    %dma_wait3A_468 = tpu.memref_slice %arg5[%dma_wait3A_466, %dma_wait3A_467] : memref<32x1000000xf32, #tpu.memory_space<hbm>> -> memref<32x128xf32, #tpu.memory_space<hbm>>
    %dma_wait3A_469 = arith.constant 0 : i32
    %dma_wait3A_470 = arith.constant 0 : i32
    %dma_wait3A_471 = tpu.memref_slice %arg10[%dma_wait3A_461, %dma_wait3A_469, %dma_wait3A_470] : memref<8x32x128xf32, #tpu.memory_space<vmem>> -> memref<1x32x128xf32, #tpu.memory_space<vmem>>
    %dma_wait3A_472 = tpu.memref_squeeze %dma_wait3A_471 : memref<1x32x128xf32, #tpu.memory_space<vmem>> -> memref<32x128xf32, #tpu.memory_space<vmem>>
    %dma_wait3A_473 = arith.constant 0 : i32
    %dma_wait3A_474 = arith.constant 0 : i32
    %dma_wait3A_475 = tpu.memref_slice %arg5[%dma_wait3A_473, %dma_wait3A_474] : memref<32x1000000xf32, #tpu.memory_space<hbm>> -> memref<32x128xf32, #tpu.memory_space<hbm>>
    tpu.wait_dma2 semaphore(%arg15 : memref<!tpu.dma_semaphore, #tpu.memory_space<semaphore_mem>>) src(%dma_wait3A_475 : memref<32x128xf32, #tpu.memory_space<hbm>>) dst(%dma_wait3A_472 : memref<32x128xf32, #tpu.memory_space<vmem>>)
    %dma_wait3A_476 = arith.constant 2 : i32
    %dma_wait3A_477 = arith.constant 0 : i32
    %dma_wait3A_478 = arith.constant 0 : i32
    %dma_wait3A_479 = tpu.memref_slice %arg9[%dma_wait3A_476, %dma_wait3A_477, %dma_wait3A_478] : memref<8x32x128xf32, #tpu.memory_space<vmem>> -> memref<1x32x128xf32, #tpu.memory_space<vmem>>
    %dma_wait3A_480 = tpu.memref_squeeze %dma_wait3A_479 : memref<1x32x128xf32, #tpu.memory_space<vmem>> -> memref<32x128xf32, #tpu.memory_space<vmem>>
    %dma_wait3A_481 = arith.constant 0 : i32
    %dma_wait3A_482 = arith.constant 0 : i32
    %dma_wait3A_483 = tpu.memref_slice %arg4[%dma_wait3A_481, %dma_wait3A_482] : memref<32x1000000xf32, #tpu.memory_space<hbm>> -> memref<32x128xf32, #tpu.memory_space<hbm>>
    %dma_wait3A_484 = arith.constant 0 : i32
    %dma_wait3A_485 = arith.constant 0 : i32
    %dma_wait3A_486 = tpu.memref_slice %arg9[%dma_wait3A_476, %dma_wait3A_484, %dma_wait3A_485] : memref<8x32x128xf32, #tpu.memory_space<vmem>> -> memref<1x32x128xf32, #tpu.memory_space<vmem>>
    %dma_wait3A_487 = tpu.memref_squeeze %dma_wait3A_486 : memref<1x32x128xf32, #tpu.memory_space<vmem>> -> memref<32x128xf32, #tpu.memory_space<vmem>>
    %dma_wait3A_488 = arith.constant 0 : i32
    %dma_wait3A_489 = arith.constant 0 : i32
    %dma_wait3A_490 = tpu.memref_slice %arg4[%dma_wait3A_488, %dma_wait3A_489] : memref<32x1000000xf32, #tpu.memory_space<hbm>> -> memref<32x128xf32, #tpu.memory_space<hbm>>
    tpu.wait_dma2 semaphore(%arg15 : memref<!tpu.dma_semaphore, #tpu.memory_space<semaphore_mem>>) src(%dma_wait3A_490 : memref<32x128xf32, #tpu.memory_space<hbm>>) dst(%dma_wait3A_487 : memref<32x128xf32, #tpu.memory_space<vmem>>)
    %dma_wait3A_491 = arith.constant 2 : i32
    %dma_wait3A_492 = arith.constant 0 : i32
    %dma_wait3A_493 = arith.constant 0 : i32
    %dma_wait3A_494 = tpu.memref_slice %arg10[%dma_wait3A_491, %dma_wait3A_492, %dma_wait3A_493] : memref<8x32x128xf32, #tpu.memory_space<vmem>> -> memref<1x32x128xf32, #tpu.memory_space<vmem>>
    %dma_wait3A_495 = tpu.memref_squeeze %dma_wait3A_494 : memref<1x32x128xf32, #tpu.memory_space<vmem>> -> memref<32x128xf32, #tpu.memory_space<vmem>>
    %dma_wait3A_496 = arith.constant 0 : i32
    %dma_wait3A_497 = arith.constant 0 : i32
    %dma_wait3A_498 = tpu.memref_slice %arg5[%dma_wait3A_496, %dma_wait3A_497] : memref<32x1000000xf32, #tpu.memory_space<hbm>> -> memref<32x128xf32, #tpu.memory_space<hbm>>
    %dma_wait3A_499 = arith.constant 0 : i32
    %dma_wait3A_500 = arith.constant 0 : i32
    %dma_wait3A_501 = tpu.memref_slice %arg10[%dma_wait3A_491, %dma_wait3A_499, %dma_wait3A_500] : memref<8x32x128xf32, #tpu.memory_space<vmem>> -> memref<1x32x128xf32, #tpu.memory_space<vmem>>
    %dma_wait3A_502 = tpu.memref_squeeze %dma_wait3A_501 : memref<1x32x128xf32, #tpu.memory_space<vmem>> -> memref<32x128xf32, #tpu.memory_space<vmem>>
    %dma_wait3A_503 = arith.constant 0 : i32
    %dma_wait3A_504 = arith.constant 0 : i32
    %dma_wait3A_505 = tpu.memref_slice %arg5[%dma_wait3A_503, %dma_wait3A_504] : memref<32x1000000xf32, #tpu.memory_space<hbm>> -> memref<32x128xf32, #tpu.memory_space<hbm>>
    tpu.wait_dma2 semaphore(%arg15 : memref<!tpu.dma_semaphore, #tpu.memory_space<semaphore_mem>>) src(%dma_wait3A_505 : memref<32x128xf32, #tpu.memory_space<hbm>>) dst(%dma_wait3A_502 : memref<32x128xf32, #tpu.memory_space<vmem>>)
    %dma_wait3A_506 = arith.constant 3 : i32
    %dma_wait3A_507 = arith.constant 0 : i32
    %dma_wait3A_508 = arith.constant 0 : i32
    %dma_wait3A_509 = tpu.memref_slice %arg9[%dma_wait3A_506, %dma_wait3A_507, %dma_wait3A_508] : memref<8x32x128xf32, #tpu.memory_space<vmem>> -> memref<1x32x128xf32, #tpu.memory_space<vmem>>
    %dma_wait3A_510 = tpu.memref_squeeze %dma_wait3A_509 : memref<1x32x128xf32, #tpu.memory_space<vmem>> -> memref<32x128xf32, #tpu.memory_space<vmem>>
    %dma_wait3A_511 = arith.constant 0 : i32
    %dma_wait3A_512 = arith.constant 0 : i32
    %dma_wait3A_513 = tpu.memref_slice %arg4[%dma_wait3A_511, %dma_wait3A_512] : memref<32x1000000xf32, #tpu.memory_space<hbm>> -> memref<32x128xf32, #tpu.memory_space<hbm>>
    %dma_wait3A_514 = arith.constant 0 : i32
    %dma_wait3A_515 = arith.constant 0 : i32
    %dma_wait3A_516 = tpu.memref_slice %arg9[%dma_wait3A_506, %dma_wait3A_514, %dma_wait3A_515] : memref<8x32x128xf32, #tpu.memory_space<vmem>> -> memref<1x32x128xf32, #tpu.memory_space<vmem>>
    %dma_wait3A_517 = tpu.memref_squeeze %dma_wait3A_516 : memref<1x32x128xf32, #tpu.memory_space<vmem>> -> memref<32x128xf32, #tpu.memory_space<vmem>>
    %dma_wait3A_518 = arith.constant 0 : i32
    %dma_wait3A_519 = arith.constant 0 : i32
    %dma_wait3A_520 = tpu.memref_slice %arg4[%dma_wait3A_518, %dma_wait3A_519] : memref<32x1000000xf32, #tpu.memory_space<hbm>> -> memref<32x128xf32, #tpu.memory_space<hbm>>
    tpu.wait_dma2 semaphore(%arg15 : memref<!tpu.dma_semaphore, #tpu.memory_space<semaphore_mem>>) src(%dma_wait3A_520 : memref<32x128xf32, #tpu.memory_space<hbm>>) dst(%dma_wait3A_517 : memref<32x128xf32, #tpu.memory_space<vmem>>)
    %dma_wait3A_521 = arith.constant 3 : i32
    %dma_wait3A_522 = arith.constant 0 : i32
    %dma_wait3A_523 = arith.constant 0 : i32
    %dma_wait3A_524 = tpu.memref_slice %arg10[%dma_wait3A_521, %dma_wait3A_522, %dma_wait3A_523] : memref<8x32x128xf32, #tpu.memory_space<vmem>> -> memref<1x32x128xf32, #tpu.memory_space<vmem>>
    %dma_wait3A_525 = tpu.memref_squeeze %dma_wait3A_524 : memref<1x32x128xf32, #tpu.memory_space<vmem>> -> memref<32x128xf32, #tpu.memory_space<vmem>>
    %dma_wait3A_526 = arith.constant 0 : i32
    %dma_wait3A_527 = arith.constant 0 : i32
    %dma_wait3A_528 = tpu.memref_slice %arg5[%dma_wait3A_526, %dma_wait3A_527] : memref<32x1000000xf32, #tpu.memory_space<hbm>> -> memref<32x128xf32, #tpu.memory_space<hbm>>
    %dma_wait3A_529 = arith.constant 0 : i32
    %dma_wait3A_530 = arith.constant 0 : i32
    %dma_wait3A_531 = tpu.memref_slice %arg10[%dma_wait3A_521, %dma_wait3A_529, %dma_wait3A_530] : memref<8x32x128xf32, #tpu.memory_space<vmem>> -> memref<1x32x128xf32, #tpu.memory_space<vmem>>
    %dma_wait3A_532 = tpu.memref_squeeze %dma_wait3A_531 : memref<1x32x128xf32, #tpu.memory_space<vmem>> -> memref<32x128xf32, #tpu.memory_space<vmem>>
    %dma_wait3A_533 = arith.constant 0 : i32
    %dma_wait3A_534 = arith.constant 0 : i32
    %dma_wait3A_535 = tpu.memref_slice %arg5[%dma_wait3A_533, %dma_wait3A_534] : memref<32x1000000xf32, #tpu.memory_space<hbm>> -> memref<32x128xf32, #tpu.memory_space<hbm>>
    tpu.wait_dma2 semaphore(%arg15 : memref<!tpu.dma_semaphore, #tpu.memory_space<semaphore_mem>>) src(%dma_wait3A_535 : memref<32x128xf32, #tpu.memory_space<hbm>>) dst(%dma_wait3A_532 : memref<32x128xf32, #tpu.memory_space<vmem>>)
    %dma_wait3A_536 = arith.constant 0 : i32
    %dma_wait3A_537 = arith.constant 0 : i32
    %dma_wait3A_538 = arith.constant 0 : i32
    %dma_wait3A_539 = tpu.memref_slice %arg9[%dma_wait3A_536, %dma_wait3A_537, %dma_wait3A_538] : memref<8x32x128xf32, #tpu.memory_space<vmem>> -> memref<1x32x128xf32, #tpu.memory_space<vmem>>
    %dma_wait3A_540 = tpu.memref_squeeze %dma_wait3A_539 : memref<1x32x128xf32, #tpu.memory_space<vmem>> -> memref<32x128xf32, #tpu.memory_space<vmem>>
    %dma_wait3A_541 = arith.constant 0 : i32
    %dma_wait3A_542 = arith.constant 0 : i32
    %dma_wait3A_543 = tpu.memref_slice %arg4[%dma_wait3A_541, %dma_wait3A_542] : memref<32x1000000xf32, #tpu.memory_space<hbm>> -> memref<32x128xf32, #tpu.memory_space<hbm>>
    %dma_wait3A_544 = arith.constant 0 : i32
    %dma_wait3A_545 = arith.constant 0 : i32
    %dma_wait3A_546 = tpu.memref_slice %arg9[%dma_wait3A_536, %dma_wait3A_544, %dma_wait3A_545] : memref<8x32x128xf32, #tpu.memory_space<vmem>> -> memref<1x32x128xf32, #tpu.memory_space<vmem>>
    %dma_wait3A_547 = tpu.memref_squeeze %dma_wait3A_546 : memref<1x32x128xf32, #tpu.memory_space<vmem>> -> memref<32x128xf32, #tpu.memory_space<vmem>>
    %dma_wait3A_548 = arith.constant 0 : i32
    %dma_wait3A_549 = arith.constant 0 : i32
    %dma_wait3A_550 = tpu.memref_slice %arg4[%dma_wait3A_548, %dma_wait3A_549] : memref<32x1000000xf32, #tpu.memory_space<hbm>> -> memref<32x128xf32, #tpu.memory_space<hbm>>
    tpu.wait_dma2 semaphore(%arg15 : memref<!tpu.dma_semaphore, #tpu.memory_space<semaphore_mem>>) src(%dma_wait3A_550 : memref<32x128xf32, #tpu.memory_space<hbm>>) dst(%dma_wait3A_547 : memref<32x128xf32, #tpu.memory_space<vmem>>)
    %dma_wait3A_551 = arith.constant 0 : i32
    %dma_wait3A_552 = arith.constant 0 : i32
    %dma_wait3A_553 = arith.constant 0 : i32
    %dma_wait3A_554 = tpu.memref_slice %arg10[%dma_wait3A_551, %dma_wait3A_552, %dma_wait3A_553] : memref<8x32x128xf32, #tpu.memory_space<vmem>> -> memref<1x32x128xf32, #tpu.memory_space<vmem>>
    %dma_wait3A_555 = tpu.memref_squeeze %dma_wait3A_554 : memref<1x32x128xf32, #tpu.memory_space<vmem>> -> memref<32x128xf32, #tpu.memory_space<vmem>>
    %dma_wait3A_556 = arith.constant 0 : i32
    %dma_wait3A_557 = arith.constant 0 : i32
    %dma_wait3A_558 = tpu.memref_slice %arg5[%dma_wait3A_556, %dma_wait3A_557] : memref<32x1000000xf32, #tpu.memory_space<hbm>> -> memref<32x128xf32, #tpu.memory_space<hbm>>
    %dma_wait3A_559 = arith.constant 0 : i32
    %dma_wait3A_560 = arith.constant 0 : i32
    %dma_wait3A_561 = tpu.memref_slice %arg10[%dma_wait3A_551, %dma_wait3A_559, %dma_wait3A_560] : memref<8x32x128xf32, #tpu.memory_space<vmem>> -> memref<1x32x128xf32, #tpu.memory_space<vmem>>
    %dma_wait3A_562 = tpu.memref_squeeze %dma_wait3A_561 : memref<1x32x128xf32, #tpu.memory_space<vmem>> -> memref<32x128xf32, #tpu.memory_space<vmem>>
    %dma_wait3A_563 = arith.constant 0 : i32
    %dma_wait3A_564 = arith.constant 0 : i32
    %dma_wait3A_565 = tpu.memref_slice %arg5[%dma_wait3A_563, %dma_wait3A_564] : memref<32x1000000xf32, #tpu.memory_space<hbm>> -> memref<32x128xf32, #tpu.memory_space<hbm>>
    tpu.wait_dma2 semaphore(%arg15 : memref<!tpu.dma_semaphore, #tpu.memory_space<semaphore_mem>>) src(%dma_wait3A_565 : memref<32x128xf32, #tpu.memory_space<hbm>>) dst(%dma_wait3A_562 : memref<32x128xf32, #tpu.memory_space<vmem>>)
    %dma_wait3A_566 = arith.constant 1 : i32
    %dma_wait3A_567 = arith.constant 0 : i32
    %dma_wait3A_568 = arith.constant 0 : i32
    %dma_wait3A_569 = tpu.memref_slice %arg9[%dma_wait3A_566, %dma_wait3A_567, %dma_wait3A_568] : memref<8x32x128xf32, #tpu.memory_space<vmem>> -> memref<1x32x128xf32, #tpu.memory_space<vmem>>
    %dma_wait3A_570 = tpu.memref_squeeze %dma_wait3A_569 : memref<1x32x128xf32, #tpu.memory_space<vmem>> -> memref<32x128xf32, #tpu.memory_space<vmem>>
    %dma_wait3A_571 = arith.constant 0 : i32
    %dma_wait3A_572 = arith.constant 0 : i32
    %dma_wait3A_573 = tpu.memref_slice %arg4[%dma_wait3A_571, %dma_wait3A_572] : memref<32x1000000xf32, #tpu.memory_space<hbm>> -> memref<32x128xf32, #tpu.memory_space<hbm>>
    %dma_wait3A_574 = arith.constant 0 : i32
    %dma_wait3A_575 = arith.constant 0 : i32
    %dma_wait3A_576 = tpu.memref_slice %arg9[%dma_wait3A_566, %dma_wait3A_574, %dma_wait3A_575] : memref<8x32x128xf32, #tpu.memory_space<vmem>> -> memref<1x32x128xf32, #tpu.memory_space<vmem>>
    %dma_wait3A_577 = tpu.memref_squeeze %dma_wait3A_576 : memref<1x32x128xf32, #tpu.memory_space<vmem>> -> memref<32x128xf32, #tpu.memory_space<vmem>>
    %dma_wait3A_578 = arith.constant 0 : i32
    %dma_wait3A_579 = arith.constant 0 : i32
    %dma_wait3A_580 = tpu.memref_slice %arg4[%dma_wait3A_578, %dma_wait3A_579] : memref<32x1000000xf32, #tpu.memory_space<hbm>> -> memref<32x128xf32, #tpu.memory_space<hbm>>
    tpu.wait_dma2 semaphore(%arg15 : memref<!tpu.dma_semaphore, #tpu.memory_space<semaphore_mem>>) src(%dma_wait3A_580 : memref<32x128xf32, #tpu.memory_space<hbm>>) dst(%dma_wait3A_577 : memref<32x128xf32, #tpu.memory_space<vmem>>)
    %dma_wait3A_581 = arith.constant 1 : i32
    %dma_wait3A_582 = arith.constant 0 : i32
    %dma_wait3A_583 = arith.constant 0 : i32
    %dma_wait3A_584 = tpu.memref_slice %arg10[%dma_wait3A_581, %dma_wait3A_582, %dma_wait3A_583] : memref<8x32x128xf32, #tpu.memory_space<vmem>> -> memref<1x32x128xf32, #tpu.memory_space<vmem>>
    %dma_wait3A_585 = tpu.memref_squeeze %dma_wait3A_584 : memref<1x32x128xf32, #tpu.memory_space<vmem>> -> memref<32x128xf32, #tpu.memory_space<vmem>>
    %dma_wait3A_586 = arith.constant 0 : i32
    %dma_wait3A_587 = arith.constant 0 : i32
    %dma_wait3A_588 = tpu.memref_slice %arg5[%dma_wait3A_586, %dma_wait3A_587] : memref<32x1000000xf32, #tpu.memory_space<hbm>> -> memref<32x128xf32, #tpu.memory_space<hbm>>
    %dma_wait3A_589 = arith.constant 0 : i32
    %dma_wait3A_590 = arith.constant 0 : i32
    %dma_wait3A_591 = tpu.memref_slice %arg10[%dma_wait3A_581, %dma_wait3A_589, %dma_wait3A_590] : memref<8x32x128xf32, #tpu.memory_space<vmem>> -> memref<1x32x128xf32, #tpu.memory_space<vmem>>
    %dma_wait3A_592 = tpu.memref_squeeze %dma_wait3A_591 : memref<1x32x128xf32, #tpu.memory_space<vmem>> -> memref<32x128xf32, #tpu.memory_space<vmem>>
    %dma_wait3A_593 = arith.constant 0 : i32
    %dma_wait3A_594 = arith.constant 0 : i32
    %dma_wait3A_595 = tpu.memref_slice %arg5[%dma_wait3A_593, %dma_wait3A_594] : memref<32x1000000xf32, #tpu.memory_space<hbm>> -> memref<32x128xf32, #tpu.memory_space<hbm>>
    tpu.wait_dma2 semaphore(%arg15 : memref<!tpu.dma_semaphore, #tpu.memory_space<semaphore_mem>>) src(%dma_wait3A_595 : memref<32x128xf32, #tpu.memory_space<hbm>>) dst(%dma_wait3A_592 : memref<32x128xf32, #tpu.memory_space<vmem>>)
    %dma_wait3A_596 = arith.constant 2 : i32
    %dma_wait3A_597 = arith.constant 0 : i32
    %dma_wait3A_598 = arith.constant 0 : i32
    %dma_wait3A_599 = tpu.memref_slice %arg9[%dma_wait3A_596, %dma_wait3A_597, %dma_wait3A_598] : memref<8x32x128xf32, #tpu.memory_space<vmem>> -> memref<1x32x128xf32, #tpu.memory_space<vmem>>
    %dma_wait3A_600 = tpu.memref_squeeze %dma_wait3A_599 : memref<1x32x128xf32, #tpu.memory_space<vmem>> -> memref<32x128xf32, #tpu.memory_space<vmem>>
    %dma_wait3A_601 = arith.constant 0 : i32
    %dma_wait3A_602 = arith.constant 0 : i32
    %dma_wait3A_603 = tpu.memref_slice %arg4[%dma_wait3A_601, %dma_wait3A_602] : memref<32x1000000xf32, #tpu.memory_space<hbm>> -> memref<32x128xf32, #tpu.memory_space<hbm>>
    %dma_wait3A_604 = arith.constant 0 : i32
    %dma_wait3A_605 = arith.constant 0 : i32
    %dma_wait3A_606 = tpu.memref_slice %arg9[%dma_wait3A_596, %dma_wait3A_604, %dma_wait3A_605] : memref<8x32x128xf32, #tpu.memory_space<vmem>> -> memref<1x32x128xf32, #tpu.memory_space<vmem>>
    %dma_wait3A_607 = tpu.memref_squeeze %dma_wait3A_606 : memref<1x32x128xf32, #tpu.memory_space<vmem>> -> memref<32x128xf32, #tpu.memory_space<vmem>>
    %dma_wait3A_608 = arith.constant 0 : i32
    %dma_wait3A_609 = arith.constant 0 : i32
    %dma_wait3A_610 = tpu.memref_slice %arg4[%dma_wait3A_608, %dma_wait3A_609] : memref<32x1000000xf32, #tpu.memory_space<hbm>> -> memref<32x128xf32, #tpu.memory_space<hbm>>
    tpu.wait_dma2 semaphore(%arg15 : memref<!tpu.dma_semaphore, #tpu.memory_space<semaphore_mem>>) src(%dma_wait3A_610 : memref<32x128xf32, #tpu.memory_space<hbm>>) dst(%dma_wait3A_607 : memref<32x128xf32, #tpu.memory_space<vmem>>)
    %dma_wait3A_611 = arith.constant 2 : i32
    %dma_wait3A_612 = arith.constant 0 : i32
    %dma_wait3A_613 = arith.constant 0 : i32
    %dma_wait3A_614 = tpu.memref_slice %arg10[%dma_wait3A_611, %dma_wait3A_612, %dma_wait3A_613] : memref<8x32x128xf32, #tpu.memory_space<vmem>> -> memref<1x32x128xf32, #tpu.memory_space<vmem>>
    %dma_wait3A_615 = tpu.memref_squeeze %dma_wait3A_614 : memref<1x32x128xf32, #tpu.memory_space<vmem>> -> memref<32x128xf32, #tpu.memory_space<vmem>>
    %dma_wait3A_616 = arith.constant 0 : i32
    %dma_wait3A_617 = arith.constant 0 : i32
    %dma_wait3A_618 = tpu.memref_slice %arg5[%dma_wait3A_616, %dma_wait3A_617] : memref<32x1000000xf32, #tpu.memory_space<hbm>> -> memref<32x128xf32, #tpu.memory_space<hbm>>
    %dma_wait3A_619 = arith.constant 0 : i32
    %dma_wait3A_620 = arith.constant 0 : i32
    %dma_wait3A_621 = tpu.memref_slice %arg10[%dma_wait3A_611, %dma_wait3A_619, %dma_wait3A_620] : memref<8x32x128xf32, #tpu.memory_space<vmem>> -> memref<1x32x128xf32, #tpu.memory_space<vmem>>
    %dma_wait3A_622 = tpu.memref_squeeze %dma_wait3A_621 : memref<1x32x128xf32, #tpu.memory_space<vmem>> -> memref<32x128xf32, #tpu.memory_space<vmem>>
    %dma_wait3A_623 = arith.constant 0 : i32
    %dma_wait3A_624 = arith.constant 0 : i32
    %dma_wait3A_625 = tpu.memref_slice %arg5[%dma_wait3A_623, %dma_wait3A_624] : memref<32x1000000xf32, #tpu.memory_space<hbm>> -> memref<32x128xf32, #tpu.memory_space<hbm>>
    tpu.wait_dma2 semaphore(%arg15 : memref<!tpu.dma_semaphore, #tpu.memory_space<semaphore_mem>>) src(%dma_wait3A_625 : memref<32x128xf32, #tpu.memory_space<hbm>>) dst(%dma_wait3A_622 : memref<32x128xf32, #tpu.memory_space<vmem>>)
    %dma_wait3A_626 = arith.constant 3 : i32
    %dma_wait3A_627 = arith.constant 0 : i32
    %dma_wait3A_628 = arith.constant 0 : i32
    %dma_wait3A_629 = tpu.memref_slice %arg9[%dma_wait3A_626, %dma_wait3A_627, %dma_wait3A_628] : memref<8x32x128xf32, #tpu.memory_space<vmem>> -> memref<1x32x128xf32, #tpu.memory_space<vmem>>
    %dma_wait3A_630 = tpu.memref_squeeze %dma_wait3A_629 : memref<1x32x128xf32, #tpu.memory_space<vmem>> -> memref<32x128xf32, #tpu.memory_space<vmem>>
    %dma_wait3A_631 = arith.constant 0 : i32
    %dma_wait3A_632 = arith.constant 0 : i32
    %dma_wait3A_633 = tpu.memref_slice %arg4[%dma_wait3A_631, %dma_wait3A_632] : memref<32x1000000xf32, #tpu.memory_space<hbm>> -> memref<32x128xf32, #tpu.memory_space<hbm>>
    %dma_wait3A_634 = arith.constant 0 : i32
    %dma_wait3A_635 = arith.constant 0 : i32
    %dma_wait3A_636 = tpu.memref_slice %arg9[%dma_wait3A_626, %dma_wait3A_634, %dma_wait3A_635] : memref<8x32x128xf32, #tpu.memory_space<vmem>> -> memref<1x32x128xf32, #tpu.memory_space<vmem>>
    %dma_wait3A_637 = tpu.memref_squeeze %dma_wait3A_636 : memref<1x32x128xf32, #tpu.memory_space<vmem>> -> memref<32x128xf32, #tpu.memory_space<vmem>>
    %dma_wait3A_638 = arith.constant 0 : i32
    %dma_wait3A_639 = arith.constant 0 : i32
    %dma_wait3A_640 = tpu.memref_slice %arg4[%dma_wait3A_638, %dma_wait3A_639] : memref<32x1000000xf32, #tpu.memory_space<hbm>> -> memref<32x128xf32, #tpu.memory_space<hbm>>
    tpu.wait_dma2 semaphore(%arg15 : memref<!tpu.dma_semaphore, #tpu.memory_space<semaphore_mem>>) src(%dma_wait3A_640 : memref<32x128xf32, #tpu.memory_space<hbm>>) dst(%dma_wait3A_637 : memref<32x128xf32, #tpu.memory_space<vmem>>)
    %dma_wait3A_641 = arith.constant 3 : i32
    %dma_wait3A_642 = arith.constant 0 : i32
    %dma_wait3A_643 = arith.constant 0 : i32
    %dma_wait3A_644 = tpu.memref_slice %arg10[%dma_wait3A_641, %dma_wait3A_642, %dma_wait3A_643] : memref<8x32x128xf32, #tpu.memory_space<vmem>> -> memref<1x32x128xf32, #tpu.memory_space<vmem>>
    %dma_wait3A_645 = tpu.memref_squeeze %dma_wait3A_644 : memref<1x32x128xf32, #tpu.memory_space<vmem>> -> memref<32x128xf32, #tpu.memory_space<vmem>>
    %dma_wait3A_646 = arith.constant 0 : i32
    %dma_wait3A_647 = arith.constant 0 : i32
    %dma_wait3A_648 = tpu.memref_slice %arg5[%dma_wait3A_646, %dma_wait3A_647] : memref<32x1000000xf32, #tpu.memory_space<hbm>> -> memref<32x128xf32, #tpu.memory_space<hbm>>
    %dma_wait3A_649 = arith.constant 0 : i32
    %dma_wait3A_650 = arith.constant 0 : i32
    %dma_wait3A_651 = tpu.memref_slice %arg10[%dma_wait3A_641, %dma_wait3A_649, %dma_wait3A_650] : memref<8x32x128xf32, #tpu.memory_space<vmem>> -> memref<1x32x128xf32, #tpu.memory_space<vmem>>
    %dma_wait3A_652 = tpu.memref_squeeze %dma_wait3A_651 : memref<1x32x128xf32, #tpu.memory_space<vmem>> -> memref<32x128xf32, #tpu.memory_space<vmem>>
    %dma_wait3A_653 = arith.constant 0 : i32
    %dma_wait3A_654 = arith.constant 0 : i32
    %dma_wait3A_655 = tpu.memref_slice %arg5[%dma_wait3A_653, %dma_wait3A_654] : memref<32x1000000xf32, #tpu.memory_space<hbm>> -> memref<32x128xf32, #tpu.memory_space<hbm>>
    tpu.wait_dma2 semaphore(%arg15 : memref<!tpu.dma_semaphore, #tpu.memory_space<semaphore_mem>>) src(%dma_wait3A_655 : memref<32x128xf32, #tpu.memory_space<hbm>>) dst(%dma_wait3A_652 : memref<32x128xf32, #tpu.memory_space<vmem>>)
    "tpu.region"() ({
      %run_scoped3A_656 = tpu.sem_alloc : memref<!tpu.dma_semaphore, #tpu.memory_space<semaphore_mem>>
      %dma_start3A_657 = tpu.memref_slice %arg6[%mul3A_2] : memref<16384xf32, #tpu.memory_space<hbm>> -> memref<512xf32, #tpu.memory_space<hbm>>
      %dma_start3A_658 = tpu.memref_slice %arg6[%mul3A_2] : memref<16384xf32, #tpu.memory_space<hbm>> -> memref<512xf32, #tpu.memory_space<hbm>>
      tpu.enqueue_dma source(%arg13 : memref<512xf32, #tpu.memory_space<vmem>>) target(%dma_start3A_658 : memref<512xf32, #tpu.memory_space<hbm>>) target_semaphore(%run_scoped3A_656 : memref<!tpu.dma_semaphore, #tpu.memory_space<semaphore_mem>>)
      %dma_wait3A_659 = tpu.memref_slice %arg6[%mul3A_2] : memref<16384xf32, #tpu.memory_space<hbm>> -> memref<512xf32, #tpu.memory_space<hbm>>
      %dma_wait3A_660 = tpu.memref_slice %arg6[%mul3A_2] : memref<16384xf32, #tpu.memory_space<hbm>> -> memref<512xf32, #tpu.memory_space<hbm>>
      tpu.wait_dma2 semaphore(%run_scoped3A_656 : memref<!tpu.dma_semaphore, #tpu.memory_space<semaphore_mem>>) src(%arg13 : memref<512xf32, #tpu.memory_space<vmem>>) dst(%dma_wait3A_660 : memref<512xf32, #tpu.memory_space<hbm>>)
      tpu.yield
    }) : () -> ()
    return
  }
}

</mosaic_0001>

<sc_bundles>
// kernel: _two_tower.3.cloned.1.call-start
scs
__scs_entry_jumppad:
0x0: {  	(pc) =	sbr.rel $0x88, $3  }
0x1: {  	(tag) =	ssettag $0x0;
	lr =	simm.s32 $0x1  }
0x2: {  	[smem:$0x3F9D] =	sst lr;
	_ =	strace $0xD0000000  }
0x3: {  	_ = 	snop  }
0x4: {  	_ = 	snop  }
0x5: {  	_ = 	snop  }
0x6: {  	_ = 	snop  }
0x7: {  	_ = 	snop  }
__scs_overlays_trampoline_lowered:
0x8: {  	[smem:$0x3FAC] =	sst s0  }
0x9: {  	[smem:$0x3FAD] =	sst s1  }
0xa: {  	[smem:$0x3FAE] =	sst s2  }
0xb: {  	[smem:$0x3FAF] =	sst s3  }
0xc: {  	[smem:$0x3FB0] =	sst s4  }
0xd: {  	[smem:$0x3FB1] =	sst s5  }
0xe: {  	[smem:$0x3FB2] =	sst s6  }
0xf: {  	[smem:$0x3FB3] =	sst s7  }
0x10: {  	[smem:$0x3FB4] =	sst s8  }
0x11: {  	[smem:$0x3FB5] =	sst s9;
	s0 =	simm.s32 @!p0 $0x0  }
0x12: {  	s1 =	sld [smem:$0x3F9B];
	s0 =	simm.s32 @p0 $0x1  }
0x13: {  	[smem:$0x3FB6] =	sst s0;
	s0 =	simm.s32 @!p1 $0x0  }
0x14: {  	s2 =	sld [smem:$0x3F9A];
	s0 =	simm.s32 @p1 $0x1  }
0x15: {  	[smem:$0x3FB7] =	sst s0;
	s0 =	simm.s32 @!p2 $0x0  }
0x16: {  	s3 =	sld [smem:$0x3FDB];
	s0 =	simm.s32 @p2 $0x1  }
0x17: {  	s4 =	simm.s32 $0x1BF5;
	[smem:$0x3FB9] =	sst s0  }
0x18: {  	s0 =	sld [smem:$0x3F9C];
	_ =	swait.ge [sflag:s4], $0x0  }
0x19: {  	s7 =	sld [smem:$0x3F9D]  }
0x1a: {  	s8 =	sadd.s32 $0xFFFFE003, lr  }
0x1b: {  	s9 =	sadd.s32 $0xFFFFFEF7, lr;
	s5 =	simm.s32 $0xFFFFFFFF;
	p2 =	slt.u32 s8, $0xFFFFF086  }
0x1c: {  	p1 =	slt.u32 s9, $0xF7A;
	s5 =	simm.s32 @!p2 $0x0  }
0x1d: {  	s5 =	simm.s32 @p1 $0x1;
	p0 =	seq.s32 s7, s2  }
0x1e: {  	s7 =	smul.u32 @!p0 $0xF7A, s2;
	p2 =	seq.s32 @!p0 s5, $0x0  }
0x1f: {  	s9 =	smul.u32 $0xF7A, s1;
	s8 =	simm.s32 @!p0 $0x1BF5;
	p2 =	por !p2, p0  }
0x20: {  	[sflag:s8] =	ssyncset.s32 @!p0 $0xFFFFF086;
	s6 =	sadd.s32 @!p0 s3, s7;
	s7 =	simm.s32 @!p0 $0x108  }
0x21: {  	s3 =	sadd.s32 s3, s9;
	s6 =	sadd.s32 @!p0 $0x88, s6;
	s7 =	simm.s32 @p2 $0x1082  }
0x22: {  	[simem:s7], [sflag:s8] =	dma.local @!p0 [hbm:s6], $0xF7A  }
0x23: {  	s9 =	sor.u32 $0xD0000000, s2;
	s6 =	simm.s32 $0x108;
	_ =	swait.ge @!p0 [sflag:s8], $0x0  }
0x24: {  	s3 =	sadd.s32 $0x88, s3;
	s6 =	simm.s32 @!p1 $0x1082;
	[sflag:s4] =	ssyncset.s32 $0xFFFFF086  }
0x25: {  	[simem:s6], [sflag:s4] =	dma.local [hbm:s3], $0xF7A  }
0x26: {  	[smem:$0x3F9D] =	sst s1;
	(tag) =	ssettag s2;
	_ =	strace s9  }
0x27: {  	s1 =	sld [smem:$0x3FAD]  }
0x28: {  	s2 =	sld [smem:$0x3FAE]  }
0x29: {  	s4 =	sld [smem:$0x3FB0]  }
0x2a: {  	p0 =	seq.s32 s5, $0x0;
	s5 =	sld [smem:$0x3FB1]  }
0x2b: {  	s6 =	sld [smem:$0x3FB2]  }
0x2c: {  	s7 =	sld [smem:$0x3FB3]  }
0x2d: {  	s3 =	simm.s32 $0x108;
	s8 =	sld [smem:$0x3FB4]  }
0x2e: {  	s3 =	simm.s32 @!p0 $0x1082;
	s9 =	sld [smem:$0x3FB5]  }
0x2f: {  	lr =	sadd.s32 s0, s3;
	s0 =	sld [smem:$0x3FAC]  }
0x30: {  	s3 =	sld [smem:$0x3FAF]  }
0x31: {  	[smem:$0x3FB8] =	sst s10  }
0x32: {  	s10 =	sld [smem:$0x3FB6];
	_ =	sdelay $0x3  }
0x33: {  	p0 =	seq.s32 s10, $0x1;
	s10 =	sld [smem:$0x3FB8];
	_ =	sdelay $0x3  }
0x34: {  	[smem:$0x3FB8] =	sst s10  }
0x35: {  	s10 =	sld [smem:$0x3FB7];
	_ =	sdelay $0x3  }
0x36: {  	p1 =	seq.s32 s10, $0x1;
	s10 =	sld [smem:$0x3FB8];
	_ =	sdelay $0x3  }
0x37: {  	[smem:$0x3FB8] =	sst s10  }
0x38: {  	s10 =	sld [smem:$0x3FB9]  }
0x39: {  	_ = 	snop;
	(pc) =	sbr.ind lr, $3  }
0x3a: {  	_ = 	snop  }
0x3b: {  	_ = 	snop  }
0x3c: {  	p2 =	seq.s32 s10, $0x1;
	s10 =	sld [smem:$0x3FB8]  }
0x3d: {  	_ =	shalt  }
0x3e: {  	_ =	shalt  }
0x3f: {  	_ =	shalt  }
0x40: {  	_ =	shalt  }
0x41: {  	_ =	shalt  }
0x42: {  	_ =	shalt  }
0x43: {  	_ =	shalt  }
0x44: {  	_ =	shalt  }
0x45: {  	_ =	shalt  }
0x46: {  	_ =	shalt  }
0x47: {  	_ =	shalt  }
0x48: {  	_ =	shalt  }
0x49: {  	_ =	shalt  }
0x4a: {  	_ =	shalt  }
0x4b: {  	_ =	shalt  }
0x4c: {  	_ =	shalt  }
0x4d: {  	_ =	shalt  }
0x4e: {  	_ =	shalt  }
0x4f: {  	_ =	shalt  }
0x50: {  	_ =	shalt  }
0x51: {  	_ =	shalt  }
0x52: {  	_ =	shalt  }
0x53: {  	_ =	shalt  }
0x54: {  	_ =	shalt  }
0x55: {  	_ =	shalt  }
0x56: {  	_ =	shalt  }
0x57: {  	_ =	shalt  }
0x58: {  	_ =	shalt  }
0x59: {  	_ =	shalt  }
0x5a: {  	_ =	shalt  }
0x5b: {  	_ =	shalt  }
0x5c: {  	_ =	shalt  }
0x5d: {  	_ =	shalt  }
0x5e: {  	_ =	shalt  }
0x5f: {  	_ =	shalt  }
0x60: {  	_ =	shalt  }
0x61: {  	_ =	shalt  }
0x62: {  	_ =	shalt  }
0x63: {  	_ =	shalt  }
0x64: {  	_ =	shalt  }
0x65: {  	_ =	shalt  }
0x66: {  	_ =	shalt  }
0x67: {  	_ =	shalt  }
0x68: {  	_ =	shalt  }
0x69: {  	_ =	shalt  }
0x6a: {  	_ =	shalt  }
0x6b: {  	_ =	shalt  }
0x6c: {  	_ =	shalt  }
0x6d: {  	_ =	shalt  }
0x6e: {  	_ =	shalt  }
0x6f: {  	_ =	shalt  }
0x70: {  	_ =	shalt  }
0x71: {  	_ =	shalt  }
0x72: {  	_ =	shalt  }
0x73: {  	_ =	shalt  }
0x74: {  	_ =	shalt  }
0x75: {  	_ =	shalt  }
0x76: {  	_ =	shalt  }
0x77: {  	_ =	shalt  }
0x78: {  	_ =	shalt  }
0x79: {  	_ =	shalt  }
0x7a: {  	_ =	shalt  }
0x7b: {  	_ =	shalt  }
0x7c: {  	_ =	shalt  }
0x7d: {  	_ =	shalt  }
0x7e: {  	_ =	shalt  }
0x7f: {  	_ =	shalt  }
0x80: {  	_ =	shalt  }
0x81: {  	_ =	shalt  }
0x82: {  	_ =	shalt  }
0x83: {  	_ =	shalt  }
0x84: {  	_ =	shalt  }
0x85: {  	_ =	shalt  }
0x86: {  	_ =	shalt  }
0x87: {  	_ =	shalt  }
.Lfunc_end0:
.L_simem_size_0:
called_computation_lowered:
.L_overlay_start_0:
0x88: {  	s2 =	sld [smem:$0x3FD9]  }
0x89: {  	s3 =	sld [smem:$0x3FFE];
	_ =	sdelay $0x1  }
0x8a: {  	s1 =	srdreg.scid  }
0x8b: {  	s0 =	sand.u32 $0x1, s1  }
0x8c: {  	s18 =	sshll.u32 s0, $0xA;
	s2 =	sadd.s32 s3, s2  }
0x8d: {  	s2 =	sadd.s32 s2, s18  }
0x8e: {  	[smem:$0x3FC4] =	sst s2  }
0x8f: {  	_ = 	snop  }
0x90: {  	s2 =	sld [smem:$0x3FC9]  }
0x91: {  	s19 =	sld [smem:$0x3FC8]  }
0x92: {  	s4 =	sld [smem:$0x3FC7]  }
0x93: {  	s5 =	sld [smem:$0x3FC6]  }
0x94: {  	s6 =	sld [smem:$0x3FD0];
	(tm) =	ssettm $0x1  }
0x95: {  	s7 =	sld [smem:$0x3FFB];
	_ =	sdelay $0x3  }
0x96: {  	_ =	strace s7  }
0x97: {  	s7 =	sld [smem:$0x3FFC];
	_ =	sdelay $0x3  }
0x98: {  	_ =	strace s7  }
0x99: {  	s7 =	sld [smem:$0x3FFD];
	_ =	sdelay $0x3  }
0x9a: {  	_ =	strace s7  }
0x9b: {  	_ =	strace $0x8FFFFFFF  }
0x9c: {  	s20 =	sld [smem:$0x3FDB];
	_ =	sdelay $0x1  }
0x9d: {  	s8 =	simm.s32 $_scs_section_size  }
0x9e: {  	s9 =	simm.s32 $_size__tile_overlayer_lowered;
	s10 =	simm.s32 $_tile_overlayer_lowered  }
0x9f: {  	s23 =	simm.s32 $0x1BFF;
	s22 =	sshll.u32 s10, $0x1;
	s7 =	sadd.s32 s8, s20  }
0xa0: {  	s11 =	simm.s32 $0x0;
	s21 =	sshll.u32 s9, $0x1;
	s9 =	sadd.s32 s22, s7  }
0xa1: {  	[timem:s11], [sflag:s23] =	dma.local [hbm:s9], s21  }
0xa2: {  	_ =	swait.ge [sflag:s23], s21  }
0xa3: {  	s8 =	ssub.s32 $0x0, s21;
	[sflag:s23] =	ssyncset.done $0x0  }
0xa4: {  	[sflag:s23] =	ssyncadd.s32 s8;
	_ =	sdelay $0x1  }
0xa5: {  	s24 =	simm.s32 $0x1B8B  }
0xa6: {  	_ =	swait.ge [sflag:s24], $0x1  }
0xa7: {  	[sflag:s24] =	ssyncset.done $0x0  }
0xa8: {  	s25 =	simm.s32 $0x1B8E;
	[sflag:s24] =	ssyncadd.s32 $0xFFFFFFFF  }
0xa9: {  	s26 =	simm.s32 $execute0_lowered;
	[smem:$0x3FD2] =	sst s25  }
0xaa: {  	s8 =	sshll.u32 s26, $0x1;
	_ =	strace $0x80000046;
	[dreg:$0x1] =	wrdreg $0xFFFFFFFF  }
0xab: {  	s28 =	simm.s32 $_size_execute0_lowered;
	s7 =	sadd.s32 s7, s8;
	[dreg:$0x0] =	wrdreg $0x0  }
0xac: {  	s8 =	sshll.u32 s28, $0x1;
	[dreg:$0x2] =	wrdreg s7  }
0xad: {  	[dreg:$0x3] =	wrdreg s8  }
0xae: {  	[dreg:$0x4] =	wrdreg $0xC0  }
0xaf: {  	_ =	task [dreg:s11], $0x5FFFF  }
0xb0: {  	[dreg:$0x1] =	wrdreg $0xFFFFFFFF  }
0xb1: {  	[dreg:$0x0] =	wrdreg $0x60  }
0xb2: {  	[dreg:$0x2] =	wrdreg s2  }
0xb3: {  	[dreg:$0x3] =	wrdreg s19  }
0xb4: {  	[dreg:$0x4] =	wrdreg s4  }
0xb5: {  	[dreg:$0x5] =	wrdreg s5  }
0xb6: {  	[dreg:$0x6] =	wrdreg s6  }
0xb7: {  	[dreg:$0x7] =	wrdreg $0x9  }
0xb8: {  	_ =	task.clear_ibuf [dreg:s11], $0x8FFFF;
	_ =	strace $0x90000046  }
0xb9: {  	s29 =	simm.s32 $0x9;
	_ =	strace $0x80000048  }
0xba: {  	_ =	swait.ge [sflag:s29], $0x1  }
0xbb: {  	[sflag:s29] =	ssyncadd.s32 $0xFFFFFFFF  }
0xbc: {  	_ =	strace $0x90000048  }
0xbd: {  	_ =	sfence  }
0xbe: {  	s30 =	sld [smem:$0x0];
	_ =	sdelay $0x2  }
0xbf: {  	s31 =	sshll.u32 s1, $0xD;
	s1 =	sshrl.u32 s1, $0x2  }
0xc0: {  	s3 =	sand.u32 $0x4000, s31;
	s1 =	sadd.s32 s1, s30  }
0xc1: {  	s0 =	sor.u32 s3, s0;
	s1 =	sshll.u32 s1, $0x11  }
0xc2: {  	s0 =	sor.u32 s1, s0  }
0xc3: {  	s0 =	sadd.s32 $0x8F2B, s0  }
0xc4: {  	[sflag:s0] =	ssyncadd.remote.s32 $0x1  }
0xc5: {  	_ =	sfence.sel $0xFFFF  }
0xc6: {  	[dreg:$0x0] =	wrdreg $0xFFFFFFFF;
	(pc) =	sbr.abs _section_cstart, $3  }
0xc7: {  	[dreg:$0x1] =	wrdreg $0xFFFFFFFF  }
0xc8: {  	_ =	task.clear_ibuf [dreg:s11], $0x2FFFF;
	_ =	strace $0x9FFFFFFF  }
0xc9: {  	(tm) =	ssettm $0x7FFFFFFF  }
tec
execute0_lowered:
.L_overlay_start_1:
0x0: {  	(tag) =	ssettag $0x1  }
0x1: {  	s0 =	rddreg [dreg:$0x0]  }
0x2: {  	s3 =	rddreg [dreg:$0x1]  }
0x3: {  	s21 =	rddreg [dreg:$0x2]  }
0x4: {  	s1 =	rddreg [dreg:$0x3]  }
0x5: {  	s4 =	rddreg [dreg:$0x4];
	s5 =	srdreg.scid;
	s11 =	simm.s32 $0x0  }
0x6: {  	s8 =	stileid.u32;
	s28 =	simm.s32 $0x11400;
	s12 =	simm.s32 $0x2400  }
0x7: {  	s29 =	simm.s32 $0xD400;
	s13 =	simm.s32 $0xE400;
	s14 =	simm.s32 $0x7400  }
0x8: {  	s15 =	simm.s32 $0xF400;
	s9 =	simm.s32 $0x1;
	s10 =	simm.s32 $0x12600  }
0x9: {  	s5 =	sand.u32 $0x1, s5;
	[smem:$0x7FF] =	sst s11;
	s8 =	sshll.u32 s8, $0x7  }
0xa: {  	s25 =	sadd.s32 $0xF4200, s21;
	s26 =	sadd.s32 $0xF4200, s1;
	s6 =	ssub.s32 $0x2, s5  }
0xb: {  	s5 =	sshll.u32 s5, $0x6;
	_ =	strace $0x80000047;
	[dreg:$0xe] =	wrdreg s25  }
0xc: {  	[dreg:$0xf] =	wrdreg s26;
	s25 =	simm.s32 $0x7A1400;
	s26 =	simm.s32 $0x10400  }
0xd: {  	s7 =	sshrl.u32 s6, $0x1;
	s5 =	sor.u32 s5, s8;
	s8 =	simm.s32 $0x9400  }
0xe: {  	s6 =	ssub.s32 s6, s7;
	s16 =	sadd.s32 s0, s5;
	s17 =	sadd.s32 s3, s5  }
0xf: {  	s18 =	sor.u32 $0x10, s5;
	s20 =	sor.u32 $0x20, s5;
	[dreg:$0x6] =	wrdreg s16  }
0x10: {  	s23 =	sor.u32 $0x30, s5;
	s30 =	sadd.s32 s4, s5;
	[dreg:$0x7] =	wrdreg s17  }
0x11: {  	v1 =	vlaneseq.u32;
	s5 =	simm.s32 $0x6400;
	s19 =	sadd.s32 s0, s18;
	[dreg:$0x10] =	wrdreg s30  }
0x12: {  	v0 =	vmul.u32 $0x80, v1;
	s4 =	simm.s32 $0x0;
	s7 =	sadd.s32 s3, s18;
	[dreg:$0x8] =	wrdreg s19  }
0x13: {  	v1 =	vmul.u32 $0x11, v1;
	s22 =	sadd.s32 s0, s20;
	s0 =	sadd.s32 s0, s23;
	[dreg:$0x9] =	wrdreg s7  }
0x14: {  	v2 =	vor.u32 $0x800, v0;
	s24 =	sadd.s32 s3, s23;
	s31 =	smax.u32 s6, $0x1;
	[dreg:$0xa] =	wrdreg s22  }
0x15: {  	v3 =	vadd.s32 $0x1, v1;
	v4 =	vadd.s32 $0x2, v1;
	v5 =	vadd.s32 $0x3, v1;
	s6 =	simm.s32 $0x8400;
	s16 =	simm.s32 $0xA400;
	[dreg:$0xc] =	wrdreg s0  }
0x16: {  	v6 =	vadd.s32 $0x4, v1;
	v7 =	vadd.s32 $0x5, v1;
	v8 =	vadd.s32 $0x6, v1;
	s17 =	simm.s32 $0x3400;
	s23 =	simm.s32 $0x5400;
	[dreg:$0xd] =	wrdreg s24  }
0x17: {  	v9 =	vadd.s32 $0x7, v1;
	v10 =	vadd.s32 $0x8, v1;
	v11 =	vadd.s32 $0x9, v1;
	s7 =	sadd.s32 s3, s20;
	[dreg:$0x11] =	wrdreg s31;
	s3 =	simm.s32 $0x2  }
0x18: {  	v12 =	vadd.s32 $0xA, v1;
	v13 =	vadd.s32 $0xB, v1;
	v14 =	vadd.s32 $0xC, v1;
	s24 =	simm.s32 $0x400;
	s19 =	simm.s32 $0xB400;
	s20 =	simm.s32 $0x4400  }
0x19: {  	v15 =	vadd.s32 $0xD, v1;
	v16 =	vadd.s32 $0xE, v1;
	v17 =	vadd.s32 $0xF, v1;
	s22 =	simm.s32 $0xC400;
	[dreg:$0xb] =	wrdreg s7;
	s7 =	simm.s32 $0x1400  }
.LBB2_1:
0x1a: {  	[dreg:$0x12] =	wrdreg s4  }
0x1b: {  	s0 =	rddreg [dreg:$0x6]  }
0x1c: {  	[tilespmem:s11], [sflag:$0x2] =	stream.linear.gather [hbm4b:s0+s11], $0x80, $0x38;
	[tilespmem:$0x12780] =	vst v63  }
0x1d: {  	_ =	swait.ge [sflag:s3], $0x80  }
0x1e: {  	[sflag:s3] =	ssyncset.done $0x0  }
0x1f: {  	s18 =	simm.s32 $0x200;
	s2 =	rddreg [dreg:$0x7];
	[sflag:s3] =	ssyncadd.s32 $0xFFFFFF80  }
0x20: {  	[tilespmem:s18], [sflag:$0x2] =	stream.linear.gather [hbm4b:s2+s11], $0x80, $0x38;
	[tilespmem:$0x12780] =	vst v63  }
0x21: {  	_ =	swait.ge [sflag:s3], $0x80  }
0x22: {  	[sflag:s3] =	ssyncset.done $0x0  }
0x23: {  	s30 =	simm.s32 $0x80;
	s4 =	rddreg [dreg:$0x8];
	[sflag:s3] =	ssyncadd.s32 $0xFFFFFF80  }
0x24: {  	[tilespmem:s30], [sflag:$0x2] =	stream.linear.gather [hbm4b:s4+s11], $0x80, $0x38;
	[tilespmem:$0x12780] =	vst v63  }
0x25: {  	_ =	swait.ge [sflag:s3], $0x80  }
0x26: {  	[sflag:s3] =	ssyncset.done $0x0  }
0x27: {  	s2 =	simm.s32 $0x280;
	s31 =	rddreg [dreg:$0x9];
	[sflag:s3] =	ssyncadd.s32 $0xFFFFFF80  }
0x28: {  	[tilespmem:s2], [sflag:$0x2] =	stream.linear.gather [hbm4b:s31+s11], $0x80, $0x38;
	[tilespmem:$0x12780] =	vst v63  }
0x29: {  	_ =	swait.ge [sflag:s3], $0x80  }
0x2a: {  	[sflag:s3] =	ssyncset.done $0x0  }
0x2b: {  	s30 =	simm.s32 $0x100;
	s4 =	rddreg [dreg:$0xa];
	[sflag:s3] =	ssyncadd.s32 $0xFFFFFF80  }
0x2c: {  	[tilespmem:s30], [sflag:$0x2] =	stream.linear.gather [hbm4b:s4+s11], $0x80, $0x38;
	[tilespmem:$0x12780] =	vst v63  }
0x2d: {  	_ =	swait.ge [sflag:s3], $0x80  }
0x2e: {  	[sflag:s3] =	ssyncset.done $0x0  }
0x2f: {  	s2 =	simm.s32 $0x300;
	s31 =	rddreg [dreg:$0xb];
	[sflag:s3] =	ssyncadd.s32 $0xFFFFFF80  }
0x30: {  	[tilespmem:s2], [sflag:$0x2] =	stream.linear.gather [hbm4b:s31+s11], $0x80, $0x38;
	[tilespmem:$0x12780] =	vst v63  }
0x31: {  	_ =	swait.ge [sflag:s3], $0x80  }
0x32: {  	[sflag:s3] =	ssyncset.done $0x0  }
0x33: {  	s30 =	simm.s32 $0x180;
	s4 =	rddreg [dreg:$0xc];
	[sflag:s3] =	ssyncadd.s32 $0xFFFFFF80  }
0x34: {  	[tilespmem:s30], [sflag:$0x2] =	stream.linear.gather [hbm4b:s4+s11], $0x80, $0x38;
	[tilespmem:$0x12780] =	vst v63  }
0x35: {  	_ =	swait.ge [sflag:s3], $0x80  }
0x36: {  	[sflag:s3] =	ssyncset.done $0x0  }
0x37: {  	s2 =	simm.s32 $0x380;
	s31 =	rddreg [dreg:$0xd];
	[sflag:s3] =	ssyncadd.s32 $0xFFFFFF80  }
0x38: {  	[tilespmem:s2], [sflag:$0x2] =	stream.linear.gather [hbm4b:s31+s11], $0x80, $0x38;
	[tilespmem:$0x12780] =	vst v63  }
0x39: {  	_ =	swait.ge [sflag:s3], $0x80  }
0x3a: {  	[sflag:s3] =	ssyncset.done $0x0  }
0x3b: {  	s30 =	rddreg [dreg:$0xe];
	[sflag:s3] =	ssyncadd.s32 $0xFFFFFF80  }
0x3c: {  	[tilespmem:s26], [sflag:$0x2] =	stream.strided.gather [hbm4b:s30+s24], $0x1000, s25, s24, $0x38;
	[tilespmem:$0x12780] =	vst v63  }
0x3d: {  	_ =	swait.ge [sflag:s3], $0x1000  }
0x3e: {  	[sflag:s3] =	ssyncset.done $0x0  }
0x3f: {  	s31 =	rddreg [dreg:$0xf];
	[sflag:s3] =	ssyncadd.s32 $0xFFFFF000  }
0x40: {  	[tilespmem:s28], [sflag:$0x2] =	stream.strided.gather [hbm4b:s31+s24], $0x1000, s25, s24, $0x38;
	[tilespmem:$0x12780] =	vst v63  }
0x41: {  	_ =	swait.ge [sflag:s3], $0x1000  }
0x42: {  	[sflag:s3] =	ssyncset.done $0x0  }
0x43: {  	[sflag:s3] =	ssyncadd.s32 $0xFFFFF000  }
0x44: {  	v18 =	vld [tilespmem:$0x0];
	_ =	sdelay $0x2  }
0x45: {  	v19 =	vld [tilespmem:$0x200];
	_ =	sdelay $0x1  }
0x46: {  	v18 =	vshrl.u32 v18, $0x7  }
0x47: {  	(v2sf) =	vpush v18, $0x0;
	_ =	sdelay $0x1  }
0x48: {  	v19 =	vshrl.u32 v19, $0x7  }
0x49: {  	(v2sf) =	vpush v19, $0x0;
	_ =	sdelay $0xa  }
0x4a: {  	(v2sf) =	vpush v18, $0x1  }
0x4b: {  	s2 =	spop (v2sf);
	(v2sf) =	vpush v19, $0x1;
	_ =	sdelay $0x2  }
0x4c: {  	s3 =	spop (v2sf);
	(v2sf) =	vpush v18, $0x2;
	_ =	sdelay $0x4  }
0x4d: {  	(v2sf) =	vpush v19, $0x2  }
0x4e: {  	s0 =	smin.u32 s2, $0x1E83  }
0x4f: {  	s0 =	sshll.u32 s0, $0x7  }
0x50: {  	s0 =	sadd.s32 s21, s0  }
0x51: {  	[tilespmem:s24], [sflag:$0x1] =	stream.strided.gather [hbm4b:s0+s24], $0x1000, s25, s24, $0x38;
	[tilespmem:$0x12780] =	vst v63  }
0x52: {  	s0 =	smin.u32 s3, $0x1E83  }
0x53: {  	s4 =	spop (v2sf);
	s0 =	sshll.u32 s0, $0x7  }
0x54: {  	s0 =	sadd.s32 s1, s0;
	s11 =	spop (v2sf);
	(v2sf) =	vpush v18, $0x3  }
0x55: {  	[tilespmem:s6], [sflag:$0x1] =	stream.strided.gather [hbm4b:s0+s24], $0x1000, s25, s24, $0x38;
	[tilespmem:$0x12780] =	vst v63  }
0x56: {  	s0 =	smin.u32 s4, $0x1E83  }
0x57: {  	s0 =	sshll.u32 s0, $0x7;
	s30 =	spop (v2sf);
	(v2sf) =	vpush v19, $0x3  }
0x58: {  	s0 =	sadd.s32 s21, s0  }
0x59: {  	[tilespmem:s7], [sflag:$0x1] =	stream.strided.gather [hbm4b:s0+s24], $0x1000, s25, s24, $0x38;
	[tilespmem:$0x12780] =	vst v63  }
0x5a: {  	s0 =	smin.u32 s11, $0x1E83  }
0x5b: {  	s0 =	sshll.u32 s0, $0x7  }
0x5c: {  	s31 =	spop (v2sf);
	s0 =	sadd.s32 s1, s0  }
0x5d: {  	(v2sf) =	vpush v18, $0x4;
	[tilespmem:s8], [sflag:$0x1] =	stream.strided.gather [hbm4b:s0+s24], $0x1000, s25, s24, $0x38;
	[tilespmem:$0x12780] =	vst v63  }
0x5e: {  	s0 =	smin.u32 s30, $0x1E83  }
0x5f: {  	s0 =	sshll.u32 s0, $0x7  }
0x60: {  	s0 =	sadd.s32 s21, s0  }
0x61: {  	[tilespmem:s12], [sflag:$0x1] =	stream.strided.gather [hbm4b:s0+s24], $0x1000, s25, s24, $0x38;
	[tilespmem:$0x12780] =	vst v63  }
0x62: {  	s0 =	smin.u32 s31, $0x1E83  }
0x63: {  	s0 =	sshll.u32 s0, $0x7;
	s2 =	spop (v2sf);
	(v2sf) =	vpush v19, $0x4  }
0x64: {  	s0 =	sadd.s32 s1, s0  }
0x65: {  	[tilespmem:s16], [sflag:$0x1] =	stream.strided.gather [hbm4b:s0+s24], $0x1000, s25, s24, $0x38;
	[tilespmem:$0x12780] =	vst v63  }
0x66: {  	s0 =	smin.u32 s2, $0x1E83;
	s3 =	spop (v2sf);
	(v2sf) =	vpush v18, $0x5  }
0x67: {  	s0 =	sshll.u32 s0, $0x7  }
0x68: {  	s0 =	sadd.s32 s21, s0  }
0x69: {  	[tilespmem:s17], [sflag:$0x1] =	stream.strided.gather [hbm4b:s0+s24], $0x1000, s25, s24, $0x38;
	[tilespmem:$0x12780] =	vst v63  }
0x6a: {  	(v2sf) =	vpush v19, $0x5;
	s0 =	smin.u32 s3, $0x1E83  }
0x6b: {  	s0 =	sshll.u32 s0, $0x7  }
0x6c: {  	s4 =	spop (v2sf);
	s0 =	sadd.s32 s1, s0  }
0x6d: {  	(v2sf) =	vpush v18, $0x6;
	[tilespmem:s19], [sflag:$0x1] =	stream.strided.gather [hbm4b:s0+s24], $0x1000, s25, s24, $0x38;
	[tilespmem:$0x12780] =	vst v63  }
0x6e: {  	s0 =	smin.u32 s4, $0x1E83  }
0x6f: {  	s0 =	sshll.u32 s0, $0x7  }
0x70: {  	s0 =	sadd.s32 s21, s0  }
0x71: {  	[tilespmem:s20], [sflag:$0x1] =	stream.strided.gather [hbm4b:s0+s24], $0x1000, s25, s24, $0x38;
	[tilespmem:$0x12780] =	vst v63  }
0x72: {  	s11 =	spop (v2sf)  }
0x73: {  	(v2sf) =	vpush v19, $0x6;
	s0 =	smin.u32 s11, $0x1E83  }
0x74: {  	s0 =	sshll.u32 s0, $0x7  }
0x75: {  	s30 =	spop (v2sf);
	(v2sf) =	vpush v18, $0x7;
	s0 =	sadd.s32 s1, s0  }
0x76: {  	[tilespmem:s22], [sflag:$0x1] =	stream.strided.gather [hbm4b:s0+s24], $0x1000, s25, s24, $0x38;
	[tilespmem:$0x12780] =	vst v63  }
0x77: {  	s0 =	smin.u32 s30, $0x1E83  }
0x78: {  	s0 =	sshll.u32 s0, $0x7  }
0x79: {  	s31 =	spop (v2sf);
	(v2sf) =	vpush v19, $0x7;
	s0 =	sadd.s32 s21, s0  }
0x7a: {  	[tilespmem:s23], [sflag:$0x1] =	stream.strided.gather [hbm4b:s0+s24], $0x1000, s25, s24, $0x38;
	[tilespmem:$0x12780] =	vst v63  }
0x7b: {  	s0 =	smin.u32 s31, $0x1E83  }
0x7c: {  	s2 =	spop (v2sf);
	s0 =	sshll.u32 s0, $0x7  }
0x7d: {  	s3 =	smin.u32 s2, $0x1E83;
	s0 =	sadd.s32 s1, s0  }
0x7e: {  	[tilespmem:s29], [sflag:$0x1] =	stream.strided.gather [hbm4b:s0+s24], $0x1000, s25, s24, $0x38;
	[tilespmem:$0x12780] =	vst v63  }
0x7f: {  	s0 =	sshll.u32 s3, $0x7  }
0x80: {  	s0 =	sadd.s32 s21, s0  }
0x81: {  	[tilespmem:s5], [sflag:$0x1] =	stream.strided.gather [hbm4b:s0+s24], $0x1000, s25, s24, $0x38;
	[tilespmem:$0x12780] =	vst v63  }
0x82: {  	s4 =	spop (v2sf)  }
0x83: {  	s5 =	smin.u32 s4, $0x1E83  }
0x84: {  	s11 =	spop (v2sf);
	s0 =	sshll.u32 s5, $0x7  }
0x85: {  	s30 =	smin.u32 s11, $0x1E83;
	s0 =	sadd.s32 s1, s0  }
0x86: {  	[tilespmem:s13], [sflag:$0x1] =	stream.strided.gather [hbm4b:s0+s24], $0x1000, s25, s24, $0x38;
	[tilespmem:$0x12780] =	vst v63  }
0x87: {  	s0 =	sshll.u32 s30, $0x7  }
0x88: {  	s31 =	spop (v2sf);
	s0 =	sadd.s32 s21, s0  }
0x89: {  	[tilespmem:s14], [sflag:$0x1] =	stream.strided.gather [hbm4b:s0+s24], $0x1000, s25, s24, $0x38;
	[tilespmem:$0x12780] =	vst v63  }
0x8a: {  	s0 =	smin.u32 s31, $0x1E83  }
0x8b: {  	s0 =	sshll.u32 s0, $0x7  }
0x8c: {  	s0 =	sadd.s32 s1, s0  }
0x8d: {  	[tilespmem:s15], [sflag:$0x1] =	stream.strided.gather [hbm4b:s0+s24], $0x1000, s25, s24, $0x38;
	[tilespmem:$0x12780] =	vst v63  }
0x8e: {  	s13 =	simm.s32 $0x0;
	s14 =	simm.s32 $0x1;
	s15 =	simm.s32 $0x12400  }
.LBB2_2:
0x8f: {  	v21 =	vld [tilespmem:s13+$0x0];
	s0 =	smin.u32 s14, $0x1F  }
0x90: {  	v20 =	vld [tilespmem:s18+$0x0];
	s0 =	sshll.u32 s0, $0x4  }
0x91: {  	[dreg:$0x13] =	wrdreg s18;
	v19 =	vld [tilespmem:s0+$0x0]  }
0x92: {  	v18 =	vld [tilespmem:s0+$0x200];
	_ =	swait.ge [sflag:s9], $0x1000  }
0x93: {  	[sflag:s9] =	ssyncset.done $0x0  }
0x94: {  	[sflag:s9] =	ssyncadd.s32 $0xFFFFF000  }
0x95: {  	_ =	swait.ge [sflag:s9], $0x1000  }
0x96: {  	[sflag:s9] =	ssyncset.done $0x0  }
0x97: {  	[sflag:s9] =	ssyncadd.s32 $0xFFFFF000  }
0x98: {  	_ =	swait.ge [sflag:s9], $0x1000  }
0x99: {  	[sflag:s9] =	ssyncset.done $0x0  }
0x9a: {  	[sflag:s9] =	ssyncadd.s32 $0xFFFFF000  }
0x9b: {  	_ =	swait.ge [sflag:s9], $0x1000  }
0x9c: {  	[sflag:s9] =	ssyncset.done $0x0  }
0x9d: {  	[sflag:s9] =	ssyncadd.s32 $0xFFFFF000  }
0x9e: {  	_ =	swait.ge [sflag:s9], $0x1000  }
0x9f: {  	[sflag:s9] =	ssyncset.done $0x0  }
0xa0: {  	[sflag:s9] =	ssyncadd.s32 $0xFFFFF000  }
0xa1: {  	_ =	swait.ge [sflag:s9], $0x1000  }
0xa2: {  	[sflag:s9] =	ssyncset.done $0x0  }
0xa3: {  	[sflag:s9] =	ssyncadd.s32 $0xFFFFF000  }
0xa4: {  	_ =	swait.ge [sflag:s9], $0x1000  }
0xa5: {  	[sflag:s9] =	ssyncset.done $0x0  }
0xa6: {  	[sflag:s9] =	ssyncadd.s32 $0xFFFFF000  }
0xa7: {  	_ =	swait.ge [sflag:s9], $0x1000  }
0xa8: {  	(v2sf) =	vpush v21, $0x0;
	_ =	sdelay $0x1  }
0xa9: {  	(v2sf) =	vpush v20, $0x0;
	_ =	sdelay $0xc  }
0xaa: {  	s18 =	spop (v2sf)  }
0xab: {  	s4 =	sand.u32 $0x7F, s18  }
0xac: {  	s3 =	sadd.s32 $0xFFF0BE00, s18;
	s30 =	spop (v2sf);
	v22 =	vor.u32 s4, v0  }
0xad: {  	(v2sf) =	vpush v21, $0x1;
	p0 =	sgt.s32 s3, $0x0;
	v23 =	vor.u32 s4, v2;
	s31 =	sand.u32 $0x7F, s30  }
0xae: {  	s5 =	sadd.s32 $0xFFF0BE00, s30;
	s3 =	simm.s32 @!p0 $0x0;
	v26 =	vor.u32 s31, v0  }
0xaf: {  	[sflag:s9] =	ssyncset.done $0x0;
	(v2sf) =	vpush v20, $0x1;
	p0 =	sgt.s32 s5, $0x0;
	v27 =	vor.u32 s31, v2;
	s3 =	smin.u32 s3, $0x3F  }
0xb0: {  	[sflag:s9] =	ssyncadd.s32 $0xFFFFF000;
	s5 =	simm.s32 @!p0 $0x0;
	v24 =	vor.u32 s3, v0  }
0xb1: {  	v25 =	vor.u32 s3, v2;
	s5 =	smin.u32 s5, $0x3F;
	v22 =	vld.idx.msk [tilespmem:v22+s24+$0x0], $0xffff  }
0xb2: {  	v28 =	vor.u32 s5, v0;
	v23 =	vld.idx.msk [tilespmem:v23+s24+$0x0], $0xffff  }
0xb3: {  	v29 =	vor.u32 s5, v2;
	v26 =	vld.idx.msk [tilespmem:v26+s6+$0x0], $0xffff  }
0xb4: {  	v27 =	vld.idx.msk [tilespmem:v27+s6+$0x0], $0xffff  }
0xb5: {  	v24 =	vld.idx.msk [tilespmem:v24+s26+$0x0], $0xffff  }
0xb6: {  	v25 =	vld.idx.msk [tilespmem:v25+s26+$0x0], $0xffff  }
0xb7: {  	v28 =	vld.idx.msk [tilespmem:v28+s28+$0x0], $0xffff  }
0xb8: {  	v29 =	vld.idx.msk [tilespmem:v29+s28+$0x0], $0xffff;
	_ =	sdelay $0x2  }
0xb9: {  	p6 =	sgt.s32 s18, $0xF41FF  }
0xba: {  	p1 =	sgt.s32 s30, $0xF41FF;
	s2 =	spop (v2sf);
	v22 =	vpsel p6, v24, v22  }
0xbb: {  	v23 =	vpsel p6, v25, v23;
	v55 =	vpsel p1, v28, v26;
	v56 =	vpsel p1, v29, v27;
	s5 =	sand.u32 $0x7F, s2  }
0xbc: {  	s3 =	sadd.s32 $0xFFF0BE00, s2;
	s11 =	spop (v2sf);
	v22 =	vmul.f32 v55, v22;
	v23 =	vmul.f32 v56, v23;
	v57 =	vor.u32 s5, v0  }
0xbd: {  	(v2sf) =	vpush v21, $0x2;
	p0 =	sgt.s32 s3, $0x0;
	v58 =	vor.u32 s5, v2;
	s18 =	sand.u32 $0x7F, s11  }
0xbe: {  	s5 =	sadd.s32 $0xFFF0BE00, s11;
	s3 =	simm.s32 @!p0 $0x0;
	v61 =	vor.u32 s18, v0;
	v22 =	vadd.f32 v23, v22  }
0xbf: {  	(v2sf) =	vpush v20, $0x2;
	p0 =	sgt.s32 s5, $0x0;
	v62 =	vor.u32 s18, v2;
	s3 =	smin.u32 s3, $0x3F  }
0xc0: {  	s5 =	simm.s32 @!p0 $0x0;
	v59 =	vor.u32 s3, v0;
	[tilespmem:v1+s10+$0x0] =	vst.idx.msk $0xffff, v22  }
0xc1: {  	v60 =	vor.u32 s3, v2;
	s5 =	smin.u32 s5, $0x3F;
	v24 =	vld.idx.msk [tilespmem:v57+s7+$0x0], $0xffff  }
0xc2: {  	v63 =	vor.u32 s5, v0;
	v25 =	vld.idx.msk [tilespmem:v58+s7+$0x0], $0xffff  }
0xc3: {  	v32 =	vor.u32 s5, v2;
	v22 =	vld.idx.msk [tilespmem:v61+s8+$0x0], $0xffff  }
0xc4: {  	v27 =	vld.idx.msk [tilespmem:v62+s8+$0x0], $0xffff  }
0xc5: {  	v23 =	vld.idx.msk [tilespmem:v59+s26+$0x0], $0xffff  }
0xc6: {  	v26 =	vld.idx.msk [tilespmem:v60+s26+$0x0], $0xffff  }
0xc7: {  	v28 =	vld.idx.msk [tilespmem:v63+s28+$0x0], $0xffff  }
0xc8: {  	v29 =	vld.idx.msk [tilespmem:v32+s28+$0x0], $0xffff;
	_ =	sdelay $0x2  }
0xc9: {  	p1 =	sgt.s32 s2, $0xF41FF  }
0xca: {  	p2 =	sgt.s32 s11, $0xF41FF;
	s30 =	spop (v2sf);
	v23 =	vpsel p1, v23, v24  }
0xcb: {  	v33 =	vpsel p1, v26, v25;
	v22 =	vpsel p2, v28, v22;
	v34 =	vpsel p2, v29, v27;
	s31 =	sand.u32 $0x7F, s30  }
0xcc: {  	s3 =	sadd.s32 $0xFFF0BE00, s30;
	s2 =	spop (v2sf);
	v22 =	vmul.f32 v22, v23;
	v35 =	vmul.f32 v34, v33;
	v36 =	vor.u32 s31, v0  }
0xcd: {  	(v2sf) =	vpush v21, $0x3;
	p0 =	sgt.s32 s3, $0x0;
	v37 =	vor.u32 s31, v2;
	s11 =	sand.u32 $0x7F, s2  }
0xce: {  	s5 =	sadd.s32 $0xFFF0BE00, s2;
	s3 =	simm.s32 @!p0 $0x0;
	v40 =	vor.u32 s11, v0;
	v22 =	vadd.f32 v35, v22  }
0xcf: {  	(v2sf) =	vpush v20, $0x3;
	p0 =	sgt.s32 s5, $0x0;
	v41 =	vor.u32 s11, v2;
	s3 =	smin.u32 s3, $0x3F  }
0xd0: {  	s5 =	simm.s32 @!p0 $0x0;
	v38 =	vor.u32 s3, v0;
	[tilespmem:v3+s10+$0x0] =	vst.idx.msk $0xffff, v22  }
0xd1: {  	v39 =	vor.u32 s3, v2;
	s5 =	smin.u32 s5, $0x3F;
	v24 =	vld.idx.msk [tilespmem:v36+s12+$0x0], $0xffff  }
0xd2: {  	v42 =	vor.u32 s5, v0;
	v25 =	vld.idx.msk [tilespmem:v37+s12+$0x0], $0xffff  }
0xd3: {  	v43 =	vor.u32 s5, v2;
	v22 =	vld.idx.msk [tilespmem:v40+s16+$0x0], $0xffff  }
0xd4: {  	v27 =	vld.idx.msk [tilespmem:v41+s16+$0x0], $0xffff  }
0xd5: {  	v23 =	vld.idx.msk [tilespmem:v38+s26+$0x0], $0xffff  }
0xd6: {  	v26 =	vld.idx.msk [tilespmem:v39+s26+$0x0], $0xffff  }
0xd7: {  	v28 =	vld.idx.msk [tilespmem:v42+s28+$0x0], $0xffff  }
0xd8: {  	v29 =	vld.idx.msk [tilespmem:v43+s28+$0x0], $0xffff;
	_ =	sdelay $0x2  }
0xd9: {  	p3 =	sgt.s32 s30, $0xF41FF  }
0xda: {  	p4 =	sgt.s32 s2, $0xF41FF;
	s18 =	spop (v2sf);
	v23 =	vpsel p3, v23, v24  }
0xdb: {  	v44 =	vpsel p3, v26, v25;
	v22 =	vpsel p4, v28, v22;
	v45 =	vpsel p4, v29, v27;
	s30 =	sand.u32 $0x7F, s18  }
0xdc: {  	s3 =	sadd.s32 $0xFFF0BE00, s18;
	s31 =	spop (v2sf);
	v22 =	vmul.f32 v22, v23;
	v46 =	vmul.f32 v45, v44;
	v47 =	vor.u32 s30, v0  }
0xdd: {  	p0 =	sgt.s32 s3, $0x0;
	v48 =	vor.u32 s30, v2;
	s2 =	sand.u32 $0x7F, s31  }
0xde: {  	s5 =	sadd.s32 $0xFFF0BE00, s31;
	s3 =	simm.s32 @!p0 $0x0;
	v51 =	vor.u32 s2, v0;
	v22 =	vadd.f32 v46, v22  }
0xdf: {  	(v2sf) =	vpush v21, $0x8;
	p0 =	sgt.s32 s5, $0x0;
	v52 =	vor.u32 s2, v2;
	s3 =	smin.u32 s3, $0x3F  }
0xe0: {  	s5 =	simm.s32 @!p0 $0x0;
	v49 =	vor.u32 s3, v0;
	[tilespmem:v4+s10+$0x0] =	vst.idx.msk $0xffff, v22  }
0xe1: {  	v50 =	vor.u32 s3, v2;
	s5 =	smin.u32 s5, $0x3F;
	v24 =	vld.idx.msk [tilespmem:v47+s17+$0x0], $0xffff  }
0xe2: {  	(v2sf) =	vpush v20, $0x8;
	v53 =	vor.u32 s5, v0;
	v25 =	vld.idx.msk [tilespmem:v48+s17+$0x0], $0xffff  }
0xe3: {  	v54 =	vor.u32 s5, v2;
	v22 =	vld.idx.msk [tilespmem:v51+s19+$0x0], $0xffff  }
0xe4: {  	v27 =	vld.idx.msk [tilespmem:v52+s19+$0x0], $0xffff  }
0xe5: {  	v23 =	vld.idx.msk [tilespmem:v49+s26+$0x0], $0xffff  }
0xe6: {  	v26 =	vld.idx.msk [tilespmem:v50+s26+$0x0], $0xffff  }
0xe7: {  	(v2sf) =	vpush v21, $0x9;
	v28 =	vld.idx.msk [tilespmem:v53+s28+$0x0], $0xffff  }
0xe8: {  	v29 =	vld.idx.msk [tilespmem:v54+s28+$0x0], $0xffff;
	_ =	sdelay $0x2  }
0xe9: {  	p5 =	sgt.s32 s18, $0xF41FF  }
0xea: {  	p6 =	sgt.s32 s31, $0xF41FF;
	v23 =	vpsel p5, v23, v24  }
0xeb: {  	v55 =	vpsel p5, v26, v25;
	v22 =	vpsel p6, v28, v22;
	v56 =	vpsel p6, v29, v27  }
0xec: {  	s19 =	spop (v2sf);
	(v2sf) =	vpush v20, $0x9;
	v22 =	vmul.f32 v22, v23;
	v57 =	vmul.f32 v56, v55  }
0xed: {  	s3 =	sshrl.u32 s19, $0x7  }
0xee: {  	s0 =	smin.u32 s3, $0x1E83;
	v22 =	vadd.f32 v57, v22  }
0xef: {  	s2 =	spop (v2sf);
	(v2sf) =	vpush v21, $0xA;
	s0 =	sshll.u32 s0, $0x7  }
0xf0: {  	s4 =	sshrl.u32 s2, $0x7;
	s0 =	sadd.s32 s21, s0;
	[tilespmem:v5+s10+$0x0] =	vst.idx.msk $0xffff, v22  }
0xf1: {  	[tilespmem:s24], [sflag:$0x1] =	stream.strided.gather [hbm4b:s0+s24], $0x1000, s25, s24, $0x38;
	[tilespmem:$0x12780] =	vst v63  }
0xf2: {  	s0 =	smin.u32 s4, $0x1E83  }
0xf3: {  	s0 =	sshll.u32 s0, $0x7  }
0xf4: {  	s31 =	spop (v2sf);
	(v2sf) =	vpush v20, $0xA;
	s0 =	sadd.s32 s1, s0  }
0xf5: {  	[tilespmem:s6], [sflag:$0x1] =	stream.strided.gather [hbm4b:s0+s24], $0x1000, s25, s24, $0x38;
	[tilespmem:$0x12780] =	vst v63  }
0xf6: {  	s6 =	sshrl.u32 s31, $0x7  }
0xf7: {  	s0 =	smin.u32 s6, $0x1E83  }
0xf8: {  	s0 =	sshll.u32 s0, $0x7  }
0xf9: {  	s0 =	sadd.s32 s21, s0  }
0xfa: {  	[tilespmem:s7], [sflag:$0x1] =	stream.strided.gather [hbm4b:s0+s24], $0x1000, s25, s24, $0x38;
	[tilespmem:$0x12780] =	vst v63  }
0xfb: {  	s3 =	spop (v2sf);
	(v2sf) =	vpush v21, $0xB  }
0xfc: {  	s7 =	sshrl.u32 s3, $0x7  }
0xfd: {  	s0 =	smin.u32 s7, $0x1E83  }
0xfe: {  	s17 =	spop (v2sf);
	(v2sf) =	vpush v20, $0xB;
	s0 =	sshll.u32 s0, $0x7  }
0xff: {  	s11 =	sshrl.u32 s17, $0x7;
	s0 =	sadd.s32 s1, s0  }
0x100: {  	[tilespmem:s8], [sflag:$0x1] =	stream.strided.gather [hbm4b:s0+s24], $0x1000, s25, s24, $0x38;
	[tilespmem:$0x12780] =	vst v63  }
0x101: {  	s0 =	smin.u32 s11, $0x1E83  }
0x102: {  	s0 =	sshll.u32 s0, $0x7  }
0x103: {  	s30 =	spop (v2sf);
	s0 =	sadd.s32 s21, s0  }
0x104: {  	[tilespmem:s12], [sflag:$0x1] =	stream.strided.gather [hbm4b:s0+s24], $0x1000, s25, s24, $0x38;
	[tilespmem:$0x12780] =	vst v63  }
0x105: {  	s12 =	sshrl.u32 s30, $0x7  }
0x106: {  	s0 =	smin.u32 s12, $0x1E83  }
0x107: {  	s0 =	sshll.u32 s0, $0x7  }
0x108: {  	s0 =	sadd.s32 s1, s0  }
0x109: {  	[tilespmem:s16], [sflag:$0x1] =	stream.strided.gather [hbm4b:s0+s24], $0x1000, s25, s24, $0x38;
	[tilespmem:$0x12780] =	vst v63  }
0x10a: {  	s16 =	spop (v2sf)  }
0x10b: {  	s18 =	sshrl.u32 s16, $0x7  }
0x10c: {  	s0 =	smin.u32 s18, $0x1E83  }
0x10d: {  	s4 =	spop (v2sf);
	s0 =	sshll.u32 s0, $0x7  }
0x10e: {  	s8 =	simm.s32 $0x3400;
	s6 =	sshrl.u32 s4, $0x7;
	s0 =	sadd.s32 s21, s0  }
0x10f: {  	[tilespmem:s8], [sflag:$0x1] =	stream.strided.gather [hbm4b:s0+s24], $0x1000, s25, s24, $0x38;
	[tilespmem:$0x12780] =	vst v63  }
0x110: {  	s0 =	smin.u32 s6, $0x1E83  }
0x111: {  	s0 =	sshll.u32 s0, $0x7  }
0x112: {  	s5 =	simm.s32 $0xB400;
	s0 =	sadd.s32 s1, s0  }
0x113: {  	[tilespmem:s5], [sflag:$0x1] =	stream.strided.gather [hbm4b:s0+s24], $0x1000, s25, s24, $0x38;
	[tilespmem:$0x12780] =	vst v63  }
0x114: {  	_ =	swait.ge [sflag:s9], $0x1000  }
0x115: {  	[sflag:s9] =	ssyncset.done $0x0  }
0x116: {  	[sflag:s9] =	ssyncadd.s32 $0xFFFFF000  }
0x117: {  	_ =	swait.ge [sflag:s9], $0x1000  }
0x118: {  	[sflag:s9] =	ssyncset.done $0x0  }
0x119: {  	[sflag:s9] =	ssyncadd.s32 $0xFFFFF000  }
0x11a: {  	_ =	swait.ge [sflag:s9], $0x1000  }
0x11b: {  	[sflag:s9] =	ssyncset.done $0x0  }
0x11c: {  	[sflag:s9] =	ssyncadd.s32 $0xFFFFF000  }
0x11d: {  	_ =	swait.ge [sflag:s9], $0x1000  }
0x11e: {  	[sflag:s9] =	ssyncset.done $0x0  }
0x11f: {  	[sflag:s9] =	ssyncadd.s32 $0xFFFFF000  }
0x120: {  	_ =	swait.ge [sflag:s9], $0x1000  }
0x121: {  	[sflag:s9] =	ssyncset.done $0x0  }
0x122: {  	[sflag:s9] =	ssyncadd.s32 $0xFFFFF000  }
0x123: {  	_ =	swait.ge [sflag:s9], $0x1000  }
0x124: {  	[sflag:s9] =	ssyncset.done $0x0  }
0x125: {  	[sflag:s9] =	ssyncadd.s32 $0xFFFFF000  }
0x126: {  	_ =	swait.ge [sflag:s9], $0x1000  }
0x127: {  	[sflag:s9] =	ssyncset.done $0x0  }
0x128: {  	[sflag:s9] =	ssyncadd.s32 $0xFFFFF000  }
0x129: {  	_ =	swait.ge [sflag:s9], $0x1000  }
0x12a: {  	(v2sf) =	vpush v21, $0x4;
	_ =	sdelay $0x1  }
0x12b: {  	(v2sf) =	vpush v20, $0x4;
	_ =	sdelay $0xc  }
0x12c: {  	s7 =	spop (v2sf)  }
0x12d: {  	s11 =	sand.u32 $0x7F, s7  }
0x12e: {  	(v2sf) =	vpush v21, $0x5;
	s5 =	sadd.s32 $0xFFF0BE00, s7;
	s8 =	spop (v2sf);
	v58 =	vor.u32 s11, v0  }
0x12f: {  	p0 =	sgt.s32 s5, $0x0;
	v59 =	vor.u32 s11, v2;
	s12 =	sand.u32 $0x7F, s8  }
0x130: {  	s18 =	sadd.s32 $0xFFF0BE00, s8;
	s5 =	simm.s32 @!p0 $0x0;
	v62 =	vor.u32 s12, v0  }
0x131: {  	[sflag:s9] =	ssyncset.done $0x0;
	p0 =	sgt.s32 s18, $0x0;
	v63 =	vor.u32 s12, v2;
	s5 =	smin.u32 s5, $0x3F  }
0x132: {  	[sflag:s9] =	ssyncadd.s32 $0xFFFFF000;
	(v2sf) =	vpush v20, $0x5;
	s18 =	simm.s32 @!p0 $0x0;
	v60 =	vor.u32 s5, v0  }
0x133: {  	v61 =	vor.u32 s5, v2;
	s18 =	smin.u32 s18, $0x3F;
	v22 =	vld.idx.msk [tilespmem:v58+s20+$0x0], $0xffff  }
0x134: {  	v32 =	vor.u32 s18, v0;
	v23 =	vld.idx.msk [tilespmem:v59+s20+$0x0], $0xffff  }
0x135: {  	v33 =	vor.u32 s18, v2;
	v26 =	vld.idx.msk [tilespmem:v62+s22+$0x0], $0xffff  }
0x136: {  	v27 =	vld.idx.msk [tilespmem:v63+s22+$0x0], $0xffff  }
0x137: {  	v24 =	vld.idx.msk [tilespmem:v60+s26+$0x0], $0xffff  }
0x138: {  	v25 =	vld.idx.msk [tilespmem:v61+s26+$0x0], $0xffff  }
0x139: {  	v28 =	vld.idx.msk [tilespmem:v32+s28+$0x0], $0xffff  }
0x13a: {  	v29 =	vld.idx.msk [tilespmem:v33+s28+$0x0], $0xffff;
	_ =	sdelay $0x2  }
0x13b: {  	p1 =	sgt.s32 s7, $0xF41FF;
	s6 =	spop (v2sf)  }
0x13c: {  	p2 =	sgt.s32 s8, $0xF41FF;
	(v2sf) =	vpush v21, $0x6;
	s5 =	sadd.s32 $0xFFF0BE00, s6;
	v22 =	vpsel p1, v24, v22  }
0x13d: {  	s7 =	sand.u32 $0x7F, s6;
	p0 =	sgt.s32 s5, $0x0;
	v23 =	vpsel p1, v25, v23;
	v34 =	vpsel p2, v28, v26;
	v35 =	vpsel p2, v29, v27  }
0x13e: {  	v36 =	vor.u32 s7, v0;
	s5 =	simm.s32 @!p0 $0x0;
	v22 =	vmul.f32 v34, v22;
	v23 =	vmul.f32 v35, v23  }
0x13f: {  	v37 =	vor.u32 s7, v2;
	s5 =	smin.u32 s5, $0x3F;
	s8 =	spop (v2sf)  }
0x140: {  	v38 =	vor.u32 s5, v0;
	s18 =	sadd.s32 $0xFFF0BE00, s8;
	v22 =	vadd.f32 v23, v22  }
0x141: {  	v39 =	vor.u32 s5, v2;
	s12 =	sand.u32 $0x7F, s8;
	p0 =	sgt.s32 s18, $0x0  }
0x142: {  	(v2sf) =	vpush v20, $0x6;
	v40 =	vor.u32 s12, v0;
	s18 =	simm.s32 @!p0 $0x0;
	[tilespmem:v6+s10+$0x0] =	vst.idx.msk $0xffff, v22  }
0x143: {  	v41 =	vor.u32 s12, v2;
	s18 =	smin.u32 s18, $0x3F;
	v24 =	vld.idx.msk [tilespmem:v36+s23+$0x0], $0xffff  }
0x144: {  	v42 =	vor.u32 s18, v0;
	v25 =	vld.idx.msk [tilespmem:v37+s23+$0x0], $0xffff  }
0x145: {  	v43 =	vor.u32 s18, v2;
	v23 =	vld.idx.msk [tilespmem:v38+s26+$0x0], $0xffff  }
0x146: {  	v26 =	vld.idx.msk [tilespmem:v39+s26+$0x0], $0xffff  }
0x147: {  	v22 =	vld.idx.msk [tilespmem:v40+s29+$0x0], $0xffff  }
0x148: {  	v27 =	vld.idx.msk [tilespmem:v41+s29+$0x0], $0xffff  }
0x149: {  	v28 =	vld.idx.msk [tilespmem:v42+s28+$0x0], $0xffff  }
0x14a: {  	v29 =	vld.idx.msk [tilespmem:v43+s28+$0x0], $0xffff;
	_ =	sdelay $0x2  }
0x14b: {  	p3 =	sgt.s32 s6, $0xF41FF;
	s0 =	spop (v2sf)  }
0x14c: {  	p4 =	sgt.s32 s8, $0xF41FF;
	(v2sf) =	vpush v21, $0x7;
	s5 =	sadd.s32 $0xFFF0BE00, s0;
	v23 =	vpsel p3, v23, v24  }
0x14d: {  	p0 =	sgt.s32 s5, $0x0;
	s23 =	sand.u32 $0x7F, s0;
	v44 =	vpsel p3, v26, v25;
	v22 =	vpsel p4, v28, v22;
	v45 =	vpsel p4, v29, v27  }
0x14e: {  	s5 =	simm.s32 @!p0 $0x0;
	v47 =	vor.u32 s23, v0;
	v22 =	vmul.f32 v22, v23;
	v46 =	vmul.f32 v45, v44  }
0x14f: {  	s5 =	smin.u32 s5, $0x3F;
	v48 =	vor.u32 s23, v2;
	s6 =	spop (v2sf)  }
0x150: {  	v49 =	vor.u32 s5, v0;
	s18 =	sadd.s32 $0xFFF0BE00, s6;
	v22 =	vadd.f32 v46, v22  }
0x151: {  	v50 =	vor.u32 s5, v2;
	s12 =	sand.u32 $0x7F, s6;
	p0 =	sgt.s32 s18, $0x0  }
0x152: {  	s7 =	simm.s32 $0x6400;
	(v2sf) =	vpush v20, $0x7;
	v51 =	vor.u32 s12, v0;
	s18 =	simm.s32 @!p0 $0x0;
	[tilespmem:v7+s10+$0x0] =	vst.idx.msk $0xffff, v22  }
0x153: {  	v52 =	vor.u32 s12, v2;
	s18 =	smin.u32 s18, $0x3F;
	v24 =	vld.idx.msk [tilespmem:v47+s7+$0x0], $0xffff  }
0x154: {  	v53 =	vor.u32 s18, v0;
	v25 =	vld.idx.msk [tilespmem:v48+s7+$0x0], $0xffff  }
0x155: {  	v54 =	vor.u32 s18, v2;
	v23 =	vld.idx.msk [tilespmem:v49+s26+$0x0], $0xffff  }
0x156: {  	s8 =	simm.s32 $0xE400;
	v26 =	vld.idx.msk [tilespmem:v50+s26+$0x0], $0xffff  }
0x157: {  	v22 =	vld.idx.msk [tilespmem:v51+s8+$0x0], $0xffff  }
0x158: {  	v27 =	vld.idx.msk [tilespmem:v52+s8+$0x0], $0xffff  }
0x159: {  	v28 =	vld.idx.msk [tilespmem:v53+s28+$0x0], $0xffff  }
0x15a: {  	v29 =	vld.idx.msk [tilespmem:v54+s28+$0x0], $0xffff;
	_ =	sdelay $0x2  }
0x15b: {  	p5 =	sgt.s32 s0, $0xF41FF;
	s0 =	spop (v2sf)  }
0x15c: {  	p6 =	sgt.s32 s6, $0xF41FF;
	(v2sf) =	vpush v21, $0xC;
	s5 =	sadd.s32 $0xFFF0BE00, s0;
	v23 =	vpsel p5, v23, v24  }
0x15d: {  	p0 =	sgt.s32 s5, $0x0;
	s18 =	sand.u32 $0x7F, s0;
	v55 =	vpsel p5, v26, v25;
	v22 =	vpsel p6, v28, v22;
	v56 =	vpsel p6, v29, v27  }
0x15e: {  	s5 =	simm.s32 @!p0 $0x0;
	v58 =	vor.u32 s18, v0;
	v22 =	vmul.f32 v22, v23;
	v57 =	vmul.f32 v56, v55  }
0x15f: {  	s5 =	smin.u32 s5, $0x3F;
	v59 =	vor.u32 s18, v2;
	s23 =	spop (v2sf)  }
0x160: {  	v60 =	vor.u32 s5, v0;
	s18 =	sadd.s32 $0xFFF0BE00, s23;
	v22 =	vadd.f32 v57, v22  }
0x161: {  	v61 =	vor.u32 s5, v2;
	s6 =	sand.u32 $0x7F, s23;
	p0 =	sgt.s32 s18, $0x0  }
0x162: {  	s12 =	simm.s32 $0x7400;
	v62 =	vor.u32 s6, v0;
	s18 =	simm.s32 @!p0 $0x0;
	[tilespmem:v8+s10+$0x0] =	vst.idx.msk $0xffff, v22  }
0x163: {  	v63 =	vor.u32 s6, v2;
	s18 =	smin.u32 s18, $0x3F;
	v24 =	vld.idx.msk [tilespmem:v58+s12+$0x0], $0xffff  }
0x164: {  	v32 =	vor.u32 s18, v0;
	v25 =	vld.idx.msk [tilespmem:v59+s12+$0x0], $0xffff  }
0x165: {  	(v2sf) =	vpush v20, $0xC;
	v33 =	vor.u32 s18, v2;
	v23 =	vld.idx.msk [tilespmem:v60+s26+$0x0], $0xffff  }
0x166: {  	s10 =	simm.s32 $0xF400;
	v26 =	vld.idx.msk [tilespmem:v61+s26+$0x0], $0xffff  }
0x167: {  	v22 =	vld.idx.msk [tilespmem:v62+s10+$0x0], $0xffff  }
0x168: {  	v27 =	vld.idx.msk [tilespmem:v63+s10+$0x0], $0xffff  }
0x169: {  	(v2sf) =	vpush v21, $0xD;
	v28 =	vld.idx.msk [tilespmem:v32+s28+$0x0], $0xffff  }
0x16a: {  	v29 =	vld.idx.msk [tilespmem:v33+s28+$0x0], $0xffff;
	_ =	sdelay $0x2  }
0x16b: {  	p1 =	sgt.s32 s0, $0xF41FF;
	p2 =	sgt.s32 s23, $0xF41FF;
	s23 =	spop (v2sf);
	(v2sf) =	vpush v20, $0xD  }
0x16c: {  	v23 =	vpsel p1, v23, v24  }
0x16d: {  	v34 =	vpsel p1, v26, v25;
	v22 =	vpsel p2, v28, v22;
	v35 =	vpsel p2, v29, v27  }
0x16e: {  	v22 =	vmul.f32 v22, v23;
	v36 =	vmul.f32 v35, v34  }
0x16f: {  	s18 =	sshrl.u32 s23, $0x7  }
0x170: {  	s0 =	smin.u32 s18, $0x1E83;
	v22 =	vadd.f32 v36, v22  }
0x171: {  	s5 =	simm.s32 $0x12600;
	s0 =	sshll.u32 s0, $0x7  }
0x172: {  	s0 =	sadd.s32 s21, s0;
	[tilespmem:v9+s5+$0x0] =	vst.idx.msk $0xffff, v22;
	s5 =	spop (v2sf);
	(v2sf) =	vpush v21, $0xE  }
0x173: {  	[tilespmem:s20], [sflag:$0x1] =	stream.strided.gather [hbm4b:s0+s24], $0x1000, s25, s24, $0x38;
	[tilespmem:$0x12780] =	vst v63  }
0x174: {  	s20 =	sshrl.u32 s5, $0x7  }
0x175: {  	s0 =	smin.u32 s20, $0x1E83  }
0x176: {  	s20 =	spop (v2sf);
	(v2sf) =	vpush v20, $0xE;
	s0 =	sshll.u32 s0, $0x7  }
0x177: {  	s11 =	sshrl.u32 s20, $0x7;
	s0 =	sadd.s32 s1, s0  }
0x178: {  	[tilespmem:s22], [sflag:$0x1] =	stream.strided.gather [hbm4b:s0+s24], $0x1000, s25, s24, $0x38;
	[tilespmem:$0x12780] =	vst v63  }
0x179: {  	s0 =	smin.u32 s11, $0x1E83  }
0x17a: {  	s22 =	spop (v2sf);
	s0 =	sshll.u32 s0, $0x7  }
0x17b: {  	s6 =	simm.s32 $0x5400;
	s18 =	sshrl.u32 s22, $0x7;
	s0 =	sadd.s32 s21, s0  }
0x17c: {  	[tilespmem:s6], [sflag:$0x1] =	stream.strided.gather [hbm4b:s0+s24], $0x1000, s25, s24, $0x38;
	[tilespmem:$0x12780] =	vst v63  }
0x17d: {  	(v2sf) =	vpush v21, $0xF;
	s0 =	smin.u32 s18, $0x1E83  }
0x17e: {  	s0 =	sshll.u32 s0, $0x7  }
0x17f: {  	s0 =	sadd.s32 s1, s0  }
0x180: {  	[tilespmem:s29], [sflag:$0x1] =	stream.strided.gather [hbm4b:s0+s24], $0x1000, s25, s24, $0x38;
	[tilespmem:$0x12780] =	vst v63  }
0x181: {  	s0 =	spop (v2sf)  }
0x182: {  	s6 =	sshrl.u32 s0, $0x7  }
0x183: {  	(v2sf) =	vpush v20, $0xF;
	s11 =	smin.u32 s6, $0x1E83  }
0x184: {  	s11 =	sshll.u32 s11, $0x7  }
0x185: {  	s18 =	spop (v2sf);
	s11 =	sadd.s32 s21, s11  }
0x186: {  	[tilespmem:s7], [sflag:$0x1] =	stream.strided.gather [hbm4b:s11+s24], $0x1000, s25, s24, $0x38;
	[tilespmem:$0x12780] =	vst v63  }
0x187: {  	s7 =	sshrl.u32 s18, $0x7  }
0x188: {  	s11 =	smin.u32 s7, $0x1E83  }
0x189: {  	s11 =	sshll.u32 s11, $0x7  }
0x18a: {  	s11 =	sadd.s32 s1, s11  }
0x18b: {  	[tilespmem:s8], [sflag:$0x1] =	stream.strided.gather [hbm4b:s11+s24], $0x1000, s25, s24, $0x38;
	[tilespmem:$0x12780] =	vst v63  }
0x18c: {  	s11 =	spop (v2sf)  }
0x18d: {  	s29 =	sshrl.u32 s11, $0x7  }
0x18e: {  	s29 =	smin.u32 s29, $0x1E83  }
0x18f: {  	s29 =	sshll.u32 s29, $0x7  }
0x190: {  	s29 =	sadd.s32 s21, s29  }
0x191: {  	[tilespmem:s12], [sflag:$0x1] =	stream.strided.gather [hbm4b:s29+s24], $0x1000, s25, s24, $0x38;
	[tilespmem:$0x12780] =	vst v63  }
0x192: {  	s29 =	spop (v2sf)  }
0x193: {  	s12 =	sshrl.u32 s29, $0x7  }
0x194: {  	s6 =	smin.u32 s12, $0x1E83  }
0x195: {  	s6 =	sshll.u32 s6, $0x7  }
0x196: {  	s6 =	sadd.s32 s1, s6  }
0x197: {  	[tilespmem:s10], [sflag:$0x1] =	stream.strided.gather [hbm4b:s6+s24], $0x1000, s25, s24, $0x38;
	[tilespmem:$0x12780] =	vst v63  }
0x198: {  	_ =	swait.ge [sflag:s9], $0x1000  }
0x199: {  	[sflag:s9] =	ssyncset.done $0x0  }
0x19a: {  	[sflag:s9] =	ssyncadd.s32 $0xFFFFF000  }
0x19b: {  	_ =	swait.ge [sflag:s9], $0x1000  }
0x19c: {  	[sflag:s9] =	ssyncset.done $0x0  }
0x19d: {  	[sflag:s9] =	ssyncadd.s32 $0xFFFFF000  }
0x19e: {  	_ =	swait.ge [sflag:s9], $0x1000  }
0x19f: {  	[sflag:s9] =	ssyncset.done $0x0  }
0x1a0: {  	[sflag:s9] =	ssyncadd.s32 $0xFFFFF000  }
0x1a1: {  	_ =	swait.ge [sflag:s9], $0x1000  }
0x1a2: {  	[sflag:s9] =	ssyncset.done $0x0  }
0x1a3: {  	[sflag:s9] =	ssyncadd.s32 $0xFFFFF000  }
0x1a4: {  	_ =	swait.ge [sflag:s9], $0x1000  }
0x1a5: {  	[sflag:s9] =	ssyncset.done $0x0  }
0x1a6: {  	[sflag:s9] =	ssyncadd.s32 $0xFFFFF000  }
0x1a7: {  	_ =	swait.ge [sflag:s9], $0x1000  }
0x1a8: {  	[sflag:s9] =	ssyncset.done $0x0  }
0x1a9: {  	s6 =	sadd.s32 $0xFFF0BE00, s19;
	[sflag:s9] =	ssyncadd.s32 $0xFFFFF000  }
0x1aa: {  	s7 =	sand.u32 $0x7F, s19;
	p0 =	sgt.s32 s6, $0x0;
	_ =	swait.ge [sflag:s9], $0x1000  }
0x1ab: {  	v37 =	vor.u32 s7, v0;
	s6 =	simm.s32 @!p0 $0x0;
	[sflag:s9] =	ssyncset.done $0x0  }
0x1ac: {  	v38 =	vor.u32 s7, v2;
	s6 =	smin.u32 s6, $0x3F;
	[sflag:s9] =	ssyncadd.s32 $0xFFFFF000  }
0x1ad: {  	s7 =	sadd.s32 $0xFFF0BE00, s2;
	v39 =	vor.u32 s6, v0;
	_ =	swait.ge [sflag:s9], $0x1000  }
0x1ae: {  	p0 =	sgt.s32 s7, $0x0;
	v40 =	vor.u32 s6, v2;
	s6 =	sand.u32 $0x7F, s2;
	[sflag:s9] =	ssyncset.done $0x0  }
0x1af: {  	s7 =	simm.s32 @!p0 $0x0;
	v41 =	vor.u32 s6, v0;
	[sflag:s9] =	ssyncadd.s32 $0xFFFFF000  }
0x1b0: {  	s7 =	smin.u32 s7, $0x3F;
	v42 =	vor.u32 s6, v2;
	v20 =	vld.idx.msk [tilespmem:v37+s24+$0x0], $0xffff  }
0x1b1: {  	v43 =	vor.u32 s7, v0;
	v21 =	vld.idx.msk [tilespmem:v38+s24+$0x0], $0xffff  }
0x1b2: {  	v44 =	vor.u32 s7, v2;
	v22 =	vld.idx.msk [tilespmem:v39+s26+$0x0], $0xffff  }
0x1b3: {  	s8 =	simm.s32 $0x8400;
	v23 =	vld.idx.msk [tilespmem:v40+s26+$0x0], $0xffff  }
0x1b4: {  	v24 =	vld.idx.msk [tilespmem:v41+s8+$0x0], $0xffff  }
0x1b5: {  	v25 =	vld.idx.msk [tilespmem:v42+s8+$0x0], $0xffff  }
0x1b6: {  	v26 =	vld.idx.msk [tilespmem:v43+s28+$0x0], $0xffff  }
0x1b7: {  	v27 =	vld.idx.msk [tilespmem:v44+s28+$0x0], $0xffff;
	_ =	sdelay $0x2  }
0x1b8: {  	p3 =	sgt.s32 s19, $0xF41FF  }
0x1b9: {  	p4 =	sgt.s32 s2, $0xF41FF;
	s6 =	sadd.s32 $0xFFF0BE00, s31;
	v20 =	vpsel p3, v22, v20  }
0x1ba: {  	s2 =	sand.u32 $0x7F, s31;
	p0 =	sgt.s32 s6, $0x0;
	v21 =	vpsel p3, v23, v21;
	v45 =	vpsel p4, v26, v24;
	v46 =	vpsel p4, v27, v25  }
0x1bb: {  	v47 =	vor.u32 s2, v0;
	s6 =	simm.s32 @!p0 $0x0;
	v20 =	vmul.f32 v45, v20;
	v21 =	vmul.f32 v46, v21  }
0x1bc: {  	v48 =	vor.u32 s2, v2;
	s6 =	smin.u32 s6, $0x3F  }
0x1bd: {  	s7 =	sadd.s32 $0xFFF0BE00, s3;
	v49 =	vor.u32 s6, v0;
	v20 =	vadd.f32 v21, v20  }
0x1be: {  	s10 =	simm.s32 $0x12600;
	s2 =	sand.u32 $0x7F, s3;
	p0 =	sgt.s32 s7, $0x0;
	v50 =	vor.u32 s6, v2  }
0x1bf: {  	s12 =	simm.s32 $0x1400;
	v51 =	vor.u32 s2, v0;
	s7 =	simm.s32 @!p0 $0x0;
	[tilespmem:v10+s10+$0x0] =	vst.idx.msk $0xffff, v20  }
0x1c0: {  	v52 =	vor.u32 s2, v2;
	s2 =	smin.u32 s7, $0x3F;
	s7 =	simm.s32 $0x1400;
	v22 =	vld.idx.msk [tilespmem:v47+s12+$0x0], $0xffff  }
0x1c1: {  	v53 =	vor.u32 s2, v0;
	v23 =	vld.idx.msk [tilespmem:v48+s7+$0x0], $0xffff  }
0x1c2: {  	v54 =	vor.u32 s2, v2;
	v21 =	vld.idx.msk [tilespmem:v49+s26+$0x0], $0xffff  }
0x1c3: {  	s8 =	simm.s32 $0x9400;
	v24 =	vld.idx.msk [tilespmem:v50+s26+$0x0], $0xffff  }
0x1c4: {  	v20 =	vld.idx.msk [tilespmem:v51+s8+$0x0], $0xffff  }
0x1c5: {  	v25 =	vld.idx.msk [tilespmem:v52+s8+$0x0], $0xffff  }
0x1c6: {  	v26 =	vld.idx.msk [tilespmem:v53+s28+$0x0], $0xffff  }
0x1c7: {  	v27 =	vld.idx.msk [tilespmem:v54+s28+$0x0], $0xffff;
	_ =	sdelay $0x2  }
0x1c8: {  	p5 =	sgt.s32 s31, $0xF41FF  }
0x1c9: {  	p6 =	sgt.s32 s3, $0xF41FF;
	s3 =	sadd.s32 $0xFFF0BE00, s17;
	v21 =	vpsel p5, v21, v22  }
0x1ca: {  	s31 =	sand.u32 $0x7F, s17;
	p0 =	sgt.s32 s3, $0x0;
	v55 =	vpsel p5, v24, v23;
	v20 =	vpsel p6, v26, v20;
	v56 =	vpsel p6, v27, v25  }
0x1cb: {  	v58 =	vor.u32 s31, v0;
	s3 =	simm.s32 @!p0 $0x0;
	v20 =	vmul.f32 v20, v21;
	v57 =	vmul.f32 v56, v55  }
0x1cc: {  	v59 =	vor.u32 s31, v2;
	s3 =	smin.u32 s3, $0x3F  }
0x1cd: {  	s6 =	sadd.s32 $0xFFF0BE00, s30;
	v60 =	vor.u32 s3, v0;
	v20 =	vadd.f32 v57, v20  }
0x1ce: {  	s2 =	sand.u32 $0x7F, s30;
	p0 =	sgt.s32 s6, $0x0;
	v61 =	vor.u32 s3, v2  }
0x1cf: {  	s6 =	simm.s32 @!p0 $0x0;
	v62 =	vor.u32 s2, v0;
	s12 =	simm.s32 $0x2400;
	[tilespmem:v11+s10+$0x0] =	vst.idx.msk $0xffff, v20  }
0x1d0: {  	v63 =	vor.u32 s2, v2;
	s31 =	smin.u32 s6, $0x3F;
	v22 =	vld.idx.msk [tilespmem:v58+s12+$0x0], $0xffff  }
0x1d1: {  	v30 =	vor.u32 s31, v0;
	v23 =	vld.idx.msk [tilespmem:v59+s12+$0x0], $0xffff  }
0x1d2: {  	v31 =	vor.u32 s31, v2;
	v21 =	vld.idx.msk [tilespmem:v60+s26+$0x0], $0xffff  }
0x1d3: {  	s2 =	simm.s32 $0xA400;
	v24 =	vld.idx.msk [tilespmem:v61+s26+$0x0], $0xffff  }
0x1d4: {  	s6 =	simm.s32 $0xA400;
	v20 =	vld.idx.msk [tilespmem:v62+s2+$0x0], $0xffff  }
0x1d5: {  	v25 =	vld.idx.msk [tilespmem:v63+s6+$0x0], $0xffff  }
0x1d6: {  	v26 =	vld.idx.msk [tilespmem:v30+s28+$0x0], $0xffff  }
0x1d7: {  	v27 =	vld.idx.msk [tilespmem:v31+s28+$0x0], $0xffff  }
0x1d8: {  	v19 =	vshrl.u32 v19, $0x7  }
0x1d9: {  	(v2sf) =	vpush v19, $0x0  }
0x1da: {  	p1 =	sgt.s32 s17, $0xF41FF;
	s31 =	sand.u32 $0x7F, s16  }
0x1db: {  	v18 =	vshrl.u32 v18, $0x7;
	p2 =	sgt.s32 s30, $0xF41FF;
	s3 =	sadd.s32 $0xFFF0BE00, s16;
	v35 =	vor.u32 s31, v0;
	v21 =	vpsel p1, v21, v22  }
0x1dc: {  	p0 =	sgt.s32 s3, $0x0;
	v32 =	vpsel p1, v24, v23;
	v20 =	vpsel p2, v26, v20;
	v33 =	vpsel p2, v27, v25  }
0x1dd: {  	s3 =	simm.s32 @!p0 $0x0;
	(v2sf) =	vpush v18, $0x0;
	v20 =	vmul.f32 v20, v21;
	v34 =	vmul.f32 v33, v32  }
0x1de: {  	s3 =	smin.u32 s3, $0x3F;
	v36 =	vor.u32 s31, v2  }
0x1df: {  	v37 =	vor.u32 s3, v0;
	s6 =	sadd.s32 $0xFFF0BE00, s4;
	v20 =	vadd.f32 v34, v20  }
0x1e0: {  	v38 =	vor.u32 s3, v2;
	s2 =	sand.u32 $0x7F, s4;
	p0 =	sgt.s32 s6, $0x0  }
0x1e1: {  	s17 =	simm.s32 $0x3400;
	v39 =	vor.u32 s2, v0;
	s6 =	simm.s32 @!p0 $0x0;
	[tilespmem:v12+s10+$0x0] =	vst.idx.msk $0xffff, v20  }
0x1e2: {  	v40 =	vor.u32 s2, v2;
	s30 =	smin.u32 s6, $0x3F;
	v22 =	vld.idx.msk [tilespmem:v35+s17+$0x0], $0xffff  }
0x1e3: {  	v41 =	vor.u32 s30, v0;
	v23 =	vld.idx.msk [tilespmem:v36+s17+$0x0], $0xffff  }
0x1e4: {  	(v2sf) =	vpush v19, $0x1;
	v42 =	vor.u32 s30, v2;
	v21 =	vld.idx.msk [tilespmem:v37+s26+$0x0], $0xffff  }
0x1e5: {  	s19 =	simm.s32 $0xB400;
	v24 =	vld.idx.msk [tilespmem:v38+s26+$0x0], $0xffff  }
0x1e6: {  	v20 =	vld.idx.msk [tilespmem:v39+s19+$0x0], $0xffff  }
0x1e7: {  	v25 =	vld.idx.msk [tilespmem:v40+s19+$0x0], $0xffff  }
0x1e8: {  	s31 =	spop (v2sf);
	(v2sf) =	vpush v18, $0x1;
	v26 =	vld.idx.msk [tilespmem:v41+s28+$0x0], $0xffff  }
0x1e9: {  	v27 =	vld.idx.msk [tilespmem:v42+s28+$0x0], $0xffff;
	_ =	sdelay $0x2  }
0x1ea: {  	p3 =	sgt.s32 s16, $0xF41FF;
	s2 =	spop (v2sf);
	(v2sf) =	vpush v19, $0x2  }
0x1eb: {  	p4 =	sgt.s32 s4, $0xF41FF;
	v21 =	vpsel p3, v21, v22  }
0x1ec: {  	v43 =	vpsel p3, v24, v23;
	v20 =	vpsel p4, v26, v20;
	v44 =	vpsel p4, v27, v25  }
0x1ed: {  	v20 =	vmul.f32 v20, v21;
	v45 =	vmul.f32 v44, v43;
	_ =	sdelay $0x1  }
0x1ee: {  	s3 =	smin.u32 s31, $0x1E83;
	v20 =	vadd.f32 v45, v20  }
0x1ef: {  	s3 =	sshll.u32 s3, $0x7  }
0x1f0: {  	s3 =	sadd.s32 s21, s3;
	s4 =	spop (v2sf);
	[tilespmem:v13+s10+$0x0] =	vst.idx.msk $0xffff, v20  }
0x1f1: {  	(v2sf) =	vpush v18, $0x2;
	[tilespmem:s24], [sflag:$0x1] =	stream.strided.gather [hbm4b:s3+s24], $0x1000, s25, s24, $0x38;
	[tilespmem:$0x12780] =	vst v63  }
0x1f2: {  	s3 =	smin.u32 s2, $0x1E83  }
0x1f3: {  	s3 =	sshll.u32 s3, $0x7  }
0x1f4: {  	s6 =	simm.s32 $0x8400;
	s30 =	spop (v2sf);
	s3 =	sadd.s32 s1, s3  }
0x1f5: {  	(v2sf) =	vpush v19, $0x3;
	[tilespmem:s6], [sflag:$0x1] =	stream.strided.gather [hbm4b:s3+s24], $0x1000, s25, s24, $0x38;
	[tilespmem:$0x12780] =	vst v63  }
0x1f6: {  	s3 =	smin.u32 s4, $0x1E83  }
0x1f7: {  	s3 =	sshll.u32 s3, $0x7  }
0x1f8: {  	s31 =	spop (v2sf);
	s3 =	sadd.s32 s21, s3  }
0x1f9: {  	(v2sf) =	vpush v18, $0x3;
	[tilespmem:s7], [sflag:$0x1] =	stream.strided.gather [hbm4b:s3+s24], $0x1000, s25, s24, $0x38;
	[tilespmem:$0x12780] =	vst v63  }
0x1fa: {  	s3 =	smin.u32 s30, $0x1E83  }
0x1fb: {  	s3 =	sshll.u32 s3, $0x7  }
0x1fc: {  	s3 =	sadd.s32 s1, s3  }
0x1fd: {  	[tilespmem:s8], [sflag:$0x1] =	stream.strided.gather [hbm4b:s3+s24], $0x1000, s25, s24, $0x38;
	[tilespmem:$0x12780] =	vst v63  }
0x1fe: {  	s3 =	smin.u32 s31, $0x1E83  }
0x1ff: {  	s3 =	sshll.u32 s3, $0x7  }
0x200: {  	s2 =	spop (v2sf);
	s3 =	sadd.s32 s21, s3  }
0x201: {  	[tilespmem:s12], [sflag:$0x1] =	stream.strided.gather [hbm4b:s3+s24], $0x1000, s25, s24, $0x38;
	[tilespmem:$0x12780] =	vst v63  }
0x202: {  	s3 =	smin.u32 s2, $0x1E83  }
0x203: {  	s3 =	sshll.u32 s3, $0x7  }
0x204: {  	s16 =	simm.s32 $0xA400;
	s4 =	spop (v2sf);
	s3 =	sadd.s32 s1, s3  }
0x205: {  	[tilespmem:s16], [sflag:$0x1] =	stream.strided.gather [hbm4b:s3+s24], $0x1000, s25, s24, $0x38;
	[tilespmem:$0x12780] =	vst v63  }
0x206: {  	s3 =	smin.u32 s4, $0x1E83  }
0x207: {  	s3 =	sshll.u32 s3, $0x7  }
0x208: {  	s30 =	spop (v2sf);
	s3 =	sadd.s32 s21, s3  }
0x209: {  	[tilespmem:s17], [sflag:$0x1] =	stream.strided.gather [hbm4b:s3+s24], $0x1000, s25, s24, $0x38;
	[tilespmem:$0x12780] =	vst v63  }
0x20a: {  	s3 =	smin.u32 s30, $0x1E83  }
0x20b: {  	s3 =	sshll.u32 s3, $0x7  }
0x20c: {  	s3 =	sadd.s32 s1, s3  }
0x20d: {  	[tilespmem:s19], [sflag:$0x1] =	stream.strided.gather [hbm4b:s3+s24], $0x1000, s25, s24, $0x38;
	[tilespmem:$0x12780] =	vst v63  }
0x20e: {  	_ =	swait.ge [sflag:s9], $0x1000  }
0x20f: {  	[sflag:s9] =	ssyncset.done $0x0  }
0x210: {  	[sflag:s9] =	ssyncadd.s32 $0xFFFFF000  }
0x211: {  	_ =	swait.ge [sflag:s9], $0x1000  }
0x212: {  	[sflag:s9] =	ssyncset.done $0x0  }
0x213: {  	[sflag:s9] =	ssyncadd.s32 $0xFFFFF000  }
0x214: {  	_ =	swait.ge [sflag:s9], $0x1000  }
0x215: {  	[sflag:s9] =	ssyncset.done $0x0  }
0x216: {  	[sflag:s9] =	ssyncadd.s32 $0xFFFFF000  }
0x217: {  	_ =	swait.ge [sflag:s9], $0x1000  }
0x218: {  	[sflag:s9] =	ssyncset.done $0x0  }
0x219: {  	[sflag:s9] =	ssyncadd.s32 $0xFFFFF000  }
0x21a: {  	_ =	swait.ge [sflag:s9], $0x1000  }
0x21b: {  	[sflag:s9] =	ssyncset.done $0x0  }
0x21c: {  	[sflag:s9] =	ssyncadd.s32 $0xFFFFF000  }
0x21d: {  	_ =	swait.ge [sflag:s9], $0x1000  }
0x21e: {  	[sflag:s9] =	ssyncset.done $0x0  }
0x21f: {  	s3 =	sadd.s32 $0xFFF0BE00, s23;
	[sflag:s9] =	ssyncadd.s32 $0xFFFFF000  }
0x220: {  	s31 =	sand.u32 $0x7F, s23;
	p0 =	sgt.s32 s3, $0x0;
	_ =	swait.ge [sflag:s9], $0x1000  }
0x221: {  	v46 =	vor.u32 s31, v0;
	s3 =	simm.s32 @!p0 $0x0;
	[sflag:s9] =	ssyncset.done $0x0  }
0x222: {  	v47 =	vor.u32 s31, v2;
	s4 =	sadd.s32 $0xFFF0BE00, s5;
	s3 =	smin.u32 s3, $0x3F;
	[sflag:s9] =	ssyncadd.s32 $0xFFFFF000  }
0x223: {  	p0 =	sgt.s32 s4, $0x0;
	v48 =	vor.u32 s3, v0;
	_ =	swait.ge [sflag:s9], $0x1000  }
0x224: {  	s2 =	sand.u32 $0x7F, s5;
	s4 =	simm.s32 @!p0 $0x0;
	v49 =	vor.u32 s3, v2;
	[sflag:s9] =	ssyncset.done $0x0  }
0x225: {  	v50 =	vor.u32 s2, v0;
	s30 =	simm.s32 $0x4400;
	s31 =	smin.u32 s4, $0x3F;
	[sflag:s9] =	ssyncadd.s32 $0xFFFFF000  }
0x226: {  	v51 =	vor.u32 s2, v2;
	s2 =	simm.s32 $0x4400;
	v52 =	vor.u32 s31, v0;
	v20 =	vld.idx.msk [tilespmem:v46+s30+$0x0], $0xffff  }
0x227: {  	v53 =	vor.u32 s31, v2;
	v21 =	vld.idx.msk [tilespmem:v47+s2+$0x0], $0xffff  }
0x228: {  	v22 =	vld.idx.msk [tilespmem:v48+s26+$0x0], $0xffff  }
0x229: {  	s4 =	simm.s32 $0xC400;
	v23 =	vld.idx.msk [tilespmem:v49+s26+$0x0], $0xffff  }
0x22a: {  	v24 =	vld.idx.msk [tilespmem:v50+s4+$0x0], $0xffff  }
0x22b: {  	v26 =	vld.idx.msk [tilespmem:v52+s28+$0x0], $0xffff  }
0x22c: {  	s30 =	simm.s32 $0xC400;
	v27 =	vld.idx.msk [tilespmem:v53+s28+$0x0], $0xffff  }
0x22d: {  	v25 =	vld.idx.msk [tilespmem:v51+s30+$0x0], $0xffff;
	_ =	sdelay $0x2  }
0x22e: {  	p5 =	sgt.s32 s23, $0xF41FF  }
0x22f: {  	p6 =	sgt.s32 s5, $0xF41FF;
	s3 =	sadd.s32 $0xFFF0BE00, s20;
	v20 =	vpsel p5, v22, v20  }
0x230: {  	s31 =	sand.u32 $0x7F, s20;
	p0 =	sgt.s32 s3, $0x0;
	v21 =	vpsel p5, v23, v21;
	v54 =	vpsel p6, v26, v24;
	v55 =	vpsel p6, v27, v25  }
0x231: {  	s3 =	simm.s32 @!p0 $0x0;
	v56 =	vor.u32 s31, v0;
	v20 =	vmul.f32 v54, v20;
	v21 =	vmul.f32 v55, v21  }
0x232: {  	v57 =	vor.u32 s31, v2;
	s3 =	smin.u32 s3, $0x3F  }
0x233: {  	v58 =	vor.u32 s3, v0;
	s4 =	sadd.s32 $0xFFF0BE00, s22;
	v20 =	vadd.f32 v21, v20  }
0x234: {  	v59 =	vor.u32 s3, v2;
	s2 =	sand.u32 $0x7F, s22;
	p0 =	sgt.s32 s4, $0x0  }
0x235: {  	s23 =	simm.s32 $0x5400;
	v60 =	vor.u32 s2, v0;
	s4 =	simm.s32 @!p0 $0x0;
	[tilespmem:v14+s10+$0x0] =	vst.idx.msk $0xffff, v20  }
0x236: {  	v61 =	vor.u32 s2, v2;
	s4 =	smin.u32 s4, $0x3F;
	v22 =	vld.idx.msk [tilespmem:v56+s23+$0x0], $0xffff  }
0x237: {  	v62 =	vor.u32 s4, v0;
	v23 =	vld.idx.msk [tilespmem:v57+s23+$0x0], $0xffff  }
0x238: {  	v63 =	vor.u32 s4, v2;
	v21 =	vld.idx.msk [tilespmem:v58+s26+$0x0], $0xffff  }
0x239: {  	s5 =	simm.s32 $0xD400;
	v24 =	vld.idx.msk [tilespmem:v59+s26+$0x0], $0xffff  }
0x23a: {  	s30 =	simm.s32 $0xD400;
	v20 =	vld.idx.msk [tilespmem:v60+s5+$0x0], $0xffff  }
0x23b: {  	v25 =	vld.idx.msk [tilespmem:v61+s30+$0x0], $0xffff  }
0x23c: {  	v26 =	vld.idx.msk [tilespmem:v62+s28+$0x0], $0xffff  }
0x23d: {  	v27 =	vld.idx.msk [tilespmem:v63+s28+$0x0], $0xffff;
	_ =	sdelay $0x2  }
0x23e: {  	p1 =	sgt.s32 s20, $0xF41FF  }
0x23f: {  	p2 =	sgt.s32 s22, $0xF41FF;
	s3 =	sadd.s32 $0xFFF0BE00, s0;
	v21 =	vpsel p1, v21, v22  }
0x240: {  	s31 =	sand.u32 $0x7F, s0;
	p0 =	sgt.s32 s3, $0x0;
	v30 =	vpsel p1, v24, v23;
	v20 =	vpsel p2, v26, v20;
	v31 =	vpsel p2, v27, v25  }
0x241: {  	v33 =	vor.u32 s31, v0;
	s3 =	simm.s32 @!p0 $0x0;
	v20 =	vmul.f32 v20, v21;
	v32 =	vmul.f32 v31, v30  }
0x242: {  	v34 =	vor.u32 s31, v2;
	s3 =	smin.u32 s3, $0x3F  }
0x243: {  	s4 =	sadd.s32 $0xFFF0BE00, s18;
	v35 =	vor.u32 s3, v0;
	v20 =	vadd.f32 v32, v20  }
0x244: {  	s2 =	sand.u32 $0x7F, s18;
	v36 =	vor.u32 s3, v2;
	p0 =	sgt.s32 s4, $0x0  }
0x245: {  	v37 =	vor.u32 s2, v0;
	s3 =	simm.s32 $0x6400;
	s4 =	simm.s32 @!p0 $0x0;
	[tilespmem:v15+s10+$0x0] =	vst.idx.msk $0xffff, v20  }
0x246: {  	v38 =	vor.u32 s2, v2;
	s5 =	smin.u32 s4, $0x3F;
	v22 =	vld.idx.msk [tilespmem:v33+s3+$0x0], $0xffff  }
0x247: {  	v39 =	vor.u32 s5, v0;
	v23 =	vld.idx.msk [tilespmem:v34+s3+$0x0], $0xffff  }
0x248: {  	v40 =	vor.u32 s5, v2;
	v21 =	vld.idx.msk [tilespmem:v35+s26+$0x0], $0xffff  }
0x249: {  	s30 =	simm.s32 $0xE400;
	v24 =	vld.idx.msk [tilespmem:v36+s26+$0x0], $0xffff  }
0x24a: {  	v20 =	vld.idx.msk [tilespmem:v37+s30+$0x0], $0xffff  }
0x24b: {  	v25 =	vld.idx.msk [tilespmem:v38+s30+$0x0], $0xffff  }
0x24c: {  	v26 =	vld.idx.msk [tilespmem:v39+s28+$0x0], $0xffff  }
0x24d: {  	v27 =	vld.idx.msk [tilespmem:v40+s28+$0x0], $0xffff;
	_ =	sdelay $0x2  }
0x24e: {  	p3 =	sgt.s32 s0, $0xF41FF  }
0x24f: {  	p4 =	sgt.s32 s18, $0xF41FF;
	s0 =	sadd.s32 $0xFFF0BE00, s11;
	(v2sf) =	vpush v19, $0x4;
	v21 =	vpsel p3, v21, v22  }
0x250: {  	s31 =	sand.u32 $0x7F, s11;
	p0 =	sgt.s32 s0, $0x0;
	v41 =	vpsel p3, v24, v23;
	v20 =	vpsel p4, v26, v20;
	v42 =	vpsel p4, v27, v25  }
0x251: {  	v44 =	vor.u32 s31, v0;
	s0 =	simm.s32 @!p0 $0x0;
	v20 =	vmul.f32 v20, v21;
	v43 =	vmul.f32 v42, v41  }
0x252: {  	v45 =	vor.u32 s31, v2;
	(v2sf) =	vpush v18, $0x4;
	s0 =	smin.u32 s0, $0x3F  }
0x253: {  	v46 =	vor.u32 s0, v0;
	s3 =	sadd.s32 $0xFFF0BE00, s29;
	v20 =	vadd.f32 v43, v20  }
0x254: {  	v47 =	vor.u32 s0, v2;
	s5 =	sand.u32 $0x7F, s29;
	p0 =	sgt.s32 s3, $0x0  }
0x255: {  	v48 =	vor.u32 s5, v0;
	s30 =	simm.s32 $0x7400;
	s3 =	simm.s32 @!p0 $0x0;
	[tilespmem:v16+s10+$0x0] =	vst.idx.msk $0xffff, v20  }
0x256: {  	v49 =	vor.u32 s5, v2;
	s31 =	smin.u32 s3, $0x3F;
	v22 =	vld.idx.msk [tilespmem:v44+s30+$0x0], $0xffff  }
0x257: {  	v50 =	vor.u32 s31, v0;
	v23 =	vld.idx.msk [tilespmem:v45+s30+$0x0], $0xffff  }
0x258: {  	(v2sf) =	vpush v19, $0x5;
	v51 =	vor.u32 s31, v2;
	v21 =	vld.idx.msk [tilespmem:v46+s26+$0x0], $0xffff  }
0x259: {  	s5 =	simm.s32 $0xF400;
	v24 =	vld.idx.msk [tilespmem:v47+s26+$0x0], $0xffff  }
0x25a: {  	v20 =	vld.idx.msk [tilespmem:v48+s5+$0x0], $0xffff  }
0x25b: {  	v25 =	vld.idx.msk [tilespmem:v49+s5+$0x0], $0xffff  }
0x25c: {  	v26 =	vld.idx.msk [tilespmem:v50+s28+$0x0], $0xffff  }
0x25d: {  	v27 =	vld.idx.msk [tilespmem:v51+s28+$0x0], $0xffff;
	_ =	sdelay $0x1  }
0x25e: {  	s30 =	spop (v2sf);
	(v2sf) =	vpush v18, $0x5  }
0x25f: {  	p5 =	sgt.s32 s11, $0xF41FF  }
0x260: {  	p6 =	sgt.s32 s29, $0xF41FF;
	s31 =	spop (v2sf);
	(v2sf) =	vpush v19, $0x6;
	v21 =	vpsel p5, v21, v22  }
0x261: {  	v52 =	vpsel p5, v24, v23;
	v20 =	vpsel p6, v26, v20;
	v53 =	vpsel p6, v27, v25  }
0x262: {  	v20 =	vmul.f32 v20, v21;
	v54 =	vmul.f32 v53, v52;
	_ =	sdelay $0x1  }
0x263: {  	s0 =	smin.u32 s30, $0x1E83;
	v20 =	vadd.f32 v54, v20  }
0x264: {  	s0 =	sshll.u32 s0, $0x7  }
0x265: {  	s20 =	simm.s32 $0x4400;
	s11 =	spop (v2sf);
	s0 =	sadd.s32 s21, s0;
	[tilespmem:v17+s10+$0x0] =	vst.idx.msk $0xffff, v20  }
0x266: {  	(v2sf) =	vpush v18, $0x6;
	[tilespmem:s20], [sflag:$0x1] =	stream.strided.gather [hbm4b:s0+s24], $0x1000, s25, s24, $0x38;
	[tilespmem:$0x12780] =	vst v63  }
0x267: {  	s0 =	smin.u32 s31, $0x1E83  }
0x268: {  	s0 =	sshll.u32 s0, $0x7  }
0x269: {  	s22 =	simm.s32 $0xC400;
	s0 =	sadd.s32 s1, s0  }
0x26a: {  	[tilespmem:s22], [sflag:$0x1] =	stream.strided.gather [hbm4b:s0+s24], $0x1000, s25, s24, $0x38;
	[tilespmem:$0x12780] =	vst v63  }
0x26b: {  	s0 =	smin.u32 s11, $0x1E83  }
0x26c: {  	s0 =	sshll.u32 s0, $0x7;
	s30 =	spop (v2sf);
	(v2sf) =	vpush v19, $0x7  }
0x26d: {  	s0 =	sadd.s32 s21, s0  }
0x26e: {  	[tilespmem:s23], [sflag:$0x1] =	stream.strided.gather [hbm4b:s0+s24], $0x1000, s25, s24, $0x38;
	[tilespmem:$0x12780] =	vst v63  }
0x26f: {  	s31 =	spop (v2sf);
	(v2sf) =	vpush v18, $0x7;
	s0 =	smin.u32 s30, $0x1E83  }
0x270: {  	s0 =	sshll.u32 s0, $0x7  }
0x271: {  	s29 =	simm.s32 $0xD400;
	s0 =	sadd.s32 s1, s0  }
0x272: {  	[tilespmem:s29], [sflag:$0x1] =	stream.strided.gather [hbm4b:s0+s24], $0x1000, s25, s24, $0x38;
	[tilespmem:$0x12780] =	vst v63  }
0x273: {  	s0 =	smin.u32 s31, $0x1E83  }
0x274: {  	s0 =	sshll.u32 s0, $0x7  }
0x275: {  	s2 =	simm.s32 $0x6400;
	s11 =	spop (v2sf);
	s0 =	sadd.s32 s21, s0  }
0x276: {  	[tilespmem:s2], [sflag:$0x1] =	stream.strided.gather [hbm4b:s0+s24], $0x1000, s25, s24, $0x38;
	[tilespmem:$0x12780] =	vst v63  }
0x277: {  	s0 =	smin.u32 s11, $0x1E83  }
0x278: {  	s0 =	sshll.u32 s0, $0x7  }
0x279: {  	s4 =	simm.s32 $0xE400;
	s0 =	sadd.s32 s1, s0  }
0x27a: {  	[tilespmem:s4], [sflag:$0x1] =	stream.strided.gather [hbm4b:s0+s24], $0x1000, s25, s24, $0x38;
	[tilespmem:$0x12780] =	vst v63  }
0x27b: {  	s30 =	spop (v2sf)  }
0x27c: {  	s0 =	smin.u32 s30, $0x1E83  }
0x27d: {  	s0 =	sshll.u32 s0, $0x7  }
0x27e: {  	s3 =	simm.s32 $0x7400;
	s31 =	spop (v2sf);
	s0 =	sadd.s32 s21, s0  }
0x27f: {  	[tilespmem:s3], [sflag:$0x1] =	stream.strided.gather [hbm4b:s0+s24], $0x1000, s25, s24, $0x38;
	[tilespmem:$0x12780] =	vst v63  }
0x280: {  	s0 =	smin.u32 s31, $0x1E83  }
0x281: {  	s0 =	sshll.u32 s0, $0x7  }
0x282: {  	s5 =	simm.s32 $0xF400;
	s0 =	sadd.s32 s1, s0  }
0x283: {  	[tilespmem:s5], [sflag:$0x1] =	stream.strided.gather [hbm4b:s0+s24], $0x1000, s25, s24, $0x38;
	[tilespmem:$0x12780] =	vst v63  }
0x284: {  	v18 =	vld [tilespmem:$0x12600]  }
0x285: {  	v19 =	vld [tilespmem:$0x12611];
	_ =	sdelay $0x1  }
0x286: {  	v20 =	vld [tilespmem:$0x12622];
	_ =	sdelay $0x1  }
0x287: {  	v55 =	vld [tilespmem:$0x12633]  }
0x288: {  	v18 =	vadd.f32 v19, v18  }
0x289: {  	v19 =	vld [tilespmem:$0x12644]  }
0x28a: {  	v18 =	vadd.f32 v20, v18  }
0x28b: {  	v56 =	vld [tilespmem:$0x12655]  }
0x28c: {  	v18 =	vadd.f32 v55, v18  }
0x28d: {  	v57 =	vld [tilespmem:$0x12666]  }
0x28e: {  	v18 =	vadd.f32 v19, v18  }
0x28f: {  	v19 =	vld [tilespmem:$0x12677]  }
0x290: {  	v18 =	vadd.f32 v56, v18  }
0x291: {  	v58 =	vld [tilespmem:$0x12688]  }
0x292: {  	v18 =	vadd.f32 v57, v18  }
0x293: {  	v59 =	vld [tilespmem:$0x12699]  }
0x294: {  	v18 =	vadd.f32 v19, v18  }
0x295: {  	v19 =	vld [tilespmem:$0x126AA]  }
0x296: {  	v18 =	vadd.f32 v58, v18  }
0x297: {  	v60 =	vld [tilespmem:$0x126BB]  }
0x298: {  	v18 =	vadd.f32 v59, v18  }
0x299: {  	v61 =	vld [tilespmem:$0x126CC]  }
0x29a: {  	v18 =	vadd.f32 v19, v18  }
0x29b: {  	v19 =	vld [tilespmem:$0x126DD]  }
0x29c: {  	v18 =	vadd.f32 v60, v18  }
0x29d: {  	v62 =	vld [tilespmem:$0x126EE]  }
0x29e: {  	v18 =	vadd.f32 v61, v18  }
0x29f: {  	v63 =	vld [tilespmem:$0x126FF]  }
0x2a0: {  	v18 =	vadd.f32 v19, v18;
	_ =	sdelay $0x1  }
0x2a1: {  	v18 =	vadd.f32 v62, v18;
	_ =	sdelay $0x1  }
0x2a2: {  	v18 =	vadd.f32 v63, v18;
	_ =	sdelay $0x1  }
0x2a3: {  	v18 =	vsub.f32 $0.0e+00, v18;
	_ =	sdelay $0x1  }
0x2a4: {  	v18 =	vmul.f32 $1.442695020e+00, v18;
	_ =	sdelay $0x1  }
0x2a5: {  	(erf) = vpow2.f32 v18;
	_ =	sdelay $0x8  }
0x2a6: {  	v18 =	vpop (erf)  }
0x2a7: {  	v18 =	vadd.f32 $1.000000000e+00, v18;
	_ =	sdelay $0x1  }
0x2a8: {  	(erf) = vrcp.f32 v18;
	_ =	sdelay $0x4  }
0x2a9: {  	p0 =	sne.s32 s14, $0x20  }
.Ltmp0:
0x2aa: {  	_ = 	snop;
	(pc) =	sbr.rel @p0 .LBB2_2-.Ltmp0, $3  }
0x2ab: {  	_ =	sdelay $0x1  }
0x2ac: {  	s13 =	sadd.s32 $0x10, s13;
	s18 =	rddreg [dreg:$0x13];
	v18 =	vpop (erf)  }
0x2ad: {  	s18 =	sadd.s32 $0x10, s18;
	s14 =	sadd.s32 $0x1, s14;
	[tilespmem:s15+$0x0] =	vst v18;
	s15 =	sadd.s32 $0x10, s15  }
0x2ae: {  	_ =	swait.ge [sflag:s9], $0x1000  }
0x2af: {  	[sflag:s9] =	ssyncset.done $0x0  }
0x2b0: {  	[sflag:s9] =	ssyncadd.s32 $0xFFFFF000  }
0x2b1: {  	_ =	swait.ge [sflag:s9], $0x1000  }
0x2b2: {  	[sflag:s9] =	ssyncset.done $0x0  }
0x2b3: {  	[sflag:s9] =	ssyncadd.s32 $0xFFFFF000  }
0x2b4: {  	_ =	swait.ge [sflag:s9], $0x1000  }
0x2b5: {  	[sflag:s9] =	ssyncset.done $0x0  }
0x2b6: {  	[sflag:s9] =	ssyncadd.s32 $0xFFFFF000  }
0x2b7: {  	_ =	swait.ge [sflag:s9], $0x1000  }
0x2b8: {  	[sflag:s9] =	ssyncset.done $0x0  }
0x2b9: {  	[sflag:s9] =	ssyncadd.s32 $0xFFFFF000  }
0x2ba: {  	_ =	swait.ge [sflag:s9], $0x1000  }
0x2bb: {  	[sflag:s9] =	ssyncset.done $0x0  }
0x2bc: {  	[sflag:s9] =	ssyncadd.s32 $0xFFFFF000  }
0x2bd: {  	_ =	swait.ge [sflag:s9], $0x1000  }
0x2be: {  	[sflag:s9] =	ssyncset.done $0x0  }
0x2bf: {  	[sflag:s9] =	ssyncadd.s32 $0xFFFFF000  }
0x2c0: {  	_ =	swait.ge [sflag:s9], $0x1000  }
0x2c1: {  	[sflag:s9] =	ssyncset.done $0x0  }
0x2c2: {  	[sflag:s9] =	ssyncadd.s32 $0xFFFFF000  }
0x2c3: {  	_ =	swait.ge [sflag:s9], $0x1000  }
0x2c4: {  	[sflag:s9] =	ssyncset.done $0x0  }
0x2c5: {  	[sflag:s9] =	ssyncadd.s32 $0xFFFFF000  }
0x2c6: {  	_ =	swait.ge [sflag:s9], $0x1000  }
0x2c7: {  	[sflag:s9] =	ssyncset.done $0x0  }
0x2c8: {  	[sflag:s9] =	ssyncadd.s32 $0xFFFFF000  }
0x2c9: {  	_ =	swait.ge [sflag:s9], $0x1000  }
0x2ca: {  	[sflag:s9] =	ssyncset.done $0x0  }
0x2cb: {  	[sflag:s9] =	ssyncadd.s32 $0xFFFFF000  }
0x2cc: {  	_ =	swait.ge [sflag:s9], $0x1000  }
0x2cd: {  	[sflag:s9] =	ssyncset.done $0x0  }
0x2ce: {  	[sflag:s9] =	ssyncadd.s32 $0xFFFFF000  }
0x2cf: {  	_ =	swait.ge [sflag:s9], $0x1000  }
0x2d0: {  	[sflag:s9] =	ssyncset.done $0x0  }
0x2d1: {  	[sflag:s9] =	ssyncadd.s32 $0xFFFFF000  }
0x2d2: {  	_ =	swait.ge [sflag:s9], $0x1000  }
0x2d3: {  	[sflag:s9] =	ssyncset.done $0x0  }
0x2d4: {  	[sflag:s9] =	ssyncadd.s32 $0xFFFFF000  }
0x2d5: {  	_ =	swait.ge [sflag:s9], $0x1000  }
0x2d6: {  	[sflag:s9] =	ssyncset.done $0x0  }
0x2d7: {  	[sflag:s9] =	ssyncadd.s32 $0xFFFFF000  }
0x2d8: {  	_ =	swait.ge [sflag:s9], $0x1000  }
0x2d9: {  	[sflag:s9] =	ssyncset.done $0x0  }
0x2da: {  	[sflag:s9] =	ssyncadd.s32 $0xFFFFF000  }
0x2db: {  	_ =	swait.ge [sflag:s9], $0x1000  }
0x2dc: {  	s11 =	simm.s32 $0x0;
	[sflag:s9] =	ssyncset.done $0x0  }
0x2dd: {  	s3 =	simm.s32 $0x12400;
	s0 =	rddreg [dreg:$0x10];
	[sflag:s9] =	ssyncadd.s32 $0xFFFFF000  }
0x2de: {  	[hbm4b:s0+s11] =	stream.linear.scatter [tilespmem:s3], [sflag:$0x2], $0x200, $0x38;
	[tilespmem:$0x12780] =	vst v63  }
0x2df: {  	s3 =	simm.s32 $0x2  }
0x2e0: {  	_ =	swait.ge [sflag:s3], $0x200  }
0x2e1: {  	s4 =	rddreg [dreg:$0x12]  }
0x2e2: {  	s31 =	rddreg [dreg:$0x11];
	s4 =	sadd.s32 $0x1, s4  }
0x2e3: {  	p0 =	sne.s32 s4, s31  }
.Ltmp1:
0x2e4: {  	_ = 	snop;
	(pc) =	sbr.rel @p0 .LBB2_1-.Ltmp1, $3  }
0x2e5: {  	_ =	sdelay $0x1  }
0x2e6: {  	s5 =	simm.s32 $0x6400;
	s13 =	simm.s32 $0xE400;
	[sflag:s3] =	ssyncset.done $0x0  }
0x2e7: {  	s14 =	simm.s32 $0x7400;
	s15 =	simm.s32 $0xF400;
	[sflag:s3] =	ssyncadd.s32 $0xFFFFFE00  }
0x2e8: {  	_ =	sfence.sel $0x180000  }
0x2e9: {  	[bflag:$0x0] =	sbarrier.arrive $0xFFFF  }
0x2ea: {  	_ =	strace $0x90000047  }
0x2eb: {  	s0 =	stileid.u32;
	[bflag:$0x2] =	sbarrier.arrive $0xFFFF  }
0x2ec: {  	p0 =	sne.s32 s0, $0x0;
	s0 =	rddreg [dreg:$0x5]  }
0x2ed: {  	s0 =	sadd.s32 @!p0 $0x100000, s0  }
0x2ee: {  	[sflag:s0] =	ssyncadd.tile.s32 @!p0 $0x1;
	_ =	shalt  }
.Lfunc_end2:
_tile_overlayer_lowered:
.L_overlay_start_2:
0x2ef: {  	(tag) =	ssettag $0x2  }
0x2f0: {  	s0 =	rddreg [dreg:$0x0];
	s2 =	stileid.u32  }
0x2f1: {  	s1 =	rddreg [dreg:$0x1];
	p0 =	sne.s32 s2, $0x0  }
0x2f2: {  	s3 =	rddreg [dreg:$0x2];
	[bflag:$0x3] =	sbarrier.arrive $0xFFFF;
	s2 =	simm.s32 @!p0 $0x1C02  }
0x2f3: {  	[timem:s3], [sflag:s2] =	dma.local @!p0 [hbm:s0], s1  }
0x2f4: {  	s0 =	simm.s32 @!p0 $0x2  }
0x2f5: {  	_ =	swait.ge @!p0 [sflag:s0], s1  }
0x2f6: {  	s1 =	ssub.s32 @!p0 $0x0, s1;
	[sflag:s0] =	ssyncset.done @!p0 $0x0  }
0x2f7: {  	[sflag:s0] =	ssyncadd.s32 @!p0 s1  }
0x2f8: {  	[bflag:$0x3] =	sbarrier.arrive $0xFFFF  }
0x2f9: {  	_ =	shalt  }

</sc_bundles>
